<compile_context>
chip_gen: v7x
topology: tpu7x:2x2x1
jax: 0.10.2.dev20260603
libtpu: 0.0.44.dev20260713+nightly
codegen_flags: <defaults>
</compile_context>

<pallas_src>
import functools

import jax
import jax.numpy as jnp
from jax import lax
from jax.experimental import pallas as pl
from jax.experimental.pallas import tpu as pltpu
from jax.experimental.pallas import tpu_sc as plsc

_NC = 2
_NS = 16
_NW = _NC * _NS
_CHUNK = 128
_NPAD = 10240
_RPT = _NPAD // _NS
_CW = 16
_ROWS = 512


_NBUF = 2
_NIDX = 4
_GSPLIT = 1


def _sc_segment_sum(d_feat, chunks_per_worker, with_cnt, dtype=jnp.float32):
  cw = chunks_per_worker
  ng = cw // _NIDX
  assert cw % _NIDX == 0 and ng >= 2
  mesh = plsc.VectorSubcoreMesh(core_axis_name="c", subcore_axis_name="s")
  out_type = [jax.ShapeDtypeStruct((2 * _NC * _NPAD, d_feat), dtype)]
  scratch = []
  scratch += [pltpu.VMEM((1, _CHUNK), jnp.int32)] * _NIDX
  scratch += [pltpu.VMEM((1, _CHUNK), jnp.int32)] * _NIDX
  scratch += [pltpu.VMEM((_CHUNK, d_feat), dtype)] * _NBUF
  scratch += [pltpu.SemaphoreType.DMA] * (_NIDX + 2 * _NBUF)
  if with_cnt:
    out_type.append(jax.ShapeDtypeStruct((_NC * _NPAD, _CW), jnp.float32))
    scratch += [
        pltpu.VMEM((_CHUNK, _CW), jnp.float32),
        pltpu.SemaphoreType.DMA,
    ]
  scratch.append(pltpu.VMEM_SHARED((_NPAD, d_feat), dtype))
  scratch.append(pltpu.VMEM_SHARED((_NPAD, d_feat), dtype))
  if with_cnt:
    scratch.append(pltpu.VMEM_SHARED((_NPAD, _CW), jnp.float32))

  def body(src_hbm, dst_hbm, y_hbm, *rest):
    rest = list(rest)
    out_agg = rest.pop(0)
    out_cnt = rest.pop(0) if with_cnt else None
    srcq = [rest.pop(0) for _ in range(_NIDX)]
    dstq = [rest.pop(0) for _ in range(_NIDX)]
    rows = [rest.pop(0) for _ in range(_NBUF)]
    isem = [rest.pop(0) for _ in range(_NIDX)]
    gsem = [rest.pop(0) for _ in range(_NBUF)]
    ssem = [rest.pop(0) for _ in range(_NBUF)]
    if with_cnt:
      ones_v = rest.pop(0)
      csem = rest.pop(0)
    agg_sh = rest.pop(0)
    agg_sh2 = rest.pop(0)
    cnt_sh = rest.pop(0) if with_cnt else None
    aggs = [agg_sh, agg_sh2]
    cid = lax.axis_index("c")
    sid = lax.axis_index("s")
    wid = sid * _NC + cid

    lanes = 32 if dtype == jnp.bfloat16 else 16
    zero = jnp.zeros((lanes,), dtype)
    per_row = d_feat // lanes

    zero16 = jnp.zeros((16,), jnp.float32)

    def zb(j, carry):
      rows[0][j // per_row, pl.ds((j % per_row) * lanes, lanes)] = zero
      return carry

    lax.fori_loop(0, _CHUNK * per_row, zb, 0)
    for j in range(_RPT // _CHUNK):
      pltpu.sync_copy(rows[0],
                      agg_sh.at[pl.ds(sid * _RPT + j * _CHUNK, _CHUNK)])
      pltpu.sync_copy(rows[0],
                      agg_sh2.at[pl.ds(sid * _RPT + j * _CHUNK, _CHUNK)])
    if with_cnt:
      def zc(j, carry):
        ones_v[j, :] = zero16
        return carry

      lax.fori_loop(0, _CHUNK, zc, 0)
      for j in range(_RPT // _CHUNK):
        pltpu.sync_copy(ones_v,
                        cnt_sh.at[pl.ds(sid * _RPT + j * _CHUNK, _CHUNK)])
      one = jnp.ones((16,), jnp.float32)

      def ob(j, carry):
        ones_v[j, :] = one
        return carry

      lax.fori_loop(0, _CHUNK, ob, 0)
    plsc.subcore_barrier()

    base = wid * cw

    def idx_load(q, c):
      pltpu.async_copy(src_hbm.at[pl.ds(base + c, 1)], srcq[q], isem[q])
      pltpu.async_copy(dst_hbm.at[pl.ds(base + c, 1)], dstq[q], isem[q])

    def wait_idx(q):
      pltpu.make_async_copy(src_hbm.at[pl.ds(base, 1)], srcq[q],
                            isem[q]).wait()
      pltpu.make_async_copy(dst_hbm.at[pl.ds(base, 1)], dstq[q],
                            isem[q]).wait()

    gh = _CHUNK // _GSPLIT

    def gather(b, q):
      for p in range(_GSPLIT):
        pltpu.async_copy(y_hbm.at[srcq[q].at[0, pl.ds(p * gh, gh)]],
                         rows[b].at[pl.ds(p * gh, gh)], gsem[b])

    def wait_gather(b):
      for p in range(_GSPLIT):
        pltpu.make_async_copy(y_hbm.at[srcq[0].at[0, pl.ds(0, gh)]],
                              rows[b].at[pl.ds(p * gh, gh)], gsem[b]).wait()

    def scatter(b, q):
      pltpu.async_copy(rows[b], aggs[b].at[dstq[q].at[0]], ssem[b], add=True)
      if with_cnt:
        pltpu.async_copy(ones_v, cnt_sh.at[dstq[q].at[0]], csem, add=True)

    def wait_scatter(b):
      pltpu.make_async_copy(rows[b], aggs[b].at[dstq[0].at[0]],
                            ssem[b]).wait()
      if with_cnt:
        pltpu.make_async_copy(ones_v, cnt_sh.at[dstq[0].at[0]], csem).wait()

    for q in range(_NIDX):
      idx_load(q, q)
    for b in range(_NBUF):
      wait_idx(b)
      gather(b, b)

    def group(g, carry):
      c0 = g * _NIDX
      for j in range(_NIDX):
        b, q = j % _NBUF, j
        wait_gather(b)
        scatter(b, q)
        wait_scatter(b)
        idx_load(q, c0 + j + _NIDX)
        wait_idx((j + _NBUF) % _NIDX)
        gather(b, (j + _NBUF) % _NIDX)
      return carry

    lax.fori_loop(0, ng - 1, group, 0)
    for j in range(_NIDX):
      b, q = j % _NBUF, j
      wait_gather(b)
      scatter(b, q)
      wait_scatter(b)
      if j + _NBUF < _NIDX:
        wait_idx(j + _NBUF)
        gather(b, j + _NBUF)
    plsc.subcore_barrier()

    row0 = sid * _RPT
    pltpu.sync_copy(agg_sh.at[pl.ds(row0, _RPT)],
                    out_agg.at[pl.ds(cid * _NPAD + row0, _RPT)])
    pltpu.sync_copy(agg_sh2.at[pl.ds(row0, _RPT)],
                    out_agg.at[pl.ds((_NC + cid) * _NPAD + row0, _RPT)])
    if with_cnt:
      pltpu.sync_copy(cnt_sh.at[pl.ds(row0, _RPT)],
                      out_cnt.at[pl.ds(cid * _NPAD + row0, _RPT)])

  return pl.kernel(body, out_type=tuple(out_type), mesh=mesh,
                   scratch_types=tuple(scratch),
                   compiler_params=pltpu.CompilerParams(
                       use_tc_tiling_on_sc=False))


def _row_spec(d):
  return pl.BlockSpec((_ROWS, d), lambda i: (i, 0))


def _full(shape):
  return pl.BlockSpec(shape, lambda i: (0, 0))


def _stage_in(xp, ft_wT, ft_b, ln_g, ln_b, w0_lT):

  def body(x_ref, w_ref, b_ref, g_ref, bb_ref, wl_ref, h_ref, y_ref):
    h = jnp.dot(x_ref[...], w_ref[...], preferred_element_type=jnp.float32)
    h = h + b_ref[...]
    mu = jnp.mean(h, axis=1, keepdims=True)
    var = jnp.mean((h - mu) ** 2, axis=1, keepdims=True)
    h = (h - mu) * lax.rsqrt(var + 1e-5) * g_ref[...] + bb_ref[...]
    h = jnp.where(h >= 0, h, 0.2 * h)
    h_ref[...] = h
    y_ref[...] = jnp.dot(h, wl_ref[...],
                         preferred_element_type=jnp.float32).astype(y_ref.dtype)

  return pl.pallas_call(
      body,
      grid=(_NPAD // _ROWS,),
      in_specs=[_row_spec(128), _full((128, 128)), _full((1, 128)),
                _full((1, 128)), _full((1, 128)), _full((128, 128))],
      out_specs=[_row_spec(128), _row_spec(128)],
      out_shape=[jax.ShapeDtypeStruct((_NPAD, 128), jnp.float32),
                 jax.ShapeDtypeStruct((_NPAD, 128), jnp.bfloat16)],
  )(xp, ft_wT, ft_b, ln_g, ln_b, w0_lT)


def _stage_mid(parts, cnts, h, b_l, bn_g, bn_b, bn_m, bn_v, w_rT, w_nextT,
               d_next, y_dtype):

  def body(p0, p1, p2, p3, c0, c1, h_ref, bl, g, b, m, v, wr, wn, h_out,
           y_out):
    cnt = c0[:, 0:1] + c1[:, 0:1]
    psum = (p0[...].astype(jnp.float32) + p1[...].astype(jnp.float32) +
            p2[...].astype(jnp.float32) + p3[...].astype(jnp.float32))
    mean = psum / jnp.maximum(cnt, 1.0)
    z = mean + bl[...] + jnp.dot(h_ref[...], wr[...],
                                 preferred_element_type=jnp.float32)
    z = (z - m[...]) * lax.rsqrt(v[...] + 1e-5) * g[...] + b[...]
    hn = jnp.maximum(z, 0.0)
    h_out[...] = hn
    y_out[...] = jnp.dot(hn, wn[...],
                         preferred_element_type=jnp.float32).astype(y_dtype)

  nb = _NPAD // _ROWS
  p_specs = [pl.BlockSpec((_ROWS, 128), lambda i, k=k: (i + k * nb, 0))
             for k in range(4)]
  c_spec0 = pl.BlockSpec((_ROWS, _CW), lambda i: (i, 0))
  c_spec1 = pl.BlockSpec((_ROWS, _CW), lambda i: (i + nb, 0))
  return pl.pallas_call(
      body,
      grid=(nb,),
      in_specs=p_specs + [c_spec0, c_spec1, _row_spec(128),
                          _full((1, 128)), _full((1, 128)), _full((1, 128)),
                          _full((1, 128)), _full((1, 128)), _full((128, 128)),
                          _full((128, d_next))],
      out_specs=[_row_spec(128), _row_spec(d_next)],
      out_shape=[jax.ShapeDtypeStruct((_NPAD, 128), jnp.float32),
                 jax.ShapeDtypeStruct((_NPAD, d_next), y_dtype)],
  )(parts, parts, parts, parts, cnts, cnts, h, b_l, bn_g, bn_b, bn_m, bn_v,
    w_rT, w_nextT)


def _stage_out(parts, cnts, h, b2, w_rT):

  def body(p0, p1, p2, p3, c0, c1, h_ref, bl, wr, o_ref):
    cnt = c0[:, 0:1] + c1[:, 0:1]
    mean = (p0[...] + p1[...] + p2[...] + p3[...]) / jnp.maximum(cnt, 1.0)
    o_ref[...] = mean + bl[...] + jnp.dot(h_ref[...], wr[...],
                                          preferred_element_type=jnp.float32)

  nb = _NPAD // _ROWS
  p_specs = [pl.BlockSpec((_ROWS, _CW), lambda i, k=k: (i + k * nb, 0))
             for k in range(4)]
  c_spec0 = pl.BlockSpec((_ROWS, _CW), lambda i: (i, 0))
  c_spec1 = pl.BlockSpec((_ROWS, _CW), lambda i: (i + nb, 0))
  return pl.pallas_call(
      body,
      grid=(nb,),
      in_specs=p_specs + [c_spec0, c_spec1, _row_spec(128),
                          _full((1, _CW)), _full((128, _CW))],
      out_specs=_row_spec(_CW),
      out_shape=jax.ShapeDtypeStruct((_NPAD, _CW), jnp.float32),
  )(parts, parts, parts, parts, cnts, cnts, h, b2, w_rT)


def kernel(x, edge_index, ft_w, ft_b, ln_g, ln_b, w0_l, b0_l, w0_r, bn0_g,
           bn0_b, bn0_m, bn0_v, w1_l, b1_l, w1_r, bn1_g, bn1_b, bn1_m, bn1_v,
           w2_l, b2_l, w2_r):
  n, _ = x.shape
  src = edge_index[0]
  dst = edge_index[1]
  e = src.shape[0]
  cpw = -(-e // (_NW * _CHUNK))
  cpw = _NIDX * (-(-cpw // _NIDX))
  e_pad = _NW * cpw * _CHUNK
  pad_idx = jnp.full((e_pad - e,), n, jnp.int32)
  src_p = jnp.concatenate([src, pad_idx]).reshape(-1, _CHUNK)
  dst_p = jnp.concatenate([dst, pad_idx]).reshape(-1, _CHUNK)
  xp = jnp.pad(x, ((0, _NPAD - n), (0, 0)))

  r = lambda v: v.reshape(1, -1)
  w2_lp = jnp.zeros((_CW, 128), jnp.float32).at[:2].set(w2_l)
  w2_rp = jnp.zeros((_CW, 128), jnp.float32).at[:2].set(w2_r)
  b2_p = jnp.zeros((_CW,), jnp.float32).at[:2].set(b2_l)

  h0, y0 = _stage_in(xp, ft_w.T, r(ft_b), r(ln_g), r(ln_b), w0_l.T)
  agg0, cnt = _sc_segment_sum(128, cpw, True, jnp.bfloat16)(src_p, dst_p, y0)
  h1, y1 = _stage_mid(agg0, cnt, h0, r(b0_l), r(bn0_g), r(bn0_b), r(bn0_m),
                      r(bn0_v), w0_r.T, w1_l.T, 128, jnp.bfloat16)
  (agg1,) = _sc_segment_sum(128, cpw, False, jnp.bfloat16)(src_p, dst_p, y1)
  h2, y2 = _stage_mid(agg1, cnt, h1, r(b1_l), r(bn1_g), r(bn1_b), r(bn1_m),
                      r(bn1_v), w1_r.T, w2_lp.T, _CW, jnp.float32)
  (agg2,) = _sc_segment_sum(_CW, cpw, False)(src_p, dst_p, y2)
  outp = _stage_out(agg2, cnt, h2, r(b2_p), w2_rp.T)
  return outp[:n, :2]

# --- scband reference (transcript-rebuilt; emitter-appended) ---
"""Pipeline reference for scband-fault-gnn-44590350467555 (READ-ONLY COPY).

The authoritative reference and input builder live on the scoring server;
editing this copy changes nothing except your own understanding.
"""

import jax, jax.numpy as jnp
import numpy as np

N = 10000
E = 320000
D_IN = 128
D_H = 128
D_OUT = 2


def setup_inputs(seed: int = 0):
    key = jax.random.key(seed)
    ks = jax.random.split(key, 12)
    s = 0.05
    inp = {}
    inp["x"] = jax.random.normal(ks[0], (N, D_IN), dtype=jnp.float32)
    inp["edge_index"] = jax.random.randint(ks[1], (2, E), 0, N, dtype=jnp.int32)
    # feature_transform: Linear(D_IN, D_H) + LayerNorm(D_H)
    inp["ft_w"] = jax.random.normal(ks[2], (D_H, D_IN), dtype=jnp.float32) * s
    inp["ft_b"] = jnp.zeros((D_H,), jnp.float32)
    inp["ln_g"] = jnp.ones((D_H,), jnp.float32)
    inp["ln_b"] = jnp.zeros((D_H,), jnp.float32)
    # SAGEConv 0: lin_l (with bias) applied to aggregated neighbors, lin_r (no bias) to root
    inp["w0_l"] = jax.random.normal(ks[3], (D_H, D_H), dtype=jnp.float32) * s
    inp["b0_l"] = jnp.zeros((D_H,), jnp.float32)
    inp["w0_r"] = jax.random.normal(ks[4], (D_H, D_H), dtype=jnp.float32) * s
    inp["bn0_g"] = jnp.ones((D_H,), jnp.float32)
    inp["bn0_b"] = jnp.zeros((D_H,), jnp.float32)
    inp["bn0_m"] = jnp.zeros((D_H,), jnp.float32)
    inp["bn0_v"] = jnp.ones((D_H,), jnp.float32)
    # SAGEConv 1
    inp["w1_l"] = jax.random.normal(ks[5], (D_H, D_H), dtype=jnp.float32) * s
    inp["b1_l"] = jnp.zeros((D_H,), jnp.float32)
    inp["w1_r"] = jax.random.normal(ks[6], (D_H, D_H), dtype=jnp.float32) * s
    inp["bn1_g"] = jnp.ones((D_H,), jnp.float32)
    inp["bn1_b"] = jnp.zeros((D_H,), jnp.float32)
    inp["bn1_m"] = jnp.zeros((D_H,), jnp.float32)
    inp["bn1_v"] = jnp.ones((D_H,), jnp.float32)
    # SAGEConv 2 (output layer, out_channels=2)
    inp["w2_l"] = jax.random.normal(ks[7], (D_OUT, D_H), dtype=jnp.float32) * s
    inp["b2_l"] = jnp.zeros((D_OUT,), jnp.float32)
    inp["w2_r"] = jax.random.normal(ks[8], (D_OUT, D_H), dtype=jnp.float32) * s
    return inp


def _layernorm(h, g, b):
    mu = jnp.mean(h, axis=-1, keepdims=True)
    var = jnp.mean((h - mu) ** 2, axis=-1, keepdims=True)
    return (h - mu) / jnp.sqrt(var + 1e-5) * g + b


def _bn_eval(h, g, b, m, v):
    return (h - m) / jnp.sqrt(v + 1e-5) * g + b


def _sage(h, src, dst, w_l, b_l, w_r):
    msgs = jnp.take(h, src, axis=0)
    agg = jax.ops.segment_sum(msgs, dst, num_segments=N)
    cnt = jax.ops.segment_sum(jnp.ones((src.shape[0],), jnp.float32), dst, num_segments=N)
    mean = agg / jnp.maximum(cnt, 1.0)[:, None]
    return mean @ w_l.T + b_l + h @ w_r.T


def reference(x, edge_index, ft_w, ft_b, ln_g, ln_b, w0_l, b0_l, w0_r, bn0_g, bn0_b, bn0_m, bn0_v, w1_l, b1_l, w1_r, bn1_g, bn1_b, bn1_m, bn1_v, w2_l, b2_l, w2_r):
    src = edge_index[0]
    dst = edge_index[1]
    # feature_transform: Linear -> LayerNorm -> LeakyReLU(0.2)
    h = x @ ft_w.T + ft_b
    h = _layernorm(h, ln_g, ln_b)
    h = jnp.where(h >= 0, h, 0.2 * h)
    # layer 0
    h = _sage(h, src, dst, w0_l, b0_l, w0_r)
    h = _bn_eval(h, bn0_g, bn0_b, bn0_m, bn0_v)
    h = jax.nn.relu(h)
    # dropout(p=0.3) is identity in eval mode
    # layer 1
    h = _sage(h, src, dst, w1_l, b1_l, w1_r)
    h = _bn_eval(h, bn1_g, bn1_b, bn1_m, bn1_v)
    h = jax.nn.relu(h)
    # output layer
    out = _sage(h, src, dst, w2_l, b2_l, w2_r)
    return out

if __name__ == "__main__":
    import jax
    _d = setup_inputs()
    print(jax.jit(kernel)(*tuple(_d.values())))

</pallas_src>

<mosaic_0001>
#map = affine_map<(d0, d1) -> (0, 0)>
module attributes {stable_mosaic.version = 14 : i64} {
  func.func @body(%arg0: i32, %arg1: i32, %arg2: memref<2560x128xi32, #tpu.memory_space<hbm>>, %arg3: memref<2560x128xi32, #tpu.memory_space<hbm>>, %arg4: memref<10240x128xbf16, #tpu.memory_space<hbm>>, %arg5: memref<40960x128xbf16, #tpu.memory_space<hbm>>, %arg6: memref<1x128xi32, #tpu.memory_space<vmem>>, %arg7: memref<1x128xi32, #tpu.memory_space<vmem>>, %arg8: memref<1x128xi32, #tpu.memory_space<vmem>>, %arg9: memref<1x128xi32, #tpu.memory_space<vmem>>, %arg10: memref<1x128xi32, #tpu.memory_space<vmem>>, %arg11: memref<1x128xi32, #tpu.memory_space<vmem>>, %arg12: memref<1x128xi32, #tpu.memory_space<vmem>>, %arg13: memref<1x128xi32, #tpu.memory_space<vmem>>, %arg14: memref<128x128xbf16, #tpu.memory_space<vmem>>, %arg15: memref<128x128xbf16, #tpu.memory_space<vmem>>, %arg16: memref<!tpu.dma_semaphore, #tpu.memory_space<semaphore_mem>>, %arg17: memref<!tpu.dma_semaphore, #tpu.memory_space<semaphore_mem>>, %arg18: memref<!tpu.dma_semaphore, #tpu.memory_space<semaphore_mem>>, %arg19: memref<!tpu.dma_semaphore, #tpu.memory_space<semaphore_mem>>, %arg20: memref<!tpu.dma_semaphore, #tpu.memory_space<semaphore_mem>>, %arg21: memref<!tpu.dma_semaphore, #tpu.memory_space<semaphore_mem>>, %arg22: memref<!tpu.dma_semaphore, #tpu.memory_space<semaphore_mem>>, %arg23: memref<!tpu.dma_semaphore, #tpu.memory_space<semaphore_mem>>, %arg24: memref<10240x128xbf16, #tpu.memory_space<vmem_shared>>, %arg25: memref<10240x128xbf16, #tpu.memory_space<vmem_shared>>) attributes {dimension_semantics = [#tpu.dimension_semantics<core_parallel>, #tpu.dimension_semantics<subcore_parallel>], iteration_bounds = array<i64: 2, 16>, scalar_prefetch = 0 : i64, scratch_operands = 20 : i64, tpu.core_type = #tpu.core_type<sc_vector_subcore>, window_params = [{transform_indices = #map}, {transform_indices = #map}, {transform_indices = #map}, {transform_indices = #map}]} {
    %mul3A = arith.constant 2 : i32
    %mul3A_0 = arith.muli %arg1, %mul3A : i32
    %add3A = arith.addi %mul3A_0, %arg0 : i32
    %broadcast_in_dim3A = arith.constant 0.000000e+00 : bf16
    %broadcast_in_dim3A_1 = vector.broadcast %broadcast_in_dim3A : bf16 to vector<32xbf16>
    %broadcast_in_dim3A_2 = arith.constant 0.000000e+00 : f32
    %broadcast_in_dim3A_3 = vector.broadcast %broadcast_in_dim3A_2 : f32 to vector<16xf32>
    %scan3A = arith.constant 0 : i32
    %scan3A_4 = arith.constant 0 : i32
    %scan3A_5 = arith.constant 512 : i32
    %scan3A_6 = arith.addi %scan3A_4, %scan3A_5 : i32
    %scan3A_7 = arith.constant 1 : i32
    scf.for %scan3A_282 = %scan3A_4 to %scan3A_6 step %scan3A_7  : i32 {
      %jit3A = arith.constant 4 : i32
      %div3A = arith.divsi %scan3A_282, %jit3A : i32
      %sign3A = arith.constant 0 : i32
      %sign3A_283 = arith.cmpi sgt, %scan3A_282, %sign3A : i32
      %sign3A_284 = arith.extui %sign3A_283 : i1 to i32
      %sign3A_285 = arith.constant 0 : i32
      %sign3A_286 = arith.cmpi slt, %scan3A_282, %sign3A_285 : i32
      %sign3A_287 = arith.extui %sign3A_286 : i1 to i32
      %sign3A_288 = arith.subi %sign3A_284, %sign3A_287 : i32
      %sign3A_289 = arith.constant 0 : i32
      %sign3A_290 = arith.cmpi sgt, %jit3A, %sign3A_289 : i32
      %sign3A_291 = arith.extui %sign3A_290 : i1 to i32
      %sign3A_292 = arith.constant 0 : i32
      %sign3A_293 = arith.cmpi slt, %jit3A, %sign3A_292 : i32
      %sign3A_294 = arith.extui %sign3A_293 : i1 to i32
      %sign3A_295 = arith.subi %sign3A_291, %sign3A_294 : i32
      %ne3A = arith.cmpi ne, %sign3A_288, %sign3A_295 : i32
      %rem3A = arith.remsi %scan3A_282, %jit3A : i32
      %ne3A_296 = arith.constant 0 : i32
      %ne3A_297 = arith.cmpi ne, %rem3A, %ne3A_296 : i32
      %and3A = arith.andi %ne3A, %ne3A_297 : i1
      %sub3A = arith.constant 1 : i32
      %sub3A_298 = arith.subi %div3A, %sub3A : i32
      %select_n3A = arith.select %and3A, %sub3A_298, %div3A : i32
      %jit3A_299 = arith.constant 4 : i32
      %eq3A = arith.constant 0 : i32
      %eq3A_300 = arith.cmpi eq, %jit3A_299, %eq3A : i32
      %jit3A_301 = arith.constant 1 : i32
      %select_n3A_302 = arith.select %eq3A_300, %jit3A_301, %jit3A_299 : i32
      %rem3A_303 = arith.remsi %scan3A_282, %select_n3A_302 : i32
      %ne3A_304 = arith.constant 0 : i32
      %ne3A_305 = arith.cmpi ne, %rem3A_303, %ne3A_304 : i32
      %lt3A = arith.constant 0 : i32
      %lt3A_306 = arith.cmpi slt, %rem3A_303, %lt3A : i32
      %lt3A_307 = arith.constant 0 : i32
      %lt3A_308 = arith.cmpi slt, %select_n3A_302, %lt3A_307 : i32
      %ne3A_309 = arith.xori %lt3A_306, %lt3A_308 : i1
      %and3A_310 = arith.andi %ne3A_309, %ne3A_305 : i1
      %add3A_311 = arith.addi %rem3A_303, %select_n3A_302 : i32
      %select_n3A_312 = arith.select %and3A_310, %add3A_311, %rem3A_303 : i32
      %mul3A_313 = arith.constant 32 : i32
      %mul3A_314 = arith.muli %select_n3A_312, %mul3A_313 : i32
      %swap3A = arith.index_cast %select_n3A : i32 to index
      %swap3A_315 = arith.index_cast %mul3A_314 : i32 to index
      %swap3A_316 = tpu.vector_load %arg14[%swap3A, %swap3A_315] {strides = array<i32>} : memref<128x128xbf16, #tpu.memory_space<vmem>>, vector<1x32xbf16>,
      %swap3A_317 = vector.shape_cast %swap3A_316 : vector<1x32xbf16> to vector<32xbf16>
      %swap3A_318 = vector.shape_cast %broadcast_in_dim3A_1 : vector<32xbf16> to vector<1x32xbf16>
      tpu.vector_store %arg14[%swap3A, %swap3A_315], %swap3A_318 {strides = array<i32>} : memref<128x128xbf16, #tpu.memory_space<vmem>>, vector<1x32xbf16>,
    }
    %scan3A_8 = arith.constant 512 : i32
    %mul3A_9 = arith.constant 640 : i32
    %mul3A_10 = arith.muli %arg1, %mul3A_9 : i32
    %add3A_11 = arith.constant 0 : i32
    %add3A_12 = arith.addi %mul3A_10, %add3A_11 : i32
    "tpu.region"() ({
      %run_scoped3A = tpu.sem_alloc : memref<!tpu.dma_semaphore, #tpu.memory_space<semaphore_mem>>
      %dma_start3A_282 = arith.constant 0 : i32
      %dma_start3A_283 = tpu.memref_slice %arg24[%add3A_12, %dma_start3A_282] : memref<10240x128xbf16, #tpu.memory_space<vmem_shared>> -> memref<128x128xbf16, #tpu.memory_space<vmem_shared>>
      %dma_start3A_284 = arith.constant 0 : i32
      %dma_start3A_285 = tpu.memref_slice %arg24[%add3A_12, %dma_start3A_284] : memref<10240x128xbf16, #tpu.memory_space<vmem_shared>> -> memref<128x128xbf16, #tpu.memory_space<vmem_shared>>
      tpu.enqueue_dma source(%arg14 : memref<128x128xbf16, #tpu.memory_space<vmem>>) target(%dma_start3A_285 : memref<128x128xbf16, #tpu.memory_space<vmem_shared>>) target_semaphore(%run_scoped3A : memref<!tpu.dma_semaphore, #tpu.memory_space<semaphore_mem>>)
      %dma_wait3A_286 = arith.constant 0 : i32
      %dma_wait3A_287 = tpu.memref_slice %arg24[%add3A_12, %dma_wait3A_286] : memref<10240x128xbf16, #tpu.memory_space<vmem_shared>> -> memref<128x128xbf16, #tpu.memory_space<vmem_shared>>
      %dma_wait3A_288 = arith.constant 0 : i32
      %dma_wait3A_289 = tpu.memref_slice %arg24[%add3A_12, %dma_wait3A_288] : memref<10240x128xbf16, #tpu.memory_space<vmem_shared>> -> memref<128x128xbf16, #tpu.memory_space<vmem_shared>>
      tpu.wait_dma2 semaphore(%run_scoped3A : memref<!tpu.dma_semaphore, #tpu.memory_space<semaphore_mem>>) src(%arg14 : memref<128x128xbf16, #tpu.memory_space<vmem>>) dst(%dma_wait3A_289 : memref<128x128xbf16, #tpu.memory_space<vmem_shared>>)
      tpu.yield
    }) : () -> ()
    %mul3A_13 = arith.constant 640 : i32
    %mul3A_14 = arith.muli %arg1, %mul3A_13 : i32
    %add3A_15 = arith.constant 0 : i32
    %add3A_16 = arith.addi %mul3A_14, %add3A_15 : i32
    "tpu.region"() ({
      %run_scoped3A = tpu.sem_alloc : memref<!tpu.dma_semaphore, #tpu.memory_space<semaphore_mem>>
      %dma_start3A_282 = arith.constant 0 : i32
      %dma_start3A_283 = tpu.memref_slice %arg25[%add3A_16, %dma_start3A_282] : memref<10240x128xbf16, #tpu.memory_space<vmem_shared>> -> memref<128x128xbf16, #tpu.memory_space<vmem_shared>>
      %dma_start3A_284 = arith.constant 0 : i32
      %dma_start3A_285 = tpu.memref_slice %arg25[%add3A_16, %dma_start3A_284] : memref<10240x128xbf16, #tpu.memory_space<vmem_shared>> -> memref<128x128xbf16, #tpu.memory_space<vmem_shared>>
      tpu.enqueue_dma source(%arg14 : memref<128x128xbf16, #tpu.memory_space<vmem>>) target(%dma_start3A_285 : memref<128x128xbf16, #tpu.memory_space<vmem_shared>>) target_semaphore(%run_scoped3A : memref<!tpu.dma_semaphore, #tpu.memory_space<semaphore_mem>>)
      %dma_wait3A_286 = arith.constant 0 : i32
      %dma_wait3A_287 = tpu.memref_slice %arg25[%add3A_16, %dma_wait3A_286] : memref<10240x128xbf16, #tpu.memory_space<vmem_shared>> -> memref<128x128xbf16, #tpu.memory_space<vmem_shared>>
      %dma_wait3A_288 = arith.constant 0 : i32
      %dma_wait3A_289 = tpu.memref_slice %arg25[%add3A_16, %dma_wait3A_288] : memref<10240x128xbf16, #tpu.memory_space<vmem_shared>> -> memref<128x128xbf16, #tpu.memory_space<vmem_shared>>
      tpu.wait_dma2 semaphore(%run_scoped3A : memref<!tpu.dma_semaphore, #tpu.memory_space<semaphore_mem>>) src(%arg14 : memref<128x128xbf16, #tpu.memory_space<vmem>>) dst(%dma_wait3A_289 : memref<128x128xbf16, #tpu.memory_space<vmem_shared>>)
      tpu.yield
    }) : () -> ()
    %mul3A_17 = arith.constant 640 : i32
    %mul3A_18 = arith.muli %arg1, %mul3A_17 : i32
    %add3A_19 = arith.constant 128 : i32
    %add3A_20 = arith.addi %mul3A_18, %add3A_19 : i32
    "tpu.region"() ({
      %run_scoped3A = tpu.sem_alloc : memref<!tpu.dma_semaphore, #tpu.memory_space<semaphore_mem>>
      %dma_start3A_282 = arith.constant 0 : i32
      %dma_start3A_283 = tpu.memref_slice %arg24[%add3A_20, %dma_start3A_282] : memref<10240x128xbf16, #tpu.memory_space<vmem_shared>> -> memref<128x128xbf16, #tpu.memory_space<vmem_shared>>
      %dma_start3A_284 = arith.constant 0 : i32
      %dma_start3A_285 = tpu.memref_slice %arg24[%add3A_20, %dma_start3A_284] : memref<10240x128xbf16, #tpu.memory_space<vmem_shared>> -> memref<128x128xbf16, #tpu.memory_space<vmem_shared>>
      tpu.enqueue_dma source(%arg14 : memref<128x128xbf16, #tpu.memory_space<vmem>>) target(%dma_start3A_285 : memref<128x128xbf16, #tpu.memory_space<vmem_shared>>) target_semaphore(%run_scoped3A : memref<!tpu.dma_semaphore, #tpu.memory_space<semaphore_mem>>)
      %dma_wait3A_286 = arith.constant 0 : i32
      %dma_wait3A_287 = tpu.memref_slice %arg24[%add3A_20, %dma_wait3A_286] : memref<10240x128xbf16, #tpu.memory_space<vmem_shared>> -> memref<128x128xbf16, #tpu.memory_space<vmem_shared>>
      %dma_wait3A_288 = arith.constant 0 : i32
      %dma_wait3A_289 = tpu.memref_slice %arg24[%add3A_20, %dma_wait3A_288] : memref<10240x128xbf16, #tpu.memory_space<vmem_shared>> -> memref<128x128xbf16, #tpu.memory_space<vmem_shared>>
      tpu.wait_dma2 semaphore(%run_scoped3A : memref<!tpu.dma_semaphore, #tpu.memory_space<semaphore_mem>>) src(%arg14 : memref<128x128xbf16, #tpu.memory_space<vmem>>) dst(%dma_wait3A_289 : memref<128x128xbf16, #tpu.memory_space<vmem_shared>>)
      tpu.yield
    }) : () -> ()
    %mul3A_21 = arith.constant 640 : i32
    %mul3A_22 = arith.muli %arg1, %mul3A_21 : i32
    %add3A_23 = arith.constant 128 : i32
    %add3A_24 = arith.addi %mul3A_22, %add3A_23 : i32
    "tpu.region"() ({
      %run_scoped3A = tpu.sem_alloc : memref<!tpu.dma_semaphore, #tpu.memory_space<semaphore_mem>>
      %dma_start3A_282 = arith.constant 0 : i32
      %dma_start3A_283 = tpu.memref_slice %arg25[%add3A_24, %dma_start3A_282] : memref<10240x128xbf16, #tpu.memory_space<vmem_shared>> -> memref<128x128xbf16, #tpu.memory_space<vmem_shared>>
      %dma_start3A_284 = arith.constant 0 : i32
      %dma_start3A_285 = tpu.memref_slice %arg25[%add3A_24, %dma_start3A_284] : memref<10240x128xbf16, #tpu.memory_space<vmem_shared>> -> memref<128x128xbf16, #tpu.memory_space<vmem_shared>>
      tpu.enqueue_dma source(%arg14 : memref<128x128xbf16, #tpu.memory_space<vmem>>) target(%dma_start3A_285 : memref<128x128xbf16, #tpu.memory_space<vmem_shared>>) target_semaphore(%run_scoped3A : memref<!tpu.dma_semaphore, #tpu.memory_space<semaphore_mem>>)
      %dma_wait3A_286 = arith.constant 0 : i32
      %dma_wait3A_287 = tpu.memref_slice %arg25[%add3A_24, %dma_wait3A_286] : memref<10240x128xbf16, #tpu.memory_space<vmem_shared>> -> memref<128x128xbf16, #tpu.memory_space<vmem_shared>>
      %dma_wait3A_288 = arith.constant 0 : i32
      %dma_wait3A_289 = tpu.memref_slice %arg25[%add3A_24, %dma_wait3A_288] : memref<10240x128xbf16, #tpu.memory_space<vmem_shared>> -> memref<128x128xbf16, #tpu.memory_space<vmem_shared>>
      tpu.wait_dma2 semaphore(%run_scoped3A : memref<!tpu.dma_semaphore, #tpu.memory_space<semaphore_mem>>) src(%arg14 : memref<128x128xbf16, #tpu.memory_space<vmem>>) dst(%dma_wait3A_289 : memref<128x128xbf16, #tpu.memory_space<vmem_shared>>)
      tpu.yield
    }) : () -> ()
    %mul3A_25 = arith.constant 640 : i32
    %mul3A_26 = arith.muli %arg1, %mul3A_25 : i32
    %add3A_27 = arith.constant 256 : i32
    %add3A_28 = arith.addi %mul3A_26, %add3A_27 : i32
    "tpu.region"() ({
      %run_scoped3A = tpu.sem_alloc : memref<!tpu.dma_semaphore, #tpu.memory_space<semaphore_mem>>
      %dma_start3A_282 = arith.constant 0 : i32
      %dma_start3A_283 = tpu.memref_slice %arg24[%add3A_28, %dma_start3A_282] : memref<10240x128xbf16, #tpu.memory_space<vmem_shared>> -> memref<128x128xbf16, #tpu.memory_space<vmem_shared>>
      %dma_start3A_284 = arith.constant 0 : i32
      %dma_start3A_285 = tpu.memref_slice %arg24[%add3A_28, %dma_start3A_284] : memref<10240x128xbf16, #tpu.memory_space<vmem_shared>> -> memref<128x128xbf16, #tpu.memory_space<vmem_shared>>
      tpu.enqueue_dma source(%arg14 : memref<128x128xbf16, #tpu.memory_space<vmem>>) target(%dma_start3A_285 : memref<128x128xbf16, #tpu.memory_space<vmem_shared>>) target_semaphore(%run_scoped3A : memref<!tpu.dma_semaphore, #tpu.memory_space<semaphore_mem>>)
      %dma_wait3A_286 = arith.constant 0 : i32
      %dma_wait3A_287 = tpu.memref_slice %arg24[%add3A_28, %dma_wait3A_286] : memref<10240x128xbf16, #tpu.memory_space<vmem_shared>> -> memref<128x128xbf16, #tpu.memory_space<vmem_shared>>
      %dma_wait3A_288 = arith.constant 0 : i32
      %dma_wait3A_289 = tpu.memref_slice %arg24[%add3A_28, %dma_wait3A_288] : memref<10240x128xbf16, #tpu.memory_space<vmem_shared>> -> memref<128x128xbf16, #tpu.memory_space<vmem_shared>>
      tpu.wait_dma2 semaphore(%run_scoped3A : memref<!tpu.dma_semaphore, #tpu.memory_space<semaphore_mem>>) src(%arg14 : memref<128x128xbf16, #tpu.memory_space<vmem>>) dst(%dma_wait3A_289 : memref<128x128xbf16, #tpu.memory_space<vmem_shared>>)
      tpu.yield
    }) : () -> ()
    %mul3A_29 = arith.constant 640 : i32
    %mul3A_30 = arith.muli %arg1, %mul3A_29 : i32
    %add3A_31 = arith.constant 256 : i32
    %add3A_32 = arith.addi %mul3A_30, %add3A_31 : i32
    "tpu.region"() ({
      %run_scoped3A = tpu.sem_alloc : memref<!tpu.dma_semaphore, #tpu.memory_space<semaphore_mem>>
      %dma_start3A_282 = arith.constant 0 : i32
      %dma_start3A_283 = tpu.memref_slice %arg25[%add3A_32, %dma_start3A_282] : memref<10240x128xbf16, #tpu.memory_space<vmem_shared>> -> memref<128x128xbf16, #tpu.memory_space<vmem_shared>>
      %dma_start3A_284 = arith.constant 0 : i32
      %dma_start3A_285 = tpu.memref_slice %arg25[%add3A_32, %dma_start3A_284] : memref<10240x128xbf16, #tpu.memory_space<vmem_shared>> -> memref<128x128xbf16, #tpu.memory_space<vmem_shared>>
      tpu.enqueue_dma source(%arg14 : memref<128x128xbf16, #tpu.memory_space<vmem>>) target(%dma_start3A_285 : memref<128x128xbf16, #tpu.memory_space<vmem_shared>>) target_semaphore(%run_scoped3A : memref<!tpu.dma_semaphore, #tpu.memory_space<semaphore_mem>>)
      %dma_wait3A_286 = arith.constant 0 : i32
      %dma_wait3A_287 = tpu.memref_slice %arg25[%add3A_32, %dma_wait3A_286] : memref<10240x128xbf16, #tpu.memory_space<vmem_shared>> -> memref<128x128xbf16, #tpu.memory_space<vmem_shared>>
      %dma_wait3A_288 = arith.constant 0 : i32
      %dma_wait3A_289 = tpu.memref_slice %arg25[%add3A_32, %dma_wait3A_288] : memref<10240x128xbf16, #tpu.memory_space<vmem_shared>> -> memref<128x128xbf16, #tpu.memory_space<vmem_shared>>
      tpu.wait_dma2 semaphore(%run_scoped3A : memref<!tpu.dma_semaphore, #tpu.memory_space<semaphore_mem>>) src(%arg14 : memref<128x128xbf16, #tpu.memory_space<vmem>>) dst(%dma_wait3A_289 : memref<128x128xbf16, #tpu.memory_space<vmem_shared>>)
      tpu.yield
    }) : () -> ()
    %mul3A_33 = arith.constant 640 : i32
    %mul3A_34 = arith.muli %arg1, %mul3A_33 : i32
    %add3A_35 = arith.constant 384 : i32
    %add3A_36 = arith.addi %mul3A_34, %add3A_35 : i32
    "tpu.region"() ({
      %run_scoped3A = tpu.sem_alloc : memref<!tpu.dma_semaphore, #tpu.memory_space<semaphore_mem>>
      %dma_start3A_282 = arith.constant 0 : i32
      %dma_start3A_283 = tpu.memref_slice %arg24[%add3A_36, %dma_start3A_282] : memref<10240x128xbf16, #tpu.memory_space<vmem_shared>> -> memref<128x128xbf16, #tpu.memory_space<vmem_shared>>
      %dma_start3A_284 = arith.constant 0 : i32
      %dma_start3A_285 = tpu.memref_slice %arg24[%add3A_36, %dma_start3A_284] : memref<10240x128xbf16, #tpu.memory_space<vmem_shared>> -> memref<128x128xbf16, #tpu.memory_space<vmem_shared>>
      tpu.enqueue_dma source(%arg14 : memref<128x128xbf16, #tpu.memory_space<vmem>>) target(%dma_start3A_285 : memref<128x128xbf16, #tpu.memory_space<vmem_shared>>) target_semaphore(%run_scoped3A : memref<!tpu.dma_semaphore, #tpu.memory_space<semaphore_mem>>)
      %dma_wait3A_286 = arith.constant 0 : i32
      %dma_wait3A_287 = tpu.memref_slice %arg24[%add3A_36, %dma_wait3A_286] : memref<10240x128xbf16, #tpu.memory_space<vmem_shared>> -> memref<128x128xbf16, #tpu.memory_space<vmem_shared>>
      %dma_wait3A_288 = arith.constant 0 : i32
      %dma_wait3A_289 = tpu.memref_slice %arg24[%add3A_36, %dma_wait3A_288] : memref<10240x128xbf16, #tpu.memory_space<vmem_shared>> -> memref<128x128xbf16, #tpu.memory_space<vmem_shared>>
      tpu.wait_dma2 semaphore(%run_scoped3A : memref<!tpu.dma_semaphore, #tpu.memory_space<semaphore_mem>>) src(%arg14 : memref<128x128xbf16, #tpu.memory_space<vmem>>) dst(%dma_wait3A_289 : memref<128x128xbf16, #tpu.memory_space<vmem_shared>>)
      tpu.yield
    }) : () -> ()
    %mul3A_37 = arith.constant 640 : i32
    %mul3A_38 = arith.muli %arg1, %mul3A_37 : i32
    %add3A_39 = arith.constant 384 : i32
    %add3A_40 = arith.addi %mul3A_38, %add3A_39 : i32
    "tpu.region"() ({
      %run_scoped3A = tpu.sem_alloc : memref<!tpu.dma_semaphore, #tpu.memory_space<semaphore_mem>>
      %dma_start3A_282 = arith.constant 0 : i32
      %dma_start3A_283 = tpu.memref_slice %arg25[%add3A_40, %dma_start3A_282] : memref<10240x128xbf16, #tpu.memory_space<vmem_shared>> -> memref<128x128xbf16, #tpu.memory_space<vmem_shared>>
      %dma_start3A_284 = arith.constant 0 : i32
      %dma_start3A_285 = tpu.memref_slice %arg25[%add3A_40, %dma_start3A_284] : memref<10240x128xbf16, #tpu.memory_space<vmem_shared>> -> memref<128x128xbf16, #tpu.memory_space<vmem_shared>>
      tpu.enqueue_dma source(%arg14 : memref<128x128xbf16, #tpu.memory_space<vmem>>) target(%dma_start3A_285 : memref<128x128xbf16, #tpu.memory_space<vmem_shared>>) target_semaphore(%run_scoped3A : memref<!tpu.dma_semaphore, #tpu.memory_space<semaphore_mem>>)
      %dma_wait3A_286 = arith.constant 0 : i32
      %dma_wait3A_287 = tpu.memref_slice %arg25[%add3A_40, %dma_wait3A_286] : memref<10240x128xbf16, #tpu.memory_space<vmem_shared>> -> memref<128x128xbf16, #tpu.memory_space<vmem_shared>>
      %dma_wait3A_288 = arith.constant 0 : i32
      %dma_wait3A_289 = tpu.memref_slice %arg25[%add3A_40, %dma_wait3A_288] : memref<10240x128xbf16, #tpu.memory_space<vmem_shared>> -> memref<128x128xbf16, #tpu.memory_space<vmem_shared>>
      tpu.wait_dma2 semaphore(%run_scoped3A : memref<!tpu.dma_semaphore, #tpu.memory_space<semaphore_mem>>) src(%arg14 : memref<128x128xbf16, #tpu.memory_space<vmem>>) dst(%dma_wait3A_289 : memref<128x128xbf16, #tpu.memory_space<vmem_shared>>)
      tpu.yield
    }) : () -> ()
    %mul3A_41 = arith.constant 640 : i32
    %mul3A_42 = arith.muli %arg1, %mul3A_41 : i32
    %add3A_43 = arith.constant 512 : i32
    %add3A_44 = arith.addi %mul3A_42, %add3A_43 : i32
    "tpu.region"() ({
      %run_scoped3A = tpu.sem_alloc : memref<!tpu.dma_semaphore, #tpu.memory_space<semaphore_mem>>
      %dma_start3A_282 = arith.constant 0 : i32
      %dma_start3A_283 = tpu.memref_slice %arg24[%add3A_44, %dma_start3A_282] : memref<10240x128xbf16, #tpu.memory_space<vmem_shared>> -> memref<128x128xbf16, #tpu.memory_space<vmem_shared>>
      %dma_start3A_284 = arith.constant 0 : i32
      %dma_start3A_285 = tpu.memref_slice %arg24[%add3A_44, %dma_start3A_284] : memref<10240x128xbf16, #tpu.memory_space<vmem_shared>> -> memref<128x128xbf16, #tpu.memory_space<vmem_shared>>
      tpu.enqueue_dma source(%arg14 : memref<128x128xbf16, #tpu.memory_space<vmem>>) target(%dma_start3A_285 : memref<128x128xbf16, #tpu.memory_space<vmem_shared>>) target_semaphore(%run_scoped3A : memref<!tpu.dma_semaphore, #tpu.memory_space<semaphore_mem>>)
      %dma_wait3A_286 = arith.constant 0 : i32
      %dma_wait3A_287 = tpu.memref_slice %arg24[%add3A_44, %dma_wait3A_286] : memref<10240x128xbf16, #tpu.memory_space<vmem_shared>> -> memref<128x128xbf16, #tpu.memory_space<vmem_shared>>
      %dma_wait3A_288 = arith.constant 0 : i32
      %dma_wait3A_289 = tpu.memref_slice %arg24[%add3A_44, %dma_wait3A_288] : memref<10240x128xbf16, #tpu.memory_space<vmem_shared>> -> memref<128x128xbf16, #tpu.memory_space<vmem_shared>>
      tpu.wait_dma2 semaphore(%run_scoped3A : memref<!tpu.dma_semaphore, #tpu.memory_space<semaphore_mem>>) src(%arg14 : memref<128x128xbf16, #tpu.memory_space<vmem>>) dst(%dma_wait3A_289 : memref<128x128xbf16, #tpu.memory_space<vmem_shared>>)
      tpu.yield
    }) : () -> ()
    %mul3A_45 = arith.constant 640 : i32
    %mul3A_46 = arith.muli %arg1, %mul3A_45 : i32
    %add3A_47 = arith.constant 512 : i32
    %add3A_48 = arith.addi %mul3A_46, %add3A_47 : i32
    "tpu.region"() ({
      %run_scoped3A = tpu.sem_alloc : memref<!tpu.dma_semaphore, #tpu.memory_space<semaphore_mem>>
      %dma_start3A_282 = arith.constant 0 : i32
      %dma_start3A_283 = tpu.memref_slice %arg25[%add3A_48, %dma_start3A_282] : memref<10240x128xbf16, #tpu.memory_space<vmem_shared>> -> memref<128x128xbf16, #tpu.memory_space<vmem_shared>>
      %dma_start3A_284 = arith.constant 0 : i32
      %dma_start3A_285 = tpu.memref_slice %arg25[%add3A_48, %dma_start3A_284] : memref<10240x128xbf16, #tpu.memory_space<vmem_shared>> -> memref<128x128xbf16, #tpu.memory_space<vmem_shared>>
      tpu.enqueue_dma source(%arg14 : memref<128x128xbf16, #tpu.memory_space<vmem>>) target(%dma_start3A_285 : memref<128x128xbf16, #tpu.memory_space<vmem_shared>>) target_semaphore(%run_scoped3A : memref<!tpu.dma_semaphore, #tpu.memory_space<semaphore_mem>>)
      %dma_wait3A_286 = arith.constant 0 : i32
      %dma_wait3A_287 = tpu.memref_slice %arg25[%add3A_48, %dma_wait3A_286] : memref<10240x128xbf16, #tpu.memory_space<vmem_shared>> -> memref<128x128xbf16, #tpu.memory_space<vmem_shared>>
      %dma_wait3A_288 = arith.constant 0 : i32
      %dma_wait3A_289 = tpu.memref_slice %arg25[%add3A_48, %dma_wait3A_288] : memref<10240x128xbf16, #tpu.memory_space<vmem_shared>> -> memref<128x128xbf16, #tpu.memory_space<vmem_shared>>
      tpu.wait_dma2 semaphore(%run_scoped3A : memref<!tpu.dma_semaphore, #tpu.memory_space<semaphore_mem>>) src(%arg14 : memref<128x128xbf16, #tpu.memory_space<vmem>>) dst(%dma_wait3A_289 : memref<128x128xbf16, #tpu.memory_space<vmem_shared>>)
      tpu.yield
    }) : () -> ()
    %barrier3A = arith.constant 0 : index
    tpu.barrier barrier_id(%barrier3A)
    %mul3A_49 = arith.constant 80 : i32
    %mul3A_50 = arith.muli %add3A, %mul3A_49 : i32
    %add3A_51 = arith.constant 0 : i32
    %add3A_52 = arith.addi %mul3A_50, %add3A_51 : i32
    %dma_start3A = arith.constant 0 : i32
    %dma_start3A_53 = tpu.memref_slice %arg2[%add3A_52, %dma_start3A] : memref<2560x128xi32, #tpu.memory_space<hbm>> -> memref<1x128xi32, #tpu.memory_space<hbm>>
    %dma_start3A_54 = arith.constant 0 : i32
    %dma_start3A_55 = tpu.memref_slice %arg2[%add3A_52, %dma_start3A_54] : memref<2560x128xi32, #tpu.memory_space<hbm>> -> memref<1x128xi32, #tpu.memory_space<hbm>>
    tpu.enqueue_dma source(%dma_start3A_55 : memref<1x128xi32, #tpu.memory_space<hbm>>) target(%arg6 : memref<1x128xi32, #tpu.memory_space<vmem>>) target_semaphore(%arg16 : memref<!tpu.dma_semaphore, #tpu.memory_space<semaphore_mem>>)
    %add3A_56 = arith.constant 0 : i32
    %add3A_57 = arith.addi %mul3A_50, %add3A_56 : i32
    %dma_start3A_58 = arith.constant 0 : i32
    %dma_start3A_59 = tpu.memref_slice %arg3[%add3A_57, %dma_start3A_58] : memref<2560x128xi32, #tpu.memory_space<hbm>> -> memref<1x128xi32, #tpu.memory_space<hbm>>
    %dma_start3A_60 = arith.constant 0 : i32
    %dma_start3A_61 = tpu.memref_slice %arg3[%add3A_57, %dma_start3A_60] : memref<2560x128xi32, #tpu.memory_space<hbm>> -> memref<1x128xi32, #tpu.memory_space<hbm>>
    tpu.enqueue_dma source(%dma_start3A_61 : memref<1x128xi32, #tpu.memory_space<hbm>>) target(%arg10 : memref<1x128xi32, #tpu.memory_space<vmem>>) target_semaphore(%arg16 : memref<!tpu.dma_semaphore, #tpu.memory_space<semaphore_mem>>)
    %add3A_62 = arith.constant 1 : i32
    %add3A_63 = arith.addi %mul3A_50, %add3A_62 : i32
    %dma_start3A_64 = arith.constant 0 : i32
    %dma_start3A_65 = tpu.memref_slice %arg2[%add3A_63, %dma_start3A_64] : memref<2560x128xi32, #tpu.memory_space<hbm>> -> memref<1x128xi32, #tpu.memory_space<hbm>>
    %dma_start3A_66 = arith.constant 0 : i32
    %dma_start3A_67 = tpu.memref_slice %arg2[%add3A_63, %dma_start3A_66] : memref<2560x128xi32, #tpu.memory_space<hbm>> -> memref<1x128xi32, #tpu.memory_space<hbm>>
    tpu.enqueue_dma source(%dma_start3A_67 : memref<1x128xi32, #tpu.memory_space<hbm>>) target(%arg7 : memref<1x128xi32, #tpu.memory_space<vmem>>) target_semaphore(%arg17 : memref<!tpu.dma_semaphore, #tpu.memory_space<semaphore_mem>>)
    %add3A_68 = arith.constant 1 : i32
    %add3A_69 = arith.addi %mul3A_50, %add3A_68 : i32
    %dma_start3A_70 = arith.constant 0 : i32
    %dma_start3A_71 = tpu.memref_slice %arg3[%add3A_69, %dma_start3A_70] : memref<2560x128xi32, #tpu.memory_space<hbm>> -> memref<1x128xi32, #tpu.memory_space<hbm>>
    %dma_start3A_72 = arith.constant 0 : i32
    %dma_start3A_73 = tpu.memref_slice %arg3[%add3A_69, %dma_start3A_72] : memref<2560x128xi32, #tpu.memory_space<hbm>> -> memref<1x128xi32, #tpu.memory_space<hbm>>
    tpu.enqueue_dma source(%dma_start3A_73 : memref<1x128xi32, #tpu.memory_space<hbm>>) target(%arg11 : memref<1x128xi32, #tpu.memory_space<vmem>>) target_semaphore(%arg17 : memref<!tpu.dma_semaphore, #tpu.memory_space<semaphore_mem>>)
    %add3A_74 = arith.constant 2 : i32
    %add3A_75 = arith.addi %mul3A_50, %add3A_74 : i32
    %dma_start3A_76 = arith.constant 0 : i32
    %dma_start3A_77 = tpu.memref_slice %arg2[%add3A_75, %dma_start3A_76] : memref<2560x128xi32, #tpu.memory_space<hbm>> -> memref<1x128xi32, #tpu.memory_space<hbm>>
    %dma_start3A_78 = arith.constant 0 : i32
    %dma_start3A_79 = tpu.memref_slice %arg2[%add3A_75, %dma_start3A_78] : memref<2560x128xi32, #tpu.memory_space<hbm>> -> memref<1x128xi32, #tpu.memory_space<hbm>>
    tpu.enqueue_dma source(%dma_start3A_79 : memref<1x128xi32, #tpu.memory_space<hbm>>) target(%arg8 : memref<1x128xi32, #tpu.memory_space<vmem>>) target_semaphore(%arg18 : memref<!tpu.dma_semaphore, #tpu.memory_space<semaphore_mem>>)
    %add3A_80 = arith.constant 2 : i32
    %add3A_81 = arith.addi %mul3A_50, %add3A_80 : i32
    %dma_start3A_82 = arith.constant 0 : i32
    %dma_start3A_83 = tpu.memref_slice %arg3[%add3A_81, %dma_start3A_82] : memref<2560x128xi32, #tpu.memory_space<hbm>> -> memref<1x128xi32, #tpu.memory_space<hbm>>
    %dma_start3A_84 = arith.constant 0 : i32
    %dma_start3A_85 = tpu.memref_slice %arg3[%add3A_81, %dma_start3A_84] : memref<2560x128xi32, #tpu.memory_space<hbm>> -> memref<1x128xi32, #tpu.memory_space<hbm>>
    tpu.enqueue_dma source(%dma_start3A_85 : memref<1x128xi32, #tpu.memory_space<hbm>>) target(%arg12 : memref<1x128xi32, #tpu.memory_space<vmem>>) target_semaphore(%arg18 : memref<!tpu.dma_semaphore, #tpu.memory_space<semaphore_mem>>)
    %add3A_86 = arith.constant 3 : i32
    %add3A_87 = arith.addi %mul3A_50, %add3A_86 : i32
    %dma_start3A_88 = arith.constant 0 : i32
    %dma_start3A_89 = tpu.memref_slice %arg2[%add3A_87, %dma_start3A_88] : memref<2560x128xi32, #tpu.memory_space<hbm>> -> memref<1x128xi32, #tpu.memory_space<hbm>>
    %dma_start3A_90 = arith.constant 0 : i32
    %dma_start3A_91 = tpu.memref_slice %arg2[%add3A_87, %dma_start3A_90] : memref<2560x128xi32, #tpu.memory_space<hbm>> -> memref<1x128xi32, #tpu.memory_space<hbm>>
    tpu.enqueue_dma source(%dma_start3A_91 : memref<1x128xi32, #tpu.memory_space<hbm>>) target(%arg9 : memref<1x128xi32, #tpu.memory_space<vmem>>) target_semaphore(%arg19 : memref<!tpu.dma_semaphore, #tpu.memory_space<semaphore_mem>>)
    %add3A_92 = arith.constant 3 : i32
    %add3A_93 = arith.addi %mul3A_50, %add3A_92 : i32
    %dma_start3A_94 = arith.constant 0 : i32
    %dma_start3A_95 = tpu.memref_slice %arg3[%add3A_93, %dma_start3A_94] : memref<2560x128xi32, #tpu.memory_space<hbm>> -> memref<1x128xi32, #tpu.memory_space<hbm>>
    %dma_start3A_96 = arith.constant 0 : i32
    %dma_start3A_97 = tpu.memref_slice %arg3[%add3A_93, %dma_start3A_96] : memref<2560x128xi32, #tpu.memory_space<hbm>> -> memref<1x128xi32, #tpu.memory_space<hbm>>
    tpu.enqueue_dma source(%dma_start3A_97 : memref<1x128xi32, #tpu.memory_space<hbm>>) target(%arg13 : memref<1x128xi32, #tpu.memory_space<vmem>>) target_semaphore(%arg19 : memref<!tpu.dma_semaphore, #tpu.memory_space<semaphore_mem>>)
    %dma_wait3A = arith.constant 0 : i32
    %dma_wait3A_98 = tpu.memref_slice %arg2[%mul3A_50, %dma_wait3A] : memref<2560x128xi32, #tpu.memory_space<hbm>> -> memref<1x128xi32, #tpu.memory_space<hbm>>
    %dma_wait3A_99 = arith.constant 0 : i32
    %dma_wait3A_100 = tpu.memref_slice %arg2[%mul3A_50, %dma_wait3A_99] : memref<2560x128xi32, #tpu.memory_space<hbm>> -> memref<1x128xi32, #tpu.memory_space<hbm>>
    tpu.wait_dma2 semaphore(%arg16 : memref<!tpu.dma_semaphore, #tpu.memory_space<semaphore_mem>>) src(%dma_wait3A_100 : memref<1x128xi32, #tpu.memory_space<hbm>>) dst(%arg6 : memref<1x128xi32, #tpu.memory_space<vmem>>)
    %dma_wait3A_101 = arith.constant 0 : i32
    %dma_wait3A_102 = tpu.memref_slice %arg3[%mul3A_50, %dma_wait3A_101] : memref<2560x128xi32, #tpu.memory_space<hbm>> -> memref<1x128xi32, #tpu.memory_space<hbm>>
    %dma_wait3A_103 = arith.constant 0 : i32
    %dma_wait3A_104 = tpu.memref_slice %arg3[%mul3A_50, %dma_wait3A_103] : memref<2560x128xi32, #tpu.memory_space<hbm>> -> memref<1x128xi32, #tpu.memory_space<hbm>>
    tpu.wait_dma2 semaphore(%arg16 : memref<!tpu.dma_semaphore, #tpu.memory_space<semaphore_mem>>) src(%dma_wait3A_104 : memref<1x128xi32, #tpu.memory_space<hbm>>) dst(%arg10 : memref<1x128xi32, #tpu.memory_space<vmem>>)
    %dma_start3A_105 = arith.constant 0 : i32
    %dma_start3A_106 = arith.constant 0 : i32
    %dma_start3A_107 = arith.constant 0 : i32
    %dma_start3A_108 = tpu.memref_slice %arg14[%dma_start3A_106, %dma_start3A_107] : memref<128x128xbf16, #tpu.memory_space<vmem>> -> memref<128x128xbf16, #tpu.memory_space<vmem>>
    %dma_start3A_109 = arith.constant 0 : i32
    %dma_start3A_110 = tpu.memref_slice %arg6[%dma_start3A_105, %dma_start3A_109] : memref<1x128xi32, #tpu.memory_space<vmem>> -> memref<1x128xi32, #tpu.memory_space<vmem>>
    %dma_start3A_111 = tpu.memref_squeeze %dma_start3A_110 : memref<1x128xi32, #tpu.memory_space<vmem>> -> memref<128xi32, #tpu.memory_space<vmem>>
    %dma_start3A_112 = arith.constant 0 : i32
    %dma_start3A_113 = arith.constant 0 : i32
    %dma_start3A_114 = tpu.memref_slice %arg4[%dma_start3A_112, %dma_start3A_113] : memref<10240x128xbf16, #tpu.memory_space<hbm>> -> memref<10240x128xbf16, #tpu.memory_space<hbm>>
    tpu.enqueue_indirect_dma source(%dma_start3A_114 : memref<10240x128xbf16, #tpu.memory_space<hbm>>) target(%dma_start3A_108 : memref<128x128xbf16, #tpu.memory_space<vmem>>) offsets(%dma_start3A_111 : memref<128xi32, #tpu.memory_space<vmem>>) semaphore(%arg20 : memref<!tpu.dma_semaphore, #tpu.memory_space<semaphore_mem>>)
    %dma_wait3A_115 = arith.constant 0 : i32
    %dma_wait3A_116 = tpu.memref_slice %arg2[%mul3A_50, %dma_wait3A_115] : memref<2560x128xi32, #tpu.memory_space<hbm>> -> memref<1x128xi32, #tpu.memory_space<hbm>>
    %dma_wait3A_117 = arith.constant 0 : i32
    %dma_wait3A_118 = tpu.memref_slice %arg2[%mul3A_50, %dma_wait3A_117] : memref<2560x128xi32, #tpu.memory_space<hbm>> -> memref<1x128xi32, #tpu.memory_space<hbm>>
    tpu.wait_dma2 semaphore(%arg17 : memref<!tpu.dma_semaphore, #tpu.memory_space<semaphore_mem>>) src(%dma_wait3A_118 : memref<1x128xi32, #tpu.memory_space<hbm>>) dst(%arg7 : memref<1x128xi32, #tpu.memory_space<vmem>>)
    %dma_wait3A_119 = arith.constant 0 : i32
    %dma_wait3A_120 = tpu.memref_slice %arg3[%mul3A_50, %dma_wait3A_119] : memref<2560x128xi32, #tpu.memory_space<hbm>> -> memref<1x128xi32, #tpu.memory_space<hbm>>
    %dma_wait3A_121 = arith.constant 0 : i32
    %dma_wait3A_122 = tpu.memref_slice %arg3[%mul3A_50, %dma_wait3A_121] : memref<2560x128xi32, #tpu.memory_space<hbm>> -> memref<1x128xi32, #tpu.memory_space<hbm>>
    tpu.wait_dma2 semaphore(%arg17 : memref<!tpu.dma_semaphore, #tpu.memory_space<semaphore_mem>>) src(%dma_wait3A_122 : memref<1x128xi32, #tpu.memory_space<hbm>>) dst(%arg11 : memref<1x128xi32, #tpu.memory_space<vmem>>)
    %dma_start3A_123 = arith.constant 0 : i32
    %dma_start3A_124 = arith.constant 0 : i32
    %dma_start3A_125 = arith.constant 0 : i32
    %dma_start3A_126 = tpu.memref_slice %arg15[%dma_start3A_124, %dma_start3A_125] : memref<128x128xbf16, #tpu.memory_space<vmem>> -> memref<128x128xbf16, #tpu.memory_space<vmem>>
    %dma_start3A_127 = arith.constant 0 : i32
    %dma_start3A_128 = tpu.memref_slice %arg7[%dma_start3A_123, %dma_start3A_127] : memref<1x128xi32, #tpu.memory_space<vmem>> -> memref<1x128xi32, #tpu.memory_space<vmem>>
    %dma_start3A_129 = tpu.memref_squeeze %dma_start3A_128 : memref<1x128xi32, #tpu.memory_space<vmem>> -> memref<128xi32, #tpu.memory_space<vmem>>
    %dma_start3A_130 = arith.constant 0 : i32
    %dma_start3A_131 = arith.constant 0 : i32
    %dma_start3A_132 = tpu.memref_slice %arg4[%dma_start3A_130, %dma_start3A_131] : memref<10240x128xbf16, #tpu.memory_space<hbm>> -> memref<10240x128xbf16, #tpu.memory_space<hbm>>
    tpu.enqueue_indirect_dma source(%dma_start3A_132 : memref<10240x128xbf16, #tpu.memory_space<hbm>>) target(%dma_start3A_126 : memref<128x128xbf16, #tpu.memory_space<vmem>>) offsets(%dma_start3A_129 : memref<128xi32, #tpu.memory_space<vmem>>) semaphore(%arg21 : memref<!tpu.dma_semaphore, #tpu.memory_space<semaphore_mem>>)
    %scan3A_133 = arith.constant 0 : i32
    %scan3A_134 = arith.constant 0 : i32
    %scan3A_135 = arith.constant 19 : i32
    %scan3A_136 = arith.addi %scan3A_134, %scan3A_135 : i32
    %scan3A_137 = arith.constant 1 : i32
    scf.for %scan3A_282 = %scan3A_134 to %scan3A_136 step %scan3A_137  : i32 {
      %mul3A_283 = arith.constant 4 : i32
      %mul3A_284 = arith.muli %scan3A_282, %mul3A_283 : i32
      %dma_wait3A_285 = arith.constant 0 : i32
      %dma_wait3A_286 = arith.constant 0 : i32
      %dma_wait3A_287 = arith.constant 0 : i32
      %dma_wait3A_288 = tpu.memref_slice %arg14[%dma_wait3A_286, %dma_wait3A_287] : memref<128x128xbf16, #tpu.memory_space<vmem>> -> memref<128x128xbf16, #tpu.memory_space<vmem>>
      %dma_wait3A_289 = arith.constant 0 : i32
      %dma_wait3A_290 = tpu.memref_slice %arg6[%dma_wait3A_285, %dma_wait3A_289] : memref<1x128xi32, #tpu.memory_space<vmem>> -> memref<1x128xi32, #tpu.memory_space<vmem>>
      %dma_wait3A_291 = tpu.memref_squeeze %dma_wait3A_290 : memref<1x128xi32, #tpu.memory_space<vmem>> -> memref<128xi32, #tpu.memory_space<vmem>>
      %dma_wait3A_292 = arith.constant 0 : i32
      %dma_wait3A_293 = arith.constant 0 : i32
      %dma_wait3A_294 = tpu.memref_slice %arg4[%dma_wait3A_292, %dma_wait3A_293] : memref<10240x128xbf16, #tpu.memory_space<hbm>> -> memref<10240x128xbf16, #tpu.memory_space<hbm>>
      tpu.wait_indirect_dma semaphore(%arg20 : memref<!tpu.dma_semaphore, #tpu.memory_space<semaphore_mem>>) src(%dma_wait3A_294 : memref<10240x128xbf16, #tpu.memory_space<hbm>>) dst(%dma_wait3A_288 : memref<128x128xbf16, #tpu.memory_space<vmem>>)
      %dma_start3A_295 = arith.constant 0 : i32
      %dma_start3A_296 = arith.constant 0 : i32
      %dma_start3A_297 = tpu.memref_slice %arg10[%dma_start3A_295, %dma_start3A_296] : memref<1x128xi32, #tpu.memory_space<vmem>> -> memref<1x128xi32, #tpu.memory_space<vmem>>
      %dma_start3A_298 = tpu.memref_squeeze %dma_start3A_297 : memref<1x128xi32, #tpu.memory_space<vmem>> -> memref<128xi32, #tpu.memory_space<vmem>>
      %dma_start3A_299 = arith.constant 0 : i32
      %dma_start3A_300 = arith.constant 0 : i32
      %dma_start3A_301 = tpu.memref_slice %arg24[%dma_start3A_299, %dma_start3A_300] : memref<10240x128xbf16, #tpu.memory_space<vmem_shared>> -> memref<10240x128xbf16, #tpu.memory_space<vmem_shared>>
      tpu.enqueue_indirect_dma source(%arg14 : memref<128x128xbf16, #tpu.memory_space<vmem>>) target(%dma_start3A_301 : memref<10240x128xbf16, #tpu.memory_space<vmem_shared>>) offsets(%dma_start3A_298 : memref<128xi32, #tpu.memory_space<vmem>>) semaphore(%arg22 : memref<!tpu.dma_semaphore, #tpu.memory_space<semaphore_mem>>) {add = true}
      %dma_wait3A_302 = arith.constant 0 : i32
      %dma_wait3A_303 = arith.constant 0 : i32
      %dma_wait3A_304 = tpu.memref_slice %arg10[%dma_wait3A_302, %dma_wait3A_303] : memref<1x128xi32, #tpu.memory_space<vmem>> -> memref<1x128xi32, #tpu.memory_space<vmem>>
      %dma_wait3A_305 = tpu.memref_squeeze %dma_wait3A_304 : memref<1x128xi32, #tpu.memory_space<vmem>> -> memref<128xi32, #tpu.memory_space<vmem>>
      %dma_wait3A_306 = arith.constant 0 : i32
      %dma_wait3A_307 = arith.constant 0 : i32
      %dma_wait3A_308 = tpu.memref_slice %arg24[%dma_wait3A_306, %dma_wait3A_307] : memref<10240x128xbf16, #tpu.memory_space<vmem_shared>> -> memref<10240x128xbf16, #tpu.memory_space<vmem_shared>>
      tpu.wait_indirect_dma semaphore(%arg22 : memref<!tpu.dma_semaphore, #tpu.memory_space<semaphore_mem>>) src(%arg14 : memref<128x128xbf16, #tpu.memory_space<vmem>>) dst(%dma_wait3A_308 : memref<10240x128xbf16, #tpu.memory_space<vmem_shared>>)
      %add3A_309 = arith.constant 0 : i32
      %add3A_310 = arith.addi %mul3A_284, %add3A_309 : i32
      %add3A_311 = arith.constant 4 : i32
      %add3A_312 = arith.addi %add3A_310, %add3A_311 : i32
      %add3A_313 = arith.addi %mul3A_50, %add3A_312 : i32
      %dma_start3A_314 = arith.constant 0 : i32
      %dma_start3A_315 = tpu.memref_slice %arg2[%add3A_313, %dma_start3A_314] : memref<2560x128xi32, #tpu.memory_space<hbm>> -> memref<1x128xi32, #tpu.memory_space<hbm>>
      %dma_start3A_316 = arith.constant 0 : i32
      %dma_start3A_317 = tpu.memref_slice %arg2[%add3A_313, %dma_start3A_316] : memref<2560x128xi32, #tpu.memory_space<hbm>> -> memref<1x128xi32, #tpu.memory_space<hbm>>
      tpu.enqueue_dma source(%dma_start3A_317 : memref<1x128xi32, #tpu.memory_space<hbm>>) target(%arg6 : memref<1x128xi32, #tpu.memory_space<vmem>>) target_semaphore(%arg16 : memref<!tpu.dma_semaphore, #tpu.memory_space<semaphore_mem>>)
      %add3A_318 = arith.addi %mul3A_50, %add3A_312 : i32
      %dma_start3A_319 = arith.constant 0 : i32
      %dma_start3A_320 = tpu.memref_slice %arg3[%add3A_318, %dma_start3A_319] : memref<2560x128xi32, #tpu.memory_space<hbm>> -> memref<1x128xi32, #tpu.memory_space<hbm>>
      %dma_start3A_321 = arith.constant 0 : i32
      %dma_start3A_322 = tpu.memref_slice %arg3[%add3A_318, %dma_start3A_321] : memref<2560x128xi32, #tpu.memory_space<hbm>> -> memref<1x128xi32, #tpu.memory_space<hbm>>
      tpu.enqueue_dma source(%dma_start3A_322 : memref<1x128xi32, #tpu.memory_space<hbm>>) target(%arg10 : memref<1x128xi32, #tpu.memory_space<vmem>>) target_semaphore(%arg16 : memref<!tpu.dma_semaphore, #tpu.memory_space<semaphore_mem>>)
      %dma_wait3A_323 = arith.constant 0 : i32
      %dma_wait3A_324 = tpu.memref_slice %arg2[%mul3A_50, %dma_wait3A_323] : memref<2560x128xi32, #tpu.memory_space<hbm>> -> memref<1x128xi32, #tpu.memory_space<hbm>>
      %dma_wait3A_325 = arith.constant 0 : i32
      %dma_wait3A_326 = tpu.memref_slice %arg2[%mul3A_50, %dma_wait3A_325] : memref<2560x128xi32, #tpu.memory_space<hbm>> -> memref<1x128xi32, #tpu.memory_space<hbm>>
      tpu.wait_dma2 semaphore(%arg18 : memref<!tpu.dma_semaphore, #tpu.memory_space<semaphore_mem>>) src(%dma_wait3A_326 : memref<1x128xi32, #tpu.memory_space<hbm>>) dst(%arg8 : memref<1x128xi32, #tpu.memory_space<vmem>>)
      %dma_wait3A_327 = arith.constant 0 : i32
      %dma_wait3A_328 = tpu.memref_slice %arg3[%mul3A_50, %dma_wait3A_327] : memref<2560x128xi32, #tpu.memory_space<hbm>> -> memref<1x128xi32, #tpu.memory_space<hbm>>
      %dma_wait3A_329 = arith.constant 0 : i32
      %dma_wait3A_330 = tpu.memref_slice %arg3[%mul3A_50, %dma_wait3A_329] : memref<2560x128xi32, #tpu.memory_space<hbm>> -> memref<1x128xi32, #tpu.memory_space<hbm>>
      tpu.wait_dma2 semaphore(%arg18 : memref<!tpu.dma_semaphore, #tpu.memory_space<semaphore_mem>>) src(%dma_wait3A_330 : memref<1x128xi32, #tpu.memory_space<hbm>>) dst(%arg12 : memref<1x128xi32, #tpu.memory_space<vmem>>)
      %dma_start3A_331 = arith.constant 0 : i32
      %dma_start3A_332 = arith.constant 0 : i32
      %dma_start3A_333 = arith.constant 0 : i32
      %dma_start3A_334 = tpu.memref_slice %arg14[%dma_start3A_332, %dma_start3A_333] : memref<128x128xbf16, #tpu.memory_space<vmem>> -> memref<128x128xbf16, #tpu.memory_space<vmem>>
      %dma_start3A_335 = arith.constant 0 : i32
      %dma_start3A_336 = tpu.memref_slice %arg8[%dma_start3A_331, %dma_start3A_335] : memref<1x128xi32, #tpu.memory_space<vmem>> -> memref<1x128xi32, #tpu.memory_space<vmem>>
      %dma_start3A_337 = tpu.memref_squeeze %dma_start3A_336 : memref<1x128xi32, #tpu.memory_space<vmem>> -> memref<128xi32, #tpu.memory_space<vmem>>
      %dma_start3A_338 = arith.constant 0 : i32
      %dma_start3A_339 = arith.constant 0 : i32
      %dma_start3A_340 = tpu.memref_slice %arg4[%dma_start3A_338, %dma_start3A_339] : memref<10240x128xbf16, #tpu.memory_space<hbm>> -> memref<10240x128xbf16, #tpu.memory_space<hbm>>
      tpu.enqueue_indirect_dma source(%dma_start3A_340 : memref<10240x128xbf16, #tpu.memory_space<hbm>>) target(%dma_start3A_334 : memref<128x128xbf16, #tpu.memory_space<vmem>>) offsets(%dma_start3A_337 : memref<128xi32, #tpu.memory_space<vmem>>) semaphore(%arg20 : memref<!tpu.dma_semaphore, #tpu.memory_space<semaphore_mem>>)
      %dma_wait3A_341 = arith.constant 0 : i32
      %dma_wait3A_342 = arith.constant 0 : i32
      %dma_wait3A_343 = arith.constant 0 : i32
      %dma_wait3A_344 = tpu.memref_slice %arg15[%dma_wait3A_342, %dma_wait3A_343] : memref<128x128xbf16, #tpu.memory_space<vmem>> -> memref<128x128xbf16, #tpu.memory_space<vmem>>
      %dma_wait3A_345 = arith.constant 0 : i32
      %dma_wait3A_346 = tpu.memref_slice %arg6[%dma_wait3A_341, %dma_wait3A_345] : memref<1x128xi32, #tpu.memory_space<vmem>> -> memref<1x128xi32, #tpu.memory_space<vmem>>
      %dma_wait3A_347 = tpu.memref_squeeze %dma_wait3A_346 : memref<1x128xi32, #tpu.memory_space<vmem>> -> memref<128xi32, #tpu.memory_space<vmem>>
      %dma_wait3A_348 = arith.constant 0 : i32
      %dma_wait3A_349 = arith.constant 0 : i32
      %dma_wait3A_350 = tpu.memref_slice %arg4[%dma_wait3A_348, %dma_wait3A_349] : memref<10240x128xbf16, #tpu.memory_space<hbm>> -> memref<10240x128xbf16, #tpu.memory_space<hbm>>
      tpu.wait_indirect_dma semaphore(%arg21 : memref<!tpu.dma_semaphore, #tpu.memory_space<semaphore_mem>>) src(%dma_wait3A_350 : memref<10240x128xbf16, #tpu.memory_space<hbm>>) dst(%dma_wait3A_344 : memref<128x128xbf16, #tpu.memory_space<vmem>>)
      %dma_start3A_351 = arith.constant 0 : i32
      %dma_start3A_352 = arith.constant 0 : i32
      %dma_start3A_353 = tpu.memref_slice %arg11[%dma_start3A_351, %dma_start3A_352] : memref<1x128xi32, #tpu.memory_space<vmem>> -> memref<1x128xi32, #tpu.memory_space<vmem>>
      %dma_start3A_354 = tpu.memref_squeeze %dma_start3A_353 : memref<1x128xi32, #tpu.memory_space<vmem>> -> memref<128xi32, #tpu.memory_space<vmem>>
      %dma_start3A_355 = arith.constant 0 : i32
      %dma_start3A_356 = arith.constant 0 : i32
      %dma_start3A_357 = tpu.memref_slice %arg25[%dma_start3A_355, %dma_start3A_356] : memref<10240x128xbf16, #tpu.memory_space<vmem_shared>> -> memref<10240x128xbf16, #tpu.memory_space<vmem_shared>>
      tpu.enqueue_indirect_dma source(%arg15 : memref<128x128xbf16, #tpu.memory_space<vmem>>) target(%dma_start3A_357 : memref<10240x128xbf16, #tpu.memory_space<vmem_shared>>) offsets(%dma_start3A_354 : memref<128xi32, #tpu.memory_space<vmem>>) semaphore(%arg23 : memref<!tpu.dma_semaphore, #tpu.memory_space<semaphore_mem>>) {add = true}
      %dma_wait3A_358 = arith.constant 0 : i32
      %dma_wait3A_359 = arith.constant 0 : i32
      %dma_wait3A_360 = tpu.memref_slice %arg10[%dma_wait3A_358, %dma_wait3A_359] : memref<1x128xi32, #tpu.memory_space<vmem>> -> memref<1x128xi32, #tpu.memory_space<vmem>>
      %dma_wait3A_361 = tpu.memref_squeeze %dma_wait3A_360 : memref<1x128xi32, #tpu.memory_space<vmem>> -> memref<128xi32, #tpu.memory_space<vmem>>
      %dma_wait3A_362 = arith.constant 0 : i32
      %dma_wait3A_363 = arith.constant 0 : i32
      %dma_wait3A_364 = tpu.memref_slice %arg25[%dma_wait3A_362, %dma_wait3A_363] : memref<10240x128xbf16, #tpu.memory_space<vmem_shared>> -> memref<10240x128xbf16, #tpu.memory_space<vmem_shared>>
      tpu.wait_indirect_dma semaphore(%arg23 : memref<!tpu.dma_semaphore, #tpu.memory_space<semaphore_mem>>) src(%arg15 : memref<128x128xbf16, #tpu.memory_space<vmem>>) dst(%dma_wait3A_364 : memref<10240x128xbf16, #tpu.memory_space<vmem_shared>>)
      %add3A_365 = arith.constant 1 : i32
      %add3A_366 = arith.addi %mul3A_284, %add3A_365 : i32
      %add3A_367 = arith.constant 4 : i32
      %add3A_368 = arith.addi %add3A_366, %add3A_367 : i32
      %add3A_369 = arith.addi %mul3A_50, %add3A_368 : i32
      %dma_start3A_370 = arith.constant 0 : i32
      %dma_start3A_371 = tpu.memref_slice %arg2[%add3A_369, %dma_start3A_370] : memref<2560x128xi32, #tpu.memory_space<hbm>> -> memref<1x128xi32, #tpu.memory_space<hbm>>
      %dma_start3A_372 = arith.constant 0 : i32
      %dma_start3A_373 = tpu.memref_slice %arg2[%add3A_369, %dma_start3A_372] : memref<2560x128xi32, #tpu.memory_space<hbm>> -> memref<1x128xi32, #tpu.memory_space<hbm>>
      tpu.enqueue_dma source(%dma_start3A_373 : memref<1x128xi32, #tpu.memory_space<hbm>>) target(%arg7 : memref<1x128xi32, #tpu.memory_space<vmem>>) target_semaphore(%arg17 : memref<!tpu.dma_semaphore, #tpu.memory_space<semaphore_mem>>)
      %add3A_374 = arith.addi %mul3A_50, %add3A_368 : i32
      %dma_start3A_375 = arith.constant 0 : i32
      %dma_start3A_376 = tpu.memref_slice %arg3[%add3A_374, %dma_start3A_375] : memref<2560x128xi32, #tpu.memory_space<hbm>> -> memref<1x128xi32, #tpu.memory_space<hbm>>
      %dma_start3A_377 = arith.constant 0 : i32
      %dma_start3A_378 = tpu.memref_slice %arg3[%add3A_374, %dma_start3A_377] : memref<2560x128xi32, #tpu.memory_space<hbm>> -> memref<1x128xi32, #tpu.memory_space<hbm>>
      tpu.enqueue_dma source(%dma_start3A_378 : memref<1x128xi32, #tpu.memory_space<hbm>>) target(%arg11 : memref<1x128xi32, #tpu.memory_space<vmem>>) target_semaphore(%arg17 : memref<!tpu.dma_semaphore, #tpu.memory_space<semaphore_mem>>)
      %dma_wait3A_379 = arith.constant 0 : i32
      %dma_wait3A_380 = tpu.memref_slice %arg2[%mul3A_50, %dma_wait3A_379] : memref<2560x128xi32, #tpu.memory_space<hbm>> -> memref<1x128xi32, #tpu.memory_space<hbm>>
      %dma_wait3A_381 = arith.constant 0 : i32
      %dma_wait3A_382 = tpu.memref_slice %arg2[%mul3A_50, %dma_wait3A_381] : memref<2560x128xi32, #tpu.memory_space<hbm>> -> memref<1x128xi32, #tpu.memory_space<hbm>>
      tpu.wait_dma2 semaphore(%arg19 : memref<!tpu.dma_semaphore, #tpu.memory_space<semaphore_mem>>) src(%dma_wait3A_382 : memref<1x128xi32, #tpu.memory_space<hbm>>) dst(%arg9 : memref<1x128xi32, #tpu.memory_space<vmem>>)
      %dma_wait3A_383 = arith.constant 0 : i32
      %dma_wait3A_384 = tpu.memref_slice %arg3[%mul3A_50, %dma_wait3A_383] : memref<2560x128xi32, #tpu.memory_space<hbm>> -> memref<1x128xi32, #tpu.memory_space<hbm>>
      %dma_wait3A_385 = arith.constant 0 : i32
      %dma_wait3A_386 = tpu.memref_slice %arg3[%mul3A_50, %dma_wait3A_385] : memref<2560x128xi32, #tpu.memory_space<hbm>> -> memref<1x128xi32, #tpu.memory_space<hbm>>
      tpu.wait_dma2 semaphore(%arg19 : memref<!tpu.dma_semaphore, #tpu.memory_space<semaphore_mem>>) src(%dma_wait3A_386 : memref<1x128xi32, #tpu.memory_space<hbm>>) dst(%arg13 : memref<1x128xi32, #tpu.memory_space<vmem>>)
      %dma_start3A_387 = arith.constant 0 : i32
      %dma_start3A_388 = arith.constant 0 : i32
      %dma_start3A_389 = arith.constant 0 : i32
      %dma_start3A_390 = tpu.memref_slice %arg15[%dma_start3A_388, %dma_start3A_389] : memref<128x128xbf16, #tpu.memory_space<vmem>> -> memref<128x128xbf16, #tpu.memory_space<vmem>>
      %dma_start3A_391 = arith.constant 0 : i32
      %dma_start3A_392 = tpu.memref_slice %arg9[%dma_start3A_387, %dma_start3A_391] : memref<1x128xi32, #tpu.memory_space<vmem>> -> memref<1x128xi32, #tpu.memory_space<vmem>>
      %dma_start3A_393 = tpu.memref_squeeze %dma_start3A_392 : memref<1x128xi32, #tpu.memory_space<vmem>> -> memref<128xi32, #tpu.memory_space<vmem>>
      %dma_start3A_394 = arith.constant 0 : i32
      %dma_start3A_395 = arith.constant 0 : i32
      %dma_start3A_396 = tpu.memref_slice %arg4[%dma_start3A_394, %dma_start3A_395] : memref<10240x128xbf16, #tpu.memory_space<hbm>> -> memref<10240x128xbf16, #tpu.memory_space<hbm>>
      tpu.enqueue_indirect_dma source(%dma_start3A_396 : memref<10240x128xbf16, #tpu.memory_space<hbm>>) target(%dma_start3A_390 : memref<128x128xbf16, #tpu.memory_space<vmem>>) offsets(%dma_start3A_393 : memref<128xi32, #tpu.memory_space<vmem>>) semaphore(%arg21 : memref<!tpu.dma_semaphore, #tpu.memory_space<semaphore_mem>>)
      %dma_wait3A_397 = arith.constant 0 : i32
      %dma_wait3A_398 = arith.constant 0 : i32
      %dma_wait3A_399 = arith.constant 0 : i32
      %dma_wait3A_400 = tpu.memref_slice %arg14[%dma_wait3A_398, %dma_wait3A_399] : memref<128x128xbf16, #tpu.memory_space<vmem>> -> memref<128x128xbf16, #tpu.memory_space<vmem>>
      %dma_wait3A_401 = arith.constant 0 : i32
      %dma_wait3A_402 = tpu.memref_slice %arg6[%dma_wait3A_397, %dma_wait3A_401] : memref<1x128xi32, #tpu.memory_space<vmem>> -> memref<1x128xi32, #tpu.memory_space<vmem>>
      %dma_wait3A_403 = tpu.memref_squeeze %dma_wait3A_402 : memref<1x128xi32, #tpu.memory_space<vmem>> -> memref<128xi32, #tpu.memory_space<vmem>>
      %dma_wait3A_404 = arith.constant 0 : i32
      %dma_wait3A_405 = arith.constant 0 : i32
      %dma_wait3A_406 = tpu.memref_slice %arg4[%dma_wait3A_404, %dma_wait3A_405] : memref<10240x128xbf16, #tpu.memory_space<hbm>> -> memref<10240x128xbf16, #tpu.memory_space<hbm>>
      tpu.wait_indirect_dma semaphore(%arg20 : memref<!tpu.dma_semaphore, #tpu.memory_space<semaphore_mem>>) src(%dma_wait3A_406 : memref<10240x128xbf16, #tpu.memory_space<hbm>>) dst(%dma_wait3A_400 : memref<128x128xbf16, #tpu.memory_space<vmem>>)
      %dma_start3A_407 = arith.constant 0 : i32
      %dma_start3A_408 = arith.constant 0 : i32
      %dma_start3A_409 = tpu.memref_slice %arg12[%dma_start3A_407, %dma_start3A_408] : memref<1x128xi32, #tpu.memory_space<vmem>> -> memref<1x128xi32, #tpu.memory_space<vmem>>
      %dma_start3A_410 = tpu.memref_squeeze %dma_start3A_409 : memref<1x128xi32, #tpu.memory_space<vmem>> -> memref<128xi32, #tpu.memory_space<vmem>>
      %dma_start3A_411 = arith.constant 0 : i32
      %dma_start3A_412 = arith.constant 0 : i32
      %dma_start3A_413 = tpu.memref_slice %arg24[%dma_start3A_411, %dma_start3A_412] : memref<10240x128xbf16, #tpu.memory_space<vmem_shared>> -> memref<10240x128xbf16, #tpu.memory_space<vmem_shared>>
      tpu.enqueue_indirect_dma source(%arg14 : memref<128x128xbf16, #tpu.memory_space<vmem>>) target(%dma_start3A_413 : memref<10240x128xbf16, #tpu.memory_space<vmem_shared>>) offsets(%dma_start3A_410 : memref<128xi32, #tpu.memory_space<vmem>>) semaphore(%arg22 : memref<!tpu.dma_semaphore, #tpu.memory_space<semaphore_mem>>) {add = true}
      %dma_wait3A_414 = arith.constant 0 : i32
      %dma_wait3A_415 = arith.constant 0 : i32
      %dma_wait3A_416 = tpu.memref_slice %arg10[%dma_wait3A_414, %dma_wait3A_415] : memref<1x128xi32, #tpu.memory_space<vmem>> -> memref<1x128xi32, #tpu.memory_space<vmem>>
      %dma_wait3A_417 = tpu.memref_squeeze %dma_wait3A_416 : memref<1x128xi32, #tpu.memory_space<vmem>> -> memref<128xi32, #tpu.memory_space<vmem>>
      %dma_wait3A_418 = arith.constant 0 : i32
      %dma_wait3A_419 = arith.constant 0 : i32
      %dma_wait3A_420 = tpu.memref_slice %arg24[%dma_wait3A_418, %dma_wait3A_419] : memref<10240x128xbf16, #tpu.memory_space<vmem_shared>> -> memref<10240x128xbf16, #tpu.memory_space<vmem_shared>>
      tpu.wait_indirect_dma semaphore(%arg22 : memref<!tpu.dma_semaphore, #tpu.memory_space<semaphore_mem>>) src(%arg14 : memref<128x128xbf16, #tpu.memory_space<vmem>>) dst(%dma_wait3A_420 : memref<10240x128xbf16, #tpu.memory_space<vmem_shared>>)
      %add3A_421 = arith.constant 2 : i32
      %add3A_422 = arith.addi %mul3A_284, %add3A_421 : i32
      %add3A_423 = arith.constant 4 : i32
      %add3A_424 = arith.addi %add3A_422, %add3A_423 : i32
      %add3A_425 = arith.addi %mul3A_50, %add3A_424 : i32
      %dma_start3A_426 = arith.constant 0 : i32
      %dma_start3A_427 = tpu.memref_slice %arg2[%add3A_425, %dma_start3A_426] : memref<2560x128xi32, #tpu.memory_space<hbm>> -> memref<1x128xi32, #tpu.memory_space<hbm>>
      %dma_start3A_428 = arith.constant 0 : i32
      %dma_start3A_429 = tpu.memref_slice %arg2[%add3A_425, %dma_start3A_428] : memref<2560x128xi32, #tpu.memory_space<hbm>> -> memref<1x128xi32, #tpu.memory_space<hbm>>
      tpu.enqueue_dma source(%dma_start3A_429 : memref<1x128xi32, #tpu.memory_space<hbm>>) target(%arg8 : memref<1x128xi32, #tpu.memory_space<vmem>>) target_semaphore(%arg18 : memref<!tpu.dma_semaphore, #tpu.memory_space<semaphore_mem>>)
      %add3A_430 = arith.addi %mul3A_50, %add3A_424 : i32
      %dma_start3A_431 = arith.constant 0 : i32
      %dma_start3A_432 = tpu.memref_slice %arg3[%add3A_430, %dma_start3A_431] : memref<2560x128xi32, #tpu.memory_space<hbm>> -> memref<1x128xi32, #tpu.memory_space<hbm>>
      %dma_start3A_433 = arith.constant 0 : i32
      %dma_start3A_434 = tpu.memref_slice %arg3[%add3A_430, %dma_start3A_433] : memref<2560x128xi32, #tpu.memory_space<hbm>> -> memref<1x128xi32, #tpu.memory_space<hbm>>
      tpu.enqueue_dma source(%dma_start3A_434 : memref<1x128xi32, #tpu.memory_space<hbm>>) target(%arg12 : memref<1x128xi32, #tpu.memory_space<vmem>>) target_semaphore(%arg18 : memref<!tpu.dma_semaphore, #tpu.memory_space<semaphore_mem>>)
      %dma_wait3A_435 = arith.constant 0 : i32
      %dma_wait3A_436 = tpu.memref_slice %arg2[%mul3A_50, %dma_wait3A_435] : memref<2560x128xi32, #tpu.memory_space<hbm>> -> memref<1x128xi32, #tpu.memory_space<hbm>>
      %dma_wait3A_437 = arith.constant 0 : i32
      %dma_wait3A_438 = tpu.memref_slice %arg2[%mul3A_50, %dma_wait3A_437] : memref<2560x128xi32, #tpu.memory_space<hbm>> -> memref<1x128xi32, #tpu.memory_space<hbm>>
      tpu.wait_dma2 semaphore(%arg16 : memref<!tpu.dma_semaphore, #tpu.memory_space<semaphore_mem>>) src(%dma_wait3A_438 : memref<1x128xi32, #tpu.memory_space<hbm>>) dst(%arg6 : memref<1x128xi32, #tpu.memory_space<vmem>>)
      %dma_wait3A_439 = arith.constant 0 : i32
      %dma_wait3A_440 = tpu.memref_slice %arg3[%mul3A_50, %dma_wait3A_439] : memref<2560x128xi32, #tpu.memory_space<hbm>> -> memref<1x128xi32, #tpu.memory_space<hbm>>
      %dma_wait3A_441 = arith.constant 0 : i32
      %dma_wait3A_442 = tpu.memref_slice %arg3[%mul3A_50, %dma_wait3A_441] : memref<2560x128xi32, #tpu.memory_space<hbm>> -> memref<1x128xi32, #tpu.memory_space<hbm>>
      tpu.wait_dma2 semaphore(%arg16 : memref<!tpu.dma_semaphore, #tpu.memory_space<semaphore_mem>>) src(%dma_wait3A_442 : memref<1x128xi32, #tpu.memory_space<hbm>>) dst(%arg10 : memref<1x128xi32, #tpu.memory_space<vmem>>)
      %dma_start3A_443 = arith.constant 0 : i32
      %dma_start3A_444 = arith.constant 0 : i32
      %dma_start3A_445 = arith.constant 0 : i32
      %dma_start3A_446 = tpu.memref_slice %arg14[%dma_start3A_444, %dma_start3A_445] : memref<128x128xbf16, #tpu.memory_space<vmem>> -> memref<128x128xbf16, #tpu.memory_space<vmem>>
      %dma_start3A_447 = arith.constant 0 : i32
      %dma_start3A_448 = tpu.memref_slice %arg6[%dma_start3A_443, %dma_start3A_447] : memref<1x128xi32, #tpu.memory_space<vmem>> -> memref<1x128xi32, #tpu.memory_space<vmem>>
      %dma_start3A_449 = tpu.memref_squeeze %dma_start3A_448 : memref<1x128xi32, #tpu.memory_space<vmem>> -> memref<128xi32, #tpu.memory_space<vmem>>
      %dma_start3A_450 = arith.constant 0 : i32
      %dma_start3A_451 = arith.constant 0 : i32
      %dma_start3A_452 = tpu.memref_slice %arg4[%dma_start3A_450, %dma_start3A_451] : memref<10240x128xbf16, #tpu.memory_space<hbm>> -> memref<10240x128xbf16, #tpu.memory_space<hbm>>
      tpu.enqueue_indirect_dma source(%dma_start3A_452 : memref<10240x128xbf16, #tpu.memory_space<hbm>>) target(%dma_start3A_446 : memref<128x128xbf16, #tpu.memory_space<vmem>>) offsets(%dma_start3A_449 : memref<128xi32, #tpu.memory_space<vmem>>) semaphore(%arg20 : memref<!tpu.dma_semaphore, #tpu.memory_space<semaphore_mem>>)
      %dma_wait3A_453 = arith.constant 0 : i32
      %dma_wait3A_454 = arith.constant 0 : i32
      %dma_wait3A_455 = arith.constant 0 : i32
      %dma_wait3A_456 = tpu.memref_slice %arg15[%dma_wait3A_454, %dma_wait3A_455] : memref<128x128xbf16, #tpu.memory_space<vmem>> -> memref<128x128xbf16, #tpu.memory_space<vmem>>
      %dma_wait3A_457 = arith.constant 0 : i32
      %dma_wait3A_458 = tpu.memref_slice %arg6[%dma_wait3A_453, %dma_wait3A_457] : memref<1x128xi32, #tpu.memory_space<vmem>> -> memref<1x128xi32, #tpu.memory_space<vmem>>
      %dma_wait3A_459 = tpu.memref_squeeze %dma_wait3A_458 : memref<1x128xi32, #tpu.memory_space<vmem>> -> memref<128xi32, #tpu.memory_space<vmem>>
      %dma_wait3A_460 = arith.constant 0 : i32
      %dma_wait3A_461 = arith.constant 0 : i32
      %dma_wait3A_462 = tpu.memref_slice %arg4[%dma_wait3A_460, %dma_wait3A_461] : memref<10240x128xbf16, #tpu.memory_space<hbm>> -> memref<10240x128xbf16, #tpu.memory_space<hbm>>
      tpu.wait_indirect_dma semaphore(%arg21 : memref<!tpu.dma_semaphore, #tpu.memory_space<semaphore_mem>>) src(%dma_wait3A_462 : memref<10240x128xbf16, #tpu.memory_space<hbm>>) dst(%dma_wait3A_456 : memref<128x128xbf16, #tpu.memory_space<vmem>>)
      %dma_start3A_463 = arith.constant 0 : i32
      %dma_start3A_464 = arith.constant 0 : i32
      %dma_start3A_465 = tpu.memref_slice %arg13[%dma_start3A_463, %dma_start3A_464] : memref<1x128xi32, #tpu.memory_space<vmem>> -> memref<1x128xi32, #tpu.memory_space<vmem>>
      %dma_start3A_466 = tpu.memref_squeeze %dma_start3A_465 : memref<1x128xi32, #tpu.memory_space<vmem>> -> memref<128xi32, #tpu.memory_space<vmem>>
      %dma_start3A_467 = arith.constant 0 : i32
      %dma_start3A_468 = arith.constant 0 : i32
      %dma_start3A_469 = tpu.memref_slice %arg25[%dma_start3A_467, %dma_start3A_468] : memref<10240x128xbf16, #tpu.memory_space<vmem_shared>> -> memref<10240x128xbf16, #tpu.memory_space<vmem_shared>>
      tpu.enqueue_indirect_dma source(%arg15 : memref<128x128xbf16, #tpu.memory_space<vmem>>) target(%dma_start3A_469 : memref<10240x128xbf16, #tpu.memory_space<vmem_shared>>) offsets(%dma_start3A_466 : memref<128xi32, #tpu.memory_space<vmem>>) semaphore(%arg23 : memref<!tpu.dma_semaphore, #tpu.memory_space<semaphore_mem>>) {add = true}
      %dma_wait3A_470 = arith.constant 0 : i32
      %dma_wait3A_471 = arith.constant 0 : i32
      %dma_wait3A_472 = tpu.memref_slice %arg10[%dma_wait3A_470, %dma_wait3A_471] : memref<1x128xi32, #tpu.memory_space<vmem>> -> memref<1x128xi32, #tpu.memory_space<vmem>>
      %dma_wait3A_473 = tpu.memref_squeeze %dma_wait3A_472 : memref<1x128xi32, #tpu.memory_space<vmem>> -> memref<128xi32, #tpu.memory_space<vmem>>
      %dma_wait3A_474 = arith.constant 0 : i32
      %dma_wait3A_475 = arith.constant 0 : i32
      %dma_wait3A_476 = tpu.memref_slice %arg25[%dma_wait3A_474, %dma_wait3A_475] : memref<10240x128xbf16, #tpu.memory_space<vmem_shared>> -> memref<10240x128xbf16, #tpu.memory_space<vmem_shared>>
      tpu.wait_indirect_dma semaphore(%arg23 : memref<!tpu.dma_semaphore, #tpu.memory_space<semaphore_mem>>) src(%arg15 : memref<128x128xbf16, #tpu.memory_space<vmem>>) dst(%dma_wait3A_476 : memref<10240x128xbf16, #tpu.memory_space<vmem_shared>>)
      %add3A_477 = arith.constant 3 : i32
      %add3A_478 = arith.addi %mul3A_284, %add3A_477 : i32
      %add3A_479 = arith.constant 4 : i32
      %add3A_480 = arith.addi %add3A_478, %add3A_479 : i32
      %add3A_481 = arith.addi %mul3A_50, %add3A_480 : i32
      %dma_start3A_482 = arith.constant 0 : i32
      %dma_start3A_483 = tpu.memref_slice %arg2[%add3A_481, %dma_start3A_482] : memref<2560x128xi32, #tpu.memory_space<hbm>> -> memref<1x128xi32, #tpu.memory_space<hbm>>
      %dma_start3A_484 = arith.constant 0 : i32
      %dma_start3A_485 = tpu.memref_slice %arg2[%add3A_481, %dma_start3A_484] : memref<2560x128xi32, #tpu.memory_space<hbm>> -> memref<1x128xi32, #tpu.memory_space<hbm>>
      tpu.enqueue_dma source(%dma_start3A_485 : memref<1x128xi32, #tpu.memory_space<hbm>>) target(%arg9 : memref<1x128xi32, #tpu.memory_space<vmem>>) target_semaphore(%arg19 : memref<!tpu.dma_semaphore, #tpu.memory_space<semaphore_mem>>)
      %add3A_486 = arith.addi %mul3A_50, %add3A_480 : i32
      %dma_start3A_487 = arith.constant 0 : i32
      %dma_start3A_488 = tpu.memref_slice %arg3[%add3A_486, %dma_start3A_487] : memref<2560x128xi32, #tpu.memory_space<hbm>> -> memref<1x128xi32, #tpu.memory_space<hbm>>
      %dma_start3A_489 = arith.constant 0 : i32
      %dma_start3A_490 = tpu.memref_slice %arg3[%add3A_486, %dma_start3A_489] : memref<2560x128xi32, #tpu.memory_space<hbm>> -> memref<1x128xi32, #tpu.memory_space<hbm>>
      tpu.enqueue_dma source(%dma_start3A_490 : memref<1x128xi32, #tpu.memory_space<hbm>>) target(%arg13 : memref<1x128xi32, #tpu.memory_space<vmem>>) target_semaphore(%arg19 : memref<!tpu.dma_semaphore, #tpu.memory_space<semaphore_mem>>)
      %dma_wait3A_491 = arith.constant 0 : i32
      %dma_wait3A_492 = tpu.memref_slice %arg2[%mul3A_50, %dma_wait3A_491] : memref<2560x128xi32, #tpu.memory_space<hbm>> -> memref<1x128xi32, #tpu.memory_space<hbm>>
      %dma_wait3A_493 = arith.constant 0 : i32
      %dma_wait3A_494 = tpu.memref_slice %arg2[%mul3A_50, %dma_wait3A_493] : memref<2560x128xi32, #tpu.memory_space<hbm>> -> memref<1x128xi32, #tpu.memory_space<hbm>>
      tpu.wait_dma2 semaphore(%arg17 : memref<!tpu.dma_semaphore, #tpu.memory_space<semaphore_mem>>) src(%dma_wait3A_494 : memref<1x128xi32, #tpu.memory_space<hbm>>) dst(%arg7 : memref<1x128xi32, #tpu.memory_space<vmem>>)
      %dma_wait3A_495 = arith.constant 0 : i32
      %dma_wait3A_496 = tpu.memref_slice %arg3[%mul3A_50, %dma_wait3A_495] : memref<2560x128xi32, #tpu.memory_space<hbm>> -> memref<1x128xi32, #tpu.memory_space<hbm>>
      %dma_wait3A_497 = arith.constant 0 : i32
      %dma_wait3A_498 = tpu.memref_slice %arg3[%mul3A_50, %dma_wait3A_497] : memref<2560x128xi32, #tpu.memory_space<hbm>> -> memref<1x128xi32, #tpu.memory_space<hbm>>
      tpu.wait_dma2 semaphore(%arg17 : memref<!tpu.dma_semaphore, #tpu.memory_space<semaphore_mem>>) src(%dma_wait3A_498 : memref<1x128xi32, #tpu.memory_space<hbm>>) dst(%arg11 : memref<1x128xi32, #tpu.memory_space<vmem>>)
      %dma_start3A_499 = arith.constant 0 : i32
      %dma_start3A_500 = arith.constant 0 : i32
      %dma_start3A_501 = arith.constant 0 : i32
      %dma_start3A_502 = tpu.memref_slice %arg15[%dma_start3A_500, %dma_start3A_501] : memref<128x128xbf16, #tpu.memory_space<vmem>> -> memref<128x128xbf16, #tpu.memory_space<vmem>>
      %dma_start3A_503 = arith.constant 0 : i32
      %dma_start3A_504 = tpu.memref_slice %arg7[%dma_start3A_499, %dma_start3A_503] : memref<1x128xi32, #tpu.memory_space<vmem>> -> memref<1x128xi32, #tpu.memory_space<vmem>>
      %dma_start3A_505 = tpu.memref_squeeze %dma_start3A_504 : memref<1x128xi32, #tpu.memory_space<vmem>> -> memref<128xi32, #tpu.memory_space<vmem>>
      %dma_start3A_506 = arith.constant 0 : i32
      %dma_start3A_507 = arith.constant 0 : i32
      %dma_start3A_508 = tpu.memref_slice %arg4[%dma_start3A_506, %dma_start3A_507] : memref<10240x128xbf16, #tpu.memory_space<hbm>> -> memref<10240x128xbf16, #tpu.memory_space<hbm>>
      tpu.enqueue_indirect_dma source(%dma_start3A_508 : memref<10240x128xbf16, #tpu.memory_space<hbm>>) target(%dma_start3A_502 : memref<128x128xbf16, #tpu.memory_space<vmem>>) offsets(%dma_start3A_505 : memref<128xi32, #tpu.memory_space<vmem>>) semaphore(%arg21 : memref<!tpu.dma_semaphore, #tpu.memory_space<semaphore_mem>>)
    }
    %scan3A_138 = arith.constant 19 : i32
    %dma_wait3A_139 = arith.constant 0 : i32
    %dma_wait3A_140 = arith.constant 0 : i32
    %dma_wait3A_141 = arith.constant 0 : i32
    %dma_wait3A_142 = tpu.memref_slice %arg14[%dma_wait3A_140, %dma_wait3A_141] : memref<128x128xbf16, #tpu.memory_space<vmem>> -> memref<128x128xbf16, #tpu.memory_space<vmem>>
    %dma_wait3A_143 = arith.constant 0 : i32
    %dma_wait3A_144 = tpu.memref_slice %arg6[%dma_wait3A_139, %dma_wait3A_143] : memref<1x128xi32, #tpu.memory_space<vmem>> -> memref<1x128xi32, #tpu.memory_space<vmem>>
    %dma_wait3A_145 = tpu.memref_squeeze %dma_wait3A_144 : memref<1x128xi32, #tpu.memory_space<vmem>> -> memref<128xi32, #tpu.memory_space<vmem>>
    %dma_wait3A_146 = arith.constant 0 : i32
    %dma_wait3A_147 = arith.constant 0 : i32
    %dma_wait3A_148 = tpu.memref_slice %arg4[%dma_wait3A_146, %dma_wait3A_147] : memref<10240x128xbf16, #tpu.memory_space<hbm>> -> memref<10240x128xbf16, #tpu.memory_space<hbm>>
    tpu.wait_indirect_dma semaphore(%arg20 : memref<!tpu.dma_semaphore, #tpu.memory_space<semaphore_mem>>) src(%dma_wait3A_148 : memref<10240x128xbf16, #tpu.memory_space<hbm>>) dst(%dma_wait3A_142 : memref<128x128xbf16, #tpu.memory_space<vmem>>)
    %dma_start3A_149 = arith.constant 0 : i32
    %dma_start3A_150 = arith.constant 0 : i32
    %dma_start3A_151 = tpu.memref_slice %arg10[%dma_start3A_149, %dma_start3A_150] : memref<1x128xi32, #tpu.memory_space<vmem>> -> memref<1x128xi32, #tpu.memory_space<vmem>>
    %dma_start3A_152 = tpu.memref_squeeze %dma_start3A_151 : memref<1x128xi32, #tpu.memory_space<vmem>> -> memref<128xi32, #tpu.memory_space<vmem>>
    %dma_start3A_153 = arith.constant 0 : i32
    %dma_start3A_154 = arith.constant 0 : i32
    %dma_start3A_155 = tpu.memref_slice %arg24[%dma_start3A_153, %dma_start3A_154] : memref<10240x128xbf16, #tpu.memory_space<vmem_shared>> -> memref<10240x128xbf16, #tpu.memory_space<vmem_shared>>
    tpu.enqueue_indirect_dma source(%arg14 : memref<128x128xbf16, #tpu.memory_space<vmem>>) target(%dma_start3A_155 : memref<10240x128xbf16, #tpu.memory_space<vmem_shared>>) offsets(%dma_start3A_152 : memref<128xi32, #tpu.memory_space<vmem>>) semaphore(%arg22 : memref<!tpu.dma_semaphore, #tpu.memory_space<semaphore_mem>>) {add = true}
    %dma_wait3A_156 = arith.constant 0 : i32
    %dma_wait3A_157 = arith.constant 0 : i32
    %dma_wait3A_158 = tpu.memref_slice %arg10[%dma_wait3A_156, %dma_wait3A_157] : memref<1x128xi32, #tpu.memory_space<vmem>> -> memref<1x128xi32, #tpu.memory_space<vmem>>
    %dma_wait3A_159 = tpu.memref_squeeze %dma_wait3A_158 : memref<1x128xi32, #tpu.memory_space<vmem>> -> memref<128xi32, #tpu.memory_space<vmem>>
    %dma_wait3A_160 = arith.constant 0 : i32
    %dma_wait3A_161 = arith.constant 0 : i32
    %dma_wait3A_162 = tpu.memref_slice %arg24[%dma_wait3A_160, %dma_wait3A_161] : memref<10240x128xbf16, #tpu.memory_space<vmem_shared>> -> memref<10240x128xbf16, #tpu.memory_space<vmem_shared>>
    tpu.wait_indirect_dma semaphore(%arg22 : memref<!tpu.dma_semaphore, #tpu.memory_space<semaphore_mem>>) src(%arg14 : memref<128x128xbf16, #tpu.memory_space<vmem>>) dst(%dma_wait3A_162 : memref<10240x128xbf16, #tpu.memory_space<vmem_shared>>)
    %dma_wait3A_163 = arith.constant 0 : i32
    %dma_wait3A_164 = tpu.memref_slice %arg2[%mul3A_50, %dma_wait3A_163] : memref<2560x128xi32, #tpu.memory_space<hbm>> -> memref<1x128xi32, #tpu.memory_space<hbm>>
    %dma_wait3A_165 = arith.constant 0 : i32
    %dma_wait3A_166 = tpu.memref_slice %arg2[%mul3A_50, %dma_wait3A_165] : memref<2560x128xi32, #tpu.memory_space<hbm>> -> memref<1x128xi32, #tpu.memory_space<hbm>>
    tpu.wait_dma2 semaphore(%arg18 : memref<!tpu.dma_semaphore, #tpu.memory_space<semaphore_mem>>) src(%dma_wait3A_166 : memref<1x128xi32, #tpu.memory_space<hbm>>) dst(%arg8 : memref<1x128xi32, #tpu.memory_space<vmem>>)
    %dma_wait3A_167 = arith.constant 0 : i32
    %dma_wait3A_168 = tpu.memref_slice %arg3[%mul3A_50, %dma_wait3A_167] : memref<2560x128xi32, #tpu.memory_space<hbm>> -> memref<1x128xi32, #tpu.memory_space<hbm>>
    %dma_wait3A_169 = arith.constant 0 : i32
    %dma_wait3A_170 = tpu.memref_slice %arg3[%mul3A_50, %dma_wait3A_169] : memref<2560x128xi32, #tpu.memory_space<hbm>> -> memref<1x128xi32, #tpu.memory_space<hbm>>
    tpu.wait_dma2 semaphore(%arg18 : memref<!tpu.dma_semaphore, #tpu.memory_space<semaphore_mem>>) src(%dma_wait3A_170 : memref<1x128xi32, #tpu.memory_space<hbm>>) dst(%arg12 : memref<1x128xi32, #tpu.memory_space<vmem>>)
    %dma_start3A_171 = arith.constant 0 : i32
    %dma_start3A_172 = arith.constant 0 : i32
    %dma_start3A_173 = arith.constant 0 : i32
    %dma_start3A_174 = tpu.memref_slice %arg14[%dma_start3A_172, %dma_start3A_173] : memref<128x128xbf16, #tpu.memory_space<vmem>> -> memref<128x128xbf16, #tpu.memory_space<vmem>>
    %dma_start3A_175 = arith.constant 0 : i32
    %dma_start3A_176 = tpu.memref_slice %arg8[%dma_start3A_171, %dma_start3A_175] : memref<1x128xi32, #tpu.memory_space<vmem>> -> memref<1x128xi32, #tpu.memory_space<vmem>>
    %dma_start3A_177 = tpu.memref_squeeze %dma_start3A_176 : memref<1x128xi32, #tpu.memory_space<vmem>> -> memref<128xi32, #tpu.memory_space<vmem>>
    %dma_start3A_178 = arith.constant 0 : i32
    %dma_start3A_179 = arith.constant 0 : i32
    %dma_start3A_180 = tpu.memref_slice %arg4[%dma_start3A_178, %dma_start3A_179] : memref<10240x128xbf16, #tpu.memory_space<hbm>> -> memref<10240x128xbf16, #tpu.memory_space<hbm>>
    tpu.enqueue_indirect_dma source(%dma_start3A_180 : memref<10240x128xbf16, #tpu.memory_space<hbm>>) target(%dma_start3A_174 : memref<128x128xbf16, #tpu.memory_space<vmem>>) offsets(%dma_start3A_177 : memref<128xi32, #tpu.memory_space<vmem>>) semaphore(%arg20 : memref<!tpu.dma_semaphore, #tpu.memory_space<semaphore_mem>>)
    %dma_wait3A_181 = arith.constant 0 : i32
    %dma_wait3A_182 = arith.constant 0 : i32
    %dma_wait3A_183 = arith.constant 0 : i32
    %dma_wait3A_184 = tpu.memref_slice %arg15[%dma_wait3A_182, %dma_wait3A_183] : memref<128x128xbf16, #tpu.memory_space<vmem>> -> memref<128x128xbf16, #tpu.memory_space<vmem>>
    %dma_wait3A_185 = arith.constant 0 : i32
    %dma_wait3A_186 = tpu.memref_slice %arg6[%dma_wait3A_181, %dma_wait3A_185] : memref<1x128xi32, #tpu.memory_space<vmem>> -> memref<1x128xi32, #tpu.memory_space<vmem>>
    %dma_wait3A_187 = tpu.memref_squeeze %dma_wait3A_186 : memref<1x128xi32, #tpu.memory_space<vmem>> -> memref<128xi32, #tpu.memory_space<vmem>>
    %dma_wait3A_188 = arith.constant 0 : i32
    %dma_wait3A_189 = arith.constant 0 : i32
    %dma_wait3A_190 = tpu.memref_slice %arg4[%dma_wait3A_188, %dma_wait3A_189] : memref<10240x128xbf16, #tpu.memory_space<hbm>> -> memref<10240x128xbf16, #tpu.memory_space<hbm>>
    tpu.wait_indirect_dma semaphore(%arg21 : memref<!tpu.dma_semaphore, #tpu.memory_space<semaphore_mem>>) src(%dma_wait3A_190 : memref<10240x128xbf16, #tpu.memory_space<hbm>>) dst(%dma_wait3A_184 : memref<128x128xbf16, #tpu.memory_space<vmem>>)
    %dma_start3A_191 = arith.constant 0 : i32
    %dma_start3A_192 = arith.constant 0 : i32
    %dma_start3A_193 = tpu.memref_slice %arg11[%dma_start3A_191, %dma_start3A_192] : memref<1x128xi32, #tpu.memory_space<vmem>> -> memref<1x128xi32, #tpu.memory_space<vmem>>
    %dma_start3A_194 = tpu.memref_squeeze %dma_start3A_193 : memref<1x128xi32, #tpu.memory_space<vmem>> -> memref<128xi32, #tpu.memory_space<vmem>>
    %dma_start3A_195 = arith.constant 0 : i32
    %dma_start3A_196 = arith.constant 0 : i32
    %dma_start3A_197 = tpu.memref_slice %arg25[%dma_start3A_195, %dma_start3A_196] : memref<10240x128xbf16, #tpu.memory_space<vmem_shared>> -> memref<10240x128xbf16, #tpu.memory_space<vmem_shared>>
    tpu.enqueue_indirect_dma source(%arg15 : memref<128x128xbf16, #tpu.memory_space<vmem>>) target(%dma_start3A_197 : memref<10240x128xbf16, #tpu.memory_space<vmem_shared>>) offsets(%dma_start3A_194 : memref<128xi32, #tpu.memory_space<vmem>>) semaphore(%arg23 : memref<!tpu.dma_semaphore, #tpu.memory_space<semaphore_mem>>) {add = true}
    %dma_wait3A_198 = arith.constant 0 : i32
    %dma_wait3A_199 = arith.constant 0 : i32
    %dma_wait3A_200 = tpu.memref_slice %arg10[%dma_wait3A_198, %dma_wait3A_199] : memref<1x128xi32, #tpu.memory_space<vmem>> -> memref<1x128xi32, #tpu.memory_space<vmem>>
    %dma_wait3A_201 = tpu.memref_squeeze %dma_wait3A_200 : memref<1x128xi32, #tpu.memory_space<vmem>> -> memref<128xi32, #tpu.memory_space<vmem>>
    %dma_wait3A_202 = arith.constant 0 : i32
    %dma_wait3A_203 = arith.constant 0 : i32
    %dma_wait3A_204 = tpu.memref_slice %arg25[%dma_wait3A_202, %dma_wait3A_203] : memref<10240x128xbf16, #tpu.memory_space<vmem_shared>> -> memref<10240x128xbf16, #tpu.memory_space<vmem_shared>>
    tpu.wait_indirect_dma semaphore(%arg23 : memref<!tpu.dma_semaphore, #tpu.memory_space<semaphore_mem>>) src(%arg15 : memref<128x128xbf16, #tpu.memory_space<vmem>>) dst(%dma_wait3A_204 : memref<10240x128xbf16, #tpu.memory_space<vmem_shared>>)
    %dma_wait3A_205 = arith.constant 0 : i32
    %dma_wait3A_206 = tpu.memref_slice %arg2[%mul3A_50, %dma_wait3A_205] : memref<2560x128xi32, #tpu.memory_space<hbm>> -> memref<1x128xi32, #tpu.memory_space<hbm>>
    %dma_wait3A_207 = arith.constant 0 : i32
    %dma_wait3A_208 = tpu.memref_slice %arg2[%mul3A_50, %dma_wait3A_207] : memref<2560x128xi32, #tpu.memory_space<hbm>> -> memref<1x128xi32, #tpu.memory_space<hbm>>
    tpu.wait_dma2 semaphore(%arg19 : memref<!tpu.dma_semaphore, #tpu.memory_space<semaphore_mem>>) src(%dma_wait3A_208 : memref<1x128xi32, #tpu.memory_space<hbm>>) dst(%arg9 : memref<1x128xi32, #tpu.memory_space<vmem>>)
    %dma_wait3A_209 = arith.constant 0 : i32
    %dma_wait3A_210 = tpu.memref_slice %arg3[%mul3A_50, %dma_wait3A_209] : memref<2560x128xi32, #tpu.memory_space<hbm>> -> memref<1x128xi32, #tpu.memory_space<hbm>>
    %dma_wait3A_211 = arith.constant 0 : i32
    %dma_wait3A_212 = tpu.memref_slice %arg3[%mul3A_50, %dma_wait3A_211] : memref<2560x128xi32, #tpu.memory_space<hbm>> -> memref<1x128xi32, #tpu.memory_space<hbm>>
    tpu.wait_dma2 semaphore(%arg19 : memref<!tpu.dma_semaphore, #tpu.memory_space<semaphore_mem>>) src(%dma_wait3A_212 : memref<1x128xi32, #tpu.memory_space<hbm>>) dst(%arg13 : memref<1x128xi32, #tpu.memory_space<vmem>>)
    %dma_start3A_213 = arith.constant 0 : i32
    %dma_start3A_214 = arith.constant 0 : i32
    %dma_start3A_215 = arith.constant 0 : i32
    %dma_start3A_216 = tpu.memref_slice %arg15[%dma_start3A_214, %dma_start3A_215] : memref<128x128xbf16, #tpu.memory_space<vmem>> -> memref<128x128xbf16, #tpu.memory_space<vmem>>
    %dma_start3A_217 = arith.constant 0 : i32
    %dma_start3A_218 = tpu.memref_slice %arg9[%dma_start3A_213, %dma_start3A_217] : memref<1x128xi32, #tpu.memory_space<vmem>> -> memref<1x128xi32, #tpu.memory_space<vmem>>
    %dma_start3A_219 = tpu.memref_squeeze %dma_start3A_218 : memref<1x128xi32, #tpu.memory_space<vmem>> -> memref<128xi32, #tpu.memory_space<vmem>>
    %dma_start3A_220 = arith.constant 0 : i32
    %dma_start3A_221 = arith.constant 0 : i32
    %dma_start3A_222 = tpu.memref_slice %arg4[%dma_start3A_220, %dma_start3A_221] : memref<10240x128xbf16, #tpu.memory_space<hbm>> -> memref<10240x128xbf16, #tpu.memory_space<hbm>>
    tpu.enqueue_indirect_dma source(%dma_start3A_222 : memref<10240x128xbf16, #tpu.memory_space<hbm>>) target(%dma_start3A_216 : memref<128x128xbf16, #tpu.memory_space<vmem>>) offsets(%dma_start3A_219 : memref<128xi32, #tpu.memory_space<vmem>>) semaphore(%arg21 : memref<!tpu.dma_semaphore, #tpu.memory_space<semaphore_mem>>)
    %dma_wait3A_223 = arith.constant 0 : i32
    %dma_wait3A_224 = arith.constant 0 : i32
    %dma_wait3A_225 = arith.constant 0 : i32
    %dma_wait3A_226 = tpu.memref_slice %arg14[%dma_wait3A_224, %dma_wait3A_225] : memref<128x128xbf16, #tpu.memory_space<vmem>> -> memref<128x128xbf16, #tpu.memory_space<vmem>>
    %dma_wait3A_227 = arith.constant 0 : i32
    %dma_wait3A_228 = tpu.memref_slice %arg6[%dma_wait3A_223, %dma_wait3A_227] : memref<1x128xi32, #tpu.memory_space<vmem>> -> memref<1x128xi32, #tpu.memory_space<vmem>>
    %dma_wait3A_229 = tpu.memref_squeeze %dma_wait3A_228 : memref<1x128xi32, #tpu.memory_space<vmem>> -> memref<128xi32, #tpu.memory_space<vmem>>
    %dma_wait3A_230 = arith.constant 0 : i32
    %dma_wait3A_231 = arith.constant 0 : i32
    %dma_wait3A_232 = tpu.memref_slice %arg4[%dma_wait3A_230, %dma_wait3A_231] : memref<10240x128xbf16, #tpu.memory_space<hbm>> -> memref<10240x128xbf16, #tpu.memory_space<hbm>>
    tpu.wait_indirect_dma semaphore(%arg20 : memref<!tpu.dma_semaphore, #tpu.memory_space<semaphore_mem>>) src(%dma_wait3A_232 : memref<10240x128xbf16, #tpu.memory_space<hbm>>) dst(%dma_wait3A_226 : memref<128x128xbf16, #tpu.memory_space<vmem>>)
    %dma_start3A_233 = arith.constant 0 : i32
    %dma_start3A_234 = arith.constant 0 : i32
    %dma_start3A_235 = tpu.memref_slice %arg12[%dma_start3A_233, %dma_start3A_234] : memref<1x128xi32, #tpu.memory_space<vmem>> -> memref<1x128xi32, #tpu.memory_space<vmem>>
    %dma_start3A_236 = tpu.memref_squeeze %dma_start3A_235 : memref<1x128xi32, #tpu.memory_space<vmem>> -> memref<128xi32, #tpu.memory_space<vmem>>
    %dma_start3A_237 = arith.constant 0 : i32
    %dma_start3A_238 = arith.constant 0 : i32
    %dma_start3A_239 = tpu.memref_slice %arg24[%dma_start3A_237, %dma_start3A_238] : memref<10240x128xbf16, #tpu.memory_space<vmem_shared>> -> memref<10240x128xbf16, #tpu.memory_space<vmem_shared>>
    tpu.enqueue_indirect_dma source(%arg14 : memref<128x128xbf16, #tpu.memory_space<vmem>>) target(%dma_start3A_239 : memref<10240x128xbf16, #tpu.memory_space<vmem_shared>>) offsets(%dma_start3A_236 : memref<128xi32, #tpu.memory_space<vmem>>) semaphore(%arg22 : memref<!tpu.dma_semaphore, #tpu.memory_space<semaphore_mem>>) {add = true}
    %dma_wait3A_240 = arith.constant 0 : i32
    %dma_wait3A_241 = arith.constant 0 : i32
    %dma_wait3A_242 = tpu.memref_slice %arg10[%dma_wait3A_240, %dma_wait3A_241] : memref<1x128xi32, #tpu.memory_space<vmem>> -> memref<1x128xi32, #tpu.memory_space<vmem>>
    %dma_wait3A_243 = tpu.memref_squeeze %dma_wait3A_242 : memref<1x128xi32, #tpu.memory_space<vmem>> -> memref<128xi32, #tpu.memory_space<vmem>>
    %dma_wait3A_244 = arith.constant 0 : i32
    %dma_wait3A_245 = arith.constant 0 : i32
    %dma_wait3A_246 = tpu.memref_slice %arg24[%dma_wait3A_244, %dma_wait3A_245] : memref<10240x128xbf16, #tpu.memory_space<vmem_shared>> -> memref<10240x128xbf16, #tpu.memory_space<vmem_shared>>
    tpu.wait_indirect_dma semaphore(%arg22 : memref<!tpu.dma_semaphore, #tpu.memory_space<semaphore_mem>>) src(%arg14 : memref<128x128xbf16, #tpu.memory_space<vmem>>) dst(%dma_wait3A_246 : memref<10240x128xbf16, #tpu.memory_space<vmem_shared>>)
    %dma_wait3A_247 = arith.constant 0 : i32
    %dma_wait3A_248 = arith.constant 0 : i32
    %dma_wait3A_249 = arith.constant 0 : i32
    %dma_wait3A_250 = tpu.memref_slice %arg15[%dma_wait3A_248, %dma_wait3A_249] : memref<128x128xbf16, #tpu.memory_space<vmem>> -> memref<128x128xbf16, #tpu.memory_space<vmem>>
    %dma_wait3A_251 = arith.constant 0 : i32
    %dma_wait3A_252 = tpu.memref_slice %arg6[%dma_wait3A_247, %dma_wait3A_251] : memref<1x128xi32, #tpu.memory_space<vmem>> -> memref<1x128xi32, #tpu.memory_space<vmem>>
    %dma_wait3A_253 = tpu.memref_squeeze %dma_wait3A_252 : memref<1x128xi32, #tpu.memory_space<vmem>> -> memref<128xi32, #tpu.memory_space<vmem>>
    %dma_wait3A_254 = arith.constant 0 : i32
    %dma_wait3A_255 = arith.constant 0 : i32
    %dma_wait3A_256 = tpu.memref_slice %arg4[%dma_wait3A_254, %dma_wait3A_255] : memref<10240x128xbf16, #tpu.memory_space<hbm>> -> memref<10240x128xbf16, #tpu.memory_space<hbm>>
    tpu.wait_indirect_dma semaphore(%arg21 : memref<!tpu.dma_semaphore, #tpu.memory_space<semaphore_mem>>) src(%dma_wait3A_256 : memref<10240x128xbf16, #tpu.memory_space<hbm>>) dst(%dma_wait3A_250 : memref<128x128xbf16, #tpu.memory_space<vmem>>)
    %dma_start3A_257 = arith.constant 0 : i32
    %dma_start3A_258 = arith.constant 0 : i32
    %dma_start3A_259 = tpu.memref_slice %arg13[%dma_start3A_257, %dma_start3A_258] : memref<1x128xi32, #tpu.memory_space<vmem>> -> memref<1x128xi32, #tpu.memory_space<vmem>>
    %dma_start3A_260 = tpu.memref_squeeze %dma_start3A_259 : memref<1x128xi32, #tpu.memory_space<vmem>> -> memref<128xi32, #tpu.memory_space<vmem>>
    %dma_start3A_261 = arith.constant 0 : i32
    %dma_start3A_262 = arith.constant 0 : i32
    %dma_start3A_263 = tpu.memref_slice %arg25[%dma_start3A_261, %dma_start3A_262] : memref<10240x128xbf16, #tpu.memory_space<vmem_shared>> -> memref<10240x128xbf16, #tpu.memory_space<vmem_shared>>
    tpu.enqueue_indirect_dma source(%arg15 : memref<128x128xbf16, #tpu.memory_space<vmem>>) target(%dma_start3A_263 : memref<10240x128xbf16, #tpu.memory_space<vmem_shared>>) offsets(%dma_start3A_260 : memref<128xi32, #tpu.memory_space<vmem>>) semaphore(%arg23 : memref<!tpu.dma_semaphore, #tpu.memory_space<semaphore_mem>>) {add = true}
    %dma_wait3A_264 = arith.constant 0 : i32
    %dma_wait3A_265 = arith.constant 0 : i32
    %dma_wait3A_266 = tpu.memref_slice %arg10[%dma_wait3A_264, %dma_wait3A_265] : memref<1x128xi32, #tpu.memory_space<vmem>> -> memref<1x128xi32, #tpu.memory_space<vmem>>
    %dma_wait3A_267 = tpu.memref_squeeze %dma_wait3A_266 : memref<1x128xi32, #tpu.memory_space<vmem>> -> memref<128xi32, #tpu.memory_space<vmem>>
    %dma_wait3A_268 = arith.constant 0 : i32
    %dma_wait3A_269 = arith.constant 0 : i32
    %dma_wait3A_270 = tpu.memref_slice %arg25[%dma_wait3A_268, %dma_wait3A_269] : memref<10240x128xbf16, #tpu.memory_space<vmem_shared>> -> memref<10240x128xbf16, #tpu.memory_space<vmem_shared>>
    tpu.wait_indirect_dma semaphore(%arg23 : memref<!tpu.dma_semaphore, #tpu.memory_space<semaphore_mem>>) src(%arg15 : memref<128x128xbf16, #tpu.memory_space<vmem>>) dst(%dma_wait3A_270 : memref<10240x128xbf16, #tpu.memory_space<vmem_shared>>)
    %barrier3A_271 = arith.constant 0 : index
    tpu.barrier barrier_id(%barrier3A_271)
    %mul3A_272 = arith.constant 640 : i32
    %mul3A_273 = arith.muli %arg1, %mul3A_272 : i32
    %mul3A_274 = arith.constant 10240 : i32
    %mul3A_275 = arith.muli %arg0, %mul3A_274 : i32
    %add3A_276 = arith.addi %mul3A_275, %mul3A_273 : i32
    "tpu.region"() ({
      %run_scoped3A = tpu.sem_alloc : memref<!tpu.dma_semaphore, #tpu.memory_space<semaphore_mem>>
      %dma_start3A_282 = arith.constant 0 : i32
      %dma_start3A_283 = tpu.memref_slice %arg5[%add3A_276, %dma_start3A_282] : memref<40960x128xbf16, #tpu.memory_space<hbm>> -> memref<640x128xbf16, #tpu.memory_space<hbm>>
      %dma_start3A_284 = arith.constant 0 : i32
      %dma_start3A_285 = tpu.memref_slice %arg24[%mul3A_273, %dma_start3A_284] : memref<10240x128xbf16, #tpu.memory_space<vmem_shared>> -> memref<640x128xbf16, #tpu.memory_space<vmem_shared>>
      tpu.enqueue_dma source(%dma_start3A_285 : memref<640x128xbf16, #tpu.memory_space<vmem_shared>>) target(%dma_start3A_283 : memref<640x128xbf16, #tpu.memory_space<hbm>>) target_semaphore(%run_scoped3A : memref<!tpu.dma_semaphore, #tpu.memory_space<semaphore_mem>>)
      %dma_wait3A_286 = arith.constant 0 : i32
      %dma_wait3A_287 = tpu.memref_slice %arg5[%add3A_276, %dma_wait3A_286] : memref<40960x128xbf16, #tpu.memory_space<hbm>> -> memref<640x128xbf16, #tpu.memory_space<hbm>>
      %dma_wait3A_288 = arith.constant 0 : i32
      %dma_wait3A_289 = tpu.memref_slice %arg24[%mul3A_273, %dma_wait3A_288] : memref<10240x128xbf16, #tpu.memory_space<vmem_shared>> -> memref<640x128xbf16, #tpu.memory_space<vmem_shared>>
      tpu.wait_dma2 semaphore(%run_scoped3A : memref<!tpu.dma_semaphore, #tpu.memory_space<semaphore_mem>>) src(%dma_wait3A_289 : memref<640x128xbf16, #tpu.memory_space<vmem_shared>>) dst(%dma_wait3A_287 : memref<640x128xbf16, #tpu.memory_space<hbm>>)
      tpu.yield
    }) : () -> ()
    %add3A_277 = arith.constant 2 : i32
    %add3A_278 = arith.addi %add3A_277, %arg0 : i32
    %mul3A_279 = arith.constant 10240 : i32
    %mul3A_280 = arith.muli %add3A_278, %mul3A_279 : i32
    %add3A_281 = arith.addi %mul3A_280, %mul3A_273 : i32
    "tpu.region"() ({
      %run_scoped3A = tpu.sem_alloc : memref<!tpu.dma_semaphore, #tpu.memory_space<semaphore_mem>>
      %dma_start3A_282 = arith.constant 0 : i32
      %dma_start3A_283 = tpu.memref_slice %arg5[%add3A_281, %dma_start3A_282] : memref<40960x128xbf16, #tpu.memory_space<hbm>> -> memref<640x128xbf16, #tpu.memory_space<hbm>>
      %dma_start3A_284 = arith.constant 0 : i32
      %dma_start3A_285 = tpu.memref_slice %arg25[%mul3A_273, %dma_start3A_284] : memref<10240x128xbf16, #tpu.memory_space<vmem_shared>> -> memref<640x128xbf16, #tpu.memory_space<vmem_shared>>
      tpu.enqueue_dma source(%dma_start3A_285 : memref<640x128xbf16, #tpu.memory_space<vmem_shared>>) target(%dma_start3A_283 : memref<640x128xbf16, #tpu.memory_space<hbm>>) target_semaphore(%run_scoped3A : memref<!tpu.dma_semaphore, #tpu.memory_space<semaphore_mem>>)
      %dma_wait3A_286 = arith.constant 0 : i32
      %dma_wait3A_287 = tpu.memref_slice %arg5[%add3A_281, %dma_wait3A_286] : memref<40960x128xbf16, #tpu.memory_space<hbm>> -> memref<640x128xbf16, #tpu.memory_space<hbm>>
      %dma_wait3A_288 = arith.constant 0 : i32
      %dma_wait3A_289 = tpu.memref_slice %arg25[%mul3A_273, %dma_wait3A_288] : memref<10240x128xbf16, #tpu.memory_space<vmem_shared>> -> memref<640x128xbf16, #tpu.memory_space<vmem_shared>>
      tpu.wait_dma2 semaphore(%run_scoped3A : memref<!tpu.dma_semaphore, #tpu.memory_space<semaphore_mem>>) src(%dma_wait3A_289 : memref<640x128xbf16, #tpu.memory_space<vmem_shared>>) dst(%dma_wait3A_287 : memref<640x128xbf16, #tpu.memory_space<hbm>>)
      tpu.yield
    }) : () -> ()
    return
  }
}

#map = affine_map<(d0, d1) -> (0, 0)>
module attributes {stable_mosaic.version = 14 : i64} {
  func.func @body(%arg0: i32, %arg1: i32, %arg2: memref<2560x128xi32, #tpu.memory_space<hbm>>, %arg3: memref<2560x128xi32, #tpu.memory_space<hbm>>, %arg4: memref<10240x16xf32, #tpu.memory_space<hbm>>, %arg5: memref<40960x16xf32, #tpu.memory_space<hbm>>, %arg6: memref<1x128xi32, #tpu.memory_space<vmem>>, %arg7: memref<1x128xi32, #tpu.memory_space<vmem>>, %arg8: memref<1x128xi32, #tpu.memory_space<vmem>>, %arg9: memref<1x128xi32, #tpu.memory_space<vmem>>, %arg10: memref<1x128xi32, #tpu.memory_space<vmem>>, %arg11: memref<1x128xi32, #tpu.memory_space<vmem>>, %arg12: memref<1x128xi32, #tpu.memory_space<vmem>>, %arg13: memref<1x128xi32, #tpu.memory_space<vmem>>, %arg14: memref<128x16xf32, #tpu.memory_space<vmem>>, %arg15: memref<128x16xf32, #tpu.memory_space<vmem>>, %arg16: memref<!tpu.dma_semaphore, #tpu.memory_space<semaphore_mem>>, %arg17: memref<!tpu.dma_semaphore, #tpu.memory_space<semaphore_mem>>, %arg18: memref<!tpu.dma_semaphore, #tpu.memory_space<semaphore_mem>>, %arg19: memref<!tpu.dma_semaphore, #tpu.memory_space<semaphore_mem>>, %arg20: memref<!tpu.dma_semaphore, #tpu.memory_space<semaphore_mem>>, %arg21: memref<!tpu.dma_semaphore, #tpu.memory_space<semaphore_mem>>, %arg22: memref<!tpu.dma_semaphore, #tpu.memory_space<semaphore_mem>>, %arg23: memref<!tpu.dma_semaphore, #tpu.memory_space<semaphore_mem>>, %arg24: memref<10240x16xf32, #tpu.memory_space<vmem_shared>>, %arg25: memref<10240x16xf32, #tpu.memory_space<vmem_shared>>) attributes {dimension_semantics = [#tpu.dimension_semantics<core_parallel>, #tpu.dimension_semantics<subcore_parallel>], iteration_bounds = array<i64: 2, 16>, scalar_prefetch = 0 : i64, scratch_operands = 20 : i64, tpu.core_type = #tpu.core_type<sc_vector_subcore>, window_params = [{transform_indices = #map}, {transform_indices = #map}, {transform_indices = #map}, {transform_indices = #map}]} {
    %mul3A = arith.constant 2 : i32
    %mul3A_0 = arith.muli %arg1, %mul3A : i32
    %add3A = arith.addi %mul3A_0, %arg0 : i32
    %broadcast_in_dim3A = arith.constant 0.000000e+00 : f32
    %broadcast_in_dim3A_1 = vector.broadcast %broadcast_in_dim3A : f32 to vector<16xf32>
    %broadcast_in_dim3A_2 = arith.constant 0.000000e+00 : f32
    %broadcast_in_dim3A_3 = vector.broadcast %broadcast_in_dim3A_2 : f32 to vector<16xf32>
    %scan3A = arith.constant 0 : i32
    %scan3A_4 = arith.constant 0 : i32
    %scan3A_5 = arith.constant 128 : i32
    %scan3A_6 = arith.addi %scan3A_4, %scan3A_5 : i32
    %scan3A_7 = arith.constant 1 : i32
    scf.for %scan3A_282 = %scan3A_4 to %scan3A_6 step %scan3A_7  : i32 {
      %jit3A = arith.constant 1 : i32
      %div3A = arith.divsi %scan3A_282, %jit3A : i32
      %sign3A = arith.constant 0 : i32
      %sign3A_283 = arith.cmpi sgt, %scan3A_282, %sign3A : i32
      %sign3A_284 = arith.extui %sign3A_283 : i1 to i32
      %sign3A_285 = arith.constant 0 : i32
      %sign3A_286 = arith.cmpi slt, %scan3A_282, %sign3A_285 : i32
      %sign3A_287 = arith.extui %sign3A_286 : i1 to i32
      %sign3A_288 = arith.subi %sign3A_284, %sign3A_287 : i32
      %sign3A_289 = arith.constant 0 : i32
      %sign3A_290 = arith.cmpi sgt, %jit3A, %sign3A_289 : i32
      %sign3A_291 = arith.extui %sign3A_290 : i1 to i32
      %sign3A_292 = arith.constant 0 : i32
      %sign3A_293 = arith.cmpi slt, %jit3A, %sign3A_292 : i32
      %sign3A_294 = arith.extui %sign3A_293 : i1 to i32
      %sign3A_295 = arith.subi %sign3A_291, %sign3A_294 : i32
      %ne3A = arith.cmpi ne, %sign3A_288, %sign3A_295 : i32
      %rem3A = arith.remsi %scan3A_282, %jit3A : i32
      %ne3A_296 = arith.constant 0 : i32
      %ne3A_297 = arith.cmpi ne, %rem3A, %ne3A_296 : i32
      %and3A = arith.andi %ne3A, %ne3A_297 : i1
      %sub3A = arith.constant 1 : i32
      %sub3A_298 = arith.subi %div3A, %sub3A : i32
      %select_n3A = arith.select %and3A, %sub3A_298, %div3A : i32
      %jit3A_299 = arith.constant 1 : i32
      %eq3A = arith.constant 0 : i32
      %eq3A_300 = arith.cmpi eq, %jit3A_299, %eq3A : i32
      %jit3A_301 = arith.constant 1 : i32
      %select_n3A_302 = arith.select %eq3A_300, %jit3A_301, %jit3A_299 : i32
      %rem3A_303 = arith.remsi %scan3A_282, %select_n3A_302 : i32
      %ne3A_304 = arith.constant 0 : i32
      %ne3A_305 = arith.cmpi ne, %rem3A_303, %ne3A_304 : i32
      %lt3A = arith.constant 0 : i32
      %lt3A_306 = arith.cmpi slt, %rem3A_303, %lt3A : i32
      %lt3A_307 = arith.constant 0 : i32
      %lt3A_308 = arith.cmpi slt, %select_n3A_302, %lt3A_307 : i32
      %ne3A_309 = arith.xori %lt3A_306, %lt3A_308 : i1
      %and3A_310 = arith.andi %ne3A_309, %ne3A_305 : i1
      %add3A_311 = arith.addi %rem3A_303, %select_n3A_302 : i32
      %select_n3A_312 = arith.select %and3A_310, %add3A_311, %rem3A_303 : i32
      %mul3A_313 = arith.constant 16 : i32
      %mul3A_314 = arith.muli %select_n3A_312, %mul3A_313 : i32
      %swap3A = arith.index_cast %select_n3A : i32 to index
      %swap3A_315 = arith.index_cast %mul3A_314 : i32 to index
      %swap3A_316 = tpu.vector_load %arg14[%swap3A, %swap3A_315] {strides = array<i32>} : memref<128x16xf32, #tpu.memory_space<vmem>>, vector<1x16xf32>,
      %swap3A_317 = vector.shape_cast %swap3A_316 : vector<1x16xf32> to vector<16xf32>
      %swap3A_318 = vector.shape_cast %broadcast_in_dim3A_1 : vector<16xf32> to vector<1x16xf32>
      tpu.vector_store %arg14[%swap3A, %swap3A_315], %swap3A_318 {strides = array<i32>} : memref<128x16xf32, #tpu.memory_space<vmem>>, vector<1x16xf32>,
    }
    %scan3A_8 = arith.constant 128 : i32
    %mul3A_9 = arith.constant 640 : i32
    %mul3A_10 = arith.muli %arg1, %mul3A_9 : i32
    %add3A_11 = arith.constant 0 : i32
    %add3A_12 = arith.addi %mul3A_10, %add3A_11 : i32
    "tpu.region"() ({
      %run_scoped3A = tpu.sem_alloc : memref<!tpu.dma_semaphore, #tpu.memory_space<semaphore_mem>>
      %dma_start3A_282 = arith.constant 0 : i32
      %dma_start3A_283 = tpu.memref_slice %arg24[%add3A_12, %dma_start3A_282] : memref<10240x16xf32, #tpu.memory_space<vmem_shared>> -> memref<128x16xf32, #tpu.memory_space<vmem_shared>>
      %dma_start3A_284 = arith.constant 0 : i32
      %dma_start3A_285 = tpu.memref_slice %arg24[%add3A_12, %dma_start3A_284] : memref<10240x16xf32, #tpu.memory_space<vmem_shared>> -> memref<128x16xf32, #tpu.memory_space<vmem_shared>>
      tpu.enqueue_dma source(%arg14 : memref<128x16xf32, #tpu.memory_space<vmem>>) target(%dma_start3A_285 : memref<128x16xf32, #tpu.memory_space<vmem_shared>>) target_semaphore(%run_scoped3A : memref<!tpu.dma_semaphore, #tpu.memory_space<semaphore_mem>>)
      %dma_wait3A_286 = arith.constant 0 : i32
      %dma_wait3A_287 = tpu.memref_slice %arg24[%add3A_12, %dma_wait3A_286] : memref<10240x16xf32, #tpu.memory_space<vmem_shared>> -> memref<128x16xf32, #tpu.memory_space<vmem_shared>>
      %dma_wait3A_288 = arith.constant 0 : i32
      %dma_wait3A_289 = tpu.memref_slice %arg24[%add3A_12, %dma_wait3A_288] : memref<10240x16xf32, #tpu.memory_space<vmem_shared>> -> memref<128x16xf32, #tpu.memory_space<vmem_shared>>
      tpu.wait_dma2 semaphore(%run_scoped3A : memref<!tpu.dma_semaphore, #tpu.memory_space<semaphore_mem>>) src(%arg14 : memref<128x16xf32, #tpu.memory_space<vmem>>) dst(%dma_wait3A_289 : memref<128x16xf32, #tpu.memory_space<vmem_shared>>)
      tpu.yield
    }) : () -> ()
    %mul3A_13 = arith.constant 640 : i32
    %mul3A_14 = arith.muli %arg1, %mul3A_13 : i32
    %add3A_15 = arith.constant 0 : i32
    %add3A_16 = arith.addi %mul3A_14, %add3A_15 : i32
    "tpu.region"() ({
      %run_scoped3A = tpu.sem_alloc : memref<!tpu.dma_semaphore, #tpu.memory_space<semaphore_mem>>
      %dma_start3A_282 = arith.constant 0 : i32
      %dma_start3A_283 = tpu.memref_slice %arg25[%add3A_16, %dma_start3A_282] : memref<10240x16xf32, #tpu.memory_space<vmem_shared>> -> memref<128x16xf32, #tpu.memory_space<vmem_shared>>
      %dma_start3A_284 = arith.constant 0 : i32
      %dma_start3A_285 = tpu.memref_slice %arg25[%add3A_16, %dma_start3A_284] : memref<10240x16xf32, #tpu.memory_space<vmem_shared>> -> memref<128x16xf32, #tpu.memory_space<vmem_shared>>
      tpu.enqueue_dma source(%arg14 : memref<128x16xf32, #tpu.memory_space<vmem>>) target(%dma_start3A_285 : memref<128x16xf32, #tpu.memory_space<vmem_shared>>) target_semaphore(%run_scoped3A : memref<!tpu.dma_semaphore, #tpu.memory_space<semaphore_mem>>)
      %dma_wait3A_286 = arith.constant 0 : i32
      %dma_wait3A_287 = tpu.memref_slice %arg25[%add3A_16, %dma_wait3A_286] : memref<10240x16xf32, #tpu.memory_space<vmem_shared>> -> memref<128x16xf32, #tpu.memory_space<vmem_shared>>
      %dma_wait3A_288 = arith.constant 0 : i32
      %dma_wait3A_289 = tpu.memref_slice %arg25[%add3A_16, %dma_wait3A_288] : memref<10240x16xf32, #tpu.memory_space<vmem_shared>> -> memref<128x16xf32, #tpu.memory_space<vmem_shared>>
      tpu.wait_dma2 semaphore(%run_scoped3A : memref<!tpu.dma_semaphore, #tpu.memory_space<semaphore_mem>>) src(%arg14 : memref<128x16xf32, #tpu.memory_space<vmem>>) dst(%dma_wait3A_289 : memref<128x16xf32, #tpu.memory_space<vmem_shared>>)
      tpu.yield
    }) : () -> ()
    %mul3A_17 = arith.constant 640 : i32
    %mul3A_18 = arith.muli %arg1, %mul3A_17 : i32
    %add3A_19 = arith.constant 128 : i32
    %add3A_20 = arith.addi %mul3A_18, %add3A_19 : i32
    "tpu.region"() ({
      %run_scoped3A = tpu.sem_alloc : memref<!tpu.dma_semaphore, #tpu.memory_space<semaphore_mem>>
      %dma_start3A_282 = arith.constant 0 : i32
      %dma_start3A_283 = tpu.memref_slice %arg24[%add3A_20, %dma_start3A_282] : memref<10240x16xf32, #tpu.memory_space<vmem_shared>> -> memref<128x16xf32, #tpu.memory_space<vmem_shared>>
      %dma_start3A_284 = arith.constant 0 : i32
      %dma_start3A_285 = tpu.memref_slice %arg24[%add3A_20, %dma_start3A_284] : memref<10240x16xf32, #tpu.memory_space<vmem_shared>> -> memref<128x16xf32, #tpu.memory_space<vmem_shared>>
      tpu.enqueue_dma source(%arg14 : memref<128x16xf32, #tpu.memory_space<vmem>>) target(%dma_start3A_285 : memref<128x16xf32, #tpu.memory_space<vmem_shared>>) target_semaphore(%run_scoped3A : memref<!tpu.dma_semaphore, #tpu.memory_space<semaphore_mem>>)
      %dma_wait3A_286 = arith.constant 0 : i32
      %dma_wait3A_287 = tpu.memref_slice %arg24[%add3A_20, %dma_wait3A_286] : memref<10240x16xf32, #tpu.memory_space<vmem_shared>> -> memref<128x16xf32, #tpu.memory_space<vmem_shared>>
      %dma_wait3A_288 = arith.constant 0 : i32
      %dma_wait3A_289 = tpu.memref_slice %arg24[%add3A_20, %dma_wait3A_288] : memref<10240x16xf32, #tpu.memory_space<vmem_shared>> -> memref<128x16xf32, #tpu.memory_space<vmem_shared>>
      tpu.wait_dma2 semaphore(%run_scoped3A : memref<!tpu.dma_semaphore, #tpu.memory_space<semaphore_mem>>) src(%arg14 : memref<128x16xf32, #tpu.memory_space<vmem>>) dst(%dma_wait3A_289 : memref<128x16xf32, #tpu.memory_space<vmem_shared>>)
      tpu.yield
    }) : () -> ()
    %mul3A_21 = arith.constant 640 : i32
    %mul3A_22 = arith.muli %arg1, %mul3A_21 : i32
    %add3A_23 = arith.constant 128 : i32
    %add3A_24 = arith.addi %mul3A_22, %add3A_23 : i32
    "tpu.region"() ({
      %run_scoped3A = tpu.sem_alloc : memref<!tpu.dma_semaphore, #tpu.memory_space<semaphore_mem>>
      %dma_start3A_282 = arith.constant 0 : i32
      %dma_start3A_283 = tpu.memref_slice %arg25[%add3A_24, %dma_start3A_282] : memref<10240x16xf32, #tpu.memory_space<vmem_shared>> -> memref<128x16xf32, #tpu.memory_space<vmem_shared>>
      %dma_start3A_284 = arith.constant 0 : i32
      %dma_start3A_285 = tpu.memref_slice %arg25[%add3A_24, %dma_start3A_284] : memref<10240x16xf32, #tpu.memory_space<vmem_shared>> -> memref<128x16xf32, #tpu.memory_space<vmem_shared>>
      tpu.enqueue_dma source(%arg14 : memref<128x16xf32, #tpu.memory_space<vmem>>) target(%dma_start3A_285 : memref<128x16xf32, #tpu.memory_space<vmem_shared>>) target_semaphore(%run_scoped3A : memref<!tpu.dma_semaphore, #tpu.memory_space<semaphore_mem>>)
      %dma_wait3A_286 = arith.constant 0 : i32
      %dma_wait3A_287 = tpu.memref_slice %arg25[%add3A_24, %dma_wait3A_286] : memref<10240x16xf32, #tpu.memory_space<vmem_shared>> -> memref<128x16xf32, #tpu.memory_space<vmem_shared>>
      %dma_wait3A_288 = arith.constant 0 : i32
      %dma_wait3A_289 = tpu.memref_slice %arg25[%add3A_24, %dma_wait3A_288] : memref<10240x16xf32, #tpu.memory_space<vmem_shared>> -> memref<128x16xf32, #tpu.memory_space<vmem_shared>>
      tpu.wait_dma2 semaphore(%run_scoped3A : memref<!tpu.dma_semaphore, #tpu.memory_space<semaphore_mem>>) src(%arg14 : memref<128x16xf32, #tpu.memory_space<vmem>>) dst(%dma_wait3A_289 : memref<128x16xf32, #tpu.memory_space<vmem_shared>>)
      tpu.yield
    }) : () -> ()
    %mul3A_25 = arith.constant 640 : i32
    %mul3A_26 = arith.muli %arg1, %mul3A_25 : i32
    %add3A_27 = arith.constant 256 : i32
    %add3A_28 = arith.addi %mul3A_26, %add3A_27 : i32
    "tpu.region"() ({
      %run_scoped3A = tpu.sem_alloc : memref<!tpu.dma_semaphore, #tpu.memory_space<semaphore_mem>>
      %dma_start3A_282 = arith.constant 0 : i32
      %dma_start3A_283 = tpu.memref_slice %arg24[%add3A_28, %dma_start3A_282] : memref<10240x16xf32, #tpu.memory_space<vmem_shared>> -> memref<128x16xf32, #tpu.memory_space<vmem_shared>>
      %dma_start3A_284 = arith.constant 0 : i32
      %dma_start3A_285 = tpu.memref_slice %arg24[%add3A_28, %dma_start3A_284] : memref<10240x16xf32, #tpu.memory_space<vmem_shared>> -> memref<128x16xf32, #tpu.memory_space<vmem_shared>>
      tpu.enqueue_dma source(%arg14 : memref<128x16xf32, #tpu.memory_space<vmem>>) target(%dma_start3A_285 : memref<128x16xf32, #tpu.memory_space<vmem_shared>>) target_semaphore(%run_scoped3A : memref<!tpu.dma_semaphore, #tpu.memory_space<semaphore_mem>>)
      %dma_wait3A_286 = arith.constant 0 : i32
      %dma_wait3A_287 = tpu.memref_slice %arg24[%add3A_28, %dma_wait3A_286] : memref<10240x16xf32, #tpu.memory_space<vmem_shared>> -> memref<128x16xf32, #tpu.memory_space<vmem_shared>>
      %dma_wait3A_288 = arith.constant 0 : i32
      %dma_wait3A_289 = tpu.memref_slice %arg24[%add3A_28, %dma_wait3A_288] : memref<10240x16xf32, #tpu.memory_space<vmem_shared>> -> memref<128x16xf32, #tpu.memory_space<vmem_shared>>
      tpu.wait_dma2 semaphore(%run_scoped3A : memref<!tpu.dma_semaphore, #tpu.memory_space<semaphore_mem>>) src(%arg14 : memref<128x16xf32, #tpu.memory_space<vmem>>) dst(%dma_wait3A_289 : memref<128x16xf32, #tpu.memory_space<vmem_shared>>)
      tpu.yield
    }) : () -> ()
    %mul3A_29 = arith.constant 640 : i32
    %mul3A_30 = arith.muli %arg1, %mul3A_29 : i32
    %add3A_31 = arith.constant 256 : i32
    %add3A_32 = arith.addi %mul3A_30, %add3A_31 : i32
    "tpu.region"() ({
      %run_scoped3A = tpu.sem_alloc : memref<!tpu.dma_semaphore, #tpu.memory_space<semaphore_mem>>
      %dma_start3A_282 = arith.constant 0 : i32
      %dma_start3A_283 = tpu.memref_slice %arg25[%add3A_32, %dma_start3A_282] : memref<10240x16xf32, #tpu.memory_space<vmem_shared>> -> memref<128x16xf32, #tpu.memory_space<vmem_shared>>
      %dma_start3A_284 = arith.constant 0 : i32
      %dma_start3A_285 = tpu.memref_slice %arg25[%add3A_32, %dma_start3A_284] : memref<10240x16xf32, #tpu.memory_space<vmem_shared>> -> memref<128x16xf32, #tpu.memory_space<vmem_shared>>
      tpu.enqueue_dma source(%arg14 : memref<128x16xf32, #tpu.memory_space<vmem>>) target(%dma_start3A_285 : memref<128x16xf32, #tpu.memory_space<vmem_shared>>) target_semaphore(%run_scoped3A : memref<!tpu.dma_semaphore, #tpu.memory_space<semaphore_mem>>)
      %dma_wait3A_286 = arith.constant 0 : i32
      %dma_wait3A_287 = tpu.memref_slice %arg25[%add3A_32, %dma_wait3A_286] : memref<10240x16xf32, #tpu.memory_space<vmem_shared>> -> memref<128x16xf32, #tpu.memory_space<vmem_shared>>
      %dma_wait3A_288 = arith.constant 0 : i32
      %dma_wait3A_289 = tpu.memref_slice %arg25[%add3A_32, %dma_wait3A_288] : memref<10240x16xf32, #tpu.memory_space<vmem_shared>> -> memref<128x16xf32, #tpu.memory_space<vmem_shared>>
      tpu.wait_dma2 semaphore(%run_scoped3A : memref<!tpu.dma_semaphore, #tpu.memory_space<semaphore_mem>>) src(%arg14 : memref<128x16xf32, #tpu.memory_space<vmem>>) dst(%dma_wait3A_289 : memref<128x16xf32, #tpu.memory_space<vmem_shared>>)
      tpu.yield
    }) : () -> ()
    %mul3A_33 = arith.constant 640 : i32
    %mul3A_34 = arith.muli %arg1, %mul3A_33 : i32
    %add3A_35 = arith.constant 384 : i32
    %add3A_36 = arith.addi %mul3A_34, %add3A_35 : i32
    "tpu.region"() ({
      %run_scoped3A = tpu.sem_alloc : memref<!tpu.dma_semaphore, #tpu.memory_space<semaphore_mem>>
      %dma_start3A_282 = arith.constant 0 : i32
      %dma_start3A_283 = tpu.memref_slice %arg24[%add3A_36, %dma_start3A_282] : memref<10240x16xf32, #tpu.memory_space<vmem_shared>> -> memref<128x16xf32, #tpu.memory_space<vmem_shared>>
      %dma_start3A_284 = arith.constant 0 : i32
      %dma_start3A_285 = tpu.memref_slice %arg24[%add3A_36, %dma_start3A_284] : memref<10240x16xf32, #tpu.memory_space<vmem_shared>> -> memref<128x16xf32, #tpu.memory_space<vmem_shared>>
      tpu.enqueue_dma source(%arg14 : memref<128x16xf32, #tpu.memory_space<vmem>>) target(%dma_start3A_285 : memref<128x16xf32, #tpu.memory_space<vmem_shared>>) target_semaphore(%run_scoped3A : memref<!tpu.dma_semaphore, #tpu.memory_space<semaphore_mem>>)
      %dma_wait3A_286 = arith.constant 0 : i32
      %dma_wait3A_287 = tpu.memref_slice %arg24[%add3A_36, %dma_wait3A_286] : memref<10240x16xf32, #tpu.memory_space<vmem_shared>> -> memref<128x16xf32, #tpu.memory_space<vmem_shared>>
      %dma_wait3A_288 = arith.constant 0 : i32
      %dma_wait3A_289 = tpu.memref_slice %arg24[%add3A_36, %dma_wait3A_288] : memref<10240x16xf32, #tpu.memory_space<vmem_shared>> -> memref<128x16xf32, #tpu.memory_space<vmem_shared>>
      tpu.wait_dma2 semaphore(%run_scoped3A : memref<!tpu.dma_semaphore, #tpu.memory_space<semaphore_mem>>) src(%arg14 : memref<128x16xf32, #tpu.memory_space<vmem>>) dst(%dma_wait3A_289 : memref<128x16xf32, #tpu.memory_space<vmem_shared>>)
      tpu.yield
    }) : () -> ()
    %mul3A_37 = arith.constant 640 : i32
    %mul3A_38 = arith.muli %arg1, %mul3A_37 : i32
    %add3A_39 = arith.constant 384 : i32
    %add3A_40 = arith.addi %mul3A_38, %add3A_39 : i32
    "tpu.region"() ({
      %run_scoped3A = tpu.sem_alloc : memref<!tpu.dma_semaphore, #tpu.memory_space<semaphore_mem>>
      %dma_start3A_282 = arith.constant 0 : i32
      %dma_start3A_283 = tpu.memref_slice %arg25[%add3A_40, %dma_start3A_282] : memref<10240x16xf32, #tpu.memory_space<vmem_shared>> -> memref<128x16xf32, #tpu.memory_space<vmem_shared>>
      %dma_start3A_284 = arith.constant 0 : i32
      %dma_start3A_285 = tpu.memref_slice %arg25[%add3A_40, %dma_start3A_284] : memref<10240x16xf32, #tpu.memory_space<vmem_shared>> -> memref<128x16xf32, #tpu.memory_space<vmem_shared>>
      tpu.enqueue_dma source(%arg14 : memref<128x16xf32, #tpu.memory_space<vmem>>) target(%dma_start3A_285 : memref<128x16xf32, #tpu.memory_space<vmem_shared>>) target_semaphore(%run_scoped3A : memref<!tpu.dma_semaphore, #tpu.memory_space<semaphore_mem>>)
      %dma_wait3A_286 = arith.constant 0 : i32
      %dma_wait3A_287 = tpu.memref_slice %arg25[%add3A_40, %dma_wait3A_286] : memref<10240x16xf32, #tpu.memory_space<vmem_shared>> -> memref<128x16xf32, #tpu.memory_space<vmem_shared>>
      %dma_wait3A_288 = arith.constant 0 : i32
      %dma_wait3A_289 = tpu.memref_slice %arg25[%add3A_40, %dma_wait3A_288] : memref<10240x16xf32, #tpu.memory_space<vmem_shared>> -> memref<128x16xf32, #tpu.memory_space<vmem_shared>>
      tpu.wait_dma2 semaphore(%run_scoped3A : memref<!tpu.dma_semaphore, #tpu.memory_space<semaphore_mem>>) src(%arg14 : memref<128x16xf32, #tpu.memory_space<vmem>>) dst(%dma_wait3A_289 : memref<128x16xf32, #tpu.memory_space<vmem_shared>>)
      tpu.yield
    }) : () -> ()
    %mul3A_41 = arith.constant 640 : i32
    %mul3A_42 = arith.muli %arg1, %mul3A_41 : i32
    %add3A_43 = arith.constant 512 : i32
    %add3A_44 = arith.addi %mul3A_42, %add3A_43 : i32
    "tpu.region"() ({
      %run_scoped3A = tpu.sem_alloc : memref<!tpu.dma_semaphore, #tpu.memory_space<semaphore_mem>>
      %dma_start3A_282 = arith.constant 0 : i32
      %dma_start3A_283 = tpu.memref_slice %arg24[%add3A_44, %dma_start3A_282] : memref<10240x16xf32, #tpu.memory_space<vmem_shared>> -> memref<128x16xf32, #tpu.memory_space<vmem_shared>>
      %dma_start3A_284 = arith.constant 0 : i32
      %dma_start3A_285 = tpu.memref_slice %arg24[%add3A_44, %dma_start3A_284] : memref<10240x16xf32, #tpu.memory_space<vmem_shared>> -> memref<128x16xf32, #tpu.memory_space<vmem_shared>>
      tpu.enqueue_dma source(%arg14 : memref<128x16xf32, #tpu.memory_space<vmem>>) target(%dma_start3A_285 : memref<128x16xf32, #tpu.memory_space<vmem_shared>>) target_semaphore(%run_scoped3A : memref<!tpu.dma_semaphore, #tpu.memory_space<semaphore_mem>>)
      %dma_wait3A_286 = arith.constant 0 : i32
      %dma_wait3A_287 = tpu.memref_slice %arg24[%add3A_44, %dma_wait3A_286] : memref<10240x16xf32, #tpu.memory_space<vmem_shared>> -> memref<128x16xf32, #tpu.memory_space<vmem_shared>>
      %dma_wait3A_288 = arith.constant 0 : i32
      %dma_wait3A_289 = tpu.memref_slice %arg24[%add3A_44, %dma_wait3A_288] : memref<10240x16xf32, #tpu.memory_space<vmem_shared>> -> memref<128x16xf32, #tpu.memory_space<vmem_shared>>
      tpu.wait_dma2 semaphore(%run_scoped3A : memref<!tpu.dma_semaphore, #tpu.memory_space<semaphore_mem>>) src(%arg14 : memref<128x16xf32, #tpu.memory_space<vmem>>) dst(%dma_wait3A_289 : memref<128x16xf32, #tpu.memory_space<vmem_shared>>)
      tpu.yield
    }) : () -> ()
    %mul3A_45 = arith.constant 640 : i32
    %mul3A_46 = arith.muli %arg1, %mul3A_45 : i32
    %add3A_47 = arith.constant 512 : i32
    %add3A_48 = arith.addi %mul3A_46, %add3A_47 : i32
    "tpu.region"() ({
      %run_scoped3A = tpu.sem_alloc : memref<!tpu.dma_semaphore, #tpu.memory_space<semaphore_mem>>
      %dma_start3A_282 = arith.constant 0 : i32
      %dma_start3A_283 = tpu.memref_slice %arg25[%add3A_48, %dma_start3A_282] : memref<10240x16xf32, #tpu.memory_space<vmem_shared>> -> memref<128x16xf32, #tpu.memory_space<vmem_shared>>
      %dma_start3A_284 = arith.constant 0 : i32
      %dma_start3A_285 = tpu.memref_slice %arg25[%add3A_48, %dma_start3A_284] : memref<10240x16xf32, #tpu.memory_space<vmem_shared>> -> memref<128x16xf32, #tpu.memory_space<vmem_shared>>
      tpu.enqueue_dma source(%arg14 : memref<128x16xf32, #tpu.memory_space<vmem>>) target(%dma_start3A_285 : memref<128x16xf32, #tpu.memory_space<vmem_shared>>) target_semaphore(%run_scoped3A : memref<!tpu.dma_semaphore, #tpu.memory_space<semaphore_mem>>)
      %dma_wait3A_286 = arith.constant 0 : i32
      %dma_wait3A_287 = tpu.memref_slice %arg25[%add3A_48, %dma_wait3A_286] : memref<10240x16xf32, #tpu.memory_space<vmem_shared>> -> memref<128x16xf32, #tpu.memory_space<vmem_shared>>
      %dma_wait3A_288 = arith.constant 0 : i32
      %dma_wait3A_289 = tpu.memref_slice %arg25[%add3A_48, %dma_wait3A_288] : memref<10240x16xf32, #tpu.memory_space<vmem_shared>> -> memref<128x16xf32, #tpu.memory_space<vmem_shared>>
      tpu.wait_dma2 semaphore(%run_scoped3A : memref<!tpu.dma_semaphore, #tpu.memory_space<semaphore_mem>>) src(%arg14 : memref<128x16xf32, #tpu.memory_space<vmem>>) dst(%dma_wait3A_289 : memref<128x16xf32, #tpu.memory_space<vmem_shared>>)
      tpu.yield
    }) : () -> ()
    %barrier3A = arith.constant 0 : index
    tpu.barrier barrier_id(%barrier3A)
    %mul3A_49 = arith.constant 80 : i32
    %mul3A_50 = arith.muli %add3A, %mul3A_49 : i32
    %add3A_51 = arith.constant 0 : i32
    %add3A_52 = arith.addi %mul3A_50, %add3A_51 : i32
    %dma_start3A = arith.constant 0 : i32
    %dma_start3A_53 = tpu.memref_slice %arg2[%add3A_52, %dma_start3A] : memref<2560x128xi32, #tpu.memory_space<hbm>> -> memref<1x128xi32, #tpu.memory_space<hbm>>
    %dma_start3A_54 = arith.constant 0 : i32
    %dma_start3A_55 = tpu.memref_slice %arg2[%add3A_52, %dma_start3A_54] : memref<2560x128xi32, #tpu.memory_space<hbm>> -> memref<1x128xi32, #tpu.memory_space<hbm>>
    tpu.enqueue_dma source(%dma_start3A_55 : memref<1x128xi32, #tpu.memory_space<hbm>>) target(%arg6 : memref<1x128xi32, #tpu.memory_space<vmem>>) target_semaphore(%arg16 : memref<!tpu.dma_semaphore, #tpu.memory_space<semaphore_mem>>)
    %add3A_56 = arith.constant 0 : i32
    %add3A_57 = arith.addi %mul3A_50, %add3A_56 : i32
    %dma_start3A_58 = arith.constant 0 : i32
    %dma_start3A_59 = tpu.memref_slice %arg3[%add3A_57, %dma_start3A_58] : memref<2560x128xi32, #tpu.memory_space<hbm>> -> memref<1x128xi32, #tpu.memory_space<hbm>>
    %dma_start3A_60 = arith.constant 0 : i32
    %dma_start3A_61 = tpu.memref_slice %arg3[%add3A_57, %dma_start3A_60] : memref<2560x128xi32, #tpu.memory_space<hbm>> -> memref<1x128xi32, #tpu.memory_space<hbm>>
    tpu.enqueue_dma source(%dma_start3A_61 : memref<1x128xi32, #tpu.memory_space<hbm>>) target(%arg10 : memref<1x128xi32, #tpu.memory_space<vmem>>) target_semaphore(%arg16 : memref<!tpu.dma_semaphore, #tpu.memory_space<semaphore_mem>>)
    %add3A_62 = arith.constant 1 : i32
    %add3A_63 = arith.addi %mul3A_50, %add3A_62 : i32
    %dma_start3A_64 = arith.constant 0 : i32
    %dma_start3A_65 = tpu.memref_slice %arg2[%add3A_63, %dma_start3A_64] : memref<2560x128xi32, #tpu.memory_space<hbm>> -> memref<1x128xi32, #tpu.memory_space<hbm>>
    %dma_start3A_66 = arith.constant 0 : i32
    %dma_start3A_67 = tpu.memref_slice %arg2[%add3A_63, %dma_start3A_66] : memref<2560x128xi32, #tpu.memory_space<hbm>> -> memref<1x128xi32, #tpu.memory_space<hbm>>
    tpu.enqueue_dma source(%dma_start3A_67 : memref<1x128xi32, #tpu.memory_space<hbm>>) target(%arg7 : memref<1x128xi32, #tpu.memory_space<vmem>>) target_semaphore(%arg17 : memref<!tpu.dma_semaphore, #tpu.memory_space<semaphore_mem>>)
    %add3A_68 = arith.constant 1 : i32
    %add3A_69 = arith.addi %mul3A_50, %add3A_68 : i32
    %dma_start3A_70 = arith.constant 0 : i32
    %dma_start3A_71 = tpu.memref_slice %arg3[%add3A_69, %dma_start3A_70] : memref<2560x128xi32, #tpu.memory_space<hbm>> -> memref<1x128xi32, #tpu.memory_space<hbm>>
    %dma_start3A_72 = arith.constant 0 : i32
    %dma_start3A_73 = tpu.memref_slice %arg3[%add3A_69, %dma_start3A_72] : memref<2560x128xi32, #tpu.memory_space<hbm>> -> memref<1x128xi32, #tpu.memory_space<hbm>>
    tpu.enqueue_dma source(%dma_start3A_73 : memref<1x128xi32, #tpu.memory_space<hbm>>) target(%arg11 : memref<1x128xi32, #tpu.memory_space<vmem>>) target_semaphore(%arg17 : memref<!tpu.dma_semaphore, #tpu.memory_space<semaphore_mem>>)
    %add3A_74 = arith.constant 2 : i32
    %add3A_75 = arith.addi %mul3A_50, %add3A_74 : i32
    %dma_start3A_76 = arith.constant 0 : i32
    %dma_start3A_77 = tpu.memref_slice %arg2[%add3A_75, %dma_start3A_76] : memref<2560x128xi32, #tpu.memory_space<hbm>> -> memref<1x128xi32, #tpu.memory_space<hbm>>
    %dma_start3A_78 = arith.constant 0 : i32
    %dma_start3A_79 = tpu.memref_slice %arg2[%add3A_75, %dma_start3A_78] : memref<2560x128xi32, #tpu.memory_space<hbm>> -> memref<1x128xi32, #tpu.memory_space<hbm>>
    tpu.enqueue_dma source(%dma_start3A_79 : memref<1x128xi32, #tpu.memory_space<hbm>>) target(%arg8 : memref<1x128xi32, #tpu.memory_space<vmem>>) target_semaphore(%arg18 : memref<!tpu.dma_semaphore, #tpu.memory_space<semaphore_mem>>)
    %add3A_80 = arith.constant 2 : i32
    %add3A_81 = arith.addi %mul3A_50, %add3A_80 : i32
    %dma_start3A_82 = arith.constant 0 : i32
    %dma_start3A_83 = tpu.memref_slice %arg3[%add3A_81, %dma_start3A_82] : memref<2560x128xi32, #tpu.memory_space<hbm>> -> memref<1x128xi32, #tpu.memory_space<hbm>>
    %dma_start3A_84 = arith.constant 0 : i32
    %dma_start3A_85 = tpu.memref_slice %arg3[%add3A_81, %dma_start3A_84] : memref<2560x128xi32, #tpu.memory_space<hbm>> -> memref<1x128xi32, #tpu.memory_space<hbm>>
    tpu.enqueue_dma source(%dma_start3A_85 : memref<1x128xi32, #tpu.memory_space<hbm>>) target(%arg12 : memref<1x128xi32, #tpu.memory_space<vmem>>) target_semaphore(%arg18 : memref<!tpu.dma_semaphore, #tpu.memory_space<semaphore_mem>>)
    %add3A_86 = arith.constant 3 : i32
    %add3A_87 = arith.addi %mul3A_50, %add3A_86 : i32
    %dma_start3A_88 = arith.constant 0 : i32
    %dma_start3A_89 = tpu.memref_slice %arg2[%add3A_87, %dma_start3A_88] : memref<2560x128xi32, #tpu.memory_space<hbm>> -> memref<1x128xi32, #tpu.memory_space<hbm>>
    %dma_start3A_90 = arith.constant 0 : i32
    %dma_start3A_91 = tpu.memref_slice %arg2[%add3A_87, %dma_start3A_90] : memref<2560x128xi32, #tpu.memory_space<hbm>> -> memref<1x128xi32, #tpu.memory_space<hbm>>
    tpu.enqueue_dma source(%dma_start3A_91 : memref<1x128xi32, #tpu.memory_space<hbm>>) target(%arg9 : memref<1x128xi32, #tpu.memory_space<vmem>>) target_semaphore(%arg19 : memref<!tpu.dma_semaphore, #tpu.memory_space<semaphore_mem>>)
    %add3A_92 = arith.constant 3 : i32
    %add3A_93 = arith.addi %mul3A_50, %add3A_92 : i32
    %dma_start3A_94 = arith.constant 0 : i32
    %dma_start3A_95 = tpu.memref_slice %arg3[%add3A_93, %dma_start3A_94] : memref<2560x128xi32, #tpu.memory_space<hbm>> -> memref<1x128xi32, #tpu.memory_space<hbm>>
    %dma_start3A_96 = arith.constant 0 : i32
    %dma_start3A_97 = tpu.memref_slice %arg3[%add3A_93, %dma_start3A_96] : memref<2560x128xi32, #tpu.memory_space<hbm>> -> memref<1x128xi32, #tpu.memory_space<hbm>>
    tpu.enqueue_dma source(%dma_start3A_97 : memref<1x128xi32, #tpu.memory_space<hbm>>) target(%arg13 : memref<1x128xi32, #tpu.memory_space<vmem>>) target_semaphore(%arg19 : memref<!tpu.dma_semaphore, #tpu.memory_space<semaphore_mem>>)
    %dma_wait3A = arith.constant 0 : i32
    %dma_wait3A_98 = tpu.memref_slice %arg2[%mul3A_50, %dma_wait3A] : memref<2560x128xi32, #tpu.memory_space<hbm>> -> memref<1x128xi32, #tpu.memory_space<hbm>>
    %dma_wait3A_99 = arith.constant 0 : i32
    %dma_wait3A_100 = tpu.memref_slice %arg2[%mul3A_50, %dma_wait3A_99] : memref<2560x128xi32, #tpu.memory_space<hbm>> -> memref<1x128xi32, #tpu.memory_space<hbm>>
    tpu.wait_dma2 semaphore(%arg16 : memref<!tpu.dma_semaphore, #tpu.memory_space<semaphore_mem>>) src(%dma_wait3A_100 : memref<1x128xi32, #tpu.memory_space<hbm>>) dst(%arg6 : memref<1x128xi32, #tpu.memory_space<vmem>>)
    %dma_wait3A_101 = arith.constant 0 : i32
    %dma_wait3A_102 = tpu.memref_slice %arg3[%mul3A_50, %dma_wait3A_101] : memref<2560x128xi32, #tpu.memory_space<hbm>> -> memref<1x128xi32, #tpu.memory_space<hbm>>
    %dma_wait3A_103 = arith.constant 0 : i32
    %dma_wait3A_104 = tpu.memref_slice %arg3[%mul3A_50, %dma_wait3A_103] : memref<2560x128xi32, #tpu.memory_space<hbm>> -> memref<1x128xi32, #tpu.memory_space<hbm>>
    tpu.wait_dma2 semaphore(%arg16 : memref<!tpu.dma_semaphore, #tpu.memory_space<semaphore_mem>>) src(%dma_wait3A_104 : memref<1x128xi32, #tpu.memory_space<hbm>>) dst(%arg10 : memref<1x128xi32, #tpu.memory_space<vmem>>)
    %dma_start3A_105 = arith.constant 0 : i32
    %dma_start3A_106 = arith.constant 0 : i32
    %dma_start3A_107 = arith.constant 0 : i32
    %dma_start3A_108 = tpu.memref_slice %arg14[%dma_start3A_106, %dma_start3A_107] : memref<128x16xf32, #tpu.memory_space<vmem>> -> memref<128x16xf32, #tpu.memory_space<vmem>>
    %dma_start3A_109 = arith.constant 0 : i32
    %dma_start3A_110 = tpu.memref_slice %arg6[%dma_start3A_105, %dma_start3A_109] : memref<1x128xi32, #tpu.memory_space<vmem>> -> memref<1x128xi32, #tpu.memory_space<vmem>>
    %dma_start3A_111 = tpu.memref_squeeze %dma_start3A_110 : memref<1x128xi32, #tpu.memory_space<vmem>> -> memref<128xi32, #tpu.memory_space<vmem>>
    %dma_start3A_112 = arith.constant 0 : i32
    %dma_start3A_113 = arith.constant 0 : i32
    %dma_start3A_114 = tpu.memref_slice %arg4[%dma_start3A_112, %dma_start3A_113] : memref<10240x16xf32, #tpu.memory_space<hbm>> -> memref<10240x16xf32, #tpu.memory_space<hbm>>
    tpu.enqueue_indirect_dma source(%dma_start3A_114 : memref<10240x16xf32, #tpu.memory_space<hbm>>) target(%dma_start3A_108 : memref<128x16xf32, #tpu.memory_space<vmem>>) offsets(%dma_start3A_111 : memref<128xi32, #tpu.memory_space<vmem>>) semaphore(%arg20 : memref<!tpu.dma_semaphore, #tpu.memory_space<semaphore_mem>>)
    %dma_wait3A_115 = arith.constant 0 : i32
    %dma_wait3A_116 = tpu.memref_slice %arg2[%mul3A_50, %dma_wait3A_115] : memref<2560x128xi32, #tpu.memory_space<hbm>> -> memref<1x128xi32, #tpu.memory_space<hbm>>
    %dma_wait3A_117 = arith.constant 0 : i32
    %dma_wait3A_118 = tpu.memref_slice %arg2[%mul3A_50, %dma_wait3A_117] : memref<2560x128xi32, #tpu.memory_space<hbm>> -> memref<1x128xi32, #tpu.memory_space<hbm>>
    tpu.wait_dma2 semaphore(%arg17 : memref<!tpu.dma_semaphore, #tpu.memory_space<semaphore_mem>>) src(%dma_wait3A_118 : memref<1x128xi32, #tpu.memory_space<hbm>>) dst(%arg7 : memref<1x128xi32, #tpu.memory_space<vmem>>)
    %dma_wait3A_119 = arith.constant 0 : i32
    %dma_wait3A_120 = tpu.memref_slice %arg3[%mul3A_50, %dma_wait3A_119] : memref<2560x128xi32, #tpu.memory_space<hbm>> -> memref<1x128xi32, #tpu.memory_space<hbm>>
    %dma_wait3A_121 = arith.constant 0 : i32
    %dma_wait3A_122 = tpu.memref_slice %arg3[%mul3A_50, %dma_wait3A_121] : memref<2560x128xi32, #tpu.memory_space<hbm>> -> memref<1x128xi32, #tpu.memory_space<hbm>>
    tpu.wait_dma2 semaphore(%arg17 : memref<!tpu.dma_semaphore, #tpu.memory_space<semaphore_mem>>) src(%dma_wait3A_122 : memref<1x128xi32, #tpu.memory_space<hbm>>) dst(%arg11 : memref<1x128xi32, #tpu.memory_space<vmem>>)
    %dma_start3A_123 = arith.constant 0 : i32
    %dma_start3A_124 = arith.constant 0 : i32
    %dma_start3A_125 = arith.constant 0 : i32
    %dma_start3A_126 = tpu.memref_slice %arg15[%dma_start3A_124, %dma_start3A_125] : memref<128x16xf32, #tpu.memory_space<vmem>> -> memref<128x16xf32, #tpu.memory_space<vmem>>
    %dma_start3A_127 = arith.constant 0 : i32
    %dma_start3A_128 = tpu.memref_slice %arg7[%dma_start3A_123, %dma_start3A_127] : memref<1x128xi32, #tpu.memory_space<vmem>> -> memref<1x128xi32, #tpu.memory_space<vmem>>
    %dma_start3A_129 = tpu.memref_squeeze %dma_start3A_128 : memref<1x128xi32, #tpu.memory_space<vmem>> -> memref<128xi32, #tpu.memory_space<vmem>>
    %dma_start3A_130 = arith.constant 0 : i32
    %dma_start3A_131 = arith.constant 0 : i32
    %dma_start3A_132 = tpu.memref_slice %arg4[%dma_start3A_130, %dma_start3A_131] : memref<10240x16xf32, #tpu.memory_space<hbm>> -> memref<10240x16xf32, #tpu.memory_space<hbm>>
    tpu.enqueue_indirect_dma source(%dma_start3A_132 : memref<10240x16xf32, #tpu.memory_space<hbm>>) target(%dma_start3A_126 : memref<128x16xf32, #tpu.memory_space<vmem>>) offsets(%dma_start3A_129 : memref<128xi32, #tpu.memory_space<vmem>>) semaphore(%arg21 : memref<!tpu.dma_semaphore, #tpu.memory_space<semaphore_mem>>)
    %scan3A_133 = arith.constant 0 : i32
    %scan3A_134 = arith.constant 0 : i32
    %scan3A_135 = arith.constant 19 : i32
    %scan3A_136 = arith.addi %scan3A_134, %scan3A_135 : i32
    %scan3A_137 = arith.constant 1 : i32
    scf.for %scan3A_282 = %scan3A_134 to %scan3A_136 step %scan3A_137  : i32 {
      %mul3A_283 = arith.constant 4 : i32
      %mul3A_284 = arith.muli %scan3A_282, %mul3A_283 : i32
      %dma_wait3A_285 = arith.constant 0 : i32
      %dma_wait3A_286 = arith.constant 0 : i32
      %dma_wait3A_287 = arith.constant 0 : i32
      %dma_wait3A_288 = tpu.memref_slice %arg14[%dma_wait3A_286, %dma_wait3A_287] : memref<128x16xf32, #tpu.memory_space<vmem>> -> memref<128x16xf32, #tpu.memory_space<vmem>>
      %dma_wait3A_289 = arith.constant 0 : i32
      %dma_wait3A_290 = tpu.memref_slice %arg6[%dma_wait3A_285, %dma_wait3A_289] : memref<1x128xi32, #tpu.memory_space<vmem>> -> memref<1x128xi32, #tpu.memory_space<vmem>>
      %dma_wait3A_291 = tpu.memref_squeeze %dma_wait3A_290 : memref<1x128xi32, #tpu.memory_space<vmem>> -> memref<128xi32, #tpu.memory_space<vmem>>
      %dma_wait3A_292 = arith.constant 0 : i32
      %dma_wait3A_293 = arith.constant 0 : i32
      %dma_wait3A_294 = tpu.memref_slice %arg4[%dma_wait3A_292, %dma_wait3A_293] : memref<10240x16xf32, #tpu.memory_space<hbm>> -> memref<10240x16xf32, #tpu.memory_space<hbm>>
      tpu.wait_indirect_dma semaphore(%arg20 : memref<!tpu.dma_semaphore, #tpu.memory_space<semaphore_mem>>) src(%dma_wait3A_294 : memref<10240x16xf32, #tpu.memory_space<hbm>>) dst(%dma_wait3A_288 : memref<128x16xf32, #tpu.memory_space<vmem>>)
      %dma_start3A_295 = arith.constant 0 : i32
      %dma_start3A_296 = arith.constant 0 : i32
      %dma_start3A_297 = tpu.memref_slice %arg10[%dma_start3A_295, %dma_start3A_296] : memref<1x128xi32, #tpu.memory_space<vmem>> -> memref<1x128xi32, #tpu.memory_space<vmem>>
      %dma_start3A_298 = tpu.memref_squeeze %dma_start3A_297 : memref<1x128xi32, #tpu.memory_space<vmem>> -> memref<128xi32, #tpu.memory_space<vmem>>
      %dma_start3A_299 = arith.constant 0 : i32
      %dma_start3A_300 = arith.constant 0 : i32
      %dma_start3A_301 = tpu.memref_slice %arg24[%dma_start3A_299, %dma_start3A_300] : memref<10240x16xf32, #tpu.memory_space<vmem_shared>> -> memref<10240x16xf32, #tpu.memory_space<vmem_shared>>
      tpu.enqueue_indirect_dma source(%arg14 : memref<128x16xf32, #tpu.memory_space<vmem>>) target(%dma_start3A_301 : memref<10240x16xf32, #tpu.memory_space<vmem_shared>>) offsets(%dma_start3A_298 : memref<128xi32, #tpu.memory_space<vmem>>) semaphore(%arg22 : memref<!tpu.dma_semaphore, #tpu.memory_space<semaphore_mem>>) {add = true}
      %dma_wait3A_302 = arith.constant 0 : i32
      %dma_wait3A_303 = arith.constant 0 : i32
      %dma_wait3A_304 = tpu.memref_slice %arg10[%dma_wait3A_302, %dma_wait3A_303] : memref<1x128xi32, #tpu.memory_space<vmem>> -> memref<1x128xi32, #tpu.memory_space<vmem>>
      %dma_wait3A_305 = tpu.memref_squeeze %dma_wait3A_304 : memref<1x128xi32, #tpu.memory_space<vmem>> -> memref<128xi32, #tpu.memory_space<vmem>>
      %dma_wait3A_306 = arith.constant 0 : i32
      %dma_wait3A_307 = arith.constant 0 : i32
      %dma_wait3A_308 = tpu.memref_slice %arg24[%dma_wait3A_306, %dma_wait3A_307] : memref<10240x16xf32, #tpu.memory_space<vmem_shared>> -> memref<10240x16xf32, #tpu.memory_space<vmem_shared>>
      tpu.wait_indirect_dma semaphore(%arg22 : memref<!tpu.dma_semaphore, #tpu.memory_space<semaphore_mem>>) src(%arg14 : memref<128x16xf32, #tpu.memory_space<vmem>>) dst(%dma_wait3A_308 : memref<10240x16xf32, #tpu.memory_space<vmem_shared>>)
      %add3A_309 = arith.constant 0 : i32
      %add3A_310 = arith.addi %mul3A_284, %add3A_309 : i32
      %add3A_311 = arith.constant 4 : i32
      %add3A_312 = arith.addi %add3A_310, %add3A_311 : i32
      %add3A_313 = arith.addi %mul3A_50, %add3A_312 : i32
      %dma_start3A_314 = arith.constant 0 : i32
      %dma_start3A_315 = tpu.memref_slice %arg2[%add3A_313, %dma_start3A_314] : memref<2560x128xi32, #tpu.memory_space<hbm>> -> memref<1x128xi32, #tpu.memory_space<hbm>>
      %dma_start3A_316 = arith.constant 0 : i32
      %dma_start3A_317 = tpu.memref_slice %arg2[%add3A_313, %dma_start3A_316] : memref<2560x128xi32, #tpu.memory_space<hbm>> -> memref<1x128xi32, #tpu.memory_space<hbm>>
      tpu.enqueue_dma source(%dma_start3A_317 : memref<1x128xi32, #tpu.memory_space<hbm>>) target(%arg6 : memref<1x128xi32, #tpu.memory_space<vmem>>) target_semaphore(%arg16 : memref<!tpu.dma_semaphore, #tpu.memory_space<semaphore_mem>>)
      %add3A_318 = arith.addi %mul3A_50, %add3A_312 : i32
      %dma_start3A_319 = arith.constant 0 : i32
      %dma_start3A_320 = tpu.memref_slice %arg3[%add3A_318, %dma_start3A_319] : memref<2560x128xi32, #tpu.memory_space<hbm>> -> memref<1x128xi32, #tpu.memory_space<hbm>>
      %dma_start3A_321 = arith.constant 0 : i32
      %dma_start3A_322 = tpu.memref_slice %arg3[%add3A_318, %dma_start3A_321] : memref<2560x128xi32, #tpu.memory_space<hbm>> -> memref<1x128xi32, #tpu.memory_space<hbm>>
      tpu.enqueue_dma source(%dma_start3A_322 : memref<1x128xi32, #tpu.memory_space<hbm>>) target(%arg10 : memref<1x128xi32, #tpu.memory_space<vmem>>) target_semaphore(%arg16 : memref<!tpu.dma_semaphore, #tpu.memory_space<semaphore_mem>>)
      %dma_wait3A_323 = arith.constant 0 : i32
      %dma_wait3A_324 = tpu.memref_slice %arg2[%mul3A_50, %dma_wait3A_323] : memref<2560x128xi32, #tpu.memory_space<hbm>> -> memref<1x128xi32, #tpu.memory_space<hbm>>
      %dma_wait3A_325 = arith.constant 0 : i32
      %dma_wait3A_326 = tpu.memref_slice %arg2[%mul3A_50, %dma_wait3A_325] : memref<2560x128xi32, #tpu.memory_space<hbm>> -> memref<1x128xi32, #tpu.memory_space<hbm>>
      tpu.wait_dma2 semaphore(%arg18 : memref<!tpu.dma_semaphore, #tpu.memory_space<semaphore_mem>>) src(%dma_wait3A_326 : memref<1x128xi32, #tpu.memory_space<hbm>>) dst(%arg8 : memref<1x128xi32, #tpu.memory_space<vmem>>)
      %dma_wait3A_327 = arith.constant 0 : i32
      %dma_wait3A_328 = tpu.memref_slice %arg3[%mul3A_50, %dma_wait3A_327] : memref<2560x128xi32, #tpu.memory_space<hbm>> -> memref<1x128xi32, #tpu.memory_space<hbm>>
      %dma_wait3A_329 = arith.constant 0 : i32
      %dma_wait3A_330 = tpu.memref_slice %arg3[%mul3A_50, %dma_wait3A_329] : memref<2560x128xi32, #tpu.memory_space<hbm>> -> memref<1x128xi32, #tpu.memory_space<hbm>>
      tpu.wait_dma2 semaphore(%arg18 : memref<!tpu.dma_semaphore, #tpu.memory_space<semaphore_mem>>) src(%dma_wait3A_330 : memref<1x128xi32, #tpu.memory_space<hbm>>) dst(%arg12 : memref<1x128xi32, #tpu.memory_space<vmem>>)
      %dma_start3A_331 = arith.constant 0 : i32
      %dma_start3A_332 = arith.constant 0 : i32
      %dma_start3A_333 = arith.constant 0 : i32
      %dma_start3A_334 = tpu.memref_slice %arg14[%dma_start3A_332, %dma_start3A_333] : memref<128x16xf32, #tpu.memory_space<vmem>> -> memref<128x16xf32, #tpu.memory_space<vmem>>
      %dma_start3A_335 = arith.constant 0 : i32
      %dma_start3A_336 = tpu.memref_slice %arg8[%dma_start3A_331, %dma_start3A_335] : memref<1x128xi32, #tpu.memory_space<vmem>> -> memref<1x128xi32, #tpu.memory_space<vmem>>
      %dma_start3A_337 = tpu.memref_squeeze %dma_start3A_336 : memref<1x128xi32, #tpu.memory_space<vmem>> -> memref<128xi32, #tpu.memory_space<vmem>>
      %dma_start3A_338 = arith.constant 0 : i32
      %dma_start3A_339 = arith.constant 0 : i32
      %dma_start3A_340 = tpu.memref_slice %arg4[%dma_start3A_338, %dma_start3A_339] : memref<10240x16xf32, #tpu.memory_space<hbm>> -> memref<10240x16xf32, #tpu.memory_space<hbm>>
      tpu.enqueue_indirect_dma source(%dma_start3A_340 : memref<10240x16xf32, #tpu.memory_space<hbm>>) target(%dma_start3A_334 : memref<128x16xf32, #tpu.memory_space<vmem>>) offsets(%dma_start3A_337 : memref<128xi32, #tpu.memory_space<vmem>>) semaphore(%arg20 : memref<!tpu.dma_semaphore, #tpu.memory_space<semaphore_mem>>)
      %dma_wait3A_341 = arith.constant 0 : i32
      %dma_wait3A_342 = arith.constant 0 : i32
      %dma_wait3A_343 = arith.constant 0 : i32
      %dma_wait3A_344 = tpu.memref_slice %arg15[%dma_wait3A_342, %dma_wait3A_343] : memref<128x16xf32, #tpu.memory_space<vmem>> -> memref<128x16xf32, #tpu.memory_space<vmem>>
      %dma_wait3A_345 = arith.constant 0 : i32
      %dma_wait3A_346 = tpu.memref_slice %arg6[%dma_wait3A_341, %dma_wait3A_345] : memref<1x128xi32, #tpu.memory_space<vmem>> -> memref<1x128xi32, #tpu.memory_space<vmem>>
      %dma_wait3A_347 = tpu.memref_squeeze %dma_wait3A_346 : memref<1x128xi32, #tpu.memory_space<vmem>> -> memref<128xi32, #tpu.memory_space<vmem>>
      %dma_wait3A_348 = arith.constant 0 : i32
      %dma_wait3A_349 = arith.constant 0 : i32
      %dma_wait3A_350 = tpu.memref_slice %arg4[%dma_wait3A_348, %dma_wait3A_349] : memref<10240x16xf32, #tpu.memory_space<hbm>> -> memref<10240x16xf32, #tpu.memory_space<hbm>>
      tpu.wait_indirect_dma semaphore(%arg21 : memref<!tpu.dma_semaphore, #tpu.memory_space<semaphore_mem>>) src(%dma_wait3A_350 : memref<10240x16xf32, #tpu.memory_space<hbm>>) dst(%dma_wait3A_344 : memref<128x16xf32, #tpu.memory_space<vmem>>)
      %dma_start3A_351 = arith.constant 0 : i32
      %dma_start3A_352 = arith.constant 0 : i32
      %dma_start3A_353 = tpu.memref_slice %arg11[%dma_start3A_351, %dma_start3A_352] : memref<1x128xi32, #tpu.memory_space<vmem>> -> memref<1x128xi32, #tpu.memory_space<vmem>>
      %dma_start3A_354 = tpu.memref_squeeze %dma_start3A_353 : memref<1x128xi32, #tpu.memory_space<vmem>> -> memref<128xi32, #tpu.memory_space<vmem>>
      %dma_start3A_355 = arith.constant 0 : i32
      %dma_start3A_356 = arith.constant 0 : i32
      %dma_start3A_357 = tpu.memref_slice %arg25[%dma_start3A_355, %dma_start3A_356] : memref<10240x16xf32, #tpu.memory_space<vmem_shared>> -> memref<10240x16xf32, #tpu.memory_space<vmem_shared>>
      tpu.enqueue_indirect_dma source(%arg15 : memref<128x16xf32, #tpu.memory_space<vmem>>) target(%dma_start3A_357 : memref<10240x16xf32, #tpu.memory_space<vmem_shared>>) offsets(%dma_start3A_354 : memref<128xi32, #tpu.memory_space<vmem>>) semaphore(%arg23 : memref<!tpu.dma_semaphore, #tpu.memory_space<semaphore_mem>>) {add = true}
      %dma_wait3A_358 = arith.constant 0 : i32
      %dma_wait3A_359 = arith.constant 0 : i32
      %dma_wait3A_360 = tpu.memref_slice %arg10[%dma_wait3A_358, %dma_wait3A_359] : memref<1x128xi32, #tpu.memory_space<vmem>> -> memref<1x128xi32, #tpu.memory_space<vmem>>
      %dma_wait3A_361 = tpu.memref_squeeze %dma_wait3A_360 : memref<1x128xi32, #tpu.memory_space<vmem>> -> memref<128xi32, #tpu.memory_space<vmem>>
      %dma_wait3A_362 = arith.constant 0 : i32
      %dma_wait3A_363 = arith.constant 0 : i32
      %dma_wait3A_364 = tpu.memref_slice %arg25[%dma_wait3A_362, %dma_wait3A_363] : memref<10240x16xf32, #tpu.memory_space<vmem_shared>> -> memref<10240x16xf32, #tpu.memory_space<vmem_shared>>
      tpu.wait_indirect_dma semaphore(%arg23 : memref<!tpu.dma_semaphore, #tpu.memory_space<semaphore_mem>>) src(%arg15 : memref<128x16xf32, #tpu.memory_space<vmem>>) dst(%dma_wait3A_364 : memref<10240x16xf32, #tpu.memory_space<vmem_shared>>)
      %add3A_365 = arith.constant 1 : i32
      %add3A_366 = arith.addi %mul3A_284, %add3A_365 : i32
      %add3A_367 = arith.constant 4 : i32
      %add3A_368 = arith.addi %add3A_366, %add3A_367 : i32
      %add3A_369 = arith.addi %mul3A_50, %add3A_368 : i32
      %dma_start3A_370 = arith.constant 0 : i32
      %dma_start3A_371 = tpu.memref_slice %arg2[%add3A_369, %dma_start3A_370] : memref<2560x128xi32, #tpu.memory_space<hbm>> -> memref<1x128xi32, #tpu.memory_space<hbm>>
      %dma_start3A_372 = arith.constant 0 : i32
      %dma_start3A_373 = tpu.memref_slice %arg2[%add3A_369, %dma_start3A_372] : memref<2560x128xi32, #tpu.memory_space<hbm>> -> memref<1x128xi32, #tpu.memory_space<hbm>>
      tpu.enqueue_dma source(%dma_start3A_373 : memref<1x128xi32, #tpu.memory_space<hbm>>) target(%arg7 : memref<1x128xi32, #tpu.memory_space<vmem>>) target_semaphore(%arg17 : memref<!tpu.dma_semaphore, #tpu.memory_space<semaphore_mem>>)
      %add3A_374 = arith.addi %mul3A_50, %add3A_368 : i32
      %dma_start3A_375 = arith.constant 0 : i32
      %dma_start3A_376 = tpu.memref_slice %arg3[%add3A_374, %dma_start3A_375] : memref<2560x128xi32, #tpu.memory_space<hbm>> -> memref<1x128xi32, #tpu.memory_space<hbm>>
      %dma_start3A_377 = arith.constant 0 : i32
      %dma_start3A_378 = tpu.memref_slice %arg3[%add3A_374, %dma_start3A_377] : memref<2560x128xi32, #tpu.memory_space<hbm>> -> memref<1x128xi32, #tpu.memory_space<hbm>>
      tpu.enqueue_dma source(%dma_start3A_378 : memref<1x128xi32, #tpu.memory_space<hbm>>) target(%arg11 : memref<1x128xi32, #tpu.memory_space<vmem>>) target_semaphore(%arg17 : memref<!tpu.dma_semaphore, #tpu.memory_space<semaphore_mem>>)
      %dma_wait3A_379 = arith.constant 0 : i32
      %dma_wait3A_380 = tpu.memref_slice %arg2[%mul3A_50, %dma_wait3A_379] : memref<2560x128xi32, #tpu.memory_space<hbm>> -> memref<1x128xi32, #tpu.memory_space<hbm>>
      %dma_wait3A_381 = arith.constant 0 : i32
      %dma_wait3A_382 = tpu.memref_slice %arg2[%mul3A_50, %dma_wait3A_381] : memref<2560x128xi32, #tpu.memory_space<hbm>> -> memref<1x128xi32, #tpu.memory_space<hbm>>
      tpu.wait_dma2 semaphore(%arg19 : memref<!tpu.dma_semaphore, #tpu.memory_space<semaphore_mem>>) src(%dma_wait3A_382 : memref<1x128xi32, #tpu.memory_space<hbm>>) dst(%arg9 : memref<1x128xi32, #tpu.memory_space<vmem>>)
      %dma_wait3A_383 = arith.constant 0 : i32
      %dma_wait3A_384 = tpu.memref_slice %arg3[%mul3A_50, %dma_wait3A_383] : memref<2560x128xi32, #tpu.memory_space<hbm>> -> memref<1x128xi32, #tpu.memory_space<hbm>>
      %dma_wait3A_385 = arith.constant 0 : i32
      %dma_wait3A_386 = tpu.memref_slice %arg3[%mul3A_50, %dma_wait3A_385] : memref<2560x128xi32, #tpu.memory_space<hbm>> -> memref<1x128xi32, #tpu.memory_space<hbm>>
      tpu.wait_dma2 semaphore(%arg19 : memref<!tpu.dma_semaphore, #tpu.memory_space<semaphore_mem>>) src(%dma_wait3A_386 : memref<1x128xi32, #tpu.memory_space<hbm>>) dst(%arg13 : memref<1x128xi32, #tpu.memory_space<vmem>>)
      %dma_start3A_387 = arith.constant 0 : i32
      %dma_start3A_388 = arith.constant 0 : i32
      %dma_start3A_389 = arith.constant 0 : i32
      %dma_start3A_390 = tpu.memref_slice %arg15[%dma_start3A_388, %dma_start3A_389] : memref<128x16xf32, #tpu.memory_space<vmem>> -> memref<128x16xf32, #tpu.memory_space<vmem>>
      %dma_start3A_391 = arith.constant 0 : i32
      %dma_start3A_392 = tpu.memref_slice %arg9[%dma_start3A_387, %dma_start3A_391] : memref<1x128xi32, #tpu.memory_space<vmem>> -> memref<1x128xi32, #tpu.memory_space<vmem>>
      %dma_start3A_393 = tpu.memref_squeeze %dma_start3A_392 : memref<1x128xi32, #tpu.memory_space<vmem>> -> memref<128xi32, #tpu.memory_space<vmem>>
      %dma_start3A_394 = arith.constant 0 : i32
      %dma_start3A_395 = arith.constant 0 : i32
      %dma_start3A_396 = tpu.memref_slice %arg4[%dma_start3A_394, %dma_start3A_395] : memref<10240x16xf32, #tpu.memory_space<hbm>> -> memref<10240x16xf32, #tpu.memory_space<hbm>>
      tpu.enqueue_indirect_dma source(%dma_start3A_396 : memref<10240x16xf32, #tpu.memory_space<hbm>>) target(%dma_start3A_390 : memref<128x16xf32, #tpu.memory_space<vmem>>) offsets(%dma_start3A_393 : memref<128xi32, #tpu.memory_space<vmem>>) semaphore(%arg21 : memref<!tpu.dma_semaphore, #tpu.memory_space<semaphore_mem>>)
      %dma_wait3A_397 = arith.constant 0 : i32
      %dma_wait3A_398 = arith.constant 0 : i32
      %dma_wait3A_399 = arith.constant 0 : i32
      %dma_wait3A_400 = tpu.memref_slice %arg14[%dma_wait3A_398, %dma_wait3A_399] : memref<128x16xf32, #tpu.memory_space<vmem>> -> memref<128x16xf32, #tpu.memory_space<vmem>>
      %dma_wait3A_401 = arith.constant 0 : i32
      %dma_wait3A_402 = tpu.memref_slice %arg6[%dma_wait3A_397, %dma_wait3A_401] : memref<1x128xi32, #tpu.memory_space<vmem>> -> memref<1x128xi32, #tpu.memory_space<vmem>>
      %dma_wait3A_403 = tpu.memref_squeeze %dma_wait3A_402 : memref<1x128xi32, #tpu.memory_space<vmem>> -> memref<128xi32, #tpu.memory_space<vmem>>
      %dma_wait3A_404 = arith.constant 0 : i32
      %dma_wait3A_405 = arith.constant 0 : i32
      %dma_wait3A_406 = tpu.memref_slice %arg4[%dma_wait3A_404, %dma_wait3A_405] : memref<10240x16xf32, #tpu.memory_space<hbm>> -> memref<10240x16xf32, #tpu.memory_space<hbm>>
      tpu.wait_indirect_dma semaphore(%arg20 : memref<!tpu.dma_semaphore, #tpu.memory_space<semaphore_mem>>) src(%dma_wait3A_406 : memref<10240x16xf32, #tpu.memory_space<hbm>>) dst(%dma_wait3A_400 : memref<128x16xf32, #tpu.memory_space<vmem>>)
      %dma_start3A_407 = arith.constant 0 : i32
      %dma_start3A_408 = arith.constant 0 : i32
      %dma_start3A_409 = tpu.memref_slice %arg12[%dma_start3A_407, %dma_start3A_408] : memref<1x128xi32, #tpu.memory_space<vmem>> -> memref<1x128xi32, #tpu.memory_space<vmem>>
      %dma_start3A_410 = tpu.memref_squeeze %dma_start3A_409 : memref<1x128xi32, #tpu.memory_space<vmem>> -> memref<128xi32, #tpu.memory_space<vmem>>
      %dma_start3A_411 = arith.constant 0 : i32
      %dma_start3A_412 = arith.constant 0 : i32
      %dma_start3A_413 = tpu.memref_slice %arg24[%dma_start3A_411, %dma_start3A_412] : memref<10240x16xf32, #tpu.memory_space<vmem_shared>> -> memref<10240x16xf32, #tpu.memory_space<vmem_shared>>
      tpu.enqueue_indirect_dma source(%arg14 : memref<128x16xf32, #tpu.memory_space<vmem>>) target(%dma_start3A_413 : memref<10240x16xf32, #tpu.memory_space<vmem_shared>>) offsets(%dma_start3A_410 : memref<128xi32, #tpu.memory_space<vmem>>) semaphore(%arg22 : memref<!tpu.dma_semaphore, #tpu.memory_space<semaphore_mem>>) {add = true}
      %dma_wait3A_414 = arith.constant 0 : i32
      %dma_wait3A_415 = arith.constant 0 : i32
      %dma_wait3A_416 = tpu.memref_slice %arg10[%dma_wait3A_414, %dma_wait3A_415] : memref<1x128xi32, #tpu.memory_space<vmem>> -> memref<1x128xi32, #tpu.memory_space<vmem>>
      %dma_wait3A_417 = tpu.memref_squeeze %dma_wait3A_416 : memref<1x128xi32, #tpu.memory_space<vmem>> -> memref<128xi32, #tpu.memory_space<vmem>>
      %dma_wait3A_418 = arith.constant 0 : i32
      %dma_wait3A_419 = arith.constant 0 : i32
      %dma_wait3A_420 = tpu.memref_slice %arg24[%dma_wait3A_418, %dma_wait3A_419] : memref<10240x16xf32, #tpu.memory_space<vmem_shared>> -> memref<10240x16xf32, #tpu.memory_space<vmem_shared>>
      tpu.wait_indirect_dma semaphore(%arg22 : memref<!tpu.dma_semaphore, #tpu.memory_space<semaphore_mem>>) src(%arg14 : memref<128x16xf32, #tpu.memory_space<vmem>>) dst(%dma_wait3A_420 : memref<10240x16xf32, #tpu.memory_space<vmem_shared>>)
      %add3A_421 = arith.constant 2 : i32
      %add3A_422 = arith.addi %mul3A_284, %add3A_421 : i32
      %add3A_423 = arith.constant 4 : i32
      %add3A_424 = arith.addi %add3A_422, %add3A_423 : i32
      %add3A_425 = arith.addi %mul3A_50, %add3A_424 : i32
      %dma_start3A_426 = arith.constant 0 : i32
      %dma_start3A_427 = tpu.memref_slice %arg2[%add3A_425, %dma_start3A_426] : memref<2560x128xi32, #tpu.memory_space<hbm>> -> memref<1x128xi32, #tpu.memory_space<hbm>>
      %dma_start3A_428 = arith.constant 0 : i32
      %dma_start3A_429 = tpu.memref_slice %arg2[%add3A_425, %dma_start3A_428] : memref<2560x128xi32, #tpu.memory_space<hbm>> -> memref<1x128xi32, #tpu.memory_space<hbm>>
      tpu.enqueue_dma source(%dma_start3A_429 : memref<1x128xi32, #tpu.memory_space<hbm>>) target(%arg8 : memref<1x128xi32, #tpu.memory_space<vmem>>) target_semaphore(%arg18 : memref<!tpu.dma_semaphore, #tpu.memory_space<semaphore_mem>>)
      %add3A_430 = arith.addi %mul3A_50, %add3A_424 : i32
      %dma_start3A_431 = arith.constant 0 : i32
      %dma_start3A_432 = tpu.memref_slice %arg3[%add3A_430, %dma_start3A_431] : memref<2560x128xi32, #tpu.memory_space<hbm>> -> memref<1x128xi32, #tpu.memory_space<hbm>>
      %dma_start3A_433 = arith.constant 0 : i32
      %dma_start3A_434 = tpu.memref_slice %arg3[%add3A_430, %dma_start3A_433] : memref<2560x128xi32, #tpu.memory_space<hbm>> -> memref<1x128xi32, #tpu.memory_space<hbm>>
      tpu.enqueue_dma source(%dma_start3A_434 : memref<1x128xi32, #tpu.memory_space<hbm>>) target(%arg12 : memref<1x128xi32, #tpu.memory_space<vmem>>) target_semaphore(%arg18 : memref<!tpu.dma_semaphore, #tpu.memory_space<semaphore_mem>>)
      %dma_wait3A_435 = arith.constant 0 : i32
      %dma_wait3A_436 = tpu.memref_slice %arg2[%mul3A_50, %dma_wait3A_435] : memref<2560x128xi32, #tpu.memory_space<hbm>> -> memref<1x128xi32, #tpu.memory_space<hbm>>
      %dma_wait3A_437 = arith.constant 0 : i32
      %dma_wait3A_438 = tpu.memref_slice %arg2[%mul3A_50, %dma_wait3A_437] : memref<2560x128xi32, #tpu.memory_space<hbm>> -> memref<1x128xi32, #tpu.memory_space<hbm>>
      tpu.wait_dma2 semaphore(%arg16 : memref<!tpu.dma_semaphore, #tpu.memory_space<semaphore_mem>>) src(%dma_wait3A_438 : memref<1x128xi32, #tpu.memory_space<hbm>>) dst(%arg6 : memref<1x128xi32, #tpu.memory_space<vmem>>)
      %dma_wait3A_439 = arith.constant 0 : i32
      %dma_wait3A_440 = tpu.memref_slice %arg3[%mul3A_50, %dma_wait3A_439] : memref<2560x128xi32, #tpu.memory_space<hbm>> -> memref<1x128xi32, #tpu.memory_space<hbm>>
      %dma_wait3A_441 = arith.constant 0 : i32
      %dma_wait3A_442 = tpu.memref_slice %arg3[%mul3A_50, %dma_wait3A_441] : memref<2560x128xi32, #tpu.memory_space<hbm>> -> memref<1x128xi32, #tpu.memory_space<hbm>>
      tpu.wait_dma2 semaphore(%arg16 : memref<!tpu.dma_semaphore, #tpu.memory_space<semaphore_mem>>) src(%dma_wait3A_442 : memref<1x128xi32, #tpu.memory_space<hbm>>) dst(%arg10 : memref<1x128xi32, #tpu.memory_space<vmem>>)
      %dma_start3A_443 = arith.constant 0 : i32
      %dma_start3A_444 = arith.constant 0 : i32
      %dma_start3A_445 = arith.constant 0 : i32
      %dma_start3A_446 = tpu.memref_slice %arg14[%dma_start3A_444, %dma_start3A_445] : memref<128x16xf32, #tpu.memory_space<vmem>> -> memref<128x16xf32, #tpu.memory_space<vmem>>
      %dma_start3A_447 = arith.constant 0 : i32
      %dma_start3A_448 = tpu.memref_slice %arg6[%dma_start3A_443, %dma_start3A_447] : memref<1x128xi32, #tpu.memory_space<vmem>> -> memref<1x128xi32, #tpu.memory_space<vmem>>
      %dma_start3A_449 = tpu.memref_squeeze %dma_start3A_448 : memref<1x128xi32, #tpu.memory_space<vmem>> -> memref<128xi32, #tpu.memory_space<vmem>>
      %dma_start3A_450 = arith.constant 0 : i32
      %dma_start3A_451 = arith.constant 0 : i32
      %dma_start3A_452 = tpu.memref_slice %arg4[%dma_start3A_450, %dma_start3A_451] : memref<10240x16xf32, #tpu.memory_space<hbm>> -> memref<10240x16xf32, #tpu.memory_space<hbm>>
      tpu.enqueue_indirect_dma source(%dma_start3A_452 : memref<10240x16xf32, #tpu.memory_space<hbm>>) target(%dma_start3A_446 : memref<128x16xf32, #tpu.memory_space<vmem>>) offsets(%dma_start3A_449 : memref<128xi32, #tpu.memory_space<vmem>>) semaphore(%arg20 : memref<!tpu.dma_semaphore, #tpu.memory_space<semaphore_mem>>)
      %dma_wait3A_453 = arith.constant 0 : i32
      %dma_wait3A_454 = arith.constant 0 : i32
      %dma_wait3A_455 = arith.constant 0 : i32
      %dma_wait3A_456 = tpu.memref_slice %arg15[%dma_wait3A_454, %dma_wait3A_455] : memref<128x16xf32, #tpu.memory_space<vmem>> -> memref<128x16xf32, #tpu.memory_space<vmem>>
      %dma_wait3A_457 = arith.constant 0 : i32
      %dma_wait3A_458 = tpu.memref_slice %arg6[%dma_wait3A_453, %dma_wait3A_457] : memref<1x128xi32, #tpu.memory_space<vmem>> -> memref<1x128xi32, #tpu.memory_space<vmem>>
      %dma_wait3A_459 = tpu.memref_squeeze %dma_wait3A_458 : memref<1x128xi32, #tpu.memory_space<vmem>> -> memref<128xi32, #tpu.memory_space<vmem>>
      %dma_wait3A_460 = arith.constant 0 : i32
      %dma_wait3A_461 = arith.constant 0 : i32
      %dma_wait3A_462 = tpu.memref_slice %arg4[%dma_wait3A_460, %dma_wait3A_461] : memref<10240x16xf32, #tpu.memory_space<hbm>> -> memref<10240x16xf32, #tpu.memory_space<hbm>>
      tpu.wait_indirect_dma semaphore(%arg21 : memref<!tpu.dma_semaphore, #tpu.memory_space<semaphore_mem>>) src(%dma_wait3A_462 : memref<10240x16xf32, #tpu.memory_space<hbm>>) dst(%dma_wait3A_456 : memref<128x16xf32, #tpu.memory_space<vmem>>)
      %dma_start3A_463 = arith.constant 0 : i32
      %dma_start3A_464 = arith.constant 0 : i32
      %dma_start3A_465 = tpu.memref_slice %arg13[%dma_start3A_463, %dma_start3A_464] : memref<1x128xi32, #tpu.memory_space<vmem>> -> memref<1x128xi32, #tpu.memory_space<vmem>>
      %dma_start3A_466 = tpu.memref_squeeze %dma_start3A_465 : memref<1x128xi32, #tpu.memory_space<vmem>> -> memref<128xi32, #tpu.memory_space<vmem>>
      %dma_start3A_467 = arith.constant 0 : i32
      %dma_start3A_468 = arith.constant 0 : i32
      %dma_start3A_469 = tpu.memref_slice %arg25[%dma_start3A_467, %dma_start3A_468] : memref<10240x16xf32, #tpu.memory_space<vmem_shared>> -> memref<10240x16xf32, #tpu.memory_space<vmem_shared>>
      tpu.enqueue_indirect_dma source(%arg15 : memref<128x16xf32, #tpu.memory_space<vmem>>) target(%dma_start3A_469 : memref<10240x16xf32, #tpu.memory_space<vmem_shared>>) offsets(%dma_start3A_466 : memref<128xi32, #tpu.memory_space<vmem>>) semaphore(%arg23 : memref<!tpu.dma_semaphore, #tpu.memory_space<semaphore_mem>>) {add = true}
      %dma_wait3A_470 = arith.constant 0 : i32
      %dma_wait3A_471 = arith.constant 0 : i32
      %dma_wait3A_472 = tpu.memref_slice %arg10[%dma_wait3A_470, %dma_wait3A_471] : memref<1x128xi32, #tpu.memory_space<vmem>> -> memref<1x128xi32, #tpu.memory_space<vmem>>
      %dma_wait3A_473 = tpu.memref_squeeze %dma_wait3A_472 : memref<1x128xi32, #tpu.memory_space<vmem>> -> memref<128xi32, #tpu.memory_space<vmem>>
      %dma_wait3A_474 = arith.constant 0 : i32
      %dma_wait3A_475 = arith.constant 0 : i32
      %dma_wait3A_476 = tpu.memref_slice %arg25[%dma_wait3A_474, %dma_wait3A_475] : memref<10240x16xf32, #tpu.memory_space<vmem_shared>> -> memref<10240x16xf32, #tpu.memory_space<vmem_shared>>
      tpu.wait_indirect_dma semaphore(%arg23 : memref<!tpu.dma_semaphore, #tpu.memory_space<semaphore_mem>>) src(%arg15 : memref<128x16xf32, #tpu.memory_space<vmem>>) dst(%dma_wait3A_476 : memref<10240x16xf32, #tpu.memory_space<vmem_shared>>)
      %add3A_477 = arith.constant 3 : i32
      %add3A_478 = arith.addi %mul3A_284, %add3A_477 : i32
      %add3A_479 = arith.constant 4 : i32
      %add3A_480 = arith.addi %add3A_478, %add3A_479 : i32
      %add3A_481 = arith.addi %mul3A_50, %add3A_480 : i32
      %dma_start3A_482 = arith.constant 0 : i32
      %dma_start3A_483 = tpu.memref_slice %arg2[%add3A_481, %dma_start3A_482] : memref<2560x128xi32, #tpu.memory_space<hbm>> -> memref<1x128xi32, #tpu.memory_space<hbm>>
      %dma_start3A_484 = arith.constant 0 : i32
      %dma_start3A_485 = tpu.memref_slice %arg2[%add3A_481, %dma_start3A_484] : memref<2560x128xi32, #tpu.memory_space<hbm>> -> memref<1x128xi32, #tpu.memory_space<hbm>>
      tpu.enqueue_dma source(%dma_start3A_485 : memref<1x128xi32, #tpu.memory_space<hbm>>) target(%arg9 : memref<1x128xi32, #tpu.memory_space<vmem>>) target_semaphore(%arg19 : memref<!tpu.dma_semaphore, #tpu.memory_space<semaphore_mem>>)
      %add3A_486 = arith.addi %mul3A_50, %add3A_480 : i32
      %dma_start3A_487 = arith.constant 0 : i32
      %dma_start3A_488 = tpu.memref_slice %arg3[%add3A_486, %dma_start3A_487] : memref<2560x128xi32, #tpu.memory_space<hbm>> -> memref<1x128xi32, #tpu.memory_space<hbm>>
      %dma_start3A_489 = arith.constant 0 : i32
      %dma_start3A_490 = tpu.memref_slice %arg3[%add3A_486, %dma_start3A_489] : memref<2560x128xi32, #tpu.memory_space<hbm>> -> memref<1x128xi32, #tpu.memory_space<hbm>>
      tpu.enqueue_dma source(%dma_start3A_490 : memref<1x128xi32, #tpu.memory_space<hbm>>) target(%arg13 : memref<1x128xi32, #tpu.memory_space<vmem>>) target_semaphore(%arg19 : memref<!tpu.dma_semaphore, #tpu.memory_space<semaphore_mem>>)
      %dma_wait3A_491 = arith.constant 0 : i32
      %dma_wait3A_492 = tpu.memref_slice %arg2[%mul3A_50, %dma_wait3A_491] : memref<2560x128xi32, #tpu.memory_space<hbm>> -> memref<1x128xi32, #tpu.memory_space<hbm>>
      %dma_wait3A_493 = arith.constant 0 : i32
      %dma_wait3A_494 = tpu.memref_slice %arg2[%mul3A_50, %dma_wait3A_493] : memref<2560x128xi32, #tpu.memory_space<hbm>> -> memref<1x128xi32, #tpu.memory_space<hbm>>
      tpu.wait_dma2 semaphore(%arg17 : memref<!tpu.dma_semaphore, #tpu.memory_space<semaphore_mem>>) src(%dma_wait3A_494 : memref<1x128xi32, #tpu.memory_space<hbm>>) dst(%arg7 : memref<1x128xi32, #tpu.memory_space<vmem>>)
      %dma_wait3A_495 = arith.constant 0 : i32
      %dma_wait3A_496 = tpu.memref_slice %arg3[%mul3A_50, %dma_wait3A_495] : memref<2560x128xi32, #tpu.memory_space<hbm>> -> memref<1x128xi32, #tpu.memory_space<hbm>>
      %dma_wait3A_497 = arith.constant 0 : i32
      %dma_wait3A_498 = tpu.memref_slice %arg3[%mul3A_50, %dma_wait3A_497] : memref<2560x128xi32, #tpu.memory_space<hbm>> -> memref<1x128xi32, #tpu.memory_space<hbm>>
      tpu.wait_dma2 semaphore(%arg17 : memref<!tpu.dma_semaphore, #tpu.memory_space<semaphore_mem>>) src(%dma_wait3A_498 : memref<1x128xi32, #tpu.memory_space<hbm>>) dst(%arg11 : memref<1x128xi32, #tpu.memory_space<vmem>>)
      %dma_start3A_499 = arith.constant 0 : i32
      %dma_start3A_500 = arith.constant 0 : i32
      %dma_start3A_501 = arith.constant 0 : i32
      %dma_start3A_502 = tpu.memref_slice %arg15[%dma_start3A_500, %dma_start3A_501] : memref<128x16xf32, #tpu.memory_space<vmem>> -> memref<128x16xf32, #tpu.memory_space<vmem>>
      %dma_start3A_503 = arith.constant 0 : i32
      %dma_start3A_504 = tpu.memref_slice %arg7[%dma_start3A_499, %dma_start3A_503] : memref<1x128xi32, #tpu.memory_space<vmem>> -> memref<1x128xi32, #tpu.memory_space<vmem>>
      %dma_start3A_505 = tpu.memref_squeeze %dma_start3A_504 : memref<1x128xi32, #tpu.memory_space<vmem>> -> memref<128xi32, #tpu.memory_space<vmem>>
      %dma_start3A_506 = arith.constant 0 : i32
      %dma_start3A_507 = arith.constant 0 : i32
      %dma_start3A_508 = tpu.memref_slice %arg4[%dma_start3A_506, %dma_start3A_507] : memref<10240x16xf32, #tpu.memory_space<hbm>> -> memref<10240x16xf32, #tpu.memory_space<hbm>>
      tpu.enqueue_indirect_dma source(%dma_start3A_508 : memref<10240x16xf32, #tpu.memory_space<hbm>>) target(%dma_start3A_502 : memref<128x16xf32, #tpu.memory_space<vmem>>) offsets(%dma_start3A_505 : memref<128xi32, #tpu.memory_space<vmem>>) semaphore(%arg21 : memref<!tpu.dma_semaphore, #tpu.memory_space<semaphore_mem>>)
    }
    %scan3A_138 = arith.constant 19 : i32
    %dma_wait3A_139 = arith.constant 0 : i32
    %dma_wait3A_140 = arith.constant 0 : i32
    %dma_wait3A_141 = arith.constant 0 : i32
    %dma_wait3A_142 = tpu.memref_slice %arg14[%dma_wait3A_140, %dma_wait3A_141] : memref<128x16xf32, #tpu.memory_space<vmem>> -> memref<128x16xf32, #tpu.memory_space<vmem>>
    %dma_wait3A_143 = arith.constant 0 : i32
    %dma_wait3A_144 = tpu.memref_slice %arg6[%dma_wait3A_139, %dma_wait3A_143] : memref<1x128xi32, #tpu.memory_space<vmem>> -> memref<1x128xi32, #tpu.memory_space<vmem>>
    %dma_wait3A_145 = tpu.memref_squeeze %dma_wait3A_144 : memref<1x128xi32, #tpu.memory_space<vmem>> -> memref<128xi32, #tpu.memory_space<vmem>>
    %dma_wait3A_146 = arith.constant 0 : i32
    %dma_wait3A_147 = arith.constant 0 : i32
    %dma_wait3A_148 = tpu.memref_slice %arg4[%dma_wait3A_146, %dma_wait3A_147] : memref<10240x16xf32, #tpu.memory_space<hbm>> -> memref<10240x16xf32, #tpu.memory_space<hbm>>
    tpu.wait_indirect_dma semaphore(%arg20 : memref<!tpu.dma_semaphore, #tpu.memory_space<semaphore_mem>>) src(%dma_wait3A_148 : memref<10240x16xf32, #tpu.memory_space<hbm>>) dst(%dma_wait3A_142 : memref<128x16xf32, #tpu.memory_space<vmem>>)
    %dma_start3A_149 = arith.constant 0 : i32
    %dma_start3A_150 = arith.constant 0 : i32
    %dma_start3A_151 = tpu.memref_slice %arg10[%dma_start3A_149, %dma_start3A_150] : memref<1x128xi32, #tpu.memory_space<vmem>> -> memref<1x128xi32, #tpu.memory_space<vmem>>
    %dma_start3A_152 = tpu.memref_squeeze %dma_start3A_151 : memref<1x128xi32, #tpu.memory_space<vmem>> -> memref<128xi32, #tpu.memory_space<vmem>>
    %dma_start3A_153 = arith.constant 0 : i32
    %dma_start3A_154 = arith.constant 0 : i32
    %dma_start3A_155 = tpu.memref_slice %arg24[%dma_start3A_153, %dma_start3A_154] : memref<10240x16xf32, #tpu.memory_space<vmem_shared>> -> memref<10240x16xf32, #tpu.memory_space<vmem_shared>>
    tpu.enqueue_indirect_dma source(%arg14 : memref<128x16xf32, #tpu.memory_space<vmem>>) target(%dma_start3A_155 : memref<10240x16xf32, #tpu.memory_space<vmem_shared>>) offsets(%dma_start3A_152 : memref<128xi32, #tpu.memory_space<vmem>>) semaphore(%arg22 : memref<!tpu.dma_semaphore, #tpu.memory_space<semaphore_mem>>) {add = true}
    %dma_wait3A_156 = arith.constant 0 : i32
    %dma_wait3A_157 = arith.constant 0 : i32
    %dma_wait3A_158 = tpu.memref_slice %arg10[%dma_wait3A_156, %dma_wait3A_157] : memref<1x128xi32, #tpu.memory_space<vmem>> -> memref<1x128xi32, #tpu.memory_space<vmem>>
    %dma_wait3A_159 = tpu.memref_squeeze %dma_wait3A_158 : memref<1x128xi32, #tpu.memory_space<vmem>> -> memref<128xi32, #tpu.memory_space<vmem>>
    %dma_wait3A_160 = arith.constant 0 : i32
    %dma_wait3A_161 = arith.constant 0 : i32
    %dma_wait3A_162 = tpu.memref_slice %arg24[%dma_wait3A_160, %dma_wait3A_161] : memref<10240x16xf32, #tpu.memory_space<vmem_shared>> -> memref<10240x16xf32, #tpu.memory_space<vmem_shared>>
    tpu.wait_indirect_dma semaphore(%arg22 : memref<!tpu.dma_semaphore, #tpu.memory_space<semaphore_mem>>) src(%arg14 : memref<128x16xf32, #tpu.memory_space<vmem>>) dst(%dma_wait3A_162 : memref<10240x16xf32, #tpu.memory_space<vmem_shared>>)
    %dma_wait3A_163 = arith.constant 0 : i32
    %dma_wait3A_164 = tpu.memref_slice %arg2[%mul3A_50, %dma_wait3A_163] : memref<2560x128xi32, #tpu.memory_space<hbm>> -> memref<1x128xi32, #tpu.memory_space<hbm>>
    %dma_wait3A_165 = arith.constant 0 : i32
    %dma_wait3A_166 = tpu.memref_slice %arg2[%mul3A_50, %dma_wait3A_165] : memref<2560x128xi32, #tpu.memory_space<hbm>> -> memref<1x128xi32, #tpu.memory_space<hbm>>
    tpu.wait_dma2 semaphore(%arg18 : memref<!tpu.dma_semaphore, #tpu.memory_space<semaphore_mem>>) src(%dma_wait3A_166 : memref<1x128xi32, #tpu.memory_space<hbm>>) dst(%arg8 : memref<1x128xi32, #tpu.memory_space<vmem>>)
    %dma_wait3A_167 = arith.constant 0 : i32
    %dma_wait3A_168 = tpu.memref_slice %arg3[%mul3A_50, %dma_wait3A_167] : memref<2560x128xi32, #tpu.memory_space<hbm>> -> memref<1x128xi32, #tpu.memory_space<hbm>>
    %dma_wait3A_169 = arith.constant 0 : i32
    %dma_wait3A_170 = tpu.memref_slice %arg3[%mul3A_50, %dma_wait3A_169] : memref<2560x128xi32, #tpu.memory_space<hbm>> -> memref<1x128xi32, #tpu.memory_space<hbm>>
    tpu.wait_dma2 semaphore(%arg18 : memref<!tpu.dma_semaphore, #tpu.memory_space<semaphore_mem>>) src(%dma_wait3A_170 : memref<1x128xi32, #tpu.memory_space<hbm>>) dst(%arg12 : memref<1x128xi32, #tpu.memory_space<vmem>>)
    %dma_start3A_171 = arith.constant 0 : i32
    %dma_start3A_172 = arith.constant 0 : i32
    %dma_start3A_173 = arith.constant 0 : i32
    %dma_start3A_174 = tpu.memref_slice %arg14[%dma_start3A_172, %dma_start3A_173] : memref<128x16xf32, #tpu.memory_space<vmem>> -> memref<128x16xf32, #tpu.memory_space<vmem>>
    %dma_start3A_175 = arith.constant 0 : i32
    %dma_start3A_176 = tpu.memref_slice %arg8[%dma_start3A_171, %dma_start3A_175] : memref<1x128xi32, #tpu.memory_space<vmem>> -> memref<1x128xi32, #tpu.memory_space<vmem>>
    %dma_start3A_177 = tpu.memref_squeeze %dma_start3A_176 : memref<1x128xi32, #tpu.memory_space<vmem>> -> memref<128xi32, #tpu.memory_space<vmem>>
    %dma_start3A_178 = arith.constant 0 : i32
    %dma_start3A_179 = arith.constant 0 : i32
    %dma_start3A_180 = tpu.memref_slice %arg4[%dma_start3A_178, %dma_start3A_179] : memref<10240x16xf32, #tpu.memory_space<hbm>> -> memref<10240x16xf32, #tpu.memory_space<hbm>>
    tpu.enqueue_indirect_dma source(%dma_start3A_180 : memref<10240x16xf32, #tpu.memory_space<hbm>>) target(%dma_start3A_174 : memref<128x16xf32, #tpu.memory_space<vmem>>) offsets(%dma_start3A_177 : memref<128xi32, #tpu.memory_space<vmem>>) semaphore(%arg20 : memref<!tpu.dma_semaphore, #tpu.memory_space<semaphore_mem>>)
    %dma_wait3A_181 = arith.constant 0 : i32
    %dma_wait3A_182 = arith.constant 0 : i32
    %dma_wait3A_183 = arith.constant 0 : i32
    %dma_wait3A_184 = tpu.memref_slice %arg15[%dma_wait3A_182, %dma_wait3A_183] : memref<128x16xf32, #tpu.memory_space<vmem>> -> memref<128x16xf32, #tpu.memory_space<vmem>>
    %dma_wait3A_185 = arith.constant 0 : i32
    %dma_wait3A_186 = tpu.memref_slice %arg6[%dma_wait3A_181, %dma_wait3A_185] : memref<1x128xi32, #tpu.memory_space<vmem>> -> memref<1x128xi32, #tpu.memory_space<vmem>>
    %dma_wait3A_187 = tpu.memref_squeeze %dma_wait3A_186 : memref<1x128xi32, #tpu.memory_space<vmem>> -> memref<128xi32, #tpu.memory_space<vmem>>
    %dma_wait3A_188 = arith.constant 0 : i32
    %dma_wait3A_189 = arith.constant 0 : i32
    %dma_wait3A_190 = tpu.memref_slice %arg4[%dma_wait3A_188, %dma_wait3A_189] : memref<10240x16xf32, #tpu.memory_space<hbm>> -> memref<10240x16xf32, #tpu.memory_space<hbm>>
    tpu.wait_indirect_dma semaphore(%arg21 : memref<!tpu.dma_semaphore, #tpu.memory_space<semaphore_mem>>) src(%dma_wait3A_190 : memref<10240x16xf32, #tpu.memory_space<hbm>>) dst(%dma_wait3A_184 : memref<128x16xf32, #tpu.memory_space<vmem>>)
    %dma_start3A_191 = arith.constant 0 : i32
    %dma_start3A_192 = arith.constant 0 : i32
    %dma_start3A_193 = tpu.memref_slice %arg11[%dma_start3A_191, %dma_start3A_192] : memref<1x128xi32, #tpu.memory_space<vmem>> -> memref<1x128xi32, #tpu.memory_space<vmem>>
    %dma_start3A_194 = tpu.memref_squeeze %dma_start3A_193 : memref<1x128xi32, #tpu.memory_space<vmem>> -> memref<128xi32, #tpu.memory_space<vmem>>
    %dma_start3A_195 = arith.constant 0 : i32
    %dma_start3A_196 = arith.constant 0 : i32
    %dma_start3A_197 = tpu.memref_slice %arg25[%dma_start3A_195, %dma_start3A_196] : memref<10240x16xf32, #tpu.memory_space<vmem_shared>> -> memref<10240x16xf32, #tpu.memory_space<vmem_shared>>
    tpu.enqueue_indirect_dma source(%arg15 : memref<128x16xf32, #tpu.memory_space<vmem>>) target(%dma_start3A_197 : memref<10240x16xf32, #tpu.memory_space<vmem_shared>>) offsets(%dma_start3A_194 : memref<128xi32, #tpu.memory_space<vmem>>) semaphore(%arg23 : memref<!tpu.dma_semaphore, #tpu.memory_space<semaphore_mem>>) {add = true}
    %dma_wait3A_198 = arith.constant 0 : i32
    %dma_wait3A_199 = arith.constant 0 : i32
    %dma_wait3A_200 = tpu.memref_slice %arg10[%dma_wait3A_198, %dma_wait3A_199] : memref<1x128xi32, #tpu.memory_space<vmem>> -> memref<1x128xi32, #tpu.memory_space<vmem>>
    %dma_wait3A_201 = tpu.memref_squeeze %dma_wait3A_200 : memref<1x128xi32, #tpu.memory_space<vmem>> -> memref<128xi32, #tpu.memory_space<vmem>>
    %dma_wait3A_202 = arith.constant 0 : i32
    %dma_wait3A_203 = arith.constant 0 : i32
    %dma_wait3A_204 = tpu.memref_slice %arg25[%dma_wait3A_202, %dma_wait3A_203] : memref<10240x16xf32, #tpu.memory_space<vmem_shared>> -> memref<10240x16xf32, #tpu.memory_space<vmem_shared>>
    tpu.wait_indirect_dma semaphore(%arg23 : memref<!tpu.dma_semaphore, #tpu.memory_space<semaphore_mem>>) src(%arg15 : memref<128x16xf32, #tpu.memory_space<vmem>>) dst(%dma_wait3A_204 : memref<10240x16xf32, #tpu.memory_space<vmem_shared>>)
    %dma_wait3A_205 = arith.constant 0 : i32
    %dma_wait3A_206 = tpu.memref_slice %arg2[%mul3A_50, %dma_wait3A_205] : memref<2560x128xi32, #tpu.memory_space<hbm>> -> memref<1x128xi32, #tpu.memory_space<hbm>>
    %dma_wait3A_207 = arith.constant 0 : i32
    %dma_wait3A_208 = tpu.memref_slice %arg2[%mul3A_50, %dma_wait3A_207] : memref<2560x128xi32, #tpu.memory_space<hbm>> -> memref<1x128xi32, #tpu.memory_space<hbm>>
    tpu.wait_dma2 semaphore(%arg19 : memref<!tpu.dma_semaphore, #tpu.memory_space<semaphore_mem>>) src(%dma_wait3A_208 : memref<1x128xi32, #tpu.memory_space<hbm>>) dst(%arg9 : memref<1x128xi32, #tpu.memory_space<vmem>>)
    %dma_wait3A_209 = arith.constant 0 : i32
    %dma_wait3A_210 = tpu.memref_slice %arg3[%mul3A_50, %dma_wait3A_209] : memref<2560x128xi32, #tpu.memory_space<hbm>> -> memref<1x128xi32, #tpu.memory_space<hbm>>
    %dma_wait3A_211 = arith.constant 0 : i32
    %dma_wait3A_212 = tpu.memref_slice %arg3[%mul3A_50, %dma_wait3A_211] : memref<2560x128xi32, #tpu.memory_space<hbm>> -> memref<1x128xi32, #tpu.memory_space<hbm>>
    tpu.wait_dma2 semaphore(%arg19 : memref<!tpu.dma_semaphore, #tpu.memory_space<semaphore_mem>>) src(%dma_wait3A_212 : memref<1x128xi32, #tpu.memory_space<hbm>>) dst(%arg13 : memref<1x128xi32, #tpu.memory_space<vmem>>)
    %dma_start3A_213 = arith.constant 0 : i32
    %dma_start3A_214 = arith.constant 0 : i32
    %dma_start3A_215 = arith.constant 0 : i32
    %dma_start3A_216 = tpu.memref_slice %arg15[%dma_start3A_214, %dma_start3A_215] : memref<128x16xf32, #tpu.memory_space<vmem>> -> memref<128x16xf32, #tpu.memory_space<vmem>>
    %dma_start3A_217 = arith.constant 0 : i32
    %dma_start3A_218 = tpu.memref_slice %arg9[%dma_start3A_213, %dma_start3A_217] : memref<1x128xi32, #tpu.memory_space<vmem>> -> memref<1x128xi32, #tpu.memory_space<vmem>>
    %dma_start3A_219 = tpu.memref_squeeze %dma_start3A_218 : memref<1x128xi32, #tpu.memory_space<vmem>> -> memref<128xi32, #tpu.memory_space<vmem>>
    %dma_start3A_220 = arith.constant 0 : i32
    %dma_start3A_221 = arith.constant 0 : i32
    %dma_start3A_222 = tpu.memref_slice %arg4[%dma_start3A_220, %dma_start3A_221] : memref<10240x16xf32, #tpu.memory_space<hbm>> -> memref<10240x16xf32, #tpu.memory_space<hbm>>
    tpu.enqueue_indirect_dma source(%dma_start3A_222 : memref<10240x16xf32, #tpu.memory_space<hbm>>) target(%dma_start3A_216 : memref<128x16xf32, #tpu.memory_space<vmem>>) offsets(%dma_start3A_219 : memref<128xi32, #tpu.memory_space<vmem>>) semaphore(%arg21 : memref<!tpu.dma_semaphore, #tpu.memory_space<semaphore_mem>>)
    %dma_wait3A_223 = arith.constant 0 : i32
    %dma_wait3A_224 = arith.constant 0 : i32
    %dma_wait3A_225 = arith.constant 0 : i32
    %dma_wait3A_226 = tpu.memref_slice %arg14[%dma_wait3A_224, %dma_wait3A_225] : memref<128x16xf32, #tpu.memory_space<vmem>> -> memref<128x16xf32, #tpu.memory_space<vmem>>
    %dma_wait3A_227 = arith.constant 0 : i32
    %dma_wait3A_228 = tpu.memref_slice %arg6[%dma_wait3A_223, %dma_wait3A_227] : memref<1x128xi32, #tpu.memory_space<vmem>> -> memref<1x128xi32, #tpu.memory_space<vmem>>
    %dma_wait3A_229 = tpu.memref_squeeze %dma_wait3A_228 : memref<1x128xi32, #tpu.memory_space<vmem>> -> memref<128xi32, #tpu.memory_space<vmem>>
    %dma_wait3A_230 = arith.constant 0 : i32
    %dma_wait3A_231 = arith.constant 0 : i32
    %dma_wait3A_232 = tpu.memref_slice %arg4[%dma_wait3A_230, %dma_wait3A_231] : memref<10240x16xf32, #tpu.memory_space<hbm>> -> memref<10240x16xf32, #tpu.memory_space<hbm>>
    tpu.wait_indirect_dma semaphore(%arg20 : memref<!tpu.dma_semaphore, #tpu.memory_space<semaphore_mem>>) src(%dma_wait3A_232 : memref<10240x16xf32, #tpu.memory_space<hbm>>) dst(%dma_wait3A_226 : memref<128x16xf32, #tpu.memory_space<vmem>>)
    %dma_start3A_233 = arith.constant 0 : i32
    %dma_start3A_234 = arith.constant 0 : i32
    %dma_start3A_235 = tpu.memref_slice %arg12[%dma_start3A_233, %dma_start3A_234] : memref<1x128xi32, #tpu.memory_space<vmem>> -> memref<1x128xi32, #tpu.memory_space<vmem>>
    %dma_start3A_236 = tpu.memref_squeeze %dma_start3A_235 : memref<1x128xi32, #tpu.memory_space<vmem>> -> memref<128xi32, #tpu.memory_space<vmem>>
    %dma_start3A_237 = arith.constant 0 : i32
    %dma_start3A_238 = arith.constant 0 : i32
    %dma_start3A_239 = tpu.memref_slice %arg24[%dma_start3A_237, %dma_start3A_238] : memref<10240x16xf32, #tpu.memory_space<vmem_shared>> -> memref<10240x16xf32, #tpu.memory_space<vmem_shared>>
    tpu.enqueue_indirect_dma source(%arg14 : memref<128x16xf32, #tpu.memory_space<vmem>>) target(%dma_start3A_239 : memref<10240x16xf32, #tpu.memory_space<vmem_shared>>) offsets(%dma_start3A_236 : memref<128xi32, #tpu.memory_space<vmem>>) semaphore(%arg22 : memref<!tpu.dma_semaphore, #tpu.memory_space<semaphore_mem>>) {add = true}
    %dma_wait3A_240 = arith.constant 0 : i32
    %dma_wait3A_241 = arith.constant 0 : i32
    %dma_wait3A_242 = tpu.memref_slice %arg10[%dma_wait3A_240, %dma_wait3A_241] : memref<1x128xi32, #tpu.memory_space<vmem>> -> memref<1x128xi32, #tpu.memory_space<vmem>>
    %dma_wait3A_243 = tpu.memref_squeeze %dma_wait3A_242 : memref<1x128xi32, #tpu.memory_space<vmem>> -> memref<128xi32, #tpu.memory_space<vmem>>
    %dma_wait3A_244 = arith.constant 0 : i32
    %dma_wait3A_245 = arith.constant 0 : i32
    %dma_wait3A_246 = tpu.memref_slice %arg24[%dma_wait3A_244, %dma_wait3A_245] : memref<10240x16xf32, #tpu.memory_space<vmem_shared>> -> memref<10240x16xf32, #tpu.memory_space<vmem_shared>>
    tpu.wait_indirect_dma semaphore(%arg22 : memref<!tpu.dma_semaphore, #tpu.memory_space<semaphore_mem>>) src(%arg14 : memref<128x16xf32, #tpu.memory_space<vmem>>) dst(%dma_wait3A_246 : memref<10240x16xf32, #tpu.memory_space<vmem_shared>>)
    %dma_wait3A_247 = arith.constant 0 : i32
    %dma_wait3A_248 = arith.constant 0 : i32
    %dma_wait3A_249 = arith.constant 0 : i32
    %dma_wait3A_250 = tpu.memref_slice %arg15[%dma_wait3A_248, %dma_wait3A_249] : memref<128x16xf32, #tpu.memory_space<vmem>> -> memref<128x16xf32, #tpu.memory_space<vmem>>
    %dma_wait3A_251 = arith.constant 0 : i32
    %dma_wait3A_252 = tpu.memref_slice %arg6[%dma_wait3A_247, %dma_wait3A_251] : memref<1x128xi32, #tpu.memory_space<vmem>> -> memref<1x128xi32, #tpu.memory_space<vmem>>
    %dma_wait3A_253 = tpu.memref_squeeze %dma_wait3A_252 : memref<1x128xi32, #tpu.memory_space<vmem>> -> memref<128xi32, #tpu.memory_space<vmem>>
    %dma_wait3A_254 = arith.constant 0 : i32
    %dma_wait3A_255 = arith.constant 0 : i32
    %dma_wait3A_256 = tpu.memref_slice %arg4[%dma_wait3A_254, %dma_wait3A_255] : memref<10240x16xf32, #tpu.memory_space<hbm>> -> memref<10240x16xf32, #tpu.memory_space<hbm>>
    tpu.wait_indirect_dma semaphore(%arg21 : memref<!tpu.dma_semaphore, #tpu.memory_space<semaphore_mem>>) src(%dma_wait3A_256 : memref<10240x16xf32, #tpu.memory_space<hbm>>) dst(%dma_wait3A_250 : memref<128x16xf32, #tpu.memory_space<vmem>>)
    %dma_start3A_257 = arith.constant 0 : i32
    %dma_start3A_258 = arith.constant 0 : i32
    %dma_start3A_259 = tpu.memref_slice %arg13[%dma_start3A_257, %dma_start3A_258] : memref<1x128xi32, #tpu.memory_space<vmem>> -> memref<1x128xi32, #tpu.memory_space<vmem>>
    %dma_start3A_260 = tpu.memref_squeeze %dma_start3A_259 : memref<1x128xi32, #tpu.memory_space<vmem>> -> memref<128xi32, #tpu.memory_space<vmem>>
    %dma_start3A_261 = arith.constant 0 : i32
    %dma_start3A_262 = arith.constant 0 : i32
    %dma_start3A_263 = tpu.memref_slice %arg25[%dma_start3A_261, %dma_start3A_262] : memref<10240x16xf32, #tpu.memory_space<vmem_shared>> -> memref<10240x16xf32, #tpu.memory_space<vmem_shared>>
    tpu.enqueue_indirect_dma source(%arg15 : memref<128x16xf32, #tpu.memory_space<vmem>>) target(%dma_start3A_263 : memref<10240x16xf32, #tpu.memory_space<vmem_shared>>) offsets(%dma_start3A_260 : memref<128xi32, #tpu.memory_space<vmem>>) semaphore(%arg23 : memref<!tpu.dma_semaphore, #tpu.memory_space<semaphore_mem>>) {add = true}
    %dma_wait3A_264 = arith.constant 0 : i32
    %dma_wait3A_265 = arith.constant 0 : i32
    %dma_wait3A_266 = tpu.memref_slice %arg10[%dma_wait3A_264, %dma_wait3A_265] : memref<1x128xi32, #tpu.memory_space<vmem>> -> memref<1x128xi32, #tpu.memory_space<vmem>>
    %dma_wait3A_267 = tpu.memref_squeeze %dma_wait3A_266 : memref<1x128xi32, #tpu.memory_space<vmem>> -> memref<128xi32, #tpu.memory_space<vmem>>
    %dma_wait3A_268 = arith.constant 0 : i32
    %dma_wait3A_269 = arith.constant 0 : i32
    %dma_wait3A_270 = tpu.memref_slice %arg25[%dma_wait3A_268, %dma_wait3A_269] : memref<10240x16xf32, #tpu.memory_space<vmem_shared>> -> memref<10240x16xf32, #tpu.memory_space<vmem_shared>>
    tpu.wait_indirect_dma semaphore(%arg23 : memref<!tpu.dma_semaphore, #tpu.memory_space<semaphore_mem>>) src(%arg15 : memref<128x16xf32, #tpu.memory_space<vmem>>) dst(%dma_wait3A_270 : memref<10240x16xf32, #tpu.memory_space<vmem_shared>>)
    %barrier3A_271 = arith.constant 0 : index
    tpu.barrier barrier_id(%barrier3A_271)
    %mul3A_272 = arith.constant 640 : i32
    %mul3A_273 = arith.muli %arg1, %mul3A_272 : i32
    %mul3A_274 = arith.constant 10240 : i32
    %mul3A_275 = arith.muli %arg0, %mul3A_274 : i32
    %add3A_276 = arith.addi %mul3A_275, %mul3A_273 : i32
    "tpu.region"() ({
      %run_scoped3A = tpu.sem_alloc : memref<!tpu.dma_semaphore, #tpu.memory_space<semaphore_mem>>
      %dma_start3A_282 = arith.constant 0 : i32
      %dma_start3A_283 = tpu.memref_slice %arg5[%add3A_276, %dma_start3A_282] : memref<40960x16xf32, #tpu.memory_space<hbm>> -> memref<640x16xf32, #tpu.memory_space<hbm>>
      %dma_start3A_284 = arith.constant 0 : i32
      %dma_start3A_285 = tpu.memref_slice %arg24[%mul3A_273, %dma_start3A_284] : memref<10240x16xf32, #tpu.memory_space<vmem_shared>> -> memref<640x16xf32, #tpu.memory_space<vmem_shared>>
      tpu.enqueue_dma source(%dma_start3A_285 : memref<640x16xf32, #tpu.memory_space<vmem_shared>>) target(%dma_start3A_283 : memref<640x16xf32, #tpu.memory_space<hbm>>) target_semaphore(%run_scoped3A : memref<!tpu.dma_semaphore, #tpu.memory_space<semaphore_mem>>)
      %dma_wait3A_286 = arith.constant 0 : i32
      %dma_wait3A_287 = tpu.memref_slice %arg5[%add3A_276, %dma_wait3A_286] : memref<40960x16xf32, #tpu.memory_space<hbm>> -> memref<640x16xf32, #tpu.memory_space<hbm>>
      %dma_wait3A_288 = arith.constant 0 : i32
      %dma_wait3A_289 = tpu.memref_slice %arg24[%mul3A_273, %dma_wait3A_288] : memref<10240x16xf32, #tpu.memory_space<vmem_shared>> -> memref<640x16xf32, #tpu.memory_space<vmem_shared>>
      tpu.wait_dma2 semaphore(%run_scoped3A : memref<!tpu.dma_semaphore, #tpu.memory_space<semaphore_mem>>) src(%dma_wait3A_289 : memref<640x16xf32, #tpu.memory_space<vmem_shared>>) dst(%dma_wait3A_287 : memref<640x16xf32, #tpu.memory_space<hbm>>)
      tpu.yield
    }) : () -> ()
    %add3A_277 = arith.constant 2 : i32
    %add3A_278 = arith.addi %add3A_277, %arg0 : i32
    %mul3A_279 = arith.constant 10240 : i32
    %mul3A_280 = arith.muli %add3A_278, %mul3A_279 : i32
    %add3A_281 = arith.addi %mul3A_280, %mul3A_273 : i32
    "tpu.region"() ({
      %run_scoped3A = tpu.sem_alloc : memref<!tpu.dma_semaphore, #tpu.memory_space<semaphore_mem>>
      %dma_start3A_282 = arith.constant 0 : i32
      %dma_start3A_283 = tpu.memref_slice %arg5[%add3A_281, %dma_start3A_282] : memref<40960x16xf32, #tpu.memory_space<hbm>> -> memref<640x16xf32, #tpu.memory_space<hbm>>
      %dma_start3A_284 = arith.constant 0 : i32
      %dma_start3A_285 = tpu.memref_slice %arg25[%mul3A_273, %dma_start3A_284] : memref<10240x16xf32, #tpu.memory_space<vmem_shared>> -> memref<640x16xf32, #tpu.memory_space<vmem_shared>>
      tpu.enqueue_dma source(%dma_start3A_285 : memref<640x16xf32, #tpu.memory_space<vmem_shared>>) target(%dma_start3A_283 : memref<640x16xf32, #tpu.memory_space<hbm>>) target_semaphore(%run_scoped3A : memref<!tpu.dma_semaphore, #tpu.memory_space<semaphore_mem>>)
      %dma_wait3A_286 = arith.constant 0 : i32
      %dma_wait3A_287 = tpu.memref_slice %arg5[%add3A_281, %dma_wait3A_286] : memref<40960x16xf32, #tpu.memory_space<hbm>> -> memref<640x16xf32, #tpu.memory_space<hbm>>
      %dma_wait3A_288 = arith.constant 0 : i32
      %dma_wait3A_289 = tpu.memref_slice %arg25[%mul3A_273, %dma_wait3A_288] : memref<10240x16xf32, #tpu.memory_space<vmem_shared>> -> memref<640x16xf32, #tpu.memory_space<vmem_shared>>
      tpu.wait_dma2 semaphore(%run_scoped3A : memref<!tpu.dma_semaphore, #tpu.memory_space<semaphore_mem>>) src(%dma_wait3A_289 : memref<640x16xf32, #tpu.memory_space<vmem_shared>>) dst(%dma_wait3A_287 : memref<640x16xf32, #tpu.memory_space<hbm>>)
      tpu.yield
    }) : () -> ()
    return
  }
}

#map = affine_map<(d0, d1) -> (0, 0)>
module attributes {stable_mosaic.version = 14 : i64} {
  func.func @body(%arg0: i32, %arg1: i32, %arg2: memref<2560x128xi32, #tpu.memory_space<hbm>>, %arg3: memref<2560x128xi32, #tpu.memory_space<hbm>>, %arg4: memref<10240x128xbf16, #tpu.memory_space<hbm>>, %arg5: memref<40960x128xbf16, #tpu.memory_space<hbm>>, %arg6: memref<20480x16xf32, #tpu.memory_space<hbm>>, %arg7: memref<1x128xi32, #tpu.memory_space<vmem>>, %arg8: memref<1x128xi32, #tpu.memory_space<vmem>>, %arg9: memref<1x128xi32, #tpu.memory_space<vmem>>, %arg10: memref<1x128xi32, #tpu.memory_space<vmem>>, %arg11: memref<1x128xi32, #tpu.memory_space<vmem>>, %arg12: memref<1x128xi32, #tpu.memory_space<vmem>>, %arg13: memref<1x128xi32, #tpu.memory_space<vmem>>, %arg14: memref<1x128xi32, #tpu.memory_space<vmem>>, %arg15: memref<128x128xbf16, #tpu.memory_space<vmem>>, %arg16: memref<128x128xbf16, #tpu.memory_space<vmem>>, %arg17: memref<!tpu.dma_semaphore, #tpu.memory_space<semaphore_mem>>, %arg18: memref<!tpu.dma_semaphore, #tpu.memory_space<semaphore_mem>>, %arg19: memref<!tpu.dma_semaphore, #tpu.memory_space<semaphore_mem>>, %arg20: memref<!tpu.dma_semaphore, #tpu.memory_space<semaphore_mem>>, %arg21: memref<!tpu.dma_semaphore, #tpu.memory_space<semaphore_mem>>, %arg22: memref<!tpu.dma_semaphore, #tpu.memory_space<semaphore_mem>>, %arg23: memref<!tpu.dma_semaphore, #tpu.memory_space<semaphore_mem>>, %arg24: memref<!tpu.dma_semaphore, #tpu.memory_space<semaphore_mem>>, %arg25: memref<128x16xf32, #tpu.memory_space<vmem>>, %arg26: memref<!tpu.dma_semaphore, #tpu.memory_space<semaphore_mem>>, %arg27: memref<10240x128xbf16, #tpu.memory_space<vmem_shared>>, %arg28: memref<10240x128xbf16, #tpu.memory_space<vmem_shared>>, %arg29: memref<10240x16xf32, #tpu.memory_space<vmem_shared>>) attributes {dimension_semantics = [#tpu.dimension_semantics<core_parallel>, #tpu.dimension_semantics<subcore_parallel>], iteration_bounds = array<i64: 2, 16>, scalar_prefetch = 0 : i64, scratch_operands = 23 : i64, tpu.core_type = #tpu.core_type<sc_vector_subcore>, window_params = [{transform_indices = #map}, {transform_indices = #map}, {transform_indices = #map}, {transform_indices = #map}, {transform_indices = #map}]} {
    %mul3A = arith.constant 2 : i32
    %mul3A_0 = arith.muli %arg1, %mul3A : i32
    %add3A = arith.addi %mul3A_0, %arg0 : i32
    %broadcast_in_dim3A = arith.constant 0.000000e+00 : bf16
    %broadcast_in_dim3A_1 = vector.broadcast %broadcast_in_dim3A : bf16 to vector<32xbf16>
    %broadcast_in_dim3A_2 = arith.constant 0.000000e+00 : f32
    %broadcast_in_dim3A_3 = vector.broadcast %broadcast_in_dim3A_2 : f32 to vector<16xf32>
    %scan3A = arith.constant 0 : i32
    %scan3A_4 = arith.constant 0 : i32
    %scan3A_5 = arith.constant 512 : i32
    %scan3A_6 = arith.addi %scan3A_4, %scan3A_5 : i32
    %scan3A_7 = arith.constant 1 : i32
    scf.for %scan3A_375 = %scan3A_4 to %scan3A_6 step %scan3A_7  : i32 {
      %jit3A = arith.constant 4 : i32
      %div3A = arith.divsi %scan3A_375, %jit3A : i32
      %sign3A = arith.constant 0 : i32
      %sign3A_376 = arith.cmpi sgt, %scan3A_375, %sign3A : i32
      %sign3A_377 = arith.extui %sign3A_376 : i1 to i32
      %sign3A_378 = arith.constant 0 : i32
      %sign3A_379 = arith.cmpi slt, %scan3A_375, %sign3A_378 : i32
      %sign3A_380 = arith.extui %sign3A_379 : i1 to i32
      %sign3A_381 = arith.subi %sign3A_377, %sign3A_380 : i32
      %sign3A_382 = arith.constant 0 : i32
      %sign3A_383 = arith.cmpi sgt, %jit3A, %sign3A_382 : i32
      %sign3A_384 = arith.extui %sign3A_383 : i1 to i32
      %sign3A_385 = arith.constant 0 : i32
      %sign3A_386 = arith.cmpi slt, %jit3A, %sign3A_385 : i32
      %sign3A_387 = arith.extui %sign3A_386 : i1 to i32
      %sign3A_388 = arith.subi %sign3A_384, %sign3A_387 : i32
      %ne3A = arith.cmpi ne, %sign3A_381, %sign3A_388 : i32
      %rem3A = arith.remsi %scan3A_375, %jit3A : i32
      %ne3A_389 = arith.constant 0 : i32
      %ne3A_390 = arith.cmpi ne, %rem3A, %ne3A_389 : i32
      %and3A = arith.andi %ne3A, %ne3A_390 : i1
      %sub3A = arith.constant 1 : i32
      %sub3A_391 = arith.subi %div3A, %sub3A : i32
      %select_n3A = arith.select %and3A, %sub3A_391, %div3A : i32
      %jit3A_392 = arith.constant 4 : i32
      %eq3A = arith.constant 0 : i32
      %eq3A_393 = arith.cmpi eq, %jit3A_392, %eq3A : i32
      %jit3A_394 = arith.constant 1 : i32
      %select_n3A_395 = arith.select %eq3A_393, %jit3A_394, %jit3A_392 : i32
      %rem3A_396 = arith.remsi %scan3A_375, %select_n3A_395 : i32
      %ne3A_397 = arith.constant 0 : i32
      %ne3A_398 = arith.cmpi ne, %rem3A_396, %ne3A_397 : i32
      %lt3A = arith.constant 0 : i32
      %lt3A_399 = arith.cmpi slt, %rem3A_396, %lt3A : i32
      %lt3A_400 = arith.constant 0 : i32
      %lt3A_401 = arith.cmpi slt, %select_n3A_395, %lt3A_400 : i32
      %ne3A_402 = arith.xori %lt3A_399, %lt3A_401 : i1
      %and3A_403 = arith.andi %ne3A_402, %ne3A_398 : i1
      %add3A_404 = arith.addi %rem3A_396, %select_n3A_395 : i32
      %select_n3A_405 = arith.select %and3A_403, %add3A_404, %rem3A_396 : i32
      %mul3A_406 = arith.constant 32 : i32
      %mul3A_407 = arith.muli %select_n3A_405, %mul3A_406 : i32
      %swap3A = arith.index_cast %select_n3A : i32 to index
      %swap3A_408 = arith.index_cast %mul3A_407 : i32 to index
      %swap3A_409 = tpu.vector_load %arg15[%swap3A, %swap3A_408] {strides = array<i32>} : memref<128x128xbf16, #tpu.memory_space<vmem>>, vector<1x32xbf16>,
      %swap3A_410 = vector.shape_cast %swap3A_409 : vector<1x32xbf16> to vector<32xbf16>
      %swap3A_411 = vector.shape_cast %broadcast_in_dim3A_1 : vector<32xbf16> to vector<1x32xbf16>
      tpu.vector_store %arg15[%swap3A, %swap3A_408], %swap3A_411 {strides = array<i32>} : memref<128x128xbf16, #tpu.memory_space<vmem>>, vector<1x32xbf16>,
    }
    %scan3A_8 = arith.constant 512 : i32
    %mul3A_9 = arith.constant 640 : i32
    %mul3A_10 = arith.muli %arg1, %mul3A_9 : i32
    %add3A_11 = arith.constant 0 : i32
    %add3A_12 = arith.addi %mul3A_10, %add3A_11 : i32
    "tpu.region"() ({
      %run_scoped3A = tpu.sem_alloc : memref<!tpu.dma_semaphore, #tpu.memory_space<semaphore_mem>>
      %dma_start3A_375 = arith.constant 0 : i32
      %dma_start3A_376 = tpu.memref_slice %arg27[%add3A_12, %dma_start3A_375] : memref<10240x128xbf16, #tpu.memory_space<vmem_shared>> -> memref<128x128xbf16, #tpu.memory_space<vmem_shared>>
      %dma_start3A_377 = arith.constant 0 : i32
      %dma_start3A_378 = tpu.memref_slice %arg27[%add3A_12, %dma_start3A_377] : memref<10240x128xbf16, #tpu.memory_space<vmem_shared>> -> memref<128x128xbf16, #tpu.memory_space<vmem_shared>>
      tpu.enqueue_dma source(%arg15 : memref<128x128xbf16, #tpu.memory_space<vmem>>) target(%dma_start3A_378 : memref<128x128xbf16, #tpu.memory_space<vmem_shared>>) target_semaphore(%run_scoped3A : memref<!tpu.dma_semaphore, #tpu.memory_space<semaphore_mem>>)
      %dma_wait3A_379 = arith.constant 0 : i32
      %dma_wait3A_380 = tpu.memref_slice %arg27[%add3A_12, %dma_wait3A_379] : memref<10240x128xbf16, #tpu.memory_space<vmem_shared>> -> memref<128x128xbf16, #tpu.memory_space<vmem_shared>>
      %dma_wait3A_381 = arith.constant 0 : i32
      %dma_wait3A_382 = tpu.memref_slice %arg27[%add3A_12, %dma_wait3A_381] : memref<10240x128xbf16, #tpu.memory_space<vmem_shared>> -> memref<128x128xbf16, #tpu.memory_space<vmem_shared>>
      tpu.wait_dma2 semaphore(%run_scoped3A : memref<!tpu.dma_semaphore, #tpu.memory_space<semaphore_mem>>) src(%arg15 : memref<128x128xbf16, #tpu.memory_space<vmem>>) dst(%dma_wait3A_382 : memref<128x128xbf16, #tpu.memory_space<vmem_shared>>)
      tpu.yield
    }) : () -> ()
    %mul3A_13 = arith.constant 640 : i32
    %mul3A_14 = arith.muli %arg1, %mul3A_13 : i32
    %add3A_15 = arith.constant 0 : i32
    %add3A_16 = arith.addi %mul3A_14, %add3A_15 : i32
    "tpu.region"() ({
      %run_scoped3A = tpu.sem_alloc : memref<!tpu.dma_semaphore, #tpu.memory_space<semaphore_mem>>
      %dma_start3A_375 = arith.constant 0 : i32
      %dma_start3A_376 = tpu.memref_slice %arg28[%add3A_16, %dma_start3A_375] : memref<10240x128xbf16, #tpu.memory_space<vmem_shared>> -> memref<128x128xbf16, #tpu.memory_space<vmem_shared>>
      %dma_start3A_377 = arith.constant 0 : i32
      %dma_start3A_378 = tpu.memref_slice %arg28[%add3A_16, %dma_start3A_377] : memref<10240x128xbf16, #tpu.memory_space<vmem_shared>> -> memref<128x128xbf16, #tpu.memory_space<vmem_shared>>
      tpu.enqueue_dma source(%arg15 : memref<128x128xbf16, #tpu.memory_space<vmem>>) target(%dma_start3A_378 : memref<128x128xbf16, #tpu.memory_space<vmem_shared>>) target_semaphore(%run_scoped3A : memref<!tpu.dma_semaphore, #tpu.memory_space<semaphore_mem>>)
      %dma_wait3A_379 = arith.constant 0 : i32
      %dma_wait3A_380 = tpu.memref_slice %arg28[%add3A_16, %dma_wait3A_379] : memref<10240x128xbf16, #tpu.memory_space<vmem_shared>> -> memref<128x128xbf16, #tpu.memory_space<vmem_shared>>
      %dma_wait3A_381 = arith.constant 0 : i32
      %dma_wait3A_382 = tpu.memref_slice %arg28[%add3A_16, %dma_wait3A_381] : memref<10240x128xbf16, #tpu.memory_space<vmem_shared>> -> memref<128x128xbf16, #tpu.memory_space<vmem_shared>>
      tpu.wait_dma2 semaphore(%run_scoped3A : memref<!tpu.dma_semaphore, #tpu.memory_space<semaphore_mem>>) src(%arg15 : memref<128x128xbf16, #tpu.memory_space<vmem>>) dst(%dma_wait3A_382 : memref<128x128xbf16, #tpu.memory_space<vmem_shared>>)
      tpu.yield
    }) : () -> ()
    %mul3A_17 = arith.constant 640 : i32
    %mul3A_18 = arith.muli %arg1, %mul3A_17 : i32
    %add3A_19 = arith.constant 128 : i32
    %add3A_20 = arith.addi %mul3A_18, %add3A_19 : i32
    "tpu.region"() ({
      %run_scoped3A = tpu.sem_alloc : memref<!tpu.dma_semaphore, #tpu.memory_space<semaphore_mem>>
      %dma_start3A_375 = arith.constant 0 : i32
      %dma_start3A_376 = tpu.memref_slice %arg27[%add3A_20, %dma_start3A_375] : memref<10240x128xbf16, #tpu.memory_space<vmem_shared>> -> memref<128x128xbf16, #tpu.memory_space<vmem_shared>>
      %dma_start3A_377 = arith.constant 0 : i32
      %dma_start3A_378 = tpu.memref_slice %arg27[%add3A_20, %dma_start3A_377] : memref<10240x128xbf16, #tpu.memory_space<vmem_shared>> -> memref<128x128xbf16, #tpu.memory_space<vmem_shared>>
      tpu.enqueue_dma source(%arg15 : memref<128x128xbf16, #tpu.memory_space<vmem>>) target(%dma_start3A_378 : memref<128x128xbf16, #tpu.memory_space<vmem_shared>>) target_semaphore(%run_scoped3A : memref<!tpu.dma_semaphore, #tpu.memory_space<semaphore_mem>>)
      %dma_wait3A_379 = arith.constant 0 : i32
      %dma_wait3A_380 = tpu.memref_slice %arg27[%add3A_20, %dma_wait3A_379] : memref<10240x128xbf16, #tpu.memory_space<vmem_shared>> -> memref<128x128xbf16, #tpu.memory_space<vmem_shared>>
      %dma_wait3A_381 = arith.constant 0 : i32
      %dma_wait3A_382 = tpu.memref_slice %arg27[%add3A_20, %dma_wait3A_381] : memref<10240x128xbf16, #tpu.memory_space<vmem_shared>> -> memref<128x128xbf16, #tpu.memory_space<vmem_shared>>
      tpu.wait_dma2 semaphore(%run_scoped3A : memref<!tpu.dma_semaphore, #tpu.memory_space<semaphore_mem>>) src(%arg15 : memref<128x128xbf16, #tpu.memory_space<vmem>>) dst(%dma_wait3A_382 : memref<128x128xbf16, #tpu.memory_space<vmem_shared>>)
      tpu.yield
    }) : () -> ()
    %mul3A_21 = arith.constant 640 : i32
    %mul3A_22 = arith.muli %arg1, %mul3A_21 : i32
    %add3A_23 = arith.constant 128 : i32
    %add3A_24 = arith.addi %mul3A_22, %add3A_23 : i32
    "tpu.region"() ({
      %run_scoped3A = tpu.sem_alloc : memref<!tpu.dma_semaphore, #tpu.memory_space<semaphore_mem>>
      %dma_start3A_375 = arith.constant 0 : i32
      %dma_start3A_376 = tpu.memref_slice %arg28[%add3A_24, %dma_start3A_375] : memref<10240x128xbf16, #tpu.memory_space<vmem_shared>> -> memref<128x128xbf16, #tpu.memory_space<vmem_shared>>
      %dma_start3A_377 = arith.constant 0 : i32
      %dma_start3A_378 = tpu.memref_slice %arg28[%add3A_24, %dma_start3A_377] : memref<10240x128xbf16, #tpu.memory_space<vmem_shared>> -> memref<128x128xbf16, #tpu.memory_space<vmem_shared>>
      tpu.enqueue_dma source(%arg15 : memref<128x128xbf16, #tpu.memory_space<vmem>>) target(%dma_start3A_378 : memref<128x128xbf16, #tpu.memory_space<vmem_shared>>) target_semaphore(%run_scoped3A : memref<!tpu.dma_semaphore, #tpu.memory_space<semaphore_mem>>)
      %dma_wait3A_379 = arith.constant 0 : i32
      %dma_wait3A_380 = tpu.memref_slice %arg28[%add3A_24, %dma_wait3A_379] : memref<10240x128xbf16, #tpu.memory_space<vmem_shared>> -> memref<128x128xbf16, #tpu.memory_space<vmem_shared>>
      %dma_wait3A_381 = arith.constant 0 : i32
      %dma_wait3A_382 = tpu.memref_slice %arg28[%add3A_24, %dma_wait3A_381] : memref<10240x128xbf16, #tpu.memory_space<vmem_shared>> -> memref<128x128xbf16, #tpu.memory_space<vmem_shared>>
      tpu.wait_dma2 semaphore(%run_scoped3A : memref<!tpu.dma_semaphore, #tpu.memory_space<semaphore_mem>>) src(%arg15 : memref<128x128xbf16, #tpu.memory_space<vmem>>) dst(%dma_wait3A_382 : memref<128x128xbf16, #tpu.memory_space<vmem_shared>>)
      tpu.yield
    }) : () -> ()
    %mul3A_25 = arith.constant 640 : i32
    %mul3A_26 = arith.muli %arg1, %mul3A_25 : i32
    %add3A_27 = arith.constant 256 : i32
    %add3A_28 = arith.addi %mul3A_26, %add3A_27 : i32
    "tpu.region"() ({
      %run_scoped3A = tpu.sem_alloc : memref<!tpu.dma_semaphore, #tpu.memory_space<semaphore_mem>>
      %dma_start3A_375 = arith.constant 0 : i32
      %dma_start3A_376 = tpu.memref_slice %arg27[%add3A_28, %dma_start3A_375] : memref<10240x128xbf16, #tpu.memory_space<vmem_shared>> -> memref<128x128xbf16, #tpu.memory_space<vmem_shared>>
      %dma_start3A_377 = arith.constant 0 : i32
      %dma_start3A_378 = tpu.memref_slice %arg27[%add3A_28, %dma_start3A_377] : memref<10240x128xbf16, #tpu.memory_space<vmem_shared>> -> memref<128x128xbf16, #tpu.memory_space<vmem_shared>>
      tpu.enqueue_dma source(%arg15 : memref<128x128xbf16, #tpu.memory_space<vmem>>) target(%dma_start3A_378 : memref<128x128xbf16, #tpu.memory_space<vmem_shared>>) target_semaphore(%run_scoped3A : memref<!tpu.dma_semaphore, #tpu.memory_space<semaphore_mem>>)
      %dma_wait3A_379 = arith.constant 0 : i32
      %dma_wait3A_380 = tpu.memref_slice %arg27[%add3A_28, %dma_wait3A_379] : memref<10240x128xbf16, #tpu.memory_space<vmem_shared>> -> memref<128x128xbf16, #tpu.memory_space<vmem_shared>>
      %dma_wait3A_381 = arith.constant 0 : i32
      %dma_wait3A_382 = tpu.memref_slice %arg27[%add3A_28, %dma_wait3A_381] : memref<10240x128xbf16, #tpu.memory_space<vmem_shared>> -> memref<128x128xbf16, #tpu.memory_space<vmem_shared>>
      tpu.wait_dma2 semaphore(%run_scoped3A : memref<!tpu.dma_semaphore, #tpu.memory_space<semaphore_mem>>) src(%arg15 : memref<128x128xbf16, #tpu.memory_space<vmem>>) dst(%dma_wait3A_382 : memref<128x128xbf16, #tpu.memory_space<vmem_shared>>)
      tpu.yield
    }) : () -> ()
    %mul3A_29 = arith.constant 640 : i32
    %mul3A_30 = arith.muli %arg1, %mul3A_29 : i32
    %add3A_31 = arith.constant 256 : i32
    %add3A_32 = arith.addi %mul3A_30, %add3A_31 : i32
    "tpu.region"() ({
      %run_scoped3A = tpu.sem_alloc : memref<!tpu.dma_semaphore, #tpu.memory_space<semaphore_mem>>
      %dma_start3A_375 = arith.constant 0 : i32
      %dma_start3A_376 = tpu.memref_slice %arg28[%add3A_32, %dma_start3A_375] : memref<10240x128xbf16, #tpu.memory_space<vmem_shared>> -> memref<128x128xbf16, #tpu.memory_space<vmem_shared>>
      %dma_start3A_377 = arith.constant 0 : i32
      %dma_start3A_378 = tpu.memref_slice %arg28[%add3A_32, %dma_start3A_377] : memref<10240x128xbf16, #tpu.memory_space<vmem_shared>> -> memref<128x128xbf16, #tpu.memory_space<vmem_shared>>
      tpu.enqueue_dma source(%arg15 : memref<128x128xbf16, #tpu.memory_space<vmem>>) target(%dma_start3A_378 : memref<128x128xbf16, #tpu.memory_space<vmem_shared>>) target_semaphore(%run_scoped3A : memref<!tpu.dma_semaphore, #tpu.memory_space<semaphore_mem>>)
      %dma_wait3A_379 = arith.constant 0 : i32
      %dma_wait3A_380 = tpu.memref_slice %arg28[%add3A_32, %dma_wait3A_379] : memref<10240x128xbf16, #tpu.memory_space<vmem_shared>> -> memref<128x128xbf16, #tpu.memory_space<vmem_shared>>
      %dma_wait3A_381 = arith.constant 0 : i32
      %dma_wait3A_382 = tpu.memref_slice %arg28[%add3A_32, %dma_wait3A_381] : memref<10240x128xbf16, #tpu.memory_space<vmem_shared>> -> memref<128x128xbf16, #tpu.memory_space<vmem_shared>>
      tpu.wait_dma2 semaphore(%run_scoped3A : memref<!tpu.dma_semaphore, #tpu.memory_space<semaphore_mem>>) src(%arg15 : memref<128x128xbf16, #tpu.memory_space<vmem>>) dst(%dma_wait3A_382 : memref<128x128xbf16, #tpu.memory_space<vmem_shared>>)
      tpu.yield
    }) : () -> ()
    %mul3A_33 = arith.constant 640 : i32
    %mul3A_34 = arith.muli %arg1, %mul3A_33 : i32
    %add3A_35 = arith.constant 384 : i32
    %add3A_36 = arith.addi %mul3A_34, %add3A_35 : i32
    "tpu.region"() ({
      %run_scoped3A = tpu.sem_alloc : memref<!tpu.dma_semaphore, #tpu.memory_space<semaphore_mem>>
      %dma_start3A_375 = arith.constant 0 : i32
      %dma_start3A_376 = tpu.memref_slice %arg27[%add3A_36, %dma_start3A_375] : memref<10240x128xbf16, #tpu.memory_space<vmem_shared>> -> memref<128x128xbf16, #tpu.memory_space<vmem_shared>>
      %dma_start3A_377 = arith.constant 0 : i32
      %dma_start3A_378 = tpu.memref_slice %arg27[%add3A_36, %dma_start3A_377] : memref<10240x128xbf16, #tpu.memory_space<vmem_shared>> -> memref<128x128xbf16, #tpu.memory_space<vmem_shared>>
      tpu.enqueue_dma source(%arg15 : memref<128x128xbf16, #tpu.memory_space<vmem>>) target(%dma_start3A_378 : memref<128x128xbf16, #tpu.memory_space<vmem_shared>>) target_semaphore(%run_scoped3A : memref<!tpu.dma_semaphore, #tpu.memory_space<semaphore_mem>>)
      %dma_wait3A_379 = arith.constant 0 : i32
      %dma_wait3A_380 = tpu.memref_slice %arg27[%add3A_36, %dma_wait3A_379] : memref<10240x128xbf16, #tpu.memory_space<vmem_shared>> -> memref<128x128xbf16, #tpu.memory_space<vmem_shared>>
      %dma_wait3A_381 = arith.constant 0 : i32
      %dma_wait3A_382 = tpu.memref_slice %arg27[%add3A_36, %dma_wait3A_381] : memref<10240x128xbf16, #tpu.memory_space<vmem_shared>> -> memref<128x128xbf16, #tpu.memory_space<vmem_shared>>
      tpu.wait_dma2 semaphore(%run_scoped3A : memref<!tpu.dma_semaphore, #tpu.memory_space<semaphore_mem>>) src(%arg15 : memref<128x128xbf16, #tpu.memory_space<vmem>>) dst(%dma_wait3A_382 : memref<128x128xbf16, #tpu.memory_space<vmem_shared>>)
      tpu.yield
    }) : () -> ()
    %mul3A_37 = arith.constant 640 : i32
    %mul3A_38 = arith.muli %arg1, %mul3A_37 : i32
    %add3A_39 = arith.constant 384 : i32
    %add3A_40 = arith.addi %mul3A_38, %add3A_39 : i32
    "tpu.region"() ({
      %run_scoped3A = tpu.sem_alloc : memref<!tpu.dma_semaphore, #tpu.memory_space<semaphore_mem>>
      %dma_start3A_375 = arith.constant 0 : i32
      %dma_start3A_376 = tpu.memref_slice %arg28[%add3A_40, %dma_start3A_375] : memref<10240x128xbf16, #tpu.memory_space<vmem_shared>> -> memref<128x128xbf16, #tpu.memory_space<vmem_shared>>
      %dma_start3A_377 = arith.constant 0 : i32
      %dma_start3A_378 = tpu.memref_slice %arg28[%add3A_40, %dma_start3A_377] : memref<10240x128xbf16, #tpu.memory_space<vmem_shared>> -> memref<128x128xbf16, #tpu.memory_space<vmem_shared>>
      tpu.enqueue_dma source(%arg15 : memref<128x128xbf16, #tpu.memory_space<vmem>>) target(%dma_start3A_378 : memref<128x128xbf16, #tpu.memory_space<vmem_shared>>) target_semaphore(%run_scoped3A : memref<!tpu.dma_semaphore, #tpu.memory_space<semaphore_mem>>)
      %dma_wait3A_379 = arith.constant 0 : i32
      %dma_wait3A_380 = tpu.memref_slice %arg28[%add3A_40, %dma_wait3A_379] : memref<10240x128xbf16, #tpu.memory_space<vmem_shared>> -> memref<128x128xbf16, #tpu.memory_space<vmem_shared>>
      %dma_wait3A_381 = arith.constant 0 : i32
      %dma_wait3A_382 = tpu.memref_slice %arg28[%add3A_40, %dma_wait3A_381] : memref<10240x128xbf16, #tpu.memory_space<vmem_shared>> -> memref<128x128xbf16, #tpu.memory_space<vmem_shared>>
      tpu.wait_dma2 semaphore(%run_scoped3A : memref<!tpu.dma_semaphore, #tpu.memory_space<semaphore_mem>>) src(%arg15 : memref<128x128xbf16, #tpu.memory_space<vmem>>) dst(%dma_wait3A_382 : memref<128x128xbf16, #tpu.memory_space<vmem_shared>>)
      tpu.yield
    }) : () -> ()
    %mul3A_41 = arith.constant 640 : i32
    %mul3A_42 = arith.muli %arg1, %mul3A_41 : i32
    %add3A_43 = arith.constant 512 : i32
    %add3A_44 = arith.addi %mul3A_42, %add3A_43 : i32
    "tpu.region"() ({
      %run_scoped3A = tpu.sem_alloc : memref<!tpu.dma_semaphore, #tpu.memory_space<semaphore_mem>>
      %dma_start3A_375 = arith.constant 0 : i32
      %dma_start3A_376 = tpu.memref_slice %arg27[%add3A_44, %dma_start3A_375] : memref<10240x128xbf16, #tpu.memory_space<vmem_shared>> -> memref<128x128xbf16, #tpu.memory_space<vmem_shared>>
      %dma_start3A_377 = arith.constant 0 : i32
      %dma_start3A_378 = tpu.memref_slice %arg27[%add3A_44, %dma_start3A_377] : memref<10240x128xbf16, #tpu.memory_space<vmem_shared>> -> memref<128x128xbf16, #tpu.memory_space<vmem_shared>>
      tpu.enqueue_dma source(%arg15 : memref<128x128xbf16, #tpu.memory_space<vmem>>) target(%dma_start3A_378 : memref<128x128xbf16, #tpu.memory_space<vmem_shared>>) target_semaphore(%run_scoped3A : memref<!tpu.dma_semaphore, #tpu.memory_space<semaphore_mem>>)
      %dma_wait3A_379 = arith.constant 0 : i32
      %dma_wait3A_380 = tpu.memref_slice %arg27[%add3A_44, %dma_wait3A_379] : memref<10240x128xbf16, #tpu.memory_space<vmem_shared>> -> memref<128x128xbf16, #tpu.memory_space<vmem_shared>>
      %dma_wait3A_381 = arith.constant 0 : i32
      %dma_wait3A_382 = tpu.memref_slice %arg27[%add3A_44, %dma_wait3A_381] : memref<10240x128xbf16, #tpu.memory_space<vmem_shared>> -> memref<128x128xbf16, #tpu.memory_space<vmem_shared>>
      tpu.wait_dma2 semaphore(%run_scoped3A : memref<!tpu.dma_semaphore, #tpu.memory_space<semaphore_mem>>) src(%arg15 : memref<128x128xbf16, #tpu.memory_space<vmem>>) dst(%dma_wait3A_382 : memref<128x128xbf16, #tpu.memory_space<vmem_shared>>)
      tpu.yield
    }) : () -> ()
    %mul3A_45 = arith.constant 640 : i32
    %mul3A_46 = arith.muli %arg1, %mul3A_45 : i32
    %add3A_47 = arith.constant 512 : i32
    %add3A_48 = arith.addi %mul3A_46, %add3A_47 : i32
    "tpu.region"() ({
      %run_scoped3A = tpu.sem_alloc : memref<!tpu.dma_semaphore, #tpu.memory_space<semaphore_mem>>
      %dma_start3A_375 = arith.constant 0 : i32
      %dma_start3A_376 = tpu.memref_slice %arg28[%add3A_48, %dma_start3A_375] : memref<10240x128xbf16, #tpu.memory_space<vmem_shared>> -> memref<128x128xbf16, #tpu.memory_space<vmem_shared>>
      %dma_start3A_377 = arith.constant 0 : i32
      %dma_start3A_378 = tpu.memref_slice %arg28[%add3A_48, %dma_start3A_377] : memref<10240x128xbf16, #tpu.memory_space<vmem_shared>> -> memref<128x128xbf16, #tpu.memory_space<vmem_shared>>
      tpu.enqueue_dma source(%arg15 : memref<128x128xbf16, #tpu.memory_space<vmem>>) target(%dma_start3A_378 : memref<128x128xbf16, #tpu.memory_space<vmem_shared>>) target_semaphore(%run_scoped3A : memref<!tpu.dma_semaphore, #tpu.memory_space<semaphore_mem>>)
      %dma_wait3A_379 = arith.constant 0 : i32
      %dma_wait3A_380 = tpu.memref_slice %arg28[%add3A_48, %dma_wait3A_379] : memref<10240x128xbf16, #tpu.memory_space<vmem_shared>> -> memref<128x128xbf16, #tpu.memory_space<vmem_shared>>
      %dma_wait3A_381 = arith.constant 0 : i32
      %dma_wait3A_382 = tpu.memref_slice %arg28[%add3A_48, %dma_wait3A_381] : memref<10240x128xbf16, #tpu.memory_space<vmem_shared>> -> memref<128x128xbf16, #tpu.memory_space<vmem_shared>>
      tpu.wait_dma2 semaphore(%run_scoped3A : memref<!tpu.dma_semaphore, #tpu.memory_space<semaphore_mem>>) src(%arg15 : memref<128x128xbf16, #tpu.memory_space<vmem>>) dst(%dma_wait3A_382 : memref<128x128xbf16, #tpu.memory_space<vmem_shared>>)
      tpu.yield
    }) : () -> ()
    %scan3A_49 = arith.constant 0 : i32
    %scan3A_50 = arith.constant 0 : i32
    %scan3A_51 = arith.constant 128 : i32
    %scan3A_52 = arith.addi %scan3A_50, %scan3A_51 : i32
    %scan3A_53 = arith.constant 1 : i32
    scf.for %scan3A_375 = %scan3A_50 to %scan3A_52 step %scan3A_53  : i32 {
      %swap3A = arith.index_cast %scan3A_375 : i32 to index
      %swap3A_376 = arith.constant 0 : index
      %swap3A_377 = tpu.vector_load %arg25[%swap3A, %swap3A_376] {strides = array<i32>} : memref<128x16xf32, #tpu.memory_space<vmem>>, vector<1x16xf32>,
      %swap3A_378 = vector.shape_cast %swap3A_377 : vector<1x16xf32> to vector<16xf32>
      %swap3A_379 = vector.shape_cast %broadcast_in_dim3A_3 : vector<16xf32> to vector<1x16xf32>
      tpu.vector_store %arg25[%swap3A, %swap3A_376], %swap3A_379 {strides = array<i32>} : memref<128x16xf32, #tpu.memory_space<vmem>>, vector<1x16xf32>,
    }
    %scan3A_54 = arith.constant 128 : i32
    %mul3A_55 = arith.constant 640 : i32
    %mul3A_56 = arith.muli %arg1, %mul3A_55 : i32
    %add3A_57 = arith.constant 0 : i32
    %add3A_58 = arith.addi %mul3A_56, %add3A_57 : i32
    "tpu.region"() ({
      %run_scoped3A = tpu.sem_alloc : memref<!tpu.dma_semaphore, #tpu.memory_space<semaphore_mem>>
      %dma_start3A_375 = arith.constant 0 : i32
      %dma_start3A_376 = tpu.memref_slice %arg29[%add3A_58, %dma_start3A_375] : memref<10240x16xf32, #tpu.memory_space<vmem_shared>> -> memref<128x16xf32, #tpu.memory_space<vmem_shared>>
      %dma_start3A_377 = arith.constant 0 : i32
      %dma_start3A_378 = tpu.memref_slice %arg29[%add3A_58, %dma_start3A_377] : memref<10240x16xf32, #tpu.memory_space<vmem_shared>> -> memref<128x16xf32, #tpu.memory_space<vmem_shared>>
      tpu.enqueue_dma source(%arg25 : memref<128x16xf32, #tpu.memory_space<vmem>>) target(%dma_start3A_378 : memref<128x16xf32, #tpu.memory_space<vmem_shared>>) target_semaphore(%run_scoped3A : memref<!tpu.dma_semaphore, #tpu.memory_space<semaphore_mem>>)
      %dma_wait3A_379 = arith.constant 0 : i32
      %dma_wait3A_380 = tpu.memref_slice %arg29[%add3A_58, %dma_wait3A_379] : memref<10240x16xf32, #tpu.memory_space<vmem_shared>> -> memref<128x16xf32, #tpu.memory_space<vmem_shared>>
      %dma_wait3A_381 = arith.constant 0 : i32
      %dma_wait3A_382 = tpu.memref_slice %arg29[%add3A_58, %dma_wait3A_381] : memref<10240x16xf32, #tpu.memory_space<vmem_shared>> -> memref<128x16xf32, #tpu.memory_space<vmem_shared>>
      tpu.wait_dma2 semaphore(%run_scoped3A : memref<!tpu.dma_semaphore, #tpu.memory_space<semaphore_mem>>) src(%arg25 : memref<128x16xf32, #tpu.memory_space<vmem>>) dst(%dma_wait3A_382 : memref<128x16xf32, #tpu.memory_space<vmem_shared>>)
      tpu.yield
    }) : () -> ()
    %mul3A_59 = arith.constant 640 : i32
    %mul3A_60 = arith.muli %arg1, %mul3A_59 : i32
    %add3A_61 = arith.constant 128 : i32
    %add3A_62 = arith.addi %mul3A_60, %add3A_61 : i32
    "tpu.region"() ({
      %run_scoped3A = tpu.sem_alloc : memref<!tpu.dma_semaphore, #tpu.memory_space<semaphore_mem>>
      %dma_start3A_375 = arith.constant 0 : i32
      %dma_start3A_376 = tpu.memref_slice %arg29[%add3A_62, %dma_start3A_375] : memref<10240x16xf32, #tpu.memory_space<vmem_shared>> -> memref<128x16xf32, #tpu.memory_space<vmem_shared>>
      %dma_start3A_377 = arith.constant 0 : i32
      %dma_start3A_378 = tpu.memref_slice %arg29[%add3A_62, %dma_start3A_377] : memref<10240x16xf32, #tpu.memory_space<vmem_shared>> -> memref<128x16xf32, #tpu.memory_space<vmem_shared>>
      tpu.enqueue_dma source(%arg25 : memref<128x16xf32, #tpu.memory_space<vmem>>) target(%dma_start3A_378 : memref<128x16xf32, #tpu.memory_space<vmem_shared>>) target_semaphore(%run_scoped3A : memref<!tpu.dma_semaphore, #tpu.memory_space<semaphore_mem>>)
      %dma_wait3A_379 = arith.constant 0 : i32
      %dma_wait3A_380 = tpu.memref_slice %arg29[%add3A_62, %dma_wait3A_379] : memref<10240x16xf32, #tpu.memory_space<vmem_shared>> -> memref<128x16xf32, #tpu.memory_space<vmem_shared>>
      %dma_wait3A_381 = arith.constant 0 : i32
      %dma_wait3A_382 = tpu.memref_slice %arg29[%add3A_62, %dma_wait3A_381] : memref<10240x16xf32, #tpu.memory_space<vmem_shared>> -> memref<128x16xf32, #tpu.memory_space<vmem_shared>>
      tpu.wait_dma2 semaphore(%run_scoped3A : memref<!tpu.dma_semaphore, #tpu.memory_space<semaphore_mem>>) src(%arg25 : memref<128x16xf32, #tpu.memory_space<vmem>>) dst(%dma_wait3A_382 : memref<128x16xf32, #tpu.memory_space<vmem_shared>>)
      tpu.yield
    }) : () -> ()
    %mul3A_63 = arith.constant 640 : i32
    %mul3A_64 = arith.muli %arg1, %mul3A_63 : i32
    %add3A_65 = arith.constant 256 : i32
    %add3A_66 = arith.addi %mul3A_64, %add3A_65 : i32
    "tpu.region"() ({
      %run_scoped3A = tpu.sem_alloc : memref<!tpu.dma_semaphore, #tpu.memory_space<semaphore_mem>>
      %dma_start3A_375 = arith.constant 0 : i32
      %dma_start3A_376 = tpu.memref_slice %arg29[%add3A_66, %dma_start3A_375] : memref<10240x16xf32, #tpu.memory_space<vmem_shared>> -> memref<128x16xf32, #tpu.memory_space<vmem_shared>>
      %dma_start3A_377 = arith.constant 0 : i32
      %dma_start3A_378 = tpu.memref_slice %arg29[%add3A_66, %dma_start3A_377] : memref<10240x16xf32, #tpu.memory_space<vmem_shared>> -> memref<128x16xf32, #tpu.memory_space<vmem_shared>>
      tpu.enqueue_dma source(%arg25 : memref<128x16xf32, #tpu.memory_space<vmem>>) target(%dma_start3A_378 : memref<128x16xf32, #tpu.memory_space<vmem_shared>>) target_semaphore(%run_scoped3A : memref<!tpu.dma_semaphore, #tpu.memory_space<semaphore_mem>>)
      %dma_wait3A_379 = arith.constant 0 : i32
      %dma_wait3A_380 = tpu.memref_slice %arg29[%add3A_66, %dma_wait3A_379] : memref<10240x16xf32, #tpu.memory_space<vmem_shared>> -> memref<128x16xf32, #tpu.memory_space<vmem_shared>>
      %dma_wait3A_381 = arith.constant 0 : i32
      %dma_wait3A_382 = tpu.memref_slice %arg29[%add3A_66, %dma_wait3A_381] : memref<10240x16xf32, #tpu.memory_space<vmem_shared>> -> memref<128x16xf32, #tpu.memory_space<vmem_shared>>
      tpu.wait_dma2 semaphore(%run_scoped3A : memref<!tpu.dma_semaphore, #tpu.memory_space<semaphore_mem>>) src(%arg25 : memref<128x16xf32, #tpu.memory_space<vmem>>) dst(%dma_wait3A_382 : memref<128x16xf32, #tpu.memory_space<vmem_shared>>)
      tpu.yield
    }) : () -> ()
    %mul3A_67 = arith.constant 640 : i32
    %mul3A_68 = arith.muli %arg1, %mul3A_67 : i32
    %add3A_69 = arith.constant 384 : i32
    %add3A_70 = arith.addi %mul3A_68, %add3A_69 : i32
    "tpu.region"() ({
      %run_scoped3A = tpu.sem_alloc : memref<!tpu.dma_semaphore, #tpu.memory_space<semaphore_mem>>
      %dma_start3A_375 = arith.constant 0 : i32
      %dma_start3A_376 = tpu.memref_slice %arg29[%add3A_70, %dma_start3A_375] : memref<10240x16xf32, #tpu.memory_space<vmem_shared>> -> memref<128x16xf32, #tpu.memory_space<vmem_shared>>
      %dma_start3A_377 = arith.constant 0 : i32
      %dma_start3A_378 = tpu.memref_slice %arg29[%add3A_70, %dma_start3A_377] : memref<10240x16xf32, #tpu.memory_space<vmem_shared>> -> memref<128x16xf32, #tpu.memory_space<vmem_shared>>
      tpu.enqueue_dma source(%arg25 : memref<128x16xf32, #tpu.memory_space<vmem>>) target(%dma_start3A_378 : memref<128x16xf32, #tpu.memory_space<vmem_shared>>) target_semaphore(%run_scoped3A : memref<!tpu.dma_semaphore, #tpu.memory_space<semaphore_mem>>)
      %dma_wait3A_379 = arith.constant 0 : i32
      %dma_wait3A_380 = tpu.memref_slice %arg29[%add3A_70, %dma_wait3A_379] : memref<10240x16xf32, #tpu.memory_space<vmem_shared>> -> memref<128x16xf32, #tpu.memory_space<vmem_shared>>
      %dma_wait3A_381 = arith.constant 0 : i32
      %dma_wait3A_382 = tpu.memref_slice %arg29[%add3A_70, %dma_wait3A_381] : memref<10240x16xf32, #tpu.memory_space<vmem_shared>> -> memref<128x16xf32, #tpu.memory_space<vmem_shared>>
      tpu.wait_dma2 semaphore(%run_scoped3A : memref<!tpu.dma_semaphore, #tpu.memory_space<semaphore_mem>>) src(%arg25 : memref<128x16xf32, #tpu.memory_space<vmem>>) dst(%dma_wait3A_382 : memref<128x16xf32, #tpu.memory_space<vmem_shared>>)
      tpu.yield
    }) : () -> ()
    %mul3A_71 = arith.constant 640 : i32
    %mul3A_72 = arith.muli %arg1, %mul3A_71 : i32
    %add3A_73 = arith.constant 512 : i32
    %add3A_74 = arith.addi %mul3A_72, %add3A_73 : i32
    "tpu.region"() ({
      %run_scoped3A = tpu.sem_alloc : memref<!tpu.dma_semaphore, #tpu.memory_space<semaphore_mem>>
      %dma_start3A_375 = arith.constant 0 : i32
      %dma_start3A_376 = tpu.memref_slice %arg29[%add3A_74, %dma_start3A_375] : memref<10240x16xf32, #tpu.memory_space<vmem_shared>> -> memref<128x16xf32, #tpu.memory_space<vmem_shared>>
      %dma_start3A_377 = arith.constant 0 : i32
      %dma_start3A_378 = tpu.memref_slice %arg29[%add3A_74, %dma_start3A_377] : memref<10240x16xf32, #tpu.memory_space<vmem_shared>> -> memref<128x16xf32, #tpu.memory_space<vmem_shared>>
      tpu.enqueue_dma source(%arg25 : memref<128x16xf32, #tpu.memory_space<vmem>>) target(%dma_start3A_378 : memref<128x16xf32, #tpu.memory_space<vmem_shared>>) target_semaphore(%run_scoped3A : memref<!tpu.dma_semaphore, #tpu.memory_space<semaphore_mem>>)
      %dma_wait3A_379 = arith.constant 0 : i32
      %dma_wait3A_380 = tpu.memref_slice %arg29[%add3A_74, %dma_wait3A_379] : memref<10240x16xf32, #tpu.memory_space<vmem_shared>> -> memref<128x16xf32, #tpu.memory_space<vmem_shared>>
      %dma_wait3A_381 = arith.constant 0 : i32
      %dma_wait3A_382 = tpu.memref_slice %arg29[%add3A_74, %dma_wait3A_381] : memref<10240x16xf32, #tpu.memory_space<vmem_shared>> -> memref<128x16xf32, #tpu.memory_space<vmem_shared>>
      tpu.wait_dma2 semaphore(%run_scoped3A : memref<!tpu.dma_semaphore, #tpu.memory_space<semaphore_mem>>) src(%arg25 : memref<128x16xf32, #tpu.memory_space<vmem>>) dst(%dma_wait3A_382 : memref<128x16xf32, #tpu.memory_space<vmem_shared>>)
      tpu.yield
    }) : () -> ()
    %broadcast_in_dim3A_75 = arith.constant 1.000000e+00 : f32
    %broadcast_in_dim3A_76 = vector.broadcast %broadcast_in_dim3A_75 : f32 to vector<16xf32>
    %scan3A_77 = arith.constant 0 : i32
    %scan3A_78 = arith.constant 0 : i32
    %scan3A_79 = arith.constant 128 : i32
    %scan3A_80 = arith.addi %scan3A_78, %scan3A_79 : i32
    %scan3A_81 = arith.constant 1 : i32
    scf.for %scan3A_375 = %scan3A_78 to %scan3A_80 step %scan3A_81  : i32 {
      %swap3A = arith.index_cast %scan3A_375 : i32 to index
      %swap3A_376 = arith.constant 0 : index
      %swap3A_377 = tpu.vector_load %arg25[%swap3A, %swap3A_376] {strides = array<i32>} : memref<128x16xf32, #tpu.memory_space<vmem>>, vector<1x16xf32>,
      %swap3A_378 = vector.shape_cast %swap3A_377 : vector<1x16xf32> to vector<16xf32>
      %swap3A_379 = vector.shape_cast %broadcast_in_dim3A_76 : vector<16xf32> to vector<1x16xf32>
      tpu.vector_store %arg25[%swap3A, %swap3A_376], %swap3A_379 {strides = array<i32>} : memref<128x16xf32, #tpu.memory_space<vmem>>, vector<1x16xf32>,
    }
    %scan3A_82 = arith.constant 128 : i32
    %barrier3A = arith.constant 0 : index
    tpu.barrier barrier_id(%barrier3A)
    %mul3A_83 = arith.constant 80 : i32
    %mul3A_84 = arith.muli %add3A, %mul3A_83 : i32
    %add3A_85 = arith.constant 0 : i32
    %add3A_86 = arith.addi %mul3A_84, %add3A_85 : i32
    %dma_start3A = arith.constant 0 : i32
    %dma_start3A_87 = tpu.memref_slice %arg2[%add3A_86, %dma_start3A] : memref<2560x128xi32, #tpu.memory_space<hbm>> -> memref<1x128xi32, #tpu.memory_space<hbm>>
    %dma_start3A_88 = arith.constant 0 : i32
    %dma_start3A_89 = tpu.memref_slice %arg2[%add3A_86, %dma_start3A_88] : memref<2560x128xi32, #tpu.memory_space<hbm>> -> memref<1x128xi32, #tpu.memory_space<hbm>>
    tpu.enqueue_dma source(%dma_start3A_89 : memref<1x128xi32, #tpu.memory_space<hbm>>) target(%arg7 : memref<1x128xi32, #tpu.memory_space<vmem>>) target_semaphore(%arg17 : memref<!tpu.dma_semaphore, #tpu.memory_space<semaphore_mem>>)
    %add3A_90 = arith.constant 0 : i32
    %add3A_91 = arith.addi %mul3A_84, %add3A_90 : i32
    %dma_start3A_92 = arith.constant 0 : i32
    %dma_start3A_93 = tpu.memref_slice %arg3[%add3A_91, %dma_start3A_92] : memref<2560x128xi32, #tpu.memory_space<hbm>> -> memref<1x128xi32, #tpu.memory_space<hbm>>
    %dma_start3A_94 = arith.constant 0 : i32
    %dma_start3A_95 = tpu.memref_slice %arg3[%add3A_91, %dma_start3A_94] : memref<2560x128xi32, #tpu.memory_space<hbm>> -> memref<1x128xi32, #tpu.memory_space<hbm>>
    tpu.enqueue_dma source(%dma_start3A_95 : memref<1x128xi32, #tpu.memory_space<hbm>>) target(%arg11 : memref<1x128xi32, #tpu.memory_space<vmem>>) target_semaphore(%arg17 : memref<!tpu.dma_semaphore, #tpu.memory_space<semaphore_mem>>)
    %add3A_96 = arith.constant 1 : i32
    %add3A_97 = arith.addi %mul3A_84, %add3A_96 : i32
    %dma_start3A_98 = arith.constant 0 : i32
    %dma_start3A_99 = tpu.memref_slice %arg2[%add3A_97, %dma_start3A_98] : memref<2560x128xi32, #tpu.memory_space<hbm>> -> memref<1x128xi32, #tpu.memory_space<hbm>>
    %dma_start3A_100 = arith.constant 0 : i32
    %dma_start3A_101 = tpu.memref_slice %arg2[%add3A_97, %dma_start3A_100] : memref<2560x128xi32, #tpu.memory_space<hbm>> -> memref<1x128xi32, #tpu.memory_space<hbm>>
    tpu.enqueue_dma source(%dma_start3A_101 : memref<1x128xi32, #tpu.memory_space<hbm>>) target(%arg8 : memref<1x128xi32, #tpu.memory_space<vmem>>) target_semaphore(%arg18 : memref<!tpu.dma_semaphore, #tpu.memory_space<semaphore_mem>>)
    %add3A_102 = arith.constant 1 : i32
    %add3A_103 = arith.addi %mul3A_84, %add3A_102 : i32
    %dma_start3A_104 = arith.constant 0 : i32
    %dma_start3A_105 = tpu.memref_slice %arg3[%add3A_103, %dma_start3A_104] : memref<2560x128xi32, #tpu.memory_space<hbm>> -> memref<1x128xi32, #tpu.memory_space<hbm>>
    %dma_start3A_106 = arith.constant 0 : i32
    %dma_start3A_107 = tpu.memref_slice %arg3[%add3A_103, %dma_start3A_106] : memref<2560x128xi32, #tpu.memory_space<hbm>> -> memref<1x128xi32, #tpu.memory_space<hbm>>
    tpu.enqueue_dma source(%dma_start3A_107 : memref<1x128xi32, #tpu.memory_space<hbm>>) target(%arg12 : memref<1x128xi32, #tpu.memory_space<vmem>>) target_semaphore(%arg18 : memref<!tpu.dma_semaphore, #tpu.memory_space<semaphore_mem>>)
    %add3A_108 = arith.constant 2 : i32
    %add3A_109 = arith.addi %mul3A_84, %add3A_108 : i32
    %dma_start3A_110 = arith.constant 0 : i32
    %dma_start3A_111 = tpu.memref_slice %arg2[%add3A_109, %dma_start3A_110] : memref<2560x128xi32, #tpu.memory_space<hbm>> -> memref<1x128xi32, #tpu.memory_space<hbm>>
    %dma_start3A_112 = arith.constant 0 : i32
    %dma_start3A_113 = tpu.memref_slice %arg2[%add3A_109, %dma_start3A_112] : memref<2560x128xi32, #tpu.memory_space<hbm>> -> memref<1x128xi32, #tpu.memory_space<hbm>>
    tpu.enqueue_dma source(%dma_start3A_113 : memref<1x128xi32, #tpu.memory_space<hbm>>) target(%arg9 : memref<1x128xi32, #tpu.memory_space<vmem>>) target_semaphore(%arg19 : memref<!tpu.dma_semaphore, #tpu.memory_space<semaphore_mem>>)
    %add3A_114 = arith.constant 2 : i32
    %add3A_115 = arith.addi %mul3A_84, %add3A_114 : i32
    %dma_start3A_116 = arith.constant 0 : i32
    %dma_start3A_117 = tpu.memref_slice %arg3[%add3A_115, %dma_start3A_116] : memref<2560x128xi32, #tpu.memory_space<hbm>> -> memref<1x128xi32, #tpu.memory_space<hbm>>
    %dma_start3A_118 = arith.constant 0 : i32
    %dma_start3A_119 = tpu.memref_slice %arg3[%add3A_115, %dma_start3A_118] : memref<2560x128xi32, #tpu.memory_space<hbm>> -> memref<1x128xi32, #tpu.memory_space<hbm>>
    tpu.enqueue_dma source(%dma_start3A_119 : memref<1x128xi32, #tpu.memory_space<hbm>>) target(%arg13 : memref<1x128xi32, #tpu.memory_space<vmem>>) target_semaphore(%arg19 : memref<!tpu.dma_semaphore, #tpu.memory_space<semaphore_mem>>)
    %add3A_120 = arith.constant 3 : i32
    %add3A_121 = arith.addi %mul3A_84, %add3A_120 : i32
    %dma_start3A_122 = arith.constant 0 : i32
    %dma_start3A_123 = tpu.memref_slice %arg2[%add3A_121, %dma_start3A_122] : memref<2560x128xi32, #tpu.memory_space<hbm>> -> memref<1x128xi32, #tpu.memory_space<hbm>>
    %dma_start3A_124 = arith.constant 0 : i32
    %dma_start3A_125 = tpu.memref_slice %arg2[%add3A_121, %dma_start3A_124] : memref<2560x128xi32, #tpu.memory_space<hbm>> -> memref<1x128xi32, #tpu.memory_space<hbm>>
    tpu.enqueue_dma source(%dma_start3A_125 : memref<1x128xi32, #tpu.memory_space<hbm>>) target(%arg10 : memref<1x128xi32, #tpu.memory_space<vmem>>) target_semaphore(%arg20 : memref<!tpu.dma_semaphore, #tpu.memory_space<semaphore_mem>>)
    %add3A_126 = arith.constant 3 : i32
    %add3A_127 = arith.addi %mul3A_84, %add3A_126 : i32
    %dma_start3A_128 = arith.constant 0 : i32
    %dma_start3A_129 = tpu.memref_slice %arg3[%add3A_127, %dma_start3A_128] : memref<2560x128xi32, #tpu.memory_space<hbm>> -> memref<1x128xi32, #tpu.memory_space<hbm>>
    %dma_start3A_130 = arith.constant 0 : i32
    %dma_start3A_131 = tpu.memref_slice %arg3[%add3A_127, %dma_start3A_130] : memref<2560x128xi32, #tpu.memory_space<hbm>> -> memref<1x128xi32, #tpu.memory_space<hbm>>
    tpu.enqueue_dma source(%dma_start3A_131 : memref<1x128xi32, #tpu.memory_space<hbm>>) target(%arg14 : memref<1x128xi32, #tpu.memory_space<vmem>>) target_semaphore(%arg20 : memref<!tpu.dma_semaphore, #tpu.memory_space<semaphore_mem>>)
    %dma_wait3A = arith.constant 0 : i32
    %dma_wait3A_132 = tpu.memref_slice %arg2[%mul3A_84, %dma_wait3A] : memref<2560x128xi32, #tpu.memory_space<hbm>> -> memref<1x128xi32, #tpu.memory_space<hbm>>
    %dma_wait3A_133 = arith.constant 0 : i32
    %dma_wait3A_134 = tpu.memref_slice %arg2[%mul3A_84, %dma_wait3A_133] : memref<2560x128xi32, #tpu.memory_space<hbm>> -> memref<1x128xi32, #tpu.memory_space<hbm>>
    tpu.wait_dma2 semaphore(%arg17 : memref<!tpu.dma_semaphore, #tpu.memory_space<semaphore_mem>>) src(%dma_wait3A_134 : memref<1x128xi32, #tpu.memory_space<hbm>>) dst(%arg7 : memref<1x128xi32, #tpu.memory_space<vmem>>)
    %dma_wait3A_135 = arith.constant 0 : i32
    %dma_wait3A_136 = tpu.memref_slice %arg3[%mul3A_84, %dma_wait3A_135] : memref<2560x128xi32, #tpu.memory_space<hbm>> -> memref<1x128xi32, #tpu.memory_space<hbm>>
    %dma_wait3A_137 = arith.constant 0 : i32
    %dma_wait3A_138 = tpu.memref_slice %arg3[%mul3A_84, %dma_wait3A_137] : memref<2560x128xi32, #tpu.memory_space<hbm>> -> memref<1x128xi32, #tpu.memory_space<hbm>>
    tpu.wait_dma2 semaphore(%arg17 : memref<!tpu.dma_semaphore, #tpu.memory_space<semaphore_mem>>) src(%dma_wait3A_138 : memref<1x128xi32, #tpu.memory_space<hbm>>) dst(%arg11 : memref<1x128xi32, #tpu.memory_space<vmem>>)
    %dma_start3A_139 = arith.constant 0 : i32
    %dma_start3A_140 = arith.constant 0 : i32
    %dma_start3A_141 = arith.constant 0 : i32
    %dma_start3A_142 = tpu.memref_slice %arg15[%dma_start3A_140, %dma_start3A_141] : memref<128x128xbf16, #tpu.memory_space<vmem>> -> memref<128x128xbf16, #tpu.memory_space<vmem>>
    %dma_start3A_143 = arith.constant 0 : i32
    %dma_start3A_144 = tpu.memref_slice %arg7[%dma_start3A_139, %dma_start3A_143] : memref<1x128xi32, #tpu.memory_space<vmem>> -> memref<1x128xi32, #tpu.memory_space<vmem>>
    %dma_start3A_145 = tpu.memref_squeeze %dma_start3A_144 : memref<1x128xi32, #tpu.memory_space<vmem>> -> memref<128xi32, #tpu.memory_space<vmem>>
    %dma_start3A_146 = arith.constant 0 : i32
    %dma_start3A_147 = arith.constant 0 : i32
    %dma_start3A_148 = tpu.memref_slice %arg4[%dma_start3A_146, %dma_start3A_147] : memref<10240x128xbf16, #tpu.memory_space<hbm>> -> memref<10240x128xbf16, #tpu.memory_space<hbm>>
    tpu.enqueue_indirect_dma source(%dma_start3A_148 : memref<10240x128xbf16, #tpu.memory_space<hbm>>) target(%dma_start3A_142 : memref<128x128xbf16, #tpu.memory_space<vmem>>) offsets(%dma_start3A_145 : memref<128xi32, #tpu.memory_space<vmem>>) semaphore(%arg21 : memref<!tpu.dma_semaphore, #tpu.memory_space<semaphore_mem>>)
    %dma_wait3A_149 = arith.constant 0 : i32
    %dma_wait3A_150 = tpu.memref_slice %arg2[%mul3A_84, %dma_wait3A_149] : memref<2560x128xi32, #tpu.memory_space<hbm>> -> memref<1x128xi32, #tpu.memory_space<hbm>>
    %dma_wait3A_151 = arith.constant 0 : i32
    %dma_wait3A_152 = tpu.memref_slice %arg2[%mul3A_84, %dma_wait3A_151] : memref<2560x128xi32, #tpu.memory_space<hbm>> -> memref<1x128xi32, #tpu.memory_space<hbm>>
    tpu.wait_dma2 semaphore(%arg18 : memref<!tpu.dma_semaphore, #tpu.memory_space<semaphore_mem>>) src(%dma_wait3A_152 : memref<1x128xi32, #tpu.memory_space<hbm>>) dst(%arg8 : memref<1x128xi32, #tpu.memory_space<vmem>>)
    %dma_wait3A_153 = arith.constant 0 : i32
    %dma_wait3A_154 = tpu.memref_slice %arg3[%mul3A_84, %dma_wait3A_153] : memref<2560x128xi32, #tpu.memory_space<hbm>> -> memref<1x128xi32, #tpu.memory_space<hbm>>
    %dma_wait3A_155 = arith.constant 0 : i32
    %dma_wait3A_156 = tpu.memref_slice %arg3[%mul3A_84, %dma_wait3A_155] : memref<2560x128xi32, #tpu.memory_space<hbm>> -> memref<1x128xi32, #tpu.memory_space<hbm>>
    tpu.wait_dma2 semaphore(%arg18 : memref<!tpu.dma_semaphore, #tpu.memory_space<semaphore_mem>>) src(%dma_wait3A_156 : memref<1x128xi32, #tpu.memory_space<hbm>>) dst(%arg12 : memref<1x128xi32, #tpu.memory_space<vmem>>)
    %dma_start3A_157 = arith.constant 0 : i32
    %dma_start3A_158 = arith.constant 0 : i32
    %dma_start3A_159 = arith.constant 0 : i32
    %dma_start3A_160 = tpu.memref_slice %arg16[%dma_start3A_158, %dma_start3A_159] : memref<128x128xbf16, #tpu.memory_space<vmem>> -> memref<128x128xbf16, #tpu.memory_space<vmem>>
    %dma_start3A_161 = arith.constant 0 : i32
    %dma_start3A_162 = tpu.memref_slice %arg8[%dma_start3A_157, %dma_start3A_161] : memref<1x128xi32, #tpu.memory_space<vmem>> -> memref<1x128xi32, #tpu.memory_space<vmem>>
    %dma_start3A_163 = tpu.memref_squeeze %dma_start3A_162 : memref<1x128xi32, #tpu.memory_space<vmem>> -> memref<128xi32, #tpu.memory_space<vmem>>
    %dma_start3A_164 = arith.constant 0 : i32
    %dma_start3A_165 = arith.constant 0 : i32
    %dma_start3A_166 = tpu.memref_slice %arg4[%dma_start3A_164, %dma_start3A_165] : memref<10240x128xbf16, #tpu.memory_space<hbm>> -> memref<10240x128xbf16, #tpu.memory_space<hbm>>
    tpu.enqueue_indirect_dma source(%dma_start3A_166 : memref<10240x128xbf16, #tpu.memory_space<hbm>>) target(%dma_start3A_160 : memref<128x128xbf16, #tpu.memory_space<vmem>>) offsets(%dma_start3A_163 : memref<128xi32, #tpu.memory_space<vmem>>) semaphore(%arg22 : memref<!tpu.dma_semaphore, #tpu.memory_space<semaphore_mem>>)
    %scan3A_167 = arith.constant 0 : i32
    %scan3A_168 = arith.constant 0 : i32
    %scan3A_169 = arith.constant 19 : i32
    %scan3A_170 = arith.addi %scan3A_168, %scan3A_169 : i32
    %scan3A_171 = arith.constant 1 : i32
    scf.for %scan3A_375 = %scan3A_168 to %scan3A_170 step %scan3A_171  : i32 {
      %mul3A_376 = arith.constant 4 : i32
      %mul3A_377 = arith.muli %scan3A_375, %mul3A_376 : i32
      %dma_wait3A_378 = arith.constant 0 : i32
      %dma_wait3A_379 = arith.constant 0 : i32
      %dma_wait3A_380 = arith.constant 0 : i32
      %dma_wait3A_381 = tpu.memref_slice %arg15[%dma_wait3A_379, %dma_wait3A_380] : memref<128x128xbf16, #tpu.memory_space<vmem>> -> memref<128x128xbf16, #tpu.memory_space<vmem>>
      %dma_wait3A_382 = arith.constant 0 : i32
      %dma_wait3A_383 = tpu.memref_slice %arg7[%dma_wait3A_378, %dma_wait3A_382] : memref<1x128xi32, #tpu.memory_space<vmem>> -> memref<1x128xi32, #tpu.memory_space<vmem>>
      %dma_wait3A_384 = tpu.memref_squeeze %dma_wait3A_383 : memref<1x128xi32, #tpu.memory_space<vmem>> -> memref<128xi32, #tpu.memory_space<vmem>>
      %dma_wait3A_385 = arith.constant 0 : i32
      %dma_wait3A_386 = arith.constant 0 : i32
      %dma_wait3A_387 = tpu.memref_slice %arg4[%dma_wait3A_385, %dma_wait3A_386] : memref<10240x128xbf16, #tpu.memory_space<hbm>> -> memref<10240x128xbf16, #tpu.memory_space<hbm>>
      tpu.wait_indirect_dma semaphore(%arg21 : memref<!tpu.dma_semaphore, #tpu.memory_space<semaphore_mem>>) src(%dma_wait3A_387 : memref<10240x128xbf16, #tpu.memory_space<hbm>>) dst(%dma_wait3A_381 : memref<128x128xbf16, #tpu.memory_space<vmem>>)
      %dma_start3A_388 = arith.constant 0 : i32
      %dma_start3A_389 = arith.constant 0 : i32
      %dma_start3A_390 = tpu.memref_slice %arg11[%dma_start3A_388, %dma_start3A_389] : memref<1x128xi32, #tpu.memory_space<vmem>> -> memref<1x128xi32, #tpu.memory_space<vmem>>
      %dma_start3A_391 = tpu.memref_squeeze %dma_start3A_390 : memref<1x128xi32, #tpu.memory_space<vmem>> -> memref<128xi32, #tpu.memory_space<vmem>>
      %dma_start3A_392 = arith.constant 0 : i32
      %dma_start3A_393 = arith.constant 0 : i32
      %dma_start3A_394 = tpu.memref_slice %arg27[%dma_start3A_392, %dma_start3A_393] : memref<10240x128xbf16, #tpu.memory_space<vmem_shared>> -> memref<10240x128xbf16, #tpu.memory_space<vmem_shared>>
      tpu.enqueue_indirect_dma source(%arg15 : memref<128x128xbf16, #tpu.memory_space<vmem>>) target(%dma_start3A_394 : memref<10240x128xbf16, #tpu.memory_space<vmem_shared>>) offsets(%dma_start3A_391 : memref<128xi32, #tpu.memory_space<vmem>>) semaphore(%arg23 : memref<!tpu.dma_semaphore, #tpu.memory_space<semaphore_mem>>) {add = true}
      %dma_start3A_395 = arith.constant 0 : i32
      %dma_start3A_396 = arith.constant 0 : i32
      %dma_start3A_397 = tpu.memref_slice %arg11[%dma_start3A_395, %dma_start3A_396] : memref<1x128xi32, #tpu.memory_space<vmem>> -> memref<1x128xi32, #tpu.memory_space<vmem>>
      %dma_start3A_398 = tpu.memref_squeeze %dma_start3A_397 : memref<1x128xi32, #tpu.memory_space<vmem>> -> memref<128xi32, #tpu.memory_space<vmem>>
      %dma_start3A_399 = arith.constant 0 : i32
      %dma_start3A_400 = arith.constant 0 : i32
      %dma_start3A_401 = tpu.memref_slice %arg29[%dma_start3A_399, %dma_start3A_400] : memref<10240x16xf32, #tpu.memory_space<vmem_shared>> -> memref<10240x16xf32, #tpu.memory_space<vmem_shared>>
      tpu.enqueue_indirect_dma source(%arg25 : memref<128x16xf32, #tpu.memory_space<vmem>>) target(%dma_start3A_401 : memref<10240x16xf32, #tpu.memory_space<vmem_shared>>) offsets(%dma_start3A_398 : memref<128xi32, #tpu.memory_space<vmem>>) semaphore(%arg26 : memref<!tpu.dma_semaphore, #tpu.memory_space<semaphore_mem>>) {add = true}
      %dma_wait3A_402 = arith.constant 0 : i32
      %dma_wait3A_403 = arith.constant 0 : i32
      %dma_wait3A_404 = tpu.memref_slice %arg11[%dma_wait3A_402, %dma_wait3A_403] : memref<1x128xi32, #tpu.memory_space<vmem>> -> memref<1x128xi32, #tpu.memory_space<vmem>>
      %dma_wait3A_405 = tpu.memref_squeeze %dma_wait3A_404 : memref<1x128xi32, #tpu.memory_space<vmem>> -> memref<128xi32, #tpu.memory_space<vmem>>
      %dma_wait3A_406 = arith.constant 0 : i32
      %dma_wait3A_407 = arith.constant 0 : i32
      %dma_wait3A_408 = tpu.memref_slice %arg27[%dma_wait3A_406, %dma_wait3A_407] : memref<10240x128xbf16, #tpu.memory_space<vmem_shared>> -> memref<10240x128xbf16, #tpu.memory_space<vmem_shared>>
      tpu.wait_indirect_dma semaphore(%arg23 : memref<!tpu.dma_semaphore, #tpu.memory_space<semaphore_mem>>) src(%arg15 : memref<128x128xbf16, #tpu.memory_space<vmem>>) dst(%dma_wait3A_408 : memref<10240x128xbf16, #tpu.memory_space<vmem_shared>>)
      %dma_wait3A_409 = arith.constant 0 : i32
      %dma_wait3A_410 = arith.constant 0 : i32
      %dma_wait3A_411 = tpu.memref_slice %arg11[%dma_wait3A_409, %dma_wait3A_410] : memref<1x128xi32, #tpu.memory_space<vmem>> -> memref<1x128xi32, #tpu.memory_space<vmem>>
      %dma_wait3A_412 = tpu.memref_squeeze %dma_wait3A_411 : memref<1x128xi32, #tpu.memory_space<vmem>> -> memref<128xi32, #tpu.memory_space<vmem>>
      %dma_wait3A_413 = arith.constant 0 : i32
      %dma_wait3A_414 = arith.constant 0 : i32
      %dma_wait3A_415 = tpu.memref_slice %arg29[%dma_wait3A_413, %dma_wait3A_414] : memref<10240x16xf32, #tpu.memory_space<vmem_shared>> -> memref<10240x16xf32, #tpu.memory_space<vmem_shared>>
      tpu.wait_indirect_dma semaphore(%arg26 : memref<!tpu.dma_semaphore, #tpu.memory_space<semaphore_mem>>) src(%arg25 : memref<128x16xf32, #tpu.memory_space<vmem>>) dst(%dma_wait3A_415 : memref<10240x16xf32, #tpu.memory_space<vmem_shared>>)
      %add3A_416 = arith.constant 0 : i32
      %add3A_417 = arith.addi %mul3A_377, %add3A_416 : i32
      %add3A_418 = arith.constant 4 : i32
      %add3A_419 = arith.addi %add3A_417, %add3A_418 : i32
      %add3A_420 = arith.addi %mul3A_84, %add3A_419 : i32
      %dma_start3A_421 = arith.constant 0 : i32
      %dma_start3A_422 = tpu.memref_slice %arg2[%add3A_420, %dma_start3A_421] : memref<2560x128xi32, #tpu.memory_space<hbm>> -> memref<1x128xi32, #tpu.memory_space<hbm>>
      %dma_start3A_423 = arith.constant 0 : i32
      %dma_start3A_424 = tpu.memref_slice %arg2[%add3A_420, %dma_start3A_423] : memref<2560x128xi32, #tpu.memory_space<hbm>> -> memref<1x128xi32, #tpu.memory_space<hbm>>
      tpu.enqueue_dma source(%dma_start3A_424 : memref<1x128xi32, #tpu.memory_space<hbm>>) target(%arg7 : memref<1x128xi32, #tpu.memory_space<vmem>>) target_semaphore(%arg17 : memref<!tpu.dma_semaphore, #tpu.memory_space<semaphore_mem>>)
      %add3A_425 = arith.addi %mul3A_84, %add3A_419 : i32
      %dma_start3A_426 = arith.constant 0 : i32
      %dma_start3A_427 = tpu.memref_slice %arg3[%add3A_425, %dma_start3A_426] : memref<2560x128xi32, #tpu.memory_space<hbm>> -> memref<1x128xi32, #tpu.memory_space<hbm>>
      %dma_start3A_428 = arith.constant 0 : i32
      %dma_start3A_429 = tpu.memref_slice %arg3[%add3A_425, %dma_start3A_428] : memref<2560x128xi32, #tpu.memory_space<hbm>> -> memref<1x128xi32, #tpu.memory_space<hbm>>
      tpu.enqueue_dma source(%dma_start3A_429 : memref<1x128xi32, #tpu.memory_space<hbm>>) target(%arg11 : memref<1x128xi32, #tpu.memory_space<vmem>>) target_semaphore(%arg17 : memref<!tpu.dma_semaphore, #tpu.memory_space<semaphore_mem>>)
      %dma_wait3A_430 = arith.constant 0 : i32
      %dma_wait3A_431 = tpu.memref_slice %arg2[%mul3A_84, %dma_wait3A_430] : memref<2560x128xi32, #tpu.memory_space<hbm>> -> memref<1x128xi32, #tpu.memory_space<hbm>>
      %dma_wait3A_432 = arith.constant 0 : i32
      %dma_wait3A_433 = tpu.memref_slice %arg2[%mul3A_84, %dma_wait3A_432] : memref<2560x128xi32, #tpu.memory_space<hbm>> -> memref<1x128xi32, #tpu.memory_space<hbm>>
      tpu.wait_dma2 semaphore(%arg19 : memref<!tpu.dma_semaphore, #tpu.memory_space<semaphore_mem>>) src(%dma_wait3A_433 : memref<1x128xi32, #tpu.memory_space<hbm>>) dst(%arg9 : memref<1x128xi32, #tpu.memory_space<vmem>>)
      %dma_wait3A_434 = arith.constant 0 : i32
      %dma_wait3A_435 = tpu.memref_slice %arg3[%mul3A_84, %dma_wait3A_434] : memref<2560x128xi32, #tpu.memory_space<hbm>> -> memref<1x128xi32, #tpu.memory_space<hbm>>
      %dma_wait3A_436 = arith.constant 0 : i32
      %dma_wait3A_437 = tpu.memref_slice %arg3[%mul3A_84, %dma_wait3A_436] : memref<2560x128xi32, #tpu.memory_space<hbm>> -> memref<1x128xi32, #tpu.memory_space<hbm>>
      tpu.wait_dma2 semaphore(%arg19 : memref<!tpu.dma_semaphore, #tpu.memory_space<semaphore_mem>>) src(%dma_wait3A_437 : memref<1x128xi32, #tpu.memory_space<hbm>>) dst(%arg13 : memref<1x128xi32, #tpu.memory_space<vmem>>)
      %dma_start3A_438 = arith.constant 0 : i32
      %dma_start3A_439 = arith.constant 0 : i32
      %dma_start3A_440 = arith.constant 0 : i32
      %dma_start3A_441 = tpu.memref_slice %arg15[%dma_start3A_439, %dma_start3A_440] : memref<128x128xbf16, #tpu.memory_space<vmem>> -> memref<128x128xbf16, #tpu.memory_space<vmem>>
      %dma_start3A_442 = arith.constant 0 : i32
      %dma_start3A_443 = tpu.memref_slice %arg9[%dma_start3A_438, %dma_start3A_442] : memref<1x128xi32, #tpu.memory_space<vmem>> -> memref<1x128xi32, #tpu.memory_space<vmem>>
      %dma_start3A_444 = tpu.memref_squeeze %dma_start3A_443 : memref<1x128xi32, #tpu.memory_space<vmem>> -> memref<128xi32, #tpu.memory_space<vmem>>
      %dma_start3A_445 = arith.constant 0 : i32
      %dma_start3A_446 = arith.constant 0 : i32
      %dma_start3A_447 = tpu.memref_slice %arg4[%dma_start3A_445, %dma_start3A_446] : memref<10240x128xbf16, #tpu.memory_space<hbm>> -> memref<10240x128xbf16, #tpu.memory_space<hbm>>
      tpu.enqueue_indirect_dma source(%dma_start3A_447 : memref<10240x128xbf16, #tpu.memory_space<hbm>>) target(%dma_start3A_441 : memref<128x128xbf16, #tpu.memory_space<vmem>>) offsets(%dma_start3A_444 : memref<128xi32, #tpu.memory_space<vmem>>) semaphore(%arg21 : memref<!tpu.dma_semaphore, #tpu.memory_space<semaphore_mem>>)
      %dma_wait3A_448 = arith.constant 0 : i32
      %dma_wait3A_449 = arith.constant 0 : i32
      %dma_wait3A_450 = arith.constant 0 : i32
      %dma_wait3A_451 = tpu.memref_slice %arg16[%dma_wait3A_449, %dma_wait3A_450] : memref<128x128xbf16, #tpu.memory_space<vmem>> -> memref<128x128xbf16, #tpu.memory_space<vmem>>
      %dma_wait3A_452 = arith.constant 0 : i32
      %dma_wait3A_453 = tpu.memref_slice %arg7[%dma_wait3A_448, %dma_wait3A_452] : memref<1x128xi32, #tpu.memory_space<vmem>> -> memref<1x128xi32, #tpu.memory_space<vmem>>
      %dma_wait3A_454 = tpu.memref_squeeze %dma_wait3A_453 : memref<1x128xi32, #tpu.memory_space<vmem>> -> memref<128xi32, #tpu.memory_space<vmem>>
      %dma_wait3A_455 = arith.constant 0 : i32
      %dma_wait3A_456 = arith.constant 0 : i32
      %dma_wait3A_457 = tpu.memref_slice %arg4[%dma_wait3A_455, %dma_wait3A_456] : memref<10240x128xbf16, #tpu.memory_space<hbm>> -> memref<10240x128xbf16, #tpu.memory_space<hbm>>
      tpu.wait_indirect_dma semaphore(%arg22 : memref<!tpu.dma_semaphore, #tpu.memory_space<semaphore_mem>>) src(%dma_wait3A_457 : memref<10240x128xbf16, #tpu.memory_space<hbm>>) dst(%dma_wait3A_451 : memref<128x128xbf16, #tpu.memory_space<vmem>>)
      %dma_start3A_458 = arith.constant 0 : i32
      %dma_start3A_459 = arith.constant 0 : i32
      %dma_start3A_460 = tpu.memref_slice %arg12[%dma_start3A_458, %dma_start3A_459] : memref<1x128xi32, #tpu.memory_space<vmem>> -> memref<1x128xi32, #tpu.memory_space<vmem>>
      %dma_start3A_461 = tpu.memref_squeeze %dma_start3A_460 : memref<1x128xi32, #tpu.memory_space<vmem>> -> memref<128xi32, #tpu.memory_space<vmem>>
      %dma_start3A_462 = arith.constant 0 : i32
      %dma_start3A_463 = arith.constant 0 : i32
      %dma_start3A_464 = tpu.memref_slice %arg28[%dma_start3A_462, %dma_start3A_463] : memref<10240x128xbf16, #tpu.memory_space<vmem_shared>> -> memref<10240x128xbf16, #tpu.memory_space<vmem_shared>>
      tpu.enqueue_indirect_dma source(%arg16 : memref<128x128xbf16, #tpu.memory_space<vmem>>) target(%dma_start3A_464 : memref<10240x128xbf16, #tpu.memory_space<vmem_shared>>) offsets(%dma_start3A_461 : memref<128xi32, #tpu.memory_space<vmem>>) semaphore(%arg24 : memref<!tpu.dma_semaphore, #tpu.memory_space<semaphore_mem>>) {add = true}
      %dma_start3A_465 = arith.constant 0 : i32
      %dma_start3A_466 = arith.constant 0 : i32
      %dma_start3A_467 = tpu.memref_slice %arg12[%dma_start3A_465, %dma_start3A_466] : memref<1x128xi32, #tpu.memory_space<vmem>> -> memref<1x128xi32, #tpu.memory_space<vmem>>
      %dma_start3A_468 = tpu.memref_squeeze %dma_start3A_467 : memref<1x128xi32, #tpu.memory_space<vmem>> -> memref<128xi32, #tpu.memory_space<vmem>>
      %dma_start3A_469 = arith.constant 0 : i32
      %dma_start3A_470 = arith.constant 0 : i32
      %dma_start3A_471 = tpu.memref_slice %arg29[%dma_start3A_469, %dma_start3A_470] : memref<10240x16xf32, #tpu.memory_space<vmem_shared>> -> memref<10240x16xf32, #tpu.memory_space<vmem_shared>>
      tpu.enqueue_indirect_dma source(%arg25 : memref<128x16xf32, #tpu.memory_space<vmem>>) target(%dma_start3A_471 : memref<10240x16xf32, #tpu.memory_space<vmem_shared>>) offsets(%dma_start3A_468 : memref<128xi32, #tpu.memory_space<vmem>>) semaphore(%arg26 : memref<!tpu.dma_semaphore, #tpu.memory_space<semaphore_mem>>) {add = true}
      %dma_wait3A_472 = arith.constant 0 : i32
      %dma_wait3A_473 = arith.constant 0 : i32
      %dma_wait3A_474 = tpu.memref_slice %arg11[%dma_wait3A_472, %dma_wait3A_473] : memref<1x128xi32, #tpu.memory_space<vmem>> -> memref<1x128xi32, #tpu.memory_space<vmem>>
      %dma_wait3A_475 = tpu.memref_squeeze %dma_wait3A_474 : memref<1x128xi32, #tpu.memory_space<vmem>> -> memref<128xi32, #tpu.memory_space<vmem>>
      %dma_wait3A_476 = arith.constant 0 : i32
      %dma_wait3A_477 = arith.constant 0 : i32
      %dma_wait3A_478 = tpu.memref_slice %arg28[%dma_wait3A_476, %dma_wait3A_477] : memref<10240x128xbf16, #tpu.memory_space<vmem_shared>> -> memref<10240x128xbf16, #tpu.memory_space<vmem_shared>>
      tpu.wait_indirect_dma semaphore(%arg24 : memref<!tpu.dma_semaphore, #tpu.memory_space<semaphore_mem>>) src(%arg16 : memref<128x128xbf16, #tpu.memory_space<vmem>>) dst(%dma_wait3A_478 : memref<10240x128xbf16, #tpu.memory_space<vmem_shared>>)
      %dma_wait3A_479 = arith.constant 0 : i32
      %dma_wait3A_480 = arith.constant 0 : i32
      %dma_wait3A_481 = tpu.memref_slice %arg11[%dma_wait3A_479, %dma_wait3A_480] : memref<1x128xi32, #tpu.memory_space<vmem>> -> memref<1x128xi32, #tpu.memory_space<vmem>>
      %dma_wait3A_482 = tpu.memref_squeeze %dma_wait3A_481 : memref<1x128xi32, #tpu.memory_space<vmem>> -> memref<128xi32, #tpu.memory_space<vmem>>
      %dma_wait3A_483 = arith.constant 0 : i32
      %dma_wait3A_484 = arith.constant 0 : i32
      %dma_wait3A_485 = tpu.memref_slice %arg29[%dma_wait3A_483, %dma_wait3A_484] : memref<10240x16xf32, #tpu.memory_space<vmem_shared>> -> memref<10240x16xf32, #tpu.memory_space<vmem_shared>>
      tpu.wait_indirect_dma semaphore(%arg26 : memref<!tpu.dma_semaphore, #tpu.memory_space<semaphore_mem>>) src(%arg25 : memref<128x16xf32, #tpu.memory_space<vmem>>) dst(%dma_wait3A_485 : memref<10240x16xf32, #tpu.memory_space<vmem_shared>>)
      %add3A_486 = arith.constant 1 : i32
      %add3A_487 = arith.addi %mul3A_377, %add3A_486 : i32
      %add3A_488 = arith.constant 4 : i32
      %add3A_489 = arith.addi %add3A_487, %add3A_488 : i32
      %add3A_490 = arith.addi %mul3A_84, %add3A_489 : i32
      %dma_start3A_491 = arith.constant 0 : i32
      %dma_start3A_492 = tpu.memref_slice %arg2[%add3A_490, %dma_start3A_491] : memref<2560x128xi32, #tpu.memory_space<hbm>> -> memref<1x128xi32, #tpu.memory_space<hbm>>
      %dma_start3A_493 = arith.constant 0 : i32
      %dma_start3A_494 = tpu.memref_slice %arg2[%add3A_490, %dma_start3A_493] : memref<2560x128xi32, #tpu.memory_space<hbm>> -> memref<1x128xi32, #tpu.memory_space<hbm>>
      tpu.enqueue_dma source(%dma_start3A_494 : memref<1x128xi32, #tpu.memory_space<hbm>>) target(%arg8 : memref<1x128xi32, #tpu.memory_space<vmem>>) target_semaphore(%arg18 : memref<!tpu.dma_semaphore, #tpu.memory_space<semaphore_mem>>)
      %add3A_495 = arith.addi %mul3A_84, %add3A_489 : i32
      %dma_start3A_496 = arith.constant 0 : i32
      %dma_start3A_497 = tpu.memref_slice %arg3[%add3A_495, %dma_start3A_496] : memref<2560x128xi32, #tpu.memory_space<hbm>> -> memref<1x128xi32, #tpu.memory_space<hbm>>
      %dma_start3A_498 = arith.constant 0 : i32
      %dma_start3A_499 = tpu.memref_slice %arg3[%add3A_495, %dma_start3A_498] : memref<2560x128xi32, #tpu.memory_space<hbm>> -> memref<1x128xi32, #tpu.memory_space<hbm>>
      tpu.enqueue_dma source(%dma_start3A_499 : memref<1x128xi32, #tpu.memory_space<hbm>>) target(%arg12 : memref<1x128xi32, #tpu.memory_space<vmem>>) target_semaphore(%arg18 : memref<!tpu.dma_semaphore, #tpu.memory_space<semaphore_mem>>)
      %dma_wait3A_500 = arith.constant 0 : i32
      %dma_wait3A_501 = tpu.memref_slice %arg2[%mul3A_84, %dma_wait3A_500] : memref<2560x128xi32, #tpu.memory_space<hbm>> -> memref<1x128xi32, #tpu.memory_space<hbm>>
      %dma_wait3A_502 = arith.constant 0 : i32
      %dma_wait3A_503 = tpu.memref_slice %arg2[%mul3A_84, %dma_wait3A_502] : memref<2560x128xi32, #tpu.memory_space<hbm>> -> memref<1x128xi32, #tpu.memory_space<hbm>>
      tpu.wait_dma2 semaphore(%arg20 : memref<!tpu.dma_semaphore, #tpu.memory_space<semaphore_mem>>) src(%dma_wait3A_503 : memref<1x128xi32, #tpu.memory_space<hbm>>) dst(%arg10 : memref<1x128xi32, #tpu.memory_space<vmem>>)
      %dma_wait3A_504 = arith.constant 0 : i32
      %dma_wait3A_505 = tpu.memref_slice %arg3[%mul3A_84, %dma_wait3A_504] : memref<2560x128xi32, #tpu.memory_space<hbm>> -> memref<1x128xi32, #tpu.memory_space<hbm>>
      %dma_wait3A_506 = arith.constant 0 : i32
      %dma_wait3A_507 = tpu.memref_slice %arg3[%mul3A_84, %dma_wait3A_506] : memref<2560x128xi32, #tpu.memory_space<hbm>> -> memref<1x128xi32, #tpu.memory_space<hbm>>
      tpu.wait_dma2 semaphore(%arg20 : memref<!tpu.dma_semaphore, #tpu.memory_space<semaphore_mem>>) src(%dma_wait3A_507 : memref<1x128xi32, #tpu.memory_space<hbm>>) dst(%arg14 : memref<1x128xi32, #tpu.memory_space<vmem>>)
      %dma_start3A_508 = arith.constant 0 : i32
      %dma_start3A_509 = arith.constant 0 : i32
      %dma_start3A_510 = arith.constant 0 : i32
      %dma_start3A_511 = tpu.memref_slice %arg16[%dma_start3A_509, %dma_start3A_510] : memref<128x128xbf16, #tpu.memory_space<vmem>> -> memref<128x128xbf16, #tpu.memory_space<vmem>>
      %dma_start3A_512 = arith.constant 0 : i32
      %dma_start3A_513 = tpu.memref_slice %arg10[%dma_start3A_508, %dma_start3A_512] : memref<1x128xi32, #tpu.memory_space<vmem>> -> memref<1x128xi32, #tpu.memory_space<vmem>>
      %dma_start3A_514 = tpu.memref_squeeze %dma_start3A_513 : memref<1x128xi32, #tpu.memory_space<vmem>> -> memref<128xi32, #tpu.memory_space<vmem>>
      %dma_start3A_515 = arith.constant 0 : i32
      %dma_start3A_516 = arith.constant 0 : i32
      %dma_start3A_517 = tpu.memref_slice %arg4[%dma_start3A_515, %dma_start3A_516] : memref<10240x128xbf16, #tpu.memory_space<hbm>> -> memref<10240x128xbf16, #tpu.memory_space<hbm>>
      tpu.enqueue_indirect_dma source(%dma_start3A_517 : memref<10240x128xbf16, #tpu.memory_space<hbm>>) target(%dma_start3A_511 : memref<128x128xbf16, #tpu.memory_space<vmem>>) offsets(%dma_start3A_514 : memref<128xi32, #tpu.memory_space<vmem>>) semaphore(%arg22 : memref<!tpu.dma_semaphore, #tpu.memory_space<semaphore_mem>>)
      %dma_wait3A_518 = arith.constant 0 : i32
      %dma_wait3A_519 = arith.constant 0 : i32
      %dma_wait3A_520 = arith.constant 0 : i32
      %dma_wait3A_521 = tpu.memref_slice %arg15[%dma_wait3A_519, %dma_wait3A_520] : memref<128x128xbf16, #tpu.memory_space<vmem>> -> memref<128x128xbf16, #tpu.memory_space<vmem>>
      %dma_wait3A_522 = arith.constant 0 : i32
      %dma_wait3A_523 = tpu.memref_slice %arg7[%dma_wait3A_518, %dma_wait3A_522] : memref<1x128xi32, #tpu.memory_space<vmem>> -> memref<1x128xi32, #tpu.memory_space<vmem>>
      %dma_wait3A_524 = tpu.memref_squeeze %dma_wait3A_523 : memref<1x128xi32, #tpu.memory_space<vmem>> -> memref<128xi32, #tpu.memory_space<vmem>>
      %dma_wait3A_525 = arith.constant 0 : i32
      %dma_wait3A_526 = arith.constant 0 : i32
      %dma_wait3A_527 = tpu.memref_slice %arg4[%dma_wait3A_525, %dma_wait3A_526] : memref<10240x128xbf16, #tpu.memory_space<hbm>> -> memref<10240x128xbf16, #tpu.memory_space<hbm>>
      tpu.wait_indirect_dma semaphore(%arg21 : memref<!tpu.dma_semaphore, #tpu.memory_space<semaphore_mem>>) src(%dma_wait3A_527 : memref<10240x128xbf16, #tpu.memory_space<hbm>>) dst(%dma_wait3A_521 : memref<128x128xbf16, #tpu.memory_space<vmem>>)
      %dma_start3A_528 = arith.constant 0 : i32
      %dma_start3A_529 = arith.constant 0 : i32
      %dma_start3A_530 = tpu.memref_slice %arg13[%dma_start3A_528, %dma_start3A_529] : memref<1x128xi32, #tpu.memory_space<vmem>> -> memref<1x128xi32, #tpu.memory_space<vmem>>
      %dma_start3A_531 = tpu.memref_squeeze %dma_start3A_530 : memref<1x128xi32, #tpu.memory_space<vmem>> -> memref<128xi32, #tpu.memory_space<vmem>>
      %dma_start3A_532 = arith.constant 0 : i32
      %dma_start3A_533 = arith.constant 0 : i32
      %dma_start3A_534 = tpu.memref_slice %arg27[%dma_start3A_532, %dma_start3A_533] : memref<10240x128xbf16, #tpu.memory_space<vmem_shared>> -> memref<10240x128xbf16, #tpu.memory_space<vmem_shared>>
      tpu.enqueue_indirect_dma source(%arg15 : memref<128x128xbf16, #tpu.memory_space<vmem>>) target(%dma_start3A_534 : memref<10240x128xbf16, #tpu.memory_space<vmem_shared>>) offsets(%dma_start3A_531 : memref<128xi32, #tpu.memory_space<vmem>>) semaphore(%arg23 : memref<!tpu.dma_semaphore, #tpu.memory_space<semaphore_mem>>) {add = true}
      %dma_start3A_535 = arith.constant 0 : i32
      %dma_start3A_536 = arith.constant 0 : i32
      %dma_start3A_537 = tpu.memref_slice %arg13[%dma_start3A_535, %dma_start3A_536] : memref<1x128xi32, #tpu.memory_space<vmem>> -> memref<1x128xi32, #tpu.memory_space<vmem>>
      %dma_start3A_538 = tpu.memref_squeeze %dma_start3A_537 : memref<1x128xi32, #tpu.memory_space<vmem>> -> memref<128xi32, #tpu.memory_space<vmem>>
      %dma_start3A_539 = arith.constant 0 : i32
      %dma_start3A_540 = arith.constant 0 : i32
      %dma_start3A_541 = tpu.memref_slice %arg29[%dma_start3A_539, %dma_start3A_540] : memref<10240x16xf32, #tpu.memory_space<vmem_shared>> -> memref<10240x16xf32, #tpu.memory_space<vmem_shared>>
      tpu.enqueue_indirect_dma source(%arg25 : memref<128x16xf32, #tpu.memory_space<vmem>>) target(%dma_start3A_541 : memref<10240x16xf32, #tpu.memory_space<vmem_shared>>) offsets(%dma_start3A_538 : memref<128xi32, #tpu.memory_space<vmem>>) semaphore(%arg26 : memref<!tpu.dma_semaphore, #tpu.memory_space<semaphore_mem>>) {add = true}
      %dma_wait3A_542 = arith.constant 0 : i32
      %dma_wait3A_543 = arith.constant 0 : i32
      %dma_wait3A_544 = tpu.memref_slice %arg11[%dma_wait3A_542, %dma_wait3A_543] : memref<1x128xi32, #tpu.memory_space<vmem>> -> memref<1x128xi32, #tpu.memory_space<vmem>>
      %dma_wait3A_545 = tpu.memref_squeeze %dma_wait3A_544 : memref<1x128xi32, #tpu.memory_space<vmem>> -> memref<128xi32, #tpu.memory_space<vmem>>
      %dma_wait3A_546 = arith.constant 0 : i32
      %dma_wait3A_547 = arith.constant 0 : i32
      %dma_wait3A_548 = tpu.memref_slice %arg27[%dma_wait3A_546, %dma_wait3A_547] : memref<10240x128xbf16, #tpu.memory_space<vmem_shared>> -> memref<10240x128xbf16, #tpu.memory_space<vmem_shared>>
      tpu.wait_indirect_dma semaphore(%arg23 : memref<!tpu.dma_semaphore, #tpu.memory_space<semaphore_mem>>) src(%arg15 : memref<128x128xbf16, #tpu.memory_space<vmem>>) dst(%dma_wait3A_548 : memref<10240x128xbf16, #tpu.memory_space<vmem_shared>>)
      %dma_wait3A_549 = arith.constant 0 : i32
      %dma_wait3A_550 = arith.constant 0 : i32
      %dma_wait3A_551 = tpu.memref_slice %arg11[%dma_wait3A_549, %dma_wait3A_550] : memref<1x128xi32, #tpu.memory_space<vmem>> -> memref<1x128xi32, #tpu.memory_space<vmem>>
      %dma_wait3A_552 = tpu.memref_squeeze %dma_wait3A_551 : memref<1x128xi32, #tpu.memory_space<vmem>> -> memref<128xi32, #tpu.memory_space<vmem>>
      %dma_wait3A_553 = arith.constant 0 : i32
      %dma_wait3A_554 = arith.constant 0 : i32
      %dma_wait3A_555 = tpu.memref_slice %arg29[%dma_wait3A_553, %dma_wait3A_554] : memref<10240x16xf32, #tpu.memory_space<vmem_shared>> -> memref<10240x16xf32, #tpu.memory_space<vmem_shared>>
      tpu.wait_indirect_dma semaphore(%arg26 : memref<!tpu.dma_semaphore, #tpu.memory_space<semaphore_mem>>) src(%arg25 : memref<128x16xf32, #tpu.memory_space<vmem>>) dst(%dma_wait3A_555 : memref<10240x16xf32, #tpu.memory_space<vmem_shared>>)
      %add3A_556 = arith.constant 2 : i32
      %add3A_557 = arith.addi %mul3A_377, %add3A_556 : i32
      %add3A_558 = arith.constant 4 : i32
      %add3A_559 = arith.addi %add3A_557, %add3A_558 : i32
      %add3A_560 = arith.addi %mul3A_84, %add3A_559 : i32
      %dma_start3A_561 = arith.constant 0 : i32
      %dma_start3A_562 = tpu.memref_slice %arg2[%add3A_560, %dma_start3A_561] : memref<2560x128xi32, #tpu.memory_space<hbm>> -> memref<1x128xi32, #tpu.memory_space<hbm>>
      %dma_start3A_563 = arith.constant 0 : i32
      %dma_start3A_564 = tpu.memref_slice %arg2[%add3A_560, %dma_start3A_563] : memref<2560x128xi32, #tpu.memory_space<hbm>> -> memref<1x128xi32, #tpu.memory_space<hbm>>
      tpu.enqueue_dma source(%dma_start3A_564 : memref<1x128xi32, #tpu.memory_space<hbm>>) target(%arg9 : memref<1x128xi32, #tpu.memory_space<vmem>>) target_semaphore(%arg19 : memref<!tpu.dma_semaphore, #tpu.memory_space<semaphore_mem>>)
      %add3A_565 = arith.addi %mul3A_84, %add3A_559 : i32
      %dma_start3A_566 = arith.constant 0 : i32
      %dma_start3A_567 = tpu.memref_slice %arg3[%add3A_565, %dma_start3A_566] : memref<2560x128xi32, #tpu.memory_space<hbm>> -> memref<1x128xi32, #tpu.memory_space<hbm>>
      %dma_start3A_568 = arith.constant 0 : i32
      %dma_start3A_569 = tpu.memref_slice %arg3[%add3A_565, %dma_start3A_568] : memref<2560x128xi32, #tpu.memory_space<hbm>> -> memref<1x128xi32, #tpu.memory_space<hbm>>
      tpu.enqueue_dma source(%dma_start3A_569 : memref<1x128xi32, #tpu.memory_space<hbm>>) target(%arg13 : memref<1x128xi32, #tpu.memory_space<vmem>>) target_semaphore(%arg19 : memref<!tpu.dma_semaphore, #tpu.memory_space<semaphore_mem>>)
      %dma_wait3A_570 = arith.constant 0 : i32
      %dma_wait3A_571 = tpu.memref_slice %arg2[%mul3A_84, %dma_wait3A_570] : memref<2560x128xi32, #tpu.memory_space<hbm>> -> memref<1x128xi32, #tpu.memory_space<hbm>>
      %dma_wait3A_572 = arith.constant 0 : i32
      %dma_wait3A_573 = tpu.memref_slice %arg2[%mul3A_84, %dma_wait3A_572] : memref<2560x128xi32, #tpu.memory_space<hbm>> -> memref<1x128xi32, #tpu.memory_space<hbm>>
      tpu.wait_dma2 semaphore(%arg17 : memref<!tpu.dma_semaphore, #tpu.memory_space<semaphore_mem>>) src(%dma_wait3A_573 : memref<1x128xi32, #tpu.memory_space<hbm>>) dst(%arg7 : memref<1x128xi32, #tpu.memory_space<vmem>>)
      %dma_wait3A_574 = arith.constant 0 : i32
      %dma_wait3A_575 = tpu.memref_slice %arg3[%mul3A_84, %dma_wait3A_574] : memref<2560x128xi32, #tpu.memory_space<hbm>> -> memref<1x128xi32, #tpu.memory_space<hbm>>
      %dma_wait3A_576 = arith.constant 0 : i32
      %dma_wait3A_577 = tpu.memref_slice %arg3[%mul3A_84, %dma_wait3A_576] : memref<2560x128xi32, #tpu.memory_space<hbm>> -> memref<1x128xi32, #tpu.memory_space<hbm>>
      tpu.wait_dma2 semaphore(%arg17 : memref<!tpu.dma_semaphore, #tpu.memory_space<semaphore_mem>>) src(%dma_wait3A_577 : memref<1x128xi32, #tpu.memory_space<hbm>>) dst(%arg11 : memref<1x128xi32, #tpu.memory_space<vmem>>)
      %dma_start3A_578 = arith.constant 0 : i32
      %dma_start3A_579 = arith.constant 0 : i32
      %dma_start3A_580 = arith.constant 0 : i32
      %dma_start3A_581 = tpu.memref_slice %arg15[%dma_start3A_579, %dma_start3A_580] : memref<128x128xbf16, #tpu.memory_space<vmem>> -> memref<128x128xbf16, #tpu.memory_space<vmem>>
      %dma_start3A_582 = arith.constant 0 : i32
      %dma_start3A_583 = tpu.memref_slice %arg7[%dma_start3A_578, %dma_start3A_582] : memref<1x128xi32, #tpu.memory_space<vmem>> -> memref<1x128xi32, #tpu.memory_space<vmem>>
      %dma_start3A_584 = tpu.memref_squeeze %dma_start3A_583 : memref<1x128xi32, #tpu.memory_space<vmem>> -> memref<128xi32, #tpu.memory_space<vmem>>
      %dma_start3A_585 = arith.constant 0 : i32
      %dma_start3A_586 = arith.constant 0 : i32
      %dma_start3A_587 = tpu.memref_slice %arg4[%dma_start3A_585, %dma_start3A_586] : memref<10240x128xbf16, #tpu.memory_space<hbm>> -> memref<10240x128xbf16, #tpu.memory_space<hbm>>
      tpu.enqueue_indirect_dma source(%dma_start3A_587 : memref<10240x128xbf16, #tpu.memory_space<hbm>>) target(%dma_start3A_581 : memref<128x128xbf16, #tpu.memory_space<vmem>>) offsets(%dma_start3A_584 : memref<128xi32, #tpu.memory_space<vmem>>) semaphore(%arg21 : memref<!tpu.dma_semaphore, #tpu.memory_space<semaphore_mem>>)
      %dma_wait3A_588 = arith.constant 0 : i32
      %dma_wait3A_589 = arith.constant 0 : i32
      %dma_wait3A_590 = arith.constant 0 : i32
      %dma_wait3A_591 = tpu.memref_slice %arg16[%dma_wait3A_589, %dma_wait3A_590] : memref<128x128xbf16, #tpu.memory_space<vmem>> -> memref<128x128xbf16, #tpu.memory_space<vmem>>
      %dma_wait3A_592 = arith.constant 0 : i32
      %dma_wait3A_593 = tpu.memref_slice %arg7[%dma_wait3A_588, %dma_wait3A_592] : memref<1x128xi32, #tpu.memory_space<vmem>> -> memref<1x128xi32, #tpu.memory_space<vmem>>
      %dma_wait3A_594 = tpu.memref_squeeze %dma_wait3A_593 : memref<1x128xi32, #tpu.memory_space<vmem>> -> memref<128xi32, #tpu.memory_space<vmem>>
      %dma_wait3A_595 = arith.constant 0 : i32
      %dma_wait3A_596 = arith.constant 0 : i32
      %dma_wait3A_597 = tpu.memref_slice %arg4[%dma_wait3A_595, %dma_wait3A_596] : memref<10240x128xbf16, #tpu.memory_space<hbm>> -> memref<10240x128xbf16, #tpu.memory_space<hbm>>
      tpu.wait_indirect_dma semaphore(%arg22 : memref<!tpu.dma_semaphore, #tpu.memory_space<semaphore_mem>>) src(%dma_wait3A_597 : memref<10240x128xbf16, #tpu.memory_space<hbm>>) dst(%dma_wait3A_591 : memref<128x128xbf16, #tpu.memory_space<vmem>>)
      %dma_start3A_598 = arith.constant 0 : i32
      %dma_start3A_599 = arith.constant 0 : i32
      %dma_start3A_600 = tpu.memref_slice %arg14[%dma_start3A_598, %dma_start3A_599] : memref<1x128xi32, #tpu.memory_space<vmem>> -> memref<1x128xi32, #tpu.memory_space<vmem>>
      %dma_start3A_601 = tpu.memref_squeeze %dma_start3A_600 : memref<1x128xi32, #tpu.memory_space<vmem>> -> memref<128xi32, #tpu.memory_space<vmem>>
      %dma_start3A_602 = arith.constant 0 : i32
      %dma_start3A_603 = arith.constant 0 : i32
      %dma_start3A_604 = tpu.memref_slice %arg28[%dma_start3A_602, %dma_start3A_603] : memref<10240x128xbf16, #tpu.memory_space<vmem_shared>> -> memref<10240x128xbf16, #tpu.memory_space<vmem_shared>>
      tpu.enqueue_indirect_dma source(%arg16 : memref<128x128xbf16, #tpu.memory_space<vmem>>) target(%dma_start3A_604 : memref<10240x128xbf16, #tpu.memory_space<vmem_shared>>) offsets(%dma_start3A_601 : memref<128xi32, #tpu.memory_space<vmem>>) semaphore(%arg24 : memref<!tpu.dma_semaphore, #tpu.memory_space<semaphore_mem>>) {add = true}
      %dma_start3A_605 = arith.constant 0 : i32
      %dma_start3A_606 = arith.constant 0 : i32
      %dma_start3A_607 = tpu.memref_slice %arg14[%dma_start3A_605, %dma_start3A_606] : memref<1x128xi32, #tpu.memory_space<vmem>> -> memref<1x128xi32, #tpu.memory_space<vmem>>
      %dma_start3A_608 = tpu.memref_squeeze %dma_start3A_607 : memref<1x128xi32, #tpu.memory_space<vmem>> -> memref<128xi32, #tpu.memory_space<vmem>>
      %dma_start3A_609 = arith.constant 0 : i32
      %dma_start3A_610 = arith.constant 0 : i32
      %dma_start3A_611 = tpu.memref_slice %arg29[%dma_start3A_609, %dma_start3A_610] : memref<10240x16xf32, #tpu.memory_space<vmem_shared>> -> memref<10240x16xf32, #tpu.memory_space<vmem_shared>>
      tpu.enqueue_indirect_dma source(%arg25 : memref<128x16xf32, #tpu.memory_space<vmem>>) target(%dma_start3A_611 : memref<10240x16xf32, #tpu.memory_space<vmem_shared>>) offsets(%dma_start3A_608 : memref<128xi32, #tpu.memory_space<vmem>>) semaphore(%arg26 : memref<!tpu.dma_semaphore, #tpu.memory_space<semaphore_mem>>) {add = true}
      %dma_wait3A_612 = arith.constant 0 : i32
      %dma_wait3A_613 = arith.constant 0 : i32
      %dma_wait3A_614 = tpu.memref_slice %arg11[%dma_wait3A_612, %dma_wait3A_613] : memref<1x128xi32, #tpu.memory_space<vmem>> -> memref<1x128xi32, #tpu.memory_space<vmem>>
      %dma_wait3A_615 = tpu.memref_squeeze %dma_wait3A_614 : memref<1x128xi32, #tpu.memory_space<vmem>> -> memref<128xi32, #tpu.memory_space<vmem>>
      %dma_wait3A_616 = arith.constant 0 : i32
      %dma_wait3A_617 = arith.constant 0 : i32
      %dma_wait3A_618 = tpu.memref_slice %arg28[%dma_wait3A_616, %dma_wait3A_617] : memref<10240x128xbf16, #tpu.memory_space<vmem_shared>> -> memref<10240x128xbf16, #tpu.memory_space<vmem_shared>>
      tpu.wait_indirect_dma semaphore(%arg24 : memref<!tpu.dma_semaphore, #tpu.memory_space<semaphore_mem>>) src(%arg16 : memref<128x128xbf16, #tpu.memory_space<vmem>>) dst(%dma_wait3A_618 : memref<10240x128xbf16, #tpu.memory_space<vmem_shared>>)
      %dma_wait3A_619 = arith.constant 0 : i32
      %dma_wait3A_620 = arith.constant 0 : i32
      %dma_wait3A_621 = tpu.memref_slice %arg11[%dma_wait3A_619, %dma_wait3A_620] : memref<1x128xi32, #tpu.memory_space<vmem>> -> memref<1x128xi32, #tpu.memory_space<vmem>>
      %dma_wait3A_622 = tpu.memref_squeeze %dma_wait3A_621 : memref<1x128xi32, #tpu.memory_space<vmem>> -> memref<128xi32, #tpu.memory_space<vmem>>
      %dma_wait3A_623 = arith.constant 0 : i32
      %dma_wait3A_624 = arith.constant 0 : i32
      %dma_wait3A_625 = tpu.memref_slice %arg29[%dma_wait3A_623, %dma_wait3A_624] : memref<10240x16xf32, #tpu.memory_space<vmem_shared>> -> memref<10240x16xf32, #tpu.memory_space<vmem_shared>>
      tpu.wait_indirect_dma semaphore(%arg26 : memref<!tpu.dma_semaphore, #tpu.memory_space<semaphore_mem>>) src(%arg25 : memref<128x16xf32, #tpu.memory_space<vmem>>) dst(%dma_wait3A_625 : memref<10240x16xf32, #tpu.memory_space<vmem_shared>>)
      %add3A_626 = arith.constant 3 : i32
      %add3A_627 = arith.addi %mul3A_377, %add3A_626 : i32
      %add3A_628 = arith.constant 4 : i32
      %add3A_629 = arith.addi %add3A_627, %add3A_628 : i32
      %add3A_630 = arith.addi %mul3A_84, %add3A_629 : i32
      %dma_start3A_631 = arith.constant 0 : i32
      %dma_start3A_632 = tpu.memref_slice %arg2[%add3A_630, %dma_start3A_631] : memref<2560x128xi32, #tpu.memory_space<hbm>> -> memref<1x128xi32, #tpu.memory_space<hbm>>
      %dma_start3A_633 = arith.constant 0 : i32
      %dma_start3A_634 = tpu.memref_slice %arg2[%add3A_630, %dma_start3A_633] : memref<2560x128xi32, #tpu.memory_space<hbm>> -> memref<1x128xi32, #tpu.memory_space<hbm>>
      tpu.enqueue_dma source(%dma_start3A_634 : memref<1x128xi32, #tpu.memory_space<hbm>>) target(%arg10 : memref<1x128xi32, #tpu.memory_space<vmem>>) target_semaphore(%arg20 : memref<!tpu.dma_semaphore, #tpu.memory_space<semaphore_mem>>)
      %add3A_635 = arith.addi %mul3A_84, %add3A_629 : i32
      %dma_start3A_636 = arith.constant 0 : i32
      %dma_start3A_637 = tpu.memref_slice %arg3[%add3A_635, %dma_start3A_636] : memref<2560x128xi32, #tpu.memory_space<hbm>> -> memref<1x128xi32, #tpu.memory_space<hbm>>
      %dma_start3A_638 = arith.constant 0 : i32
      %dma_start3A_639 = tpu.memref_slice %arg3[%add3A_635, %dma_start3A_638] : memref<2560x128xi32, #tpu.memory_space<hbm>> -> memref<1x128xi32, #tpu.memory_space<hbm>>
      tpu.enqueue_dma source(%dma_start3A_639 : memref<1x128xi32, #tpu.memory_space<hbm>>) target(%arg14 : memref<1x128xi32, #tpu.memory_space<vmem>>) target_semaphore(%arg20 : memref<!tpu.dma_semaphore, #tpu.memory_space<semaphore_mem>>)
      %dma_wait3A_640 = arith.constant 0 : i32
      %dma_wait3A_641 = tpu.memref_slice %arg2[%mul3A_84, %dma_wait3A_640] : memref<2560x128xi32, #tpu.memory_space<hbm>> -> memref<1x128xi32, #tpu.memory_space<hbm>>
      %dma_wait3A_642 = arith.constant 0 : i32
      %dma_wait3A_643 = tpu.memref_slice %arg2[%mul3A_84, %dma_wait3A_642] : memref<2560x128xi32, #tpu.memory_space<hbm>> -> memref<1x128xi32, #tpu.memory_space<hbm>>
      tpu.wait_dma2 semaphore(%arg18 : memref<!tpu.dma_semaphore, #tpu.memory_space<semaphore_mem>>) src(%dma_wait3A_643 : memref<1x128xi32, #tpu.memory_space<hbm>>) dst(%arg8 : memref<1x128xi32, #tpu.memory_space<vmem>>)
      %dma_wait3A_644 = arith.constant 0 : i32
      %dma_wait3A_645 = tpu.memref_slice %arg3[%mul3A_84, %dma_wait3A_644] : memref<2560x128xi32, #tpu.memory_space<hbm>> -> memref<1x128xi32, #tpu.memory_space<hbm>>
      %dma_wait3A_646 = arith.constant 0 : i32
      %dma_wait3A_647 = tpu.memref_slice %arg3[%mul3A_84, %dma_wait3A_646] : memref<2560x128xi32, #tpu.memory_space<hbm>> -> memref<1x128xi32, #tpu.memory_space<hbm>>
      tpu.wait_dma2 semaphore(%arg18 : memref<!tpu.dma_semaphore, #tpu.memory_space<semaphore_mem>>) src(%dma_wait3A_647 : memref<1x128xi32, #tpu.memory_space<hbm>>) dst(%arg12 : memref<1x128xi32, #tpu.memory_space<vmem>>)
      %dma_start3A_648 = arith.constant 0 : i32
      %dma_start3A_649 = arith.constant 0 : i32
      %dma_start3A_650 = arith.constant 0 : i32
      %dma_start3A_651 = tpu.memref_slice %arg16[%dma_start3A_649, %dma_start3A_650] : memref<128x128xbf16, #tpu.memory_space<vmem>> -> memref<128x128xbf16, #tpu.memory_space<vmem>>
      %dma_start3A_652 = arith.constant 0 : i32
      %dma_start3A_653 = tpu.memref_slice %arg8[%dma_start3A_648, %dma_start3A_652] : memref<1x128xi32, #tpu.memory_space<vmem>> -> memref<1x128xi32, #tpu.memory_space<vmem>>
      %dma_start3A_654 = tpu.memref_squeeze %dma_start3A_653 : memref<1x128xi32, #tpu.memory_space<vmem>> -> memref<128xi32, #tpu.memory_space<vmem>>
      %dma_start3A_655 = arith.constant 0 : i32
      %dma_start3A_656 = arith.constant 0 : i32
      %dma_start3A_657 = tpu.memref_slice %arg4[%dma_start3A_655, %dma_start3A_656] : memref<10240x128xbf16, #tpu.memory_space<hbm>> -> memref<10240x128xbf16, #tpu.memory_space<hbm>>
      tpu.enqueue_indirect_dma source(%dma_start3A_657 : memref<10240x128xbf16, #tpu.memory_space<hbm>>) target(%dma_start3A_651 : memref<128x128xbf16, #tpu.memory_space<vmem>>) offsets(%dma_start3A_654 : memref<128xi32, #tpu.memory_space<vmem>>) semaphore(%arg22 : memref<!tpu.dma_semaphore, #tpu.memory_space<semaphore_mem>>)
    }
    %scan3A_172 = arith.constant 19 : i32
    %dma_wait3A_173 = arith.constant 0 : i32
    %dma_wait3A_174 = arith.constant 0 : i32
    %dma_wait3A_175 = arith.constant 0 : i32
    %dma_wait3A_176 = tpu.memref_slice %arg15[%dma_wait3A_174, %dma_wait3A_175] : memref<128x128xbf16, #tpu.memory_space<vmem>> -> memref<128x128xbf16, #tpu.memory_space<vmem>>
    %dma_wait3A_177 = arith.constant 0 : i32
    %dma_wait3A_178 = tpu.memref_slice %arg7[%dma_wait3A_173, %dma_wait3A_177] : memref<1x128xi32, #tpu.memory_space<vmem>> -> memref<1x128xi32, #tpu.memory_space<vmem>>
    %dma_wait3A_179 = tpu.memref_squeeze %dma_wait3A_178 : memref<1x128xi32, #tpu.memory_space<vmem>> -> memref<128xi32, #tpu.memory_space<vmem>>
    %dma_wait3A_180 = arith.constant 0 : i32
    %dma_wait3A_181 = arith.constant 0 : i32
    %dma_wait3A_182 = tpu.memref_slice %arg4[%dma_wait3A_180, %dma_wait3A_181] : memref<10240x128xbf16, #tpu.memory_space<hbm>> -> memref<10240x128xbf16, #tpu.memory_space<hbm>>
    tpu.wait_indirect_dma semaphore(%arg21 : memref<!tpu.dma_semaphore, #tpu.memory_space<semaphore_mem>>) src(%dma_wait3A_182 : memref<10240x128xbf16, #tpu.memory_space<hbm>>) dst(%dma_wait3A_176 : memref<128x128xbf16, #tpu.memory_space<vmem>>)
    %dma_start3A_183 = arith.constant 0 : i32
    %dma_start3A_184 = arith.constant 0 : i32
    %dma_start3A_185 = tpu.memref_slice %arg11[%dma_start3A_183, %dma_start3A_184] : memref<1x128xi32, #tpu.memory_space<vmem>> -> memref<1x128xi32, #tpu.memory_space<vmem>>
    %dma_start3A_186 = tpu.memref_squeeze %dma_start3A_185 : memref<1x128xi32, #tpu.memory_space<vmem>> -> memref<128xi32, #tpu.memory_space<vmem>>
    %dma_start3A_187 = arith.constant 0 : i32
    %dma_start3A_188 = arith.constant 0 : i32
    %dma_start3A_189 = tpu.memref_slice %arg27[%dma_start3A_187, %dma_start3A_188] : memref<10240x128xbf16, #tpu.memory_space<vmem_shared>> -> memref<10240x128xbf16, #tpu.memory_space<vmem_shared>>
    tpu.enqueue_indirect_dma source(%arg15 : memref<128x128xbf16, #tpu.memory_space<vmem>>) target(%dma_start3A_189 : memref<10240x128xbf16, #tpu.memory_space<vmem_shared>>) offsets(%dma_start3A_186 : memref<128xi32, #tpu.memory_space<vmem>>) semaphore(%arg23 : memref<!tpu.dma_semaphore, #tpu.memory_space<semaphore_mem>>) {add = true}
    %dma_start3A_190 = arith.constant 0 : i32
    %dma_start3A_191 = arith.constant 0 : i32
    %dma_start3A_192 = tpu.memref_slice %arg11[%dma_start3A_190, %dma_start3A_191] : memref<1x128xi32, #tpu.memory_space<vmem>> -> memref<1x128xi32, #tpu.memory_space<vmem>>
    %dma_start3A_193 = tpu.memref_squeeze %dma_start3A_192 : memref<1x128xi32, #tpu.memory_space<vmem>> -> memref<128xi32, #tpu.memory_space<vmem>>
    %dma_start3A_194 = arith.constant 0 : i32
    %dma_start3A_195 = arith.constant 0 : i32
    %dma_start3A_196 = tpu.memref_slice %arg29[%dma_start3A_194, %dma_start3A_195] : memref<10240x16xf32, #tpu.memory_space<vmem_shared>> -> memref<10240x16xf32, #tpu.memory_space<vmem_shared>>
    tpu.enqueue_indirect_dma source(%arg25 : memref<128x16xf32, #tpu.memory_space<vmem>>) target(%dma_start3A_196 : memref<10240x16xf32, #tpu.memory_space<vmem_shared>>) offsets(%dma_start3A_193 : memref<128xi32, #tpu.memory_space<vmem>>) semaphore(%arg26 : memref<!tpu.dma_semaphore, #tpu.memory_space<semaphore_mem>>) {add = true}
    %dma_wait3A_197 = arith.constant 0 : i32
    %dma_wait3A_198 = arith.constant 0 : i32
    %dma_wait3A_199 = tpu.memref_slice %arg11[%dma_wait3A_197, %dma_wait3A_198] : memref<1x128xi32, #tpu.memory_space<vmem>> -> memref<1x128xi32, #tpu.memory_space<vmem>>
    %dma_wait3A_200 = tpu.memref_squeeze %dma_wait3A_199 : memref<1x128xi32, #tpu.memory_space<vmem>> -> memref<128xi32, #tpu.memory_space<vmem>>
    %dma_wait3A_201 = arith.constant 0 : i32
    %dma_wait3A_202 = arith.constant 0 : i32
    %dma_wait3A_203 = tpu.memref_slice %arg27[%dma_wait3A_201, %dma_wait3A_202] : memref<10240x128xbf16, #tpu.memory_space<vmem_shared>> -> memref<10240x128xbf16, #tpu.memory_space<vmem_shared>>
    tpu.wait_indirect_dma semaphore(%arg23 : memref<!tpu.dma_semaphore, #tpu.memory_space<semaphore_mem>>) src(%arg15 : memref<128x128xbf16, #tpu.memory_space<vmem>>) dst(%dma_wait3A_203 : memref<10240x128xbf16, #tpu.memory_space<vmem_shared>>)
    %dma_wait3A_204 = arith.constant 0 : i32
    %dma_wait3A_205 = arith.constant 0 : i32
    %dma_wait3A_206 = tpu.memref_slice %arg11[%dma_wait3A_204, %dma_wait3A_205] : memref<1x128xi32, #tpu.memory_space<vmem>> -> memref<1x128xi32, #tpu.memory_space<vmem>>
    %dma_wait3A_207 = tpu.memref_squeeze %dma_wait3A_206 : memref<1x128xi32, #tpu.memory_space<vmem>> -> memref<128xi32, #tpu.memory_space<vmem>>
    %dma_wait3A_208 = arith.constant 0 : i32
    %dma_wait3A_209 = arith.constant 0 : i32
    %dma_wait3A_210 = tpu.memref_slice %arg29[%dma_wait3A_208, %dma_wait3A_209] : memref<10240x16xf32, #tpu.memory_space<vmem_shared>> -> memref<10240x16xf32, #tpu.memory_space<vmem_shared>>
    tpu.wait_indirect_dma semaphore(%arg26 : memref<!tpu.dma_semaphore, #tpu.memory_space<semaphore_mem>>) src(%arg25 : memref<128x16xf32, #tpu.memory_space<vmem>>) dst(%dma_wait3A_210 : memref<10240x16xf32, #tpu.memory_space<vmem_shared>>)
    %dma_wait3A_211 = arith.constant 0 : i32
    %dma_wait3A_212 = tpu.memref_slice %arg2[%mul3A_84, %dma_wait3A_211] : memref<2560x128xi32, #tpu.memory_space<hbm>> -> memref<1x128xi32, #tpu.memory_space<hbm>>
    %dma_wait3A_213 = arith.constant 0 : i32
    %dma_wait3A_214 = tpu.memref_slice %arg2[%mul3A_84, %dma_wait3A_213] : memref<2560x128xi32, #tpu.memory_space<hbm>> -> memref<1x128xi32, #tpu.memory_space<hbm>>
    tpu.wait_dma2 semaphore(%arg19 : memref<!tpu.dma_semaphore, #tpu.memory_space<semaphore_mem>>) src(%dma_wait3A_214 : memref<1x128xi32, #tpu.memory_space<hbm>>) dst(%arg9 : memref<1x128xi32, #tpu.memory_space<vmem>>)
    %dma_wait3A_215 = arith.constant 0 : i32
    %dma_wait3A_216 = tpu.memref_slice %arg3[%mul3A_84, %dma_wait3A_215] : memref<2560x128xi32, #tpu.memory_space<hbm>> -> memref<1x128xi32, #tpu.memory_space<hbm>>
    %dma_wait3A_217 = arith.constant 0 : i32
    %dma_wait3A_218 = tpu.memref_slice %arg3[%mul3A_84, %dma_wait3A_217] : memref<2560x128xi32, #tpu.memory_space<hbm>> -> memref<1x128xi32, #tpu.memory_space<hbm>>
    tpu.wait_dma2 semaphore(%arg19 : memref<!tpu.dma_semaphore, #tpu.memory_space<semaphore_mem>>) src(%dma_wait3A_218 : memref<1x128xi32, #tpu.memory_space<hbm>>) dst(%arg13 : memref<1x128xi32, #tpu.memory_space<vmem>>)
    %dma_start3A_219 = arith.constant 0 : i32
    %dma_start3A_220 = arith.constant 0 : i32
    %dma_start3A_221 = arith.constant 0 : i32
    %dma_start3A_222 = tpu.memref_slice %arg15[%dma_start3A_220, %dma_start3A_221] : memref<128x128xbf16, #tpu.memory_space<vmem>> -> memref<128x128xbf16, #tpu.memory_space<vmem>>
    %dma_start3A_223 = arith.constant 0 : i32
    %dma_start3A_224 = tpu.memref_slice %arg9[%dma_start3A_219, %dma_start3A_223] : memref<1x128xi32, #tpu.memory_space<vmem>> -> memref<1x128xi32, #tpu.memory_space<vmem>>
    %dma_start3A_225 = tpu.memref_squeeze %dma_start3A_224 : memref<1x128xi32, #tpu.memory_space<vmem>> -> memref<128xi32, #tpu.memory_space<vmem>>
    %dma_start3A_226 = arith.constant 0 : i32
    %dma_start3A_227 = arith.constant 0 : i32
    %dma_start3A_228 = tpu.memref_slice %arg4[%dma_start3A_226, %dma_start3A_227] : memref<10240x128xbf16, #tpu.memory_space<hbm>> -> memref<10240x128xbf16, #tpu.memory_space<hbm>>
    tpu.enqueue_indirect_dma source(%dma_start3A_228 : memref<10240x128xbf16, #tpu.memory_space<hbm>>) target(%dma_start3A_222 : memref<128x128xbf16, #tpu.memory_space<vmem>>) offsets(%dma_start3A_225 : memref<128xi32, #tpu.memory_space<vmem>>) semaphore(%arg21 : memref<!tpu.dma_semaphore, #tpu.memory_space<semaphore_mem>>)
    %dma_wait3A_229 = arith.constant 0 : i32
    %dma_wait3A_230 = arith.constant 0 : i32
    %dma_wait3A_231 = arith.constant 0 : i32
    %dma_wait3A_232 = tpu.memref_slice %arg16[%dma_wait3A_230, %dma_wait3A_231] : memref<128x128xbf16, #tpu.memory_space<vmem>> -> memref<128x128xbf16, #tpu.memory_space<vmem>>
    %dma_wait3A_233 = arith.constant 0 : i32
    %dma_wait3A_234 = tpu.memref_slice %arg7[%dma_wait3A_229, %dma_wait3A_233] : memref<1x128xi32, #tpu.memory_space<vmem>> -> memref<1x128xi32, #tpu.memory_space<vmem>>
    %dma_wait3A_235 = tpu.memref_squeeze %dma_wait3A_234 : memref<1x128xi32, #tpu.memory_space<vmem>> -> memref<128xi32, #tpu.memory_space<vmem>>
    %dma_wait3A_236 = arith.constant 0 : i32
    %dma_wait3A_237 = arith.constant 0 : i32
    %dma_wait3A_238 = tpu.memref_slice %arg4[%dma_wait3A_236, %dma_wait3A_237] : memref<10240x128xbf16, #tpu.memory_space<hbm>> -> memref<10240x128xbf16, #tpu.memory_space<hbm>>
    tpu.wait_indirect_dma semaphore(%arg22 : memref<!tpu.dma_semaphore, #tpu.memory_space<semaphore_mem>>) src(%dma_wait3A_238 : memref<10240x128xbf16, #tpu.memory_space<hbm>>) dst(%dma_wait3A_232 : memref<128x128xbf16, #tpu.memory_space<vmem>>)
    %dma_start3A_239 = arith.constant 0 : i32
    %dma_start3A_240 = arith.constant 0 : i32
    %dma_start3A_241 = tpu.memref_slice %arg12[%dma_start3A_239, %dma_start3A_240] : memref<1x128xi32, #tpu.memory_space<vmem>> -> memref<1x128xi32, #tpu.memory_space<vmem>>
    %dma_start3A_242 = tpu.memref_squeeze %dma_start3A_241 : memref<1x128xi32, #tpu.memory_space<vmem>> -> memref<128xi32, #tpu.memory_space<vmem>>
    %dma_start3A_243 = arith.constant 0 : i32
    %dma_start3A_244 = arith.constant 0 : i32
    %dma_start3A_245 = tpu.memref_slice %arg28[%dma_start3A_243, %dma_start3A_244] : memref<10240x128xbf16, #tpu.memory_space<vmem_shared>> -> memref<10240x128xbf16, #tpu.memory_space<vmem_shared>>
    tpu.enqueue_indirect_dma source(%arg16 : memref<128x128xbf16, #tpu.memory_space<vmem>>) target(%dma_start3A_245 : memref<10240x128xbf16, #tpu.memory_space<vmem_shared>>) offsets(%dma_start3A_242 : memref<128xi32, #tpu.memory_space<vmem>>) semaphore(%arg24 : memref<!tpu.dma_semaphore, #tpu.memory_space<semaphore_mem>>) {add = true}
    %dma_start3A_246 = arith.constant 0 : i32
    %dma_start3A_247 = arith.constant 0 : i32
    %dma_start3A_248 = tpu.memref_slice %arg12[%dma_start3A_246, %dma_start3A_247] : memref<1x128xi32, #tpu.memory_space<vmem>> -> memref<1x128xi32, #tpu.memory_space<vmem>>
    %dma_start3A_249 = tpu.memref_squeeze %dma_start3A_248 : memref<1x128xi32, #tpu.memory_space<vmem>> -> memref<128xi32, #tpu.memory_space<vmem>>
    %dma_start3A_250 = arith.constant 0 : i32
    %dma_start3A_251 = arith.constant 0 : i32
    %dma_start3A_252 = tpu.memref_slice %arg29[%dma_start3A_250, %dma_start3A_251] : memref<10240x16xf32, #tpu.memory_space<vmem_shared>> -> memref<10240x16xf32, #tpu.memory_space<vmem_shared>>
    tpu.enqueue_indirect_dma source(%arg25 : memref<128x16xf32, #tpu.memory_space<vmem>>) target(%dma_start3A_252 : memref<10240x16xf32, #tpu.memory_space<vmem_shared>>) offsets(%dma_start3A_249 : memref<128xi32, #tpu.memory_space<vmem>>) semaphore(%arg26 : memref<!tpu.dma_semaphore, #tpu.memory_space<semaphore_mem>>) {add = true}
    %dma_wait3A_253 = arith.constant 0 : i32
    %dma_wait3A_254 = arith.constant 0 : i32
    %dma_wait3A_255 = tpu.memref_slice %arg11[%dma_wait3A_253, %dma_wait3A_254] : memref<1x128xi32, #tpu.memory_space<vmem>> -> memref<1x128xi32, #tpu.memory_space<vmem>>
    %dma_wait3A_256 = tpu.memref_squeeze %dma_wait3A_255 : memref<1x128xi32, #tpu.memory_space<vmem>> -> memref<128xi32, #tpu.memory_space<vmem>>
    %dma_wait3A_257 = arith.constant 0 : i32
    %dma_wait3A_258 = arith.constant 0 : i32
    %dma_wait3A_259 = tpu.memref_slice %arg28[%dma_wait3A_257, %dma_wait3A_258] : memref<10240x128xbf16, #tpu.memory_space<vmem_shared>> -> memref<10240x128xbf16, #tpu.memory_space<vmem_shared>>
    tpu.wait_indirect_dma semaphore(%arg24 : memref<!tpu.dma_semaphore, #tpu.memory_space<semaphore_mem>>) src(%arg16 : memref<128x128xbf16, #tpu.memory_space<vmem>>) dst(%dma_wait3A_259 : memref<10240x128xbf16, #tpu.memory_space<vmem_shared>>)
    %dma_wait3A_260 = arith.constant 0 : i32
    %dma_wait3A_261 = arith.constant 0 : i32
    %dma_wait3A_262 = tpu.memref_slice %arg11[%dma_wait3A_260, %dma_wait3A_261] : memref<1x128xi32, #tpu.memory_space<vmem>> -> memref<1x128xi32, #tpu.memory_space<vmem>>
    %dma_wait3A_263 = tpu.memref_squeeze %dma_wait3A_262 : memref<1x128xi32, #tpu.memory_space<vmem>> -> memref<128xi32, #tpu.memory_space<vmem>>
    %dma_wait3A_264 = arith.constant 0 : i32
    %dma_wait3A_265 = arith.constant 0 : i32
    %dma_wait3A_266 = tpu.memref_slice %arg29[%dma_wait3A_264, %dma_wait3A_265] : memref<10240x16xf32, #tpu.memory_space<vmem_shared>> -> memref<10240x16xf32, #tpu.memory_space<vmem_shared>>
    tpu.wait_indirect_dma semaphore(%arg26 : memref<!tpu.dma_semaphore, #tpu.memory_space<semaphore_mem>>) src(%arg25 : memref<128x16xf32, #tpu.memory_space<vmem>>) dst(%dma_wait3A_266 : memref<10240x16xf32, #tpu.memory_space<vmem_shared>>)
    %dma_wait3A_267 = arith.constant 0 : i32
    %dma_wait3A_268 = tpu.memref_slice %arg2[%mul3A_84, %dma_wait3A_267] : memref<2560x128xi32, #tpu.memory_space<hbm>> -> memref<1x128xi32, #tpu.memory_space<hbm>>
    %dma_wait3A_269 = arith.constant 0 : i32
    %dma_wait3A_270 = tpu.memref_slice %arg2[%mul3A_84, %dma_wait3A_269] : memref<2560x128xi32, #tpu.memory_space<hbm>> -> memref<1x128xi32, #tpu.memory_space<hbm>>
    tpu.wait_dma2 semaphore(%arg20 : memref<!tpu.dma_semaphore, #tpu.memory_space<semaphore_mem>>) src(%dma_wait3A_270 : memref<1x128xi32, #tpu.memory_space<hbm>>) dst(%arg10 : memref<1x128xi32, #tpu.memory_space<vmem>>)
    %dma_wait3A_271 = arith.constant 0 : i32
    %dma_wait3A_272 = tpu.memref_slice %arg3[%mul3A_84, %dma_wait3A_271] : memref<2560x128xi32, #tpu.memory_space<hbm>> -> memref<1x128xi32, #tpu.memory_space<hbm>>
    %dma_wait3A_273 = arith.constant 0 : i32
    %dma_wait3A_274 = tpu.memref_slice %arg3[%mul3A_84, %dma_wait3A_273] : memref<2560x128xi32, #tpu.memory_space<hbm>> -> memref<1x128xi32, #tpu.memory_space<hbm>>
    tpu.wait_dma2 semaphore(%arg20 : memref<!tpu.dma_semaphore, #tpu.memory_space<semaphore_mem>>) src(%dma_wait3A_274 : memref<1x128xi32, #tpu.memory_space<hbm>>) dst(%arg14 : memref<1x128xi32, #tpu.memory_space<vmem>>)
    %dma_start3A_275 = arith.constant 0 : i32
    %dma_start3A_276 = arith.constant 0 : i32
    %dma_start3A_277 = arith.constant 0 : i32
    %dma_start3A_278 = tpu.memref_slice %arg16[%dma_start3A_276, %dma_start3A_277] : memref<128x128xbf16, #tpu.memory_space<vmem>> -> memref<128x128xbf16, #tpu.memory_space<vmem>>
    %dma_start3A_279 = arith.constant 0 : i32
    %dma_start3A_280 = tpu.memref_slice %arg10[%dma_start3A_275, %dma_start3A_279] : memref<1x128xi32, #tpu.memory_space<vmem>> -> memref<1x128xi32, #tpu.memory_space<vmem>>
    %dma_start3A_281 = tpu.memref_squeeze %dma_start3A_280 : memref<1x128xi32, #tpu.memory_space<vmem>> -> memref<128xi32, #tpu.memory_space<vmem>>
    %dma_start3A_282 = arith.constant 0 : i32
    %dma_start3A_283 = arith.constant 0 : i32
    %dma_start3A_284 = tpu.memref_slice %arg4[%dma_start3A_282, %dma_start3A_283] : memref<10240x128xbf16, #tpu.memory_space<hbm>> -> memref<10240x128xbf16, #tpu.memory_space<hbm>>
    tpu.enqueue_indirect_dma source(%dma_start3A_284 : memref<10240x128xbf16, #tpu.memory_space<hbm>>) target(%dma_start3A_278 : memref<128x128xbf16, #tpu.memory_space<vmem>>) offsets(%dma_start3A_281 : memref<128xi32, #tpu.memory_space<vmem>>) semaphore(%arg22 : memref<!tpu.dma_semaphore, #tpu.memory_space<semaphore_mem>>)
    %dma_wait3A_285 = arith.constant 0 : i32
    %dma_wait3A_286 = arith.constant 0 : i32
    %dma_wait3A_287 = arith.constant 0 : i32
    %dma_wait3A_288 = tpu.memref_slice %arg15[%dma_wait3A_286, %dma_wait3A_287] : memref<128x128xbf16, #tpu.memory_space<vmem>> -> memref<128x128xbf16, #tpu.memory_space<vmem>>
    %dma_wait3A_289 = arith.constant 0 : i32
    %dma_wait3A_290 = tpu.memref_slice %arg7[%dma_wait3A_285, %dma_wait3A_289] : memref<1x128xi32, #tpu.memory_space<vmem>> -> memref<1x128xi32, #tpu.memory_space<vmem>>
    %dma_wait3A_291 = tpu.memref_squeeze %dma_wait3A_290 : memref<1x128xi32, #tpu.memory_space<vmem>> -> memref<128xi32, #tpu.memory_space<vmem>>
    %dma_wait3A_292 = arith.constant 0 : i32
    %dma_wait3A_293 = arith.constant 0 : i32
    %dma_wait3A_294 = tpu.memref_slice %arg4[%dma_wait3A_292, %dma_wait3A_293] : memref<10240x128xbf16, #tpu.memory_space<hbm>> -> memref<10240x128xbf16, #tpu.memory_space<hbm>>
    tpu.wait_indirect_dma semaphore(%arg21 : memref<!tpu.dma_semaphore, #tpu.memory_space<semaphore_mem>>) src(%dma_wait3A_294 : memref<10240x128xbf16, #tpu.memory_space<hbm>>) dst(%dma_wait3A_288 : memref<128x128xbf16, #tpu.memory_space<vmem>>)
    %dma_start3A_295 = arith.constant 0 : i32
    %dma_start3A_296 = arith.constant 0 : i32
    %dma_start3A_297 = tpu.memref_slice %arg13[%dma_start3A_295, %dma_start3A_296] : memref<1x128xi32, #tpu.memory_space<vmem>> -> memref<1x128xi32, #tpu.memory_space<vmem>>
    %dma_start3A_298 = tpu.memref_squeeze %dma_start3A_297 : memref<1x128xi32, #tpu.memory_space<vmem>> -> memref<128xi32, #tpu.memory_space<vmem>>
    %dma_start3A_299 = arith.constant 0 : i32
    %dma_start3A_300 = arith.constant 0 : i32
    %dma_start3A_301 = tpu.memref_slice %arg27[%dma_start3A_299, %dma_start3A_300] : memref<10240x128xbf16, #tpu.memory_space<vmem_shared>> -> memref<10240x128xbf16, #tpu.memory_space<vmem_shared>>
    tpu.enqueue_indirect_dma source(%arg15 : memref<128x128xbf16, #tpu.memory_space<vmem>>) target(%dma_start3A_301 : memref<10240x128xbf16, #tpu.memory_space<vmem_shared>>) offsets(%dma_start3A_298 : memref<128xi32, #tpu.memory_space<vmem>>) semaphore(%arg23 : memref<!tpu.dma_semaphore, #tpu.memory_space<semaphore_mem>>) {add = true}
    %dma_start3A_302 = arith.constant 0 : i32
    %dma_start3A_303 = arith.constant 0 : i32
    %dma_start3A_304 = tpu.memref_slice %arg13[%dma_start3A_302, %dma_start3A_303] : memref<1x128xi32, #tpu.memory_space<vmem>> -> memref<1x128xi32, #tpu.memory_space<vmem>>
    %dma_start3A_305 = tpu.memref_squeeze %dma_start3A_304 : memref<1x128xi32, #tpu.memory_space<vmem>> -> memref<128xi32, #tpu.memory_space<vmem>>
    %dma_start3A_306 = arith.constant 0 : i32
    %dma_start3A_307 = arith.constant 0 : i32
    %dma_start3A_308 = tpu.memref_slice %arg29[%dma_start3A_306, %dma_start3A_307] : memref<10240x16xf32, #tpu.memory_space<vmem_shared>> -> memref<10240x16xf32, #tpu.memory_space<vmem_shared>>
    tpu.enqueue_indirect_dma source(%arg25 : memref<128x16xf32, #tpu.memory_space<vmem>>) target(%dma_start3A_308 : memref<10240x16xf32, #tpu.memory_space<vmem_shared>>) offsets(%dma_start3A_305 : memref<128xi32, #tpu.memory_space<vmem>>) semaphore(%arg26 : memref<!tpu.dma_semaphore, #tpu.memory_space<semaphore_mem>>) {add = true}
    %dma_wait3A_309 = arith.constant 0 : i32
    %dma_wait3A_310 = arith.constant 0 : i32
    %dma_wait3A_311 = tpu.memref_slice %arg11[%dma_wait3A_309, %dma_wait3A_310] : memref<1x128xi32, #tpu.memory_space<vmem>> -> memref<1x128xi32, #tpu.memory_space<vmem>>
    %dma_wait3A_312 = tpu.memref_squeeze %dma_wait3A_311 : memref<1x128xi32, #tpu.memory_space<vmem>> -> memref<128xi32, #tpu.memory_space<vmem>>
    %dma_wait3A_313 = arith.constant 0 : i32
    %dma_wait3A_314 = arith.constant 0 : i32
    %dma_wait3A_315 = tpu.memref_slice %arg27[%dma_wait3A_313, %dma_wait3A_314] : memref<10240x128xbf16, #tpu.memory_space<vmem_shared>> -> memref<10240x128xbf16, #tpu.memory_space<vmem_shared>>
    tpu.wait_indirect_dma semaphore(%arg23 : memref<!tpu.dma_semaphore, #tpu.memory_space<semaphore_mem>>) src(%arg15 : memref<128x128xbf16, #tpu.memory_space<vmem>>) dst(%dma_wait3A_315 : memref<10240x128xbf16, #tpu.memory_space<vmem_shared>>)
    %dma_wait3A_316 = arith.constant 0 : i32
    %dma_wait3A_317 = arith.constant 0 : i32
    %dma_wait3A_318 = tpu.memref_slice %arg11[%dma_wait3A_316, %dma_wait3A_317] : memref<1x128xi32, #tpu.memory_space<vmem>> -> memref<1x128xi32, #tpu.memory_space<vmem>>
    %dma_wait3A_319 = tpu.memref_squeeze %dma_wait3A_318 : memref<1x128xi32, #tpu.memory_space<vmem>> -> memref<128xi32, #tpu.memory_space<vmem>>
    %dma_wait3A_320 = arith.constant 0 : i32
    %dma_wait3A_321 = arith.constant 0 : i32
    %dma_wait3A_322 = tpu.memref_slice %arg29[%dma_wait3A_320, %dma_wait3A_321] : memref<10240x16xf32, #tpu.memory_space<vmem_shared>> -> memref<10240x16xf32, #tpu.memory_space<vmem_shared>>
    tpu.wait_indirect_dma semaphore(%arg26 : memref<!tpu.dma_semaphore, #tpu.memory_space<semaphore_mem>>) src(%arg25 : memref<128x16xf32, #tpu.memory_space<vmem>>) dst(%dma_wait3A_322 : memref<10240x16xf32, #tpu.memory_space<vmem_shared>>)
    %dma_wait3A_323 = arith.constant 0 : i32
    %dma_wait3A_324 = arith.constant 0 : i32
    %dma_wait3A_325 = arith.constant 0 : i32
    %dma_wait3A_326 = tpu.memref_slice %arg16[%dma_wait3A_324, %dma_wait3A_325] : memref<128x128xbf16, #tpu.memory_space<vmem>> -> memref<128x128xbf16, #tpu.memory_space<vmem>>
    %dma_wait3A_327 = arith.constant 0 : i32
    %dma_wait3A_328 = tpu.memref_slice %arg7[%dma_wait3A_323, %dma_wait3A_327] : memref<1x128xi32, #tpu.memory_space<vmem>> -> memref<1x128xi32, #tpu.memory_space<vmem>>
    %dma_wait3A_329 = tpu.memref_squeeze %dma_wait3A_328 : memref<1x128xi32, #tpu.memory_space<vmem>> -> memref<128xi32, #tpu.memory_space<vmem>>
    %dma_wait3A_330 = arith.constant 0 : i32
    %dma_wait3A_331 = arith.constant 0 : i32
    %dma_wait3A_332 = tpu.memref_slice %arg4[%dma_wait3A_330, %dma_wait3A_331] : memref<10240x128xbf16, #tpu.memory_space<hbm>> -> memref<10240x128xbf16, #tpu.memory_space<hbm>>
    tpu.wait_indirect_dma semaphore(%arg22 : memref<!tpu.dma_semaphore, #tpu.memory_space<semaphore_mem>>) src(%dma_wait3A_332 : memref<10240x128xbf16, #tpu.memory_space<hbm>>) dst(%dma_wait3A_326 : memref<128x128xbf16, #tpu.memory_space<vmem>>)
    %dma_start3A_333 = arith.constant 0 : i32
    %dma_start3A_334 = arith.constant 0 : i32
    %dma_start3A_335 = tpu.memref_slice %arg14[%dma_start3A_333, %dma_start3A_334] : memref<1x128xi32, #tpu.memory_space<vmem>> -> memref<1x128xi32, #tpu.memory_space<vmem>>
    %dma_start3A_336 = tpu.memref_squeeze %dma_start3A_335 : memref<1x128xi32, #tpu.memory_space<vmem>> -> memref<128xi32, #tpu.memory_space<vmem>>
    %dma_start3A_337 = arith.constant 0 : i32
    %dma_start3A_338 = arith.constant 0 : i32
    %dma_start3A_339 = tpu.memref_slice %arg28[%dma_start3A_337, %dma_start3A_338] : memref<10240x128xbf16, #tpu.memory_space<vmem_shared>> -> memref<10240x128xbf16, #tpu.memory_space<vmem_shared>>
    tpu.enqueue_indirect_dma source(%arg16 : memref<128x128xbf16, #tpu.memory_space<vmem>>) target(%dma_start3A_339 : memref<10240x128xbf16, #tpu.memory_space<vmem_shared>>) offsets(%dma_start3A_336 : memref<128xi32, #tpu.memory_space<vmem>>) semaphore(%arg24 : memref<!tpu.dma_semaphore, #tpu.memory_space<semaphore_mem>>) {add = true}
    %dma_start3A_340 = arith.constant 0 : i32
    %dma_start3A_341 = arith.constant 0 : i32
    %dma_start3A_342 = tpu.memref_slice %arg14[%dma_start3A_340, %dma_start3A_341] : memref<1x128xi32, #tpu.memory_space<vmem>> -> memref<1x128xi32, #tpu.memory_space<vmem>>
    %dma_start3A_343 = tpu.memref_squeeze %dma_start3A_342 : memref<1x128xi32, #tpu.memory_space<vmem>> -> memref<128xi32, #tpu.memory_space<vmem>>
    %dma_start3A_344 = arith.constant 0 : i32
    %dma_start3A_345 = arith.constant 0 : i32
    %dma_start3A_346 = tpu.memref_slice %arg29[%dma_start3A_344, %dma_start3A_345] : memref<10240x16xf32, #tpu.memory_space<vmem_shared>> -> memref<10240x16xf32, #tpu.memory_space<vmem_shared>>
    tpu.enqueue_indirect_dma source(%arg25 : memref<128x16xf32, #tpu.memory_space<vmem>>) target(%dma_start3A_346 : memref<10240x16xf32, #tpu.memory_space<vmem_shared>>) offsets(%dma_start3A_343 : memref<128xi32, #tpu.memory_space<vmem>>) semaphore(%arg26 : memref<!tpu.dma_semaphore, #tpu.memory_space<semaphore_mem>>) {add = true}
    %dma_wait3A_347 = arith.constant 0 : i32
    %dma_wait3A_348 = arith.constant 0 : i32
    %dma_wait3A_349 = tpu.memref_slice %arg11[%dma_wait3A_347, %dma_wait3A_348] : memref<1x128xi32, #tpu.memory_space<vmem>> -> memref<1x128xi32, #tpu.memory_space<vmem>>
    %dma_wait3A_350 = tpu.memref_squeeze %dma_wait3A_349 : memref<1x128xi32, #tpu.memory_space<vmem>> -> memref<128xi32, #tpu.memory_space<vmem>>
    %dma_wait3A_351 = arith.constant 0 : i32
    %dma_wait3A_352 = arith.constant 0 : i32
    %dma_wait3A_353 = tpu.memref_slice %arg28[%dma_wait3A_351, %dma_wait3A_352] : memref<10240x128xbf16, #tpu.memory_space<vmem_shared>> -> memref<10240x128xbf16, #tpu.memory_space<vmem_shared>>
    tpu.wait_indirect_dma semaphore(%arg24 : memref<!tpu.dma_semaphore, #tpu.memory_space<semaphore_mem>>) src(%arg16 : memref<128x128xbf16, #tpu.memory_space<vmem>>) dst(%dma_wait3A_353 : memref<10240x128xbf16, #tpu.memory_space<vmem_shared>>)
    %dma_wait3A_354 = arith.constant 0 : i32
    %dma_wait3A_355 = arith.constant 0 : i32
    %dma_wait3A_356 = tpu.memref_slice %arg11[%dma_wait3A_354, %dma_wait3A_355] : memref<1x128xi32, #tpu.memory_space<vmem>> -> memref<1x128xi32, #tpu.memory_space<vmem>>
    %dma_wait3A_357 = tpu.memref_squeeze %dma_wait3A_356 : memref<1x128xi32, #tpu.memory_space<vmem>> -> memref<128xi32, #tpu.memory_space<vmem>>
    %dma_wait3A_358 = arith.constant 0 : i32
    %dma_wait3A_359 = arith.constant 0 : i32
    %dma_wait3A_360 = tpu.memref_slice %arg29[%dma_wait3A_358, %dma_wait3A_359] : memref<10240x16xf32, #tpu.memory_space<vmem_shared>> -> memref<10240x16xf32, #tpu.memory_space<vmem_shared>>
    tpu.wait_indirect_dma semaphore(%arg26 : memref<!tpu.dma_semaphore, #tpu.memory_space<semaphore_mem>>) src(%arg25 : memref<128x16xf32, #tpu.memory_space<vmem>>) dst(%dma_wait3A_360 : memref<10240x16xf32, #tpu.memory_space<vmem_shared>>)
    %barrier3A_361 = arith.constant 0 : index
    tpu.barrier barrier_id(%barrier3A_361)
    %mul3A_362 = arith.constant 640 : i32
    %mul3A_363 = arith.muli %arg1, %mul3A_362 : i32
    %mul3A_364 = arith.constant 10240 : i32
    %mul3A_365 = arith.muli %arg0, %mul3A_364 : i32
    %add3A_366 = arith.addi %mul3A_365, %mul3A_363 : i32
    "tpu.region"() ({
      %run_scoped3A = tpu.sem_alloc : memref<!tpu.dma_semaphore, #tpu.memory_space<semaphore_mem>>
      %dma_start3A_375 = arith.constant 0 : i32
      %dma_start3A_376 = tpu.memref_slice %arg5[%add3A_366, %dma_start3A_375] : memref<40960x128xbf16, #tpu.memory_space<hbm>> -> memref<640x128xbf16, #tpu.memory_space<hbm>>
      %dma_start3A_377 = arith.constant 0 : i32
      %dma_start3A_378 = tpu.memref_slice %arg27[%mul3A_363, %dma_start3A_377] : memref<10240x128xbf16, #tpu.memory_space<vmem_shared>> -> memref<640x128xbf16, #tpu.memory_space<vmem_shared>>
      tpu.enqueue_dma source(%dma_start3A_378 : memref<640x128xbf16, #tpu.memory_space<vmem_shared>>) target(%dma_start3A_376 : memref<640x128xbf16, #tpu.memory_space<hbm>>) target_semaphore(%run_scoped3A : memref<!tpu.dma_semaphore, #tpu.memory_space<semaphore_mem>>)
      %dma_wait3A_379 = arith.constant 0 : i32
      %dma_wait3A_380 = tpu.memref_slice %arg5[%add3A_366, %dma_wait3A_379] : memref<40960x128xbf16, #tpu.memory_space<hbm>> -> memref<640x128xbf16, #tpu.memory_space<hbm>>
      %dma_wait3A_381 = arith.constant 0 : i32
      %dma_wait3A_382 = tpu.memref_slice %arg27[%mul3A_363, %dma_wait3A_381] : memref<10240x128xbf16, #tpu.memory_space<vmem_shared>> -> memref<640x128xbf16, #tpu.memory_space<vmem_shared>>
      tpu.wait_dma2 semaphore(%run_scoped3A : memref<!tpu.dma_semaphore, #tpu.memory_space<semaphore_mem>>) src(%dma_wait3A_382 : memref<640x128xbf16, #tpu.memory_space<vmem_shared>>) dst(%dma_wait3A_380 : memref<640x128xbf16, #tpu.memory_space<hbm>>)
      tpu.yield
    }) : () -> ()
    %add3A_367 = arith.constant 2 : i32
    %add3A_368 = arith.addi %add3A_367, %arg0 : i32
    %mul3A_369 = arith.constant 10240 : i32
    %mul3A_370 = arith.muli %add3A_368, %mul3A_369 : i32
    %add3A_371 = arith.addi %mul3A_370, %mul3A_363 : i32
    "tpu.region"() ({
      %run_scoped3A = tpu.sem_alloc : memref<!tpu.dma_semaphore, #tpu.memory_space<semaphore_mem>>
      %dma_start3A_375 = arith.constant 0 : i32
      %dma_start3A_376 = tpu.memref_slice %arg5[%add3A_371, %dma_start3A_375] : memref<40960x128xbf16, #tpu.memory_space<hbm>> -> memref<640x128xbf16, #tpu.memory_space<hbm>>
      %dma_start3A_377 = arith.constant 0 : i32
      %dma_start3A_378 = tpu.memref_slice %arg28[%mul3A_363, %dma_start3A_377] : memref<10240x128xbf16, #tpu.memory_space<vmem_shared>> -> memref<640x128xbf16, #tpu.memory_space<vmem_shared>>
      tpu.enqueue_dma source(%dma_start3A_378 : memref<640x128xbf16, #tpu.memory_space<vmem_shared>>) target(%dma_start3A_376 : memref<640x128xbf16, #tpu.memory_space<hbm>>) target_semaphore(%run_scoped3A : memref<!tpu.dma_semaphore, #tpu.memory_space<semaphore_mem>>)
      %dma_wait3A_379 = arith.constant 0 : i32
      %dma_wait3A_380 = tpu.memref_slice %arg5[%add3A_371, %dma_wait3A_379] : memref<40960x128xbf16, #tpu.memory_space<hbm>> -> memref<640x128xbf16, #tpu.memory_space<hbm>>
      %dma_wait3A_381 = arith.constant 0 : i32
      %dma_wait3A_382 = tpu.memref_slice %arg28[%mul3A_363, %dma_wait3A_381] : memref<10240x128xbf16, #tpu.memory_space<vmem_shared>> -> memref<640x128xbf16, #tpu.memory_space<vmem_shared>>
      tpu.wait_dma2 semaphore(%run_scoped3A : memref<!tpu.dma_semaphore, #tpu.memory_space<semaphore_mem>>) src(%dma_wait3A_382 : memref<640x128xbf16, #tpu.memory_space<vmem_shared>>) dst(%dma_wait3A_380 : memref<640x128xbf16, #tpu.memory_space<hbm>>)
      tpu.yield
    }) : () -> ()
    %mul3A_372 = arith.constant 10240 : i32
    %mul3A_373 = arith.muli %arg0, %mul3A_372 : i32
    %add3A_374 = arith.addi %mul3A_373, %mul3A_363 : i32
    "tpu.region"() ({
      %run_scoped3A = tpu.sem_alloc : memref<!tpu.dma_semaphore, #tpu.memory_space<semaphore_mem>>
      %dma_start3A_375 = arith.constant 0 : i32
      %dma_start3A_376 = tpu.memref_slice %arg6[%add3A_374, %dma_start3A_375] : memref<20480x16xf32, #tpu.memory_space<hbm>> -> memref<640x16xf32, #tpu.memory_space<hbm>>
      %dma_start3A_377 = arith.constant 0 : i32
      %dma_start3A_378 = tpu.memref_slice %arg29[%mul3A_363, %dma_start3A_377] : memref<10240x16xf32, #tpu.memory_space<vmem_shared>> -> memref<640x16xf32, #tpu.memory_space<vmem_shared>>
      tpu.enqueue_dma source(%dma_start3A_378 : memref<640x16xf32, #tpu.memory_space<vmem_shared>>) target(%dma_start3A_376 : memref<640x16xf32, #tpu.memory_space<hbm>>) target_semaphore(%run_scoped3A : memref<!tpu.dma_semaphore, #tpu.memory_space<semaphore_mem>>)
      %dma_wait3A_379 = arith.constant 0 : i32
      %dma_wait3A_380 = tpu.memref_slice %arg6[%add3A_374, %dma_wait3A_379] : memref<20480x16xf32, #tpu.memory_space<hbm>> -> memref<640x16xf32, #tpu.memory_space<hbm>>
      %dma_wait3A_381 = arith.constant 0 : i32
      %dma_wait3A_382 = tpu.memref_slice %arg29[%mul3A_363, %dma_wait3A_381] : memref<10240x16xf32, #tpu.memory_space<vmem_shared>> -> memref<640x16xf32, #tpu.memory_space<vmem_shared>>
      tpu.wait_dma2 semaphore(%run_scoped3A : memref<!tpu.dma_semaphore, #tpu.memory_space<semaphore_mem>>) src(%dma_wait3A_382 : memref<640x16xf32, #tpu.memory_space<vmem_shared>>) dst(%dma_wait3A_380 : memref<640x16xf32, #tpu.memory_space<hbm>>)
      tpu.yield
    }) : () -> ()
    return
  }
}

module attributes {stable_mosaic.version = 14 : i64} {
  func.func @body(%arg0: i32, %arg1: memref<512x128xf32, #tpu.memory_space<vmem>>, %arg2: memref<128x128xf32, #tpu.memory_space<vmem>>, %arg3: memref<1x128xf32, #tpu.memory_space<vmem>>, %arg4: memref<1x128xf32, #tpu.memory_space<vmem>>, %arg5: memref<1x128xf32, #tpu.memory_space<vmem>>, %arg6: memref<128x128xf32, #tpu.memory_space<vmem>>, %arg7: memref<512x128xf32, #tpu.memory_space<vmem>>, %arg8: memref<512x128xbf16, #tpu.memory_space<vmem>>) attributes {dimension_semantics = [#tpu.dimension_semantics<arbitrary>], iteration_bounds = array<i64: 20>, scalar_prefetch = 0 : i64, scratch_operands = 0 : i64, tpu.core_type = #tpu.core_type<tc>, window_params = [{transform_indices = @transform_0, window_bounds = array<i64: 512, 128>}, {pipeline_mode = #tpu.pipeline_mode<synchronous>, transform_indices = @transform_1, window_bounds = array<i64: 128, 128>}, {pipeline_mode = #tpu.pipeline_mode<synchronous>, transform_indices = @transform_2, window_bounds = array<i64: 1, 128>}, {pipeline_mode = #tpu.pipeline_mode<synchronous>, transform_indices = @transform_3, window_bounds = array<i64: 1, 128>}, {pipeline_mode = #tpu.pipeline_mode<synchronous>, transform_indices = @transform_4, window_bounds = array<i64: 1, 128>}, {pipeline_mode = #tpu.pipeline_mode<synchronous>, transform_indices = @transform_5, window_bounds = array<i64: 128, 128>}, {transform_indices = @transform_6, window_bounds = array<i64: 512, 128>}, {transform_indices = @transform_7, window_bounds = array<i64: 512, 128>}]} {
    %get3A = arith.constant 0 : index
    %get3A_0 = arith.constant 0 : index
    %get3A_1 = vector.load %arg1[%get3A, %get3A_0] : memref<512x128xf32, #tpu.memory_space<vmem>>, vector<512x128xf32>
    %get3A_2 = arith.constant 0 : index
    %get3A_3 = arith.constant 0 : index
    %get3A_4 = vector.load %arg2[%get3A_2, %get3A_3] : memref<128x128xf32, #tpu.memory_space<vmem>>, vector<128x128xf32>
    %dot_general3A = arith.constant dense<0.000000e+00> : vector<512x128xf32>
    %dot_general3A_5 = tpu.matmul %get3A_1, %get3A_4, %dot_general3A {dimension_numbers = #tpu.dot_dimension_numbers<[1], [0], [0], [1], [0, 0, 1, 1], [], []>, transpose_lhs_hint = false} : vector<512x128xf32>, vector<128x128xf32>, vector<512x128xf32> -> vector<512x128xf32>
    %get3A_6 = arith.constant 0 : index
    %get3A_7 = arith.constant 0 : index
    %get3A_8 = vector.load %arg3[%get3A_6, %get3A_7] : memref<1x128xf32, #tpu.memory_space<vmem>>, vector<1x128xf32>
    %add3A = vector.broadcast %get3A_8 : vector<1x128xf32> to vector<512x128xf32>
    %add3A_9 = arith.addf %dot_general3A_5, %add3A : vector<512x128xf32>
    %reduce_sum3A = arith.constant dense<0.000000e+00> : vector<512xf32>
    %reduce_sum3A_10 = vector.multi_reduction <add>, %add3A_9, %reduce_sum3A [1] : vector<512x128xf32> to vector<512xf32>
    %broadcast_in_dim3A = vector.shape_cast %reduce_sum3A_10 : vector<512xf32> to vector<512x1xf32>
    %div3A = arith.constant 1.280000e+02 : f32
    %div3A_11 = vector.broadcast %div3A : f32 to vector<512x1xf32>
    %div3A_12 = arith.divf %broadcast_in_dim3A, %div3A_11 : vector<512x1xf32>
    %sub3A = vector.broadcast %div3A_12 : vector<512x1xf32> to vector<512x128xf32>
    %sub3A_13 = arith.subf %add3A_9, %sub3A : vector<512x128xf32>
    %integer_pow3A = arith.mulf %sub3A_13, %sub3A_13 : vector<512x128xf32>
    %reduce_sum3A_14 = arith.constant dense<0.000000e+00> : vector<512xf32>
    %reduce_sum3A_15 = vector.multi_reduction <add>, %integer_pow3A, %reduce_sum3A_14 [1] : vector<512x128xf32> to vector<512xf32>
    %broadcast_in_dim3A_16 = vector.shape_cast %reduce_sum3A_15 : vector<512xf32> to vector<512x1xf32>
    %div3A_17 = arith.constant 1.280000e+02 : f32
    %div3A_18 = vector.broadcast %div3A_17 : f32 to vector<512x1xf32>
    %div3A_19 = arith.divf %broadcast_in_dim3A_16, %div3A_18 : vector<512x1xf32>
    %sub3A_20 = vector.broadcast %div3A_12 : vector<512x1xf32> to vector<512x128xf32>
    %sub3A_21 = arith.subf %add3A_9, %sub3A_20 : vector<512x128xf32>
    %add3A_22 = arith.constant 9.99999974E-6 : f32
    %add3A_23 = vector.broadcast %add3A_22 : f32 to vector<512x1xf32>
    %add3A_24 = arith.addf %div3A_19, %add3A_23 : vector<512x1xf32>
    %rsqrt3A = math.rsqrt %add3A_24 : vector<512x1xf32>
    %mul3A = vector.broadcast %rsqrt3A : vector<512x1xf32> to vector<512x128xf32>
    %mul3A_25 = arith.mulf %sub3A_21, %mul3A : vector<512x128xf32>
    %get3A_26 = arith.constant 0 : index
    %get3A_27 = arith.constant 0 : index
    %get3A_28 = vector.load %arg4[%get3A_26, %get3A_27] : memref<1x128xf32, #tpu.memory_space<vmem>>, vector<1x128xf32>
    %mul3A_29 = vector.broadcast %get3A_28 : vector<1x128xf32> to vector<512x128xf32>
    %mul3A_30 = arith.mulf %mul3A_25, %mul3A_29 : vector<512x128xf32>
    %get3A_31 = arith.constant 0 : index
    %get3A_32 = arith.constant 0 : index
    %get3A_33 = vector.load %arg5[%get3A_31, %get3A_32] : memref<1x128xf32, #tpu.memory_space<vmem>>, vector<1x128xf32>
    %add3A_34 = vector.broadcast %get3A_33 : vector<1x128xf32> to vector<512x128xf32>
    %add3A_35 = arith.addf %mul3A_30, %add3A_34 : vector<512x128xf32>
    %ge3A = arith.constant 0.000000e+00 : f32
    %ge3A_36 = vector.broadcast %ge3A : f32 to vector<512x128xf32>
    %ge3A_37 = arith.cmpf oge, %add3A_35, %ge3A_36 : vector<512x128xf32>
    %mul3A_38 = arith.constant 2.000000e-01 : f32
    %mul3A_39 = vector.broadcast %mul3A_38 : f32 to vector<512x128xf32>
    %mul3A_40 = arith.mulf %mul3A_39, %add3A_35 : vector<512x128xf32>
    %select_n3A = arith.select %ge3A_37, %add3A_35, %mul3A_40 : vector<512x128xi1>, vector<512x128xf32>
    %swap3A = arith.constant 0 : index
    %swap3A_41 = arith.constant 0 : index
    %swap3A_42 = vector.load %arg7[%swap3A, %swap3A_41] : memref<512x128xf32, #tpu.memory_space<vmem>>, vector<512x128xf32>
    tpu.vector_store %arg7[%swap3A, %swap3A_41], %select_n3A {strides = array<i32>} : memref<512x128xf32, #tpu.memory_space<vmem>>, vector<512x128xf32>,
    %get3A_43 = arith.constant 0 : index
    %get3A_44 = arith.constant 0 : index
    %get3A_45 = vector.load %arg6[%get3A_43, %get3A_44] : memref<128x128xf32, #tpu.memory_space<vmem>>, vector<128x128xf32>
    %dot_general3A_46 = arith.constant dense<0.000000e+00> : vector<512x128xf32>
    %dot_general3A_47 = tpu.matmul %select_n3A, %get3A_45, %dot_general3A_46 {dimension_numbers = #tpu.dot_dimension_numbers<[1], [0], [0], [1], [0, 0, 1, 1], [], []>, transpose_lhs_hint = false} : vector<512x128xf32>, vector<128x128xf32>, vector<512x128xf32> -> vector<512x128xf32>
    %convert_element_type3A = arith.truncf %dot_general3A_47 : vector<512x128xf32> to vector<512x128xbf16>
    %swap3A_48 = arith.constant 0 : index
    %swap3A_49 = arith.constant 0 : index
    %swap3A_50 = vector.load %arg8[%swap3A_48, %swap3A_49] : memref<512x128xbf16, #tpu.memory_space<vmem>>, vector<512x128xbf16>
    tpu.vector_store %arg8[%swap3A_48, %swap3A_49], %convert_element_type3A {strides = array<i32>} : memref<512x128xbf16, #tpu.memory_space<vmem>>, vector<512x128xbf16>,
    return
  }
  func.func @transform_0(%arg0: i32) -> (i32, i32) {
    %c0_i32 = arith.constant 0 : i32
    %c0_i32_0 = arith.constant 0 : i32
    return %arg0, %c0_i32 : i32, i32
  }
  func.func @transform_1(%arg0: i32) -> (i32, i32) {
    %c0_i32 = arith.constant 0 : i32
    %c0_i32_0 = arith.constant 0 : i32
    %c0_i32_1 = arith.constant 0 : i32
    return %c0_i32, %c0_i32_0 : i32, i32
  }
  func.func @transform_2(%arg0: i32) -> (i32, i32) {
    %c0_i32 = arith.constant 0 : i32
    %c0_i32_0 = arith.constant 0 : i32
    %c0_i32_1 = arith.constant 0 : i32
    return %c0_i32, %c0_i32_0 : i32, i32
  }
  func.func @transform_3(%arg0: i32) -> (i32, i32) {
    %c0_i32 = arith.constant 0 : i32
    %c0_i32_0 = arith.constant 0 : i32
    %c0_i32_1 = arith.constant 0 : i32
    return %c0_i32, %c0_i32_0 : i32, i32
  }
  func.func @transform_4(%arg0: i32) -> (i32, i32) {
    %c0_i32 = arith.constant 0 : i32
    %c0_i32_0 = arith.constant 0 : i32
    %c0_i32_1 = arith.constant 0 : i32
    return %c0_i32, %c0_i32_0 : i32, i32
  }
  func.func @transform_5(%arg0: i32) -> (i32, i32) {
    %c0_i32 = arith.constant 0 : i32
    %c0_i32_0 = arith.constant 0 : i32
    %c0_i32_1 = arith.constant 0 : i32
    return %c0_i32, %c0_i32_0 : i32, i32
  }
  func.func @transform_6(%arg0: i32) -> (i32, i32) {
    %c0_i32 = arith.constant 0 : i32
    %c0_i32_0 = arith.constant 0 : i32
    return %arg0, %c0_i32 : i32, i32
  }
  func.func @transform_7(%arg0: i32) -> (i32, i32) {
    %c0_i32 = arith.constant 0 : i32
    %c0_i32_0 = arith.constant 0 : i32
    return %arg0, %c0_i32 : i32, i32
  }
}

module attributes {stable_mosaic.version = 14 : i64} {
  func.func @body(%arg0: i32, %arg1: memref<512x128xbf16, #tpu.memory_space<vmem>>, %arg2: memref<512x128xbf16, #tpu.memory_space<vmem>>, %arg3: memref<512x128xbf16, #tpu.memory_space<vmem>>, %arg4: memref<512x128xbf16, #tpu.memory_space<vmem>>, %arg5: memref<512x16xf32, #tpu.memory_space<vmem>>, %arg6: memref<512x16xf32, #tpu.memory_space<vmem>>, %arg7: memref<512x128xf32, #tpu.memory_space<vmem>>, %arg8: memref<1x128xf32, #tpu.memory_space<vmem>>, %arg9: memref<1x128xf32, #tpu.memory_space<vmem>>, %arg10: memref<1x128xf32, #tpu.memory_space<vmem>>, %arg11: memref<1x128xf32, #tpu.memory_space<vmem>>, %arg12: memref<1x128xf32, #tpu.memory_space<vmem>>, %arg13: memref<128x128xf32, #tpu.memory_space<vmem>>, %arg14: memref<128x128xf32, #tpu.memory_space<vmem>>, %arg15: memref<512x128xf32, #tpu.memory_space<vmem>>, %arg16: memref<512x128xbf16, #tpu.memory_space<vmem>>) attributes {dimension_semantics = [#tpu.dimension_semantics<arbitrary>], iteration_bounds = array<i64: 20>, scalar_prefetch = 0 : i64, scratch_operands = 0 : i64, tpu.core_type = #tpu.core_type<tc>, window_params = [{transform_indices = @transform_0, window_bounds = array<i64: 512, 128>}, {transform_indices = @transform_1, window_bounds = array<i64: 512, 128>}, {transform_indices = @transform_2, window_bounds = array<i64: 512, 128>}, {transform_indices = @transform_3, window_bounds = array<i64: 512, 128>}, {transform_indices = @transform_4, window_bounds = array<i64: 512, 16>}, {transform_indices = @transform_5, window_bounds = array<i64: 512, 16>}, {transform_indices = @transform_6, window_bounds = array<i64: 512, 128>}, {pipeline_mode = #tpu.pipeline_mode<synchronous>, transform_indices = @transform_7, window_bounds = array<i64: 1, 128>}, {pipeline_mode = #tpu.pipeline_mode<synchronous>, transform_indices = @transform_8, window_bounds = array<i64: 1, 128>}, {pipeline_mode = #tpu.pipeline_mode<synchronous>, transform_indices = @transform_9, window_bounds = array<i64: 1, 128>}, {pipeline_mode = #tpu.pipeline_mode<synchronous>, transform_indices = @transform_10, window_bounds = array<i64: 1, 128>}, {pipeline_mode = #tpu.pipeline_mode<synchronous>, transform_indices = @transform_11, window_bounds = array<i64: 1, 128>}, {pipeline_mode = #tpu.pipeline_mode<synchronous>, transform_indices = @transform_12, window_bounds = array<i64: 128, 128>}, {pipeline_mode = #tpu.pipeline_mode<synchronous>, transform_indices = @transform_13, window_bounds = array<i64: 128, 128>}, {transform_indices = @transform_14, window_bounds = array<i64: 512, 128>}, {transform_indices = @transform_15, window_bounds = array<i64: 512, 128>}]} {
    %get3A = arith.constant 0 : index
    %get3A_0 = arith.constant 0 : index
    %get3A_1 = vector.load %arg5[%get3A, %get3A_0] : memref<512x16xf32, #tpu.memory_space<vmem>>, vector<512x1xf32>
    %get3A_2 = arith.constant 0 : index
    %get3A_3 = arith.constant 0 : index
    %get3A_4 = vector.load %arg6[%get3A_2, %get3A_3] : memref<512x16xf32, #tpu.memory_space<vmem>>, vector<512x1xf32>
    %add3A = arith.addf %get3A_1, %get3A_4 : vector<512x1xf32>
    %get3A_5 = arith.constant 0 : index
    %get3A_6 = arith.constant 0 : index
    %get3A_7 = vector.load %arg1[%get3A_5, %get3A_6] : memref<512x128xbf16, #tpu.memory_space<vmem>>, vector<512x128xbf16>
    %convert_element_type3A = arith.extf %get3A_7 : vector<512x128xbf16> to vector<512x128xf32>
    %get3A_8 = arith.constant 0 : index
    %get3A_9 = arith.constant 0 : index
    %get3A_10 = vector.load %arg2[%get3A_8, %get3A_9] : memref<512x128xbf16, #tpu.memory_space<vmem>>, vector<512x128xbf16>
    %convert_element_type3A_11 = arith.extf %get3A_10 : vector<512x128xbf16> to vector<512x128xf32>
    %add3A_12 = arith.addf %convert_element_type3A, %convert_element_type3A_11 : vector<512x128xf32>
    %get3A_13 = arith.constant 0 : index
    %get3A_14 = arith.constant 0 : index
    %get3A_15 = vector.load %arg3[%get3A_13, %get3A_14] : memref<512x128xbf16, #tpu.memory_space<vmem>>, vector<512x128xbf16>
    %convert_element_type3A_16 = arith.extf %get3A_15 : vector<512x128xbf16> to vector<512x128xf32>
    %add3A_17 = arith.addf %add3A_12, %convert_element_type3A_16 : vector<512x128xf32>
    %get3A_18 = arith.constant 0 : index
    %get3A_19 = arith.constant 0 : index
    %get3A_20 = vector.load %arg4[%get3A_18, %get3A_19] : memref<512x128xbf16, #tpu.memory_space<vmem>>, vector<512x128xbf16>
    %convert_element_type3A_21 = arith.extf %get3A_20 : vector<512x128xbf16> to vector<512x128xf32>
    %add3A_22 = arith.addf %add3A_17, %convert_element_type3A_21 : vector<512x128xf32>
    %max3A = arith.constant 1.000000e+00 : f32
    %max3A_23 = vector.broadcast %max3A : f32 to vector<512x1xf32>
    %max3A_24 = arith.maximumf %add3A, %max3A_23 : vector<512x1xf32>
    %div3A = vector.broadcast %max3A_24 : vector<512x1xf32> to vector<512x128xf32>
    %div3A_25 = arith.divf %add3A_22, %div3A : vector<512x128xf32>
    %get3A_26 = arith.constant 0 : index
    %get3A_27 = arith.constant 0 : index
    %get3A_28 = vector.load %arg8[%get3A_26, %get3A_27] : memref<1x128xf32, #tpu.memory_space<vmem>>, vector<1x128xf32>
    %add3A_29 = vector.broadcast %get3A_28 : vector<1x128xf32> to vector<512x128xf32>
    %add3A_30 = arith.addf %div3A_25, %add3A_29 : vector<512x128xf32>
    %get3A_31 = arith.constant 0 : index
    %get3A_32 = arith.constant 0 : index
    %get3A_33 = vector.load %arg7[%get3A_31, %get3A_32] : memref<512x128xf32, #tpu.memory_space<vmem>>, vector<512x128xf32>
    %get3A_34 = arith.constant 0 : index
    %get3A_35 = arith.constant 0 : index
    %get3A_36 = vector.load %arg13[%get3A_34, %get3A_35] : memref<128x128xf32, #tpu.memory_space<vmem>>, vector<128x128xf32>
    %dot_general3A = arith.constant dense<0.000000e+00> : vector<512x128xf32>
    %dot_general3A_37 = tpu.matmul %get3A_33, %get3A_36, %dot_general3A {dimension_numbers = #tpu.dot_dimension_numbers<[1], [0], [0], [1], [0, 0, 1, 1], [], []>, transpose_lhs_hint = false} : vector<512x128xf32>, vector<128x128xf32>, vector<512x128xf32> -> vector<512x128xf32>
    %add3A_38 = arith.addf %add3A_30, %dot_general3A_37 : vector<512x128xf32>
    %get3A_39 = arith.constant 0 : index
    %get3A_40 = arith.constant 0 : index
    %get3A_41 = vector.load %arg11[%get3A_39, %get3A_40] : memref<1x128xf32, #tpu.memory_space<vmem>>, vector<1x128xf32>
    %sub3A = vector.broadcast %get3A_41 : vector<1x128xf32> to vector<512x128xf32>
    %sub3A_42 = arith.subf %add3A_38, %sub3A : vector<512x128xf32>
    %get3A_43 = arith.constant 0 : index
    %get3A_44 = arith.constant 0 : index
    %get3A_45 = vector.load %arg12[%get3A_43, %get3A_44] : memref<1x128xf32, #tpu.memory_space<vmem>>, vector<1x128xf32>
    %add3A_46 = arith.constant 9.99999974E-6 : f32
    %add3A_47 = vector.broadcast %add3A_46 : f32 to vector<1x128xf32>
    %add3A_48 = arith.addf %get3A_45, %add3A_47 : vector<1x128xf32>
    %rsqrt3A = math.rsqrt %add3A_48 : vector<1x128xf32>
    %mul3A = vector.broadcast %rsqrt3A : vector<1x128xf32> to vector<512x128xf32>
    %mul3A_49 = arith.mulf %sub3A_42, %mul3A : vector<512x128xf32>
    %get3A_50 = arith.constant 0 : index
    %get3A_51 = arith.constant 0 : index
    %get3A_52 = vector.load %arg9[%get3A_50, %get3A_51] : memref<1x128xf32, #tpu.memory_space<vmem>>, vector<1x128xf32>
    %mul3A_53 = vector.broadcast %get3A_52 : vector<1x128xf32> to vector<512x128xf32>
    %mul3A_54 = arith.mulf %mul3A_49, %mul3A_53 : vector<512x128xf32>
    %get3A_55 = arith.constant 0 : index
    %get3A_56 = arith.constant 0 : index
    %get3A_57 = vector.load %arg10[%get3A_55, %get3A_56] : memref<1x128xf32, #tpu.memory_space<vmem>>, vector<1x128xf32>
    %add3A_58 = vector.broadcast %get3A_57 : vector<1x128xf32> to vector<512x128xf32>
    %add3A_59 = arith.addf %mul3A_54, %add3A_58 : vector<512x128xf32>
    %max3A_60 = arith.constant 0.000000e+00 : f32
    %max3A_61 = vector.broadcast %max3A_60 : f32 to vector<512x128xf32>
    %max3A_62 = arith.maximumf %add3A_59, %max3A_61 : vector<512x128xf32>
    %swap3A = arith.constant 0 : index
    %swap3A_63 = arith.constant 0 : index
    %swap3A_64 = vector.load %arg15[%swap3A, %swap3A_63] : memref<512x128xf32, #tpu.memory_space<vmem>>, vector<512x128xf32>
    tpu.vector_store %arg15[%swap3A, %swap3A_63], %max3A_62 {strides = array<i32>} : memref<512x128xf32, #tpu.memory_space<vmem>>, vector<512x128xf32>,
    %get3A_65 = arith.constant 0 : index
    %get3A_66 = arith.constant 0 : index
    %get3A_67 = vector.load %arg14[%get3A_65, %get3A_66] : memref<128x128xf32, #tpu.memory_space<vmem>>, vector<128x128xf32>
    %dot_general3A_68 = arith.constant dense<0.000000e+00> : vector<512x128xf32>
    %dot_general3A_69 = tpu.matmul %max3A_62, %get3A_67, %dot_general3A_68 {dimension_numbers = #tpu.dot_dimension_numbers<[1], [0], [0], [1], [0, 0, 1, 1], [], []>, transpose_lhs_hint = false} : vector<512x128xf32>, vector<128x128xf32>, vector<512x128xf32> -> vector<512x128xf32>
    %convert_element_type3A_70 = arith.truncf %dot_general3A_69 : vector<512x128xf32> to vector<512x128xbf16>
    %swap3A_71 = arith.constant 0 : index
    %swap3A_72 = arith.constant 0 : index
    %swap3A_73 = vector.load %arg16[%swap3A_71, %swap3A_72] : memref<512x128xbf16, #tpu.memory_space<vmem>>, vector<512x128xbf16>
    tpu.vector_store %arg16[%swap3A_71, %swap3A_72], %convert_element_type3A_70 {strides = array<i32>} : memref<512x128xbf16, #tpu.memory_space<vmem>>, vector<512x128xbf16>,
    return
  }
  func.func @transform_0(%arg0: i32) -> (i32, i32) {
    %add3A = arith.constant 0 : i32
    %add3A_0 = arith.addi %arg0, %add3A : i32
    %c0_i32 = arith.constant 0 : i32
    %c0_i32_1 = arith.constant 0 : i32
    return %add3A_0, %c0_i32 : i32, i32
  }
  func.func @transform_1(%arg0: i32) -> (i32, i32) {
    %add3A = arith.constant 20 : i32
    %add3A_0 = arith.addi %arg0, %add3A : i32
    %c0_i32 = arith.constant 0 : i32
    %c0_i32_1 = arith.constant 0 : i32
    return %add3A_0, %c0_i32 : i32, i32
  }
  func.func @transform_2(%arg0: i32) -> (i32, i32) {
    %add3A = arith.constant 40 : i32
    %add3A_0 = arith.addi %arg0, %add3A : i32
    %c0_i32 = arith.constant 0 : i32
    %c0_i32_1 = arith.constant 0 : i32
    return %add3A_0, %c0_i32 : i32, i32
  }
  func.func @transform_3(%arg0: i32) -> (i32, i32) {
    %add3A = arith.constant 60 : i32
    %add3A_0 = arith.addi %arg0, %add3A : i32
    %c0_i32 = arith.constant 0 : i32
    %c0_i32_1 = arith.constant 0 : i32
    return %add3A_0, %c0_i32 : i32, i32
  }
  func.func @transform_4(%arg0: i32) -> (i32, i32) {
    %c0_i32 = arith.constant 0 : i32
    %c0_i32_0 = arith.constant 0 : i32
    return %arg0, %c0_i32 : i32, i32
  }
  func.func @transform_5(%arg0: i32) -> (i32, i32) {
    %add3A = arith.constant 20 : i32
    %add3A_0 = arith.addi %arg0, %add3A : i32
    %c0_i32 = arith.constant 0 : i32
    %c0_i32_1 = arith.constant 0 : i32
    return %add3A_0, %c0_i32 : i32, i32
  }
  func.func @transform_6(%arg0: i32) -> (i32, i32) {
    %c0_i32 = arith.constant 0 : i32
    %c0_i32_0 = arith.constant 0 : i32
    return %arg0, %c0_i32 : i32, i32
  }
  func.func @transform_7(%arg0: i32) -> (i32, i32) {
    %c0_i32 = arith.constant 0 : i32
    %c0_i32_0 = arith.constant 0 : i32
    %c0_i32_1 = arith.constant 0 : i32
    return %c0_i32, %c0_i32_0 : i32, i32
  }
  func.func @transform_8(%arg0: i32) -> (i32, i32) {
    %c0_i32 = arith.constant 0 : i32
    %c0_i32_0 = arith.constant 0 : i32
    %c0_i32_1 = arith.constant 0 : i32
    return %c0_i32, %c0_i32_0 : i32, i32
  }
  func.func @transform_9(%arg0: i32) -> (i32, i32) {
    %c0_i32 = arith.constant 0 : i32
    %c0_i32_0 = arith.constant 0 : i32
    %c0_i32_1 = arith.constant 0 : i32
    return %c0_i32, %c0_i32_0 : i32, i32
  }
  func.func @transform_10(%arg0: i32) -> (i32, i32) {
    %c0_i32 = arith.constant 0 : i32
    %c0_i32_0 = arith.constant 0 : i32
    %c0_i32_1 = arith.constant 0 : i32
    return %c0_i32, %c0_i32_0 : i32, i32
  }
  func.func @transform_11(%arg0: i32) -> (i32, i32) {
    %c0_i32 = arith.constant 0 : i32
    %c0_i32_0 = arith.constant 0 : i32
    %c0_i32_1 = arith.constant 0 : i32
    return %c0_i32, %c0_i32_0 : i32, i32
  }
  func.func @transform_12(%arg0: i32) -> (i32, i32) {
    %c0_i32 = arith.constant 0 : i32
    %c0_i32_0 = arith.constant 0 : i32
    %c0_i32_1 = arith.constant 0 : i32
    return %c0_i32, %c0_i32_0 : i32, i32
  }
  func.func @transform_13(%arg0: i32) -> (i32, i32) {
    %c0_i32 = arith.constant 0 : i32
    %c0_i32_0 = arith.constant 0 : i32
    %c0_i32_1 = arith.constant 0 : i32
    return %c0_i32, %c0_i32_0 : i32, i32
  }
  func.func @transform_14(%arg0: i32) -> (i32, i32) {
    %c0_i32 = arith.constant 0 : i32
    %c0_i32_0 = arith.constant 0 : i32
    return %arg0, %c0_i32 : i32, i32
  }
  func.func @transform_15(%arg0: i32) -> (i32, i32) {
    %c0_i32 = arith.constant 0 : i32
    %c0_i32_0 = arith.constant 0 : i32
    return %arg0, %c0_i32 : i32, i32
  }
}

module attributes {stable_mosaic.version = 14 : i64} {
  func.func @body(%arg0: i32, %arg1: memref<512x128xbf16, #tpu.memory_space<vmem>>, %arg2: memref<512x128xbf16, #tpu.memory_space<vmem>>, %arg3: memref<512x128xbf16, #tpu.memory_space<vmem>>, %arg4: memref<512x128xbf16, #tpu.memory_space<vmem>>, %arg5: memref<512x16xf32, #tpu.memory_space<vmem>>, %arg6: memref<512x16xf32, #tpu.memory_space<vmem>>, %arg7: memref<512x128xf32, #tpu.memory_space<vmem>>, %arg8: memref<1x128xf32, #tpu.memory_space<vmem>>, %arg9: memref<1x128xf32, #tpu.memory_space<vmem>>, %arg10: memref<1x128xf32, #tpu.memory_space<vmem>>, %arg11: memref<1x128xf32, #tpu.memory_space<vmem>>, %arg12: memref<1x128xf32, #tpu.memory_space<vmem>>, %arg13: memref<128x128xf32, #tpu.memory_space<vmem>>, %arg14: memref<128x16xf32, #tpu.memory_space<vmem>>, %arg15: memref<512x128xf32, #tpu.memory_space<vmem>>, %arg16: memref<512x16xf32, #tpu.memory_space<vmem>>) attributes {dimension_semantics = [#tpu.dimension_semantics<arbitrary>], iteration_bounds = array<i64: 20>, scalar_prefetch = 0 : i64, scratch_operands = 0 : i64, tpu.core_type = #tpu.core_type<tc>, window_params = [{transform_indices = @transform_0, window_bounds = array<i64: 512, 128>}, {transform_indices = @transform_1, window_bounds = array<i64: 512, 128>}, {transform_indices = @transform_2, window_bounds = array<i64: 512, 128>}, {transform_indices = @transform_3, window_bounds = array<i64: 512, 128>}, {transform_indices = @transform_4, window_bounds = array<i64: 512, 16>}, {transform_indices = @transform_5, window_bounds = array<i64: 512, 16>}, {transform_indices = @transform_6, window_bounds = array<i64: 512, 128>}, {pipeline_mode = #tpu.pipeline_mode<synchronous>, transform_indices = @transform_7, window_bounds = array<i64: 1, 128>}, {pipeline_mode = #tpu.pipeline_mode<synchronous>, transform_indices = @transform_8, window_bounds = array<i64: 1, 128>}, {pipeline_mode = #tpu.pipeline_mode<synchronous>, transform_indices = @transform_9, window_bounds = array<i64: 1, 128>}, {pipeline_mode = #tpu.pipeline_mode<synchronous>, transform_indices = @transform_10, window_bounds = array<i64: 1, 128>}, {pipeline_mode = #tpu.pipeline_mode<synchronous>, transform_indices = @transform_11, window_bounds = array<i64: 1, 128>}, {pipeline_mode = #tpu.pipeline_mode<synchronous>, transform_indices = @transform_12, window_bounds = array<i64: 128, 128>}, {pipeline_mode = #tpu.pipeline_mode<synchronous>, transform_indices = @transform_13, window_bounds = array<i64: 128, 16>}, {transform_indices = @transform_14, window_bounds = array<i64: 512, 128>}, {transform_indices = @transform_15, window_bounds = array<i64: 512, 16>}]} {
    %get3A = arith.constant 0 : index
    %get3A_0 = arith.constant 0 : index
    %get3A_1 = vector.load %arg5[%get3A, %get3A_0] : memref<512x16xf32, #tpu.memory_space<vmem>>, vector<512x1xf32>
    %get3A_2 = arith.constant 0 : index
    %get3A_3 = arith.constant 0 : index
    %get3A_4 = vector.load %arg6[%get3A_2, %get3A_3] : memref<512x16xf32, #tpu.memory_space<vmem>>, vector<512x1xf32>
    %add3A = arith.addf %get3A_1, %get3A_4 : vector<512x1xf32>
    %get3A_5 = arith.constant 0 : index
    %get3A_6 = arith.constant 0 : index
    %get3A_7 = vector.load %arg1[%get3A_5, %get3A_6] : memref<512x128xbf16, #tpu.memory_space<vmem>>, vector<512x128xbf16>
    %convert_element_type3A = arith.extf %get3A_7 : vector<512x128xbf16> to vector<512x128xf32>
    %get3A_8 = arith.constant 0 : index
    %get3A_9 = arith.constant 0 : index
    %get3A_10 = vector.load %arg2[%get3A_8, %get3A_9] : memref<512x128xbf16, #tpu.memory_space<vmem>>, vector<512x128xbf16>
    %convert_element_type3A_11 = arith.extf %get3A_10 : vector<512x128xbf16> to vector<512x128xf32>
    %add3A_12 = arith.addf %convert_element_type3A, %convert_element_type3A_11 : vector<512x128xf32>
    %get3A_13 = arith.constant 0 : index
    %get3A_14 = arith.constant 0 : index
    %get3A_15 = vector.load %arg3[%get3A_13, %get3A_14] : memref<512x128xbf16, #tpu.memory_space<vmem>>, vector<512x128xbf16>
    %convert_element_type3A_16 = arith.extf %get3A_15 : vector<512x128xbf16> to vector<512x128xf32>
    %add3A_17 = arith.addf %add3A_12, %convert_element_type3A_16 : vector<512x128xf32>
    %get3A_18 = arith.constant 0 : index
    %get3A_19 = arith.constant 0 : index
    %get3A_20 = vector.load %arg4[%get3A_18, %get3A_19] : memref<512x128xbf16, #tpu.memory_space<vmem>>, vector<512x128xbf16>
    %convert_element_type3A_21 = arith.extf %get3A_20 : vector<512x128xbf16> to vector<512x128xf32>
    %add3A_22 = arith.addf %add3A_17, %convert_element_type3A_21 : vector<512x128xf32>
    %max3A = arith.constant 1.000000e+00 : f32
    %max3A_23 = vector.broadcast %max3A : f32 to vector<512x1xf32>
    %max3A_24 = arith.maximumf %add3A, %max3A_23 : vector<512x1xf32>
    %div3A = vector.broadcast %max3A_24 : vector<512x1xf32> to vector<512x128xf32>
    %div3A_25 = arith.divf %add3A_22, %div3A : vector<512x128xf32>
    %get3A_26 = arith.constant 0 : index
    %get3A_27 = arith.constant 0 : index
    %get3A_28 = vector.load %arg8[%get3A_26, %get3A_27] : memref<1x128xf32, #tpu.memory_space<vmem>>, vector<1x128xf32>
    %add3A_29 = vector.broadcast %get3A_28 : vector<1x128xf32> to vector<512x128xf32>
    %add3A_30 = arith.addf %div3A_25, %add3A_29 : vector<512x128xf32>
    %get3A_31 = arith.constant 0 : index
    %get3A_32 = arith.constant 0 : index
    %get3A_33 = vector.load %arg7[%get3A_31, %get3A_32] : memref<512x128xf32, #tpu.memory_space<vmem>>, vector<512x128xf32>
    %get3A_34 = arith.constant 0 : index
    %get3A_35 = arith.constant 0 : index
    %get3A_36 = vector.load %arg13[%get3A_34, %get3A_35] : memref<128x128xf32, #tpu.memory_space<vmem>>, vector<128x128xf32>
    %dot_general3A = arith.constant dense<0.000000e+00> : vector<512x128xf32>
    %dot_general3A_37 = tpu.matmul %get3A_33, %get3A_36, %dot_general3A {dimension_numbers = #tpu.dot_dimension_numbers<[1], [0], [0], [1], [0, 0, 1, 1], [], []>, transpose_lhs_hint = false} : vector<512x128xf32>, vector<128x128xf32>, vector<512x128xf32> -> vector<512x128xf32>
    %add3A_38 = arith.addf %add3A_30, %dot_general3A_37 : vector<512x128xf32>
    %get3A_39 = arith.constant 0 : index
    %get3A_40 = arith.constant 0 : index
    %get3A_41 = vector.load %arg11[%get3A_39, %get3A_40] : memref<1x128xf32, #tpu.memory_space<vmem>>, vector<1x128xf32>
    %sub3A = vector.broadcast %get3A_41 : vector<1x128xf32> to vector<512x128xf32>
    %sub3A_42 = arith.subf %add3A_38, %sub3A : vector<512x128xf32>
    %get3A_43 = arith.constant 0 : index
    %get3A_44 = arith.constant 0 : index
    %get3A_45 = vector.load %arg12[%get3A_43, %get3A_44] : memref<1x128xf32, #tpu.memory_space<vmem>>, vector<1x128xf32>
    %add3A_46 = arith.constant 9.99999974E-6 : f32
    %add3A_47 = vector.broadcast %add3A_46 : f32 to vector<1x128xf32>
    %add3A_48 = arith.addf %get3A_45, %add3A_47 : vector<1x128xf32>
    %rsqrt3A = math.rsqrt %add3A_48 : vector<1x128xf32>
    %mul3A = vector.broadcast %rsqrt3A : vector<1x128xf32> to vector<512x128xf32>
    %mul3A_49 = arith.mulf %sub3A_42, %mul3A : vector<512x128xf32>
    %get3A_50 = arith.constant 0 : index
    %get3A_51 = arith.constant 0 : index
    %get3A_52 = vector.load %arg9[%get3A_50, %get3A_51] : memref<1x128xf32, #tpu.memory_space<vmem>>, vector<1x128xf32>
    %mul3A_53 = vector.broadcast %get3A_52 : vector<1x128xf32> to vector<512x128xf32>
    %mul3A_54 = arith.mulf %mul3A_49, %mul3A_53 : vector<512x128xf32>
    %get3A_55 = arith.constant 0 : index
    %get3A_56 = arith.constant 0 : index
    %get3A_57 = vector.load %arg10[%get3A_55, %get3A_56] : memref<1x128xf32, #tpu.memory_space<vmem>>, vector<1x128xf32>
    %add3A_58 = vector.broadcast %get3A_57 : vector<1x128xf32> to vector<512x128xf32>
    %add3A_59 = arith.addf %mul3A_54, %add3A_58 : vector<512x128xf32>
    %max3A_60 = arith.constant 0.000000e+00 : f32
    %max3A_61 = vector.broadcast %max3A_60 : f32 to vector<512x128xf32>
    %max3A_62 = arith.maximumf %add3A_59, %max3A_61 : vector<512x128xf32>
    %swap3A = arith.constant 0 : index
    %swap3A_63 = arith.constant 0 : index
    %swap3A_64 = vector.load %arg15[%swap3A, %swap3A_63] : memref<512x128xf32, #tpu.memory_space<vmem>>, vector<512x128xf32>
    tpu.vector_store %arg15[%swap3A, %swap3A_63], %max3A_62 {strides = array<i32>} : memref<512x128xf32, #tpu.memory_space<vmem>>, vector<512x128xf32>,
    %get3A_65 = arith.constant 0 : index
    %get3A_66 = arith.constant 0 : index
    %get3A_67 = vector.load %arg14[%get3A_65, %get3A_66] : memref<128x16xf32, #tpu.memory_space<vmem>>, vector<128x16xf32>
    %dot_general3A_68 = arith.constant dense<0.000000e+00> : vector<512x16xf32>
    %dot_general3A_69 = tpu.matmul %max3A_62, %get3A_67, %dot_general3A_68 {dimension_numbers = #tpu.dot_dimension_numbers<[1], [0], [0], [1], [0, 0, 1, 1], [], []>, transpose_lhs_hint = false} : vector<512x128xf32>, vector<128x16xf32>, vector<512x16xf32> -> vector<512x16xf32>
    %swap3A_70 = arith.constant 0 : index
    %swap3A_71 = arith.constant 0 : index
    %swap3A_72 = vector.load %arg16[%swap3A_70, %swap3A_71] : memref<512x16xf32, #tpu.memory_space<vmem>>, vector<512x16xf32>
    tpu.vector_store %arg16[%swap3A_70, %swap3A_71], %dot_general3A_69 {strides = array<i32>} : memref<512x16xf32, #tpu.memory_space<vmem>>, vector<512x16xf32>,
    return
  }
  func.func @transform_0(%arg0: i32) -> (i32, i32) {
    %add3A = arith.constant 0 : i32
    %add3A_0 = arith.addi %arg0, %add3A : i32
    %c0_i32 = arith.constant 0 : i32
    %c0_i32_1 = arith.constant 0 : i32
    return %add3A_0, %c0_i32 : i32, i32
  }
  func.func @transform_1(%arg0: i32) -> (i32, i32) {
    %add3A = arith.constant 20 : i32
    %add3A_0 = arith.addi %arg0, %add3A : i32
    %c0_i32 = arith.constant 0 : i32
    %c0_i32_1 = arith.constant 0 : i32
    return %add3A_0, %c0_i32 : i32, i32
  }
  func.func @transform_2(%arg0: i32) -> (i32, i32) {
    %add3A = arith.constant 40 : i32
    %add3A_0 = arith.addi %arg0, %add3A : i32
    %c0_i32 = arith.constant 0 : i32
    %c0_i32_1 = arith.constant 0 : i32
    return %add3A_0, %c0_i32 : i32, i32
  }
  func.func @transform_3(%arg0: i32) -> (i32, i32) {
    %add3A = arith.constant 60 : i32
    %add3A_0 = arith.addi %arg0, %add3A : i32
    %c0_i32 = arith.constant 0 : i32
    %c0_i32_1 = arith.constant 0 : i32
    return %add3A_0, %c0_i32 : i32, i32
  }
  func.func @transform_4(%arg0: i32) -> (i32, i32) {
    %c0_i32 = arith.constant 0 : i32
    %c0_i32_0 = arith.constant 0 : i32
    return %arg0, %c0_i32 : i32, i32
  }
  func.func @transform_5(%arg0: i32) -> (i32, i32) {
    %add3A = arith.constant 20 : i32
    %add3A_0 = arith.addi %arg0, %add3A : i32
    %c0_i32 = arith.constant 0 : i32
    %c0_i32_1 = arith.constant 0 : i32
    return %add3A_0, %c0_i32 : i32, i32
  }
  func.func @transform_6(%arg0: i32) -> (i32, i32) {
    %c0_i32 = arith.constant 0 : i32
    %c0_i32_0 = arith.constant 0 : i32
    return %arg0, %c0_i32 : i32, i32
  }
  func.func @transform_7(%arg0: i32) -> (i32, i32) {
    %c0_i32 = arith.constant 0 : i32
    %c0_i32_0 = arith.constant 0 : i32
    %c0_i32_1 = arith.constant 0 : i32
    return %c0_i32, %c0_i32_0 : i32, i32
  }
  func.func @transform_8(%arg0: i32) -> (i32, i32) {
    %c0_i32 = arith.constant 0 : i32
    %c0_i32_0 = arith.constant 0 : i32
    %c0_i32_1 = arith.constant 0 : i32
    return %c0_i32, %c0_i32_0 : i32, i32
  }
  func.func @transform_9(%arg0: i32) -> (i32, i32) {
    %c0_i32 = arith.constant 0 : i32
    %c0_i32_0 = arith.constant 0 : i32
    %c0_i32_1 = arith.constant 0 : i32
    return %c0_i32, %c0_i32_0 : i32, i32
  }
  func.func @transform_10(%arg0: i32) -> (i32, i32) {
    %c0_i32 = arith.constant 0 : i32
    %c0_i32_0 = arith.constant 0 : i32
    %c0_i32_1 = arith.constant 0 : i32
    return %c0_i32, %c0_i32_0 : i32, i32
  }
  func.func @transform_11(%arg0: i32) -> (i32, i32) {
    %c0_i32 = arith.constant 0 : i32
    %c0_i32_0 = arith.constant 0 : i32
    %c0_i32_1 = arith.constant 0 : i32
    return %c0_i32, %c0_i32_0 : i32, i32
  }
  func.func @transform_12(%arg0: i32) -> (i32, i32) {
    %c0_i32 = arith.constant 0 : i32
    %c0_i32_0 = arith.constant 0 : i32
    %c0_i32_1 = arith.constant 0 : i32
    return %c0_i32, %c0_i32_0 : i32, i32
  }
  func.func @transform_13(%arg0: i32) -> (i32, i32) {
    %c0_i32 = arith.constant 0 : i32
    %c0_i32_0 = arith.constant 0 : i32
    %c0_i32_1 = arith.constant 0 : i32
    return %c0_i32, %c0_i32_0 : i32, i32
  }
  func.func @transform_14(%arg0: i32) -> (i32, i32) {
    %c0_i32 = arith.constant 0 : i32
    %c0_i32_0 = arith.constant 0 : i32
    return %arg0, %c0_i32 : i32, i32
  }
  func.func @transform_15(%arg0: i32) -> (i32, i32) {
    %c0_i32 = arith.constant 0 : i32
    %c0_i32_0 = arith.constant 0 : i32
    return %arg0, %c0_i32 : i32, i32
  }
}

module attributes {stable_mosaic.version = 14 : i64} {
  func.func @body(%arg0: i32, %arg1: memref<512x16xf32, #tpu.memory_space<vmem>>, %arg2: memref<512x16xf32, #tpu.memory_space<vmem>>, %arg3: memref<512x16xf32, #tpu.memory_space<vmem>>, %arg4: memref<512x16xf32, #tpu.memory_space<vmem>>, %arg5: memref<512x16xf32, #tpu.memory_space<vmem>>, %arg6: memref<512x16xf32, #tpu.memory_space<vmem>>, %arg7: memref<512x128xf32, #tpu.memory_space<vmem>>, %arg8: memref<1x16xf32, #tpu.memory_space<vmem>>, %arg9: memref<128x16xf32, #tpu.memory_space<vmem>>, %arg10: memref<512x16xf32, #tpu.memory_space<vmem>>) attributes {dimension_semantics = [#tpu.dimension_semantics<arbitrary>], iteration_bounds = array<i64: 20>, scalar_prefetch = 0 : i64, scratch_operands = 0 : i64, tpu.core_type = #tpu.core_type<tc>, window_params = [{transform_indices = @transform_0, window_bounds = array<i64: 512, 16>}, {transform_indices = @transform_1, window_bounds = array<i64: 512, 16>}, {transform_indices = @transform_2, window_bounds = array<i64: 512, 16>}, {transform_indices = @transform_3, window_bounds = array<i64: 512, 16>}, {transform_indices = @transform_4, window_bounds = array<i64: 512, 16>}, {transform_indices = @transform_5, window_bounds = array<i64: 512, 16>}, {transform_indices = @transform_6, window_bounds = array<i64: 512, 128>}, {pipeline_mode = #tpu.pipeline_mode<synchronous>, transform_indices = @transform_7, window_bounds = array<i64: 1, 16>}, {pipeline_mode = #tpu.pipeline_mode<synchronous>, transform_indices = @transform_8, window_bounds = array<i64: 128, 16>}, {transform_indices = @transform_9, window_bounds = array<i64: 512, 16>}]} {
    %get3A = arith.constant 0 : index
    %get3A_0 = arith.constant 0 : index
    %get3A_1 = vector.load %arg5[%get3A, %get3A_0] : memref<512x16xf32, #tpu.memory_space<vmem>>, vector<512x1xf32>
    %get3A_2 = arith.constant 0 : index
    %get3A_3 = arith.constant 0 : index
    %get3A_4 = vector.load %arg6[%get3A_2, %get3A_3] : memref<512x16xf32, #tpu.memory_space<vmem>>, vector<512x1xf32>
    %add3A = arith.addf %get3A_1, %get3A_4 : vector<512x1xf32>
    %get3A_5 = arith.constant 0 : index
    %get3A_6 = arith.constant 0 : index
    %get3A_7 = vector.load %arg1[%get3A_5, %get3A_6] : memref<512x16xf32, #tpu.memory_space<vmem>>, vector<512x16xf32>
    %get3A_8 = arith.constant 0 : index
    %get3A_9 = arith.constant 0 : index
    %get3A_10 = vector.load %arg2[%get3A_8, %get3A_9] : memref<512x16xf32, #tpu.memory_space<vmem>>, vector<512x16xf32>
    %add3A_11 = arith.addf %get3A_7, %get3A_10 : vector<512x16xf32>
    %get3A_12 = arith.constant 0 : index
    %get3A_13 = arith.constant 0 : index
    %get3A_14 = vector.load %arg3[%get3A_12, %get3A_13] : memref<512x16xf32, #tpu.memory_space<vmem>>, vector<512x16xf32>
    %add3A_15 = arith.addf %add3A_11, %get3A_14 : vector<512x16xf32>
    %get3A_16 = arith.constant 0 : index
    %get3A_17 = arith.constant 0 : index
    %get3A_18 = vector.load %arg4[%get3A_16, %get3A_17] : memref<512x16xf32, #tpu.memory_space<vmem>>, vector<512x16xf32>
    %add3A_19 = arith.addf %add3A_15, %get3A_18 : vector<512x16xf32>
    %max3A = arith.constant 1.000000e+00 : f32
    %max3A_20 = vector.broadcast %max3A : f32 to vector<512x1xf32>
    %max3A_21 = arith.maximumf %add3A, %max3A_20 : vector<512x1xf32>
    %div3A = vector.broadcast %max3A_21 : vector<512x1xf32> to vector<512x16xf32>
    %div3A_22 = arith.divf %add3A_19, %div3A : vector<512x16xf32>
    %get3A_23 = arith.constant 0 : index
    %get3A_24 = arith.constant 0 : index
    %get3A_25 = vector.load %arg8[%get3A_23, %get3A_24] : memref<1x16xf32, #tpu.memory_space<vmem>>, vector<1x16xf32>
    %add3A_26 = vector.broadcast %get3A_25 : vector<1x16xf32> to vector<512x16xf32>
    %add3A_27 = arith.addf %div3A_22, %add3A_26 : vector<512x16xf32>
    %get3A_28 = arith.constant 0 : index
    %get3A_29 = arith.constant 0 : index
    %get3A_30 = vector.load %arg7[%get3A_28, %get3A_29] : memref<512x128xf32, #tpu.memory_space<vmem>>, vector<512x128xf32>
    %get3A_31 = arith.constant 0 : index
    %get3A_32 = arith.constant 0 : index
    %get3A_33 = vector.load %arg9[%get3A_31, %get3A_32] : memref<128x16xf32, #tpu.memory_space<vmem>>, vector<128x16xf32>
    %dot_general3A = arith.constant dense<0.000000e+00> : vector<512x16xf32>
    %dot_general3A_34 = tpu.matmul %get3A_30, %get3A_33, %dot_general3A {dimension_numbers = #tpu.dot_dimension_numbers<[1], [0], [0], [1], [0, 0, 1, 1], [], []>, transpose_lhs_hint = false} : vector<512x128xf32>, vector<128x16xf32>, vector<512x16xf32> -> vector<512x16xf32>
    %add3A_35 = arith.addf %add3A_27, %dot_general3A_34 : vector<512x16xf32>
    %swap3A = arith.constant 0 : index
    %swap3A_36 = arith.constant 0 : index
    %swap3A_37 = vector.load %arg10[%swap3A, %swap3A_36] : memref<512x16xf32, #tpu.memory_space<vmem>>, vector<512x16xf32>
    tpu.vector_store %arg10[%swap3A, %swap3A_36], %add3A_35 {strides = array<i32>} : memref<512x16xf32, #tpu.memory_space<vmem>>, vector<512x16xf32>,
    return
  }
  func.func @transform_0(%arg0: i32) -> (i32, i32) {
    %add3A = arith.constant 0 : i32
    %add3A_0 = arith.addi %arg0, %add3A : i32
    %c0_i32 = arith.constant 0 : i32
    %c0_i32_1 = arith.constant 0 : i32
    return %add3A_0, %c0_i32 : i32, i32
  }
  func.func @transform_1(%arg0: i32) -> (i32, i32) {
    %add3A = arith.constant 20 : i32
    %add3A_0 = arith.addi %arg0, %add3A : i32
    %c0_i32 = arith.constant 0 : i32
    %c0_i32_1 = arith.constant 0 : i32
    return %add3A_0, %c0_i32 : i32, i32
  }
  func.func @transform_2(%arg0: i32) -> (i32, i32) {
    %add3A = arith.constant 40 : i32
    %add3A_0 = arith.addi %arg0, %add3A : i32
    %c0_i32 = arith.constant 0 : i32
    %c0_i32_1 = arith.constant 0 : i32
    return %add3A_0, %c0_i32 : i32, i32
  }
  func.func @transform_3(%arg0: i32) -> (i32, i32) {
    %add3A = arith.constant 60 : i32
    %add3A_0 = arith.addi %arg0, %add3A : i32
    %c0_i32 = arith.constant 0 : i32
    %c0_i32_1 = arith.constant 0 : i32
    return %add3A_0, %c0_i32 : i32, i32
  }
  func.func @transform_4(%arg0: i32) -> (i32, i32) {
    %c0_i32 = arith.constant 0 : i32
    %c0_i32_0 = arith.constant 0 : i32
    return %arg0, %c0_i32 : i32, i32
  }
  func.func @transform_5(%arg0: i32) -> (i32, i32) {
    %add3A = arith.constant 20 : i32
    %add3A_0 = arith.addi %arg0, %add3A : i32
    %c0_i32 = arith.constant 0 : i32
    %c0_i32_1 = arith.constant 0 : i32
    return %add3A_0, %c0_i32 : i32, i32
  }
  func.func @transform_6(%arg0: i32) -> (i32, i32) {
    %c0_i32 = arith.constant 0 : i32
    %c0_i32_0 = arith.constant 0 : i32
    return %arg0, %c0_i32 : i32, i32
  }
  func.func @transform_7(%arg0: i32) -> (i32, i32) {
    %c0_i32 = arith.constant 0 : i32
    %c0_i32_0 = arith.constant 0 : i32
    %c0_i32_1 = arith.constant 0 : i32
    return %c0_i32, %c0_i32_0 : i32, i32
  }
  func.func @transform_8(%arg0: i32) -> (i32, i32) {
    %c0_i32 = arith.constant 0 : i32
    %c0_i32_0 = arith.constant 0 : i32
    %c0_i32_1 = arith.constant 0 : i32
    return %c0_i32, %c0_i32_0 : i32, i32
  }
  func.func @transform_9(%arg0: i32) -> (i32, i32) {
    %c0_i32 = arith.constant 0 : i32
    %c0_i32_0 = arith.constant 0 : i32
    return %arg0, %c0_i32 : i32, i32
  }
}

</mosaic_0001>

<sc_bundles>
// kernel: kernel.12.cloned.1.call-start
scs
__scs_entry_jumppad:
0x0: {  	(pc) =	sbr.rel $0x88, $3  }
0x1: {  	(tag) =	ssettag $0x0;
	lr =	simm.s32 $0x1  }
0x2: {  	[smem:$0x3F8A] =	sst lr;
	_ =	strace $0xD0000000  }
0x3: {  	_ = 	snop  }
0x4: {  	_ = 	snop  }
0x5: {  	_ = 	snop  }
0x6: {  	_ = 	snop  }
0x7: {  	_ = 	snop  }
__scs_overlays_trampoline_lowered:
0x8: {  	[smem:$0x3F99] =	sst s0  }
0x9: {  	[smem:$0x3F9A] =	sst s1  }
0xa: {  	[smem:$0x3F9B] =	sst s2  }
0xb: {  	[smem:$0x3F9C] =	sst s3  }
0xc: {  	[smem:$0x3F9D] =	sst s4  }
0xd: {  	[smem:$0x3F9E] =	sst s5  }
0xe: {  	[smem:$0x3F9F] =	sst s6  }
0xf: {  	[smem:$0x3FA0] =	sst s7  }
0x10: {  	[smem:$0x3FA1] =	sst s8  }
0x11: {  	[smem:$0x3FA2] =	sst s9;
	s0 =	simm.s32 @!p0 $0x0  }
0x12: {  	s1 =	sld [smem:$0x3F88];
	s0 =	simm.s32 @p0 $0x1  }
0x13: {  	[smem:$0x3FA3] =	sst s0;
	s0 =	simm.s32 @!p1 $0x0  }
0x14: {  	s2 =	sld [smem:$0x3F87];
	s0 =	simm.s32 @p1 $0x1  }
0x15: {  	[smem:$0x3FA4] =	sst s0;
	s0 =	simm.s32 @!p2 $0x0  }
0x16: {  	s3 =	sld [smem:$0x3FDB];
	s0 =	simm.s32 @p2 $0x1  }
0x17: {  	s4 =	simm.s32 $0x1BF5;
	[smem:$0x3FA6] =	sst s0  }
0x18: {  	s0 =	sld [smem:$0x3F89];
	_ =	swait.ge [sflag:s4], $0x0  }
0x19: {  	s7 =	sld [smem:$0x3F8A]  }
0x1a: {  	s8 =	sadd.s32 $0xFFFFE003, lr  }
0x1b: {  	s9 =	sadd.s32 $0xFFFFFEF7, lr;
	s5 =	simm.s32 $0xFFFFFFFF;
	p2 =	slt.u32 s8, $0xFFFFF086  }
0x1c: {  	p1 =	slt.u32 s9, $0xF7A;
	s5 =	simm.s32 @!p2 $0x0  }
0x1d: {  	s5 =	simm.s32 @p1 $0x1;
	p0 =	seq.s32 s7, s2  }
0x1e: {  	s7 =	smul.u32 @!p0 $0xF7A, s2;
	p2 =	seq.s32 @!p0 s5, $0x0  }
0x1f: {  	s9 =	smul.u32 $0xF7A, s1;
	s8 =	simm.s32 @!p0 $0x1BF5;
	p2 =	por !p2, p0  }
0x20: {  	[sflag:s8] =	ssyncset.s32 @!p0 $0xFFFFF086;
	s6 =	sadd.s32 @!p0 s3, s7;
	s7 =	simm.s32 @!p0 $0x108  }
0x21: {  	s3 =	sadd.s32 s3, s9;
	s6 =	sadd.s32 @!p0 $0x88, s6;
	s7 =	simm.s32 @p2 $0x1082  }
0x22: {  	[simem:s7], [sflag:s8] =	dma.local @!p0 [hbm:s6], $0xF7A  }
0x23: {  	s9 =	sor.u32 $0xD0000000, s2;
	s6 =	simm.s32 $0x108;
	_ =	swait.ge @!p0 [sflag:s8], $0x0  }
0x24: {  	s3 =	sadd.s32 $0x88, s3;
	s6 =	simm.s32 @!p1 $0x1082;
	[sflag:s4] =	ssyncset.s32 $0xFFFFF086  }
0x25: {  	[simem:s6], [sflag:s4] =	dma.local [hbm:s3], $0xF7A  }
0x26: {  	[smem:$0x3F8A] =	sst s1;
	(tag) =	ssettag s2;
	_ =	strace s9  }
0x27: {  	s1 =	sld [smem:$0x3F9A]  }
0x28: {  	s2 =	sld [smem:$0x3F9B]  }
0x29: {  	s4 =	sld [smem:$0x3F9D]  }
0x2a: {  	p0 =	seq.s32 s5, $0x0;
	s5 =	sld [smem:$0x3F9E]  }
0x2b: {  	s6 =	sld [smem:$0x3F9F]  }
0x2c: {  	s7 =	sld [smem:$0x3FA0]  }
0x2d: {  	s3 =	simm.s32 $0x108;
	s8 =	sld [smem:$0x3FA1]  }
0x2e: {  	s3 =	simm.s32 @!p0 $0x1082;
	s9 =	sld [smem:$0x3FA2]  }
0x2f: {  	lr =	sadd.s32 s0, s3;
	s0 =	sld [smem:$0x3F99]  }
0x30: {  	s3 =	sld [smem:$0x3F9C]  }
0x31: {  	[smem:$0x3FA5] =	sst s10  }
0x32: {  	s10 =	sld [smem:$0x3FA3];
	_ =	sdelay $0x3  }
0x33: {  	p0 =	seq.s32 s10, $0x1;
	s10 =	sld [smem:$0x3FA5];
	_ =	sdelay $0x3  }
0x34: {  	[smem:$0x3FA5] =	sst s10  }
0x35: {  	s10 =	sld [smem:$0x3FA4];
	_ =	sdelay $0x3  }
0x36: {  	p1 =	seq.s32 s10, $0x1;
	s10 =	sld [smem:$0x3FA5];
	_ =	sdelay $0x3  }
0x37: {  	[smem:$0x3FA5] =	sst s10  }
0x38: {  	s10 =	sld [smem:$0x3FA6]  }
0x39: {  	_ = 	snop;
	(pc) =	sbr.ind lr, $3  }
0x3a: {  	_ = 	snop  }
0x3b: {  	_ = 	snop  }
0x3c: {  	p2 =	seq.s32 s10, $0x1;
	s10 =	sld [smem:$0x3FA5]  }
0x3d: {  	_ =	shalt  }
0x3e: {  	_ =	shalt  }
0x3f: {  	_ =	shalt  }
0x40: {  	_ =	shalt  }
0x41: {  	_ =	shalt  }
0x42: {  	_ =	shalt  }
0x43: {  	_ =	shalt  }
0x44: {  	_ =	shalt  }
0x45: {  	_ =	shalt  }
0x46: {  	_ =	shalt  }
0x47: {  	_ =	shalt  }
0x48: {  	_ =	shalt  }
0x49: {  	_ =	shalt  }
0x4a: {  	_ =	shalt  }
0x4b: {  	_ =	shalt  }
0x4c: {  	_ =	shalt  }
0x4d: {  	_ =	shalt  }
0x4e: {  	_ =	shalt  }
0x4f: {  	_ =	shalt  }
0x50: {  	_ =	shalt  }
0x51: {  	_ =	shalt  }
0x52: {  	_ =	shalt  }
0x53: {  	_ =	shalt  }
0x54: {  	_ =	shalt  }
0x55: {  	_ =	shalt  }
0x56: {  	_ =	shalt  }
0x57: {  	_ =	shalt  }
0x58: {  	_ =	shalt  }
0x59: {  	_ =	shalt  }
0x5a: {  	_ =	shalt  }
0x5b: {  	_ =	shalt  }
0x5c: {  	_ =	shalt  }
0x5d: {  	_ =	shalt  }
0x5e: {  	_ =	shalt  }
0x5f: {  	_ =	shalt  }
0x60: {  	_ =	shalt  }
0x61: {  	_ =	shalt  }
0x62: {  	_ =	shalt  }
0x63: {  	_ =	shalt  }
0x64: {  	_ =	shalt  }
0x65: {  	_ =	shalt  }
0x66: {  	_ =	shalt  }
0x67: {  	_ =	shalt  }
0x68: {  	_ =	shalt  }
0x69: {  	_ =	shalt  }
0x6a: {  	_ =	shalt  }
0x6b: {  	_ =	shalt  }
0x6c: {  	_ =	shalt  }
0x6d: {  	_ =	shalt  }
0x6e: {  	_ =	shalt  }
0x6f: {  	_ =	shalt  }
0x70: {  	_ =	shalt  }
0x71: {  	_ =	shalt  }
0x72: {  	_ =	shalt  }
0x73: {  	_ =	shalt  }
0x74: {  	_ =	shalt  }
0x75: {  	_ =	shalt  }
0x76: {  	_ =	shalt  }
0x77: {  	_ =	shalt  }
0x78: {  	_ =	shalt  }
0x79: {  	_ =	shalt  }
0x7a: {  	_ =	shalt  }
0x7b: {  	_ =	shalt  }
0x7c: {  	_ =	shalt  }
0x7d: {  	_ =	shalt  }
0x7e: {  	_ =	shalt  }
0x7f: {  	_ =	shalt  }
0x80: {  	_ =	shalt  }
0x81: {  	_ =	shalt  }
0x82: {  	_ =	shalt  }
0x83: {  	_ =	shalt  }
0x84: {  	_ =	shalt  }
0x85: {  	_ =	shalt  }
0x86: {  	_ =	shalt  }
0x87: {  	_ =	shalt  }
.Lfunc_end0:
.L_simem_size_0:
called_computation.1_lowered:
.L_overlay_start_0:
0x88: {  	s2 =	sld [smem:$0x3FD9]  }
0x89: {  	s3 =	sld [smem:$0x3FFE];
	_ =	sdelay $0x1  }
0x8a: {  	s1 =	srdreg.scid  }
0x8b: {  	s0 =	sand.u32 $0x1, s1  }
0x8c: {  	s16 =	sshll.u32 s0, $0xA;
	s2 =	sadd.s32 s3, s2  }
0x8d: {  	s2 =	sadd.s32 s2, s16  }
0x8e: {  	[smem:$0x3FB1] =	sst s2  }
0x8f: {  	_ = 	snop  }
0x90: {  	(tm) =	ssettm $0x1  }
0x91: {  	s17 =	sld [smem:$0x3FFB];
	_ =	sdelay $0x3  }
0x92: {  	_ =	strace s17  }
0x93: {  	s2 =	sld [smem:$0x3FFC];
	_ =	sdelay $0x3  }
0x94: {  	_ =	strace s2  }
0x95: {  	s2 =	sld [smem:$0x3FFD];
	_ =	sdelay $0x3  }
0x96: {  	_ =	strace s2  }
0x97: {  	_ =	strace $0x8FFFFFFF  }
0x98: {  	s18 =	sld [smem:$0x3FDB];
	_ =	sdelay $0x1  }
0x99: {  	s19 =	simm.s32 $_scs_section_size  }
0x9a: {  	s4 =	simm.s32 $_size__tile_overlayer_lowered;
	s5 =	simm.s32 $_tile_overlayer_lowered  }
0x9b: {  	s22 =	simm.s32 $0x1BFF;
	s21 =	sshll.u32 s5, $0x1;
	s2 =	sadd.s32 s19, s18  }
0x9c: {  	s6 =	simm.s32 $0x0;
	s20 =	sshll.u32 s4, $0x1;
	s4 =	sadd.s32 s21, s2  }
0x9d: {  	[timem:s6], [sflag:s22] =	dma.local [hbm:s4], s20  }
0x9e: {  	_ =	swait.ge [sflag:s22], s20  }
0x9f: {  	s3 =	ssub.s32 $0x0, s20;
	[sflag:s22] =	ssyncset.done $0x0  }
0xa0: {  	[sflag:s22] =	ssyncadd.s32 s3;
	_ =	sdelay $0x1  }
0xa1: {  	s23 =	simm.s32 $0x1B8B  }
0xa2: {  	_ =	swait.ge [sflag:s23], $0x1  }
0xa3: {  	[sflag:s23] =	ssyncset.done $0x0  }
0xa4: {  	s25 =	simm.s32 $0x1B8E;
	s24 =	sld [smem:$0x3FFE];
	[sflag:s23] =	ssyncadd.s32 $0xFFFFFFFF  }
0xa5: {  	s26 =	simm.s32 $execute0_lowered;
	[smem:$0x3FD2] =	sst s25  }
0xa6: {  	s4 =	sshll.u32 s26, $0x1;
	_ =	strace $0x80000049;
	[dreg:$0x1] =	wrdreg $0xFFFFFFFF  }
0xa7: {  	s28 =	simm.s32 $_size_execute0_lowered;
	s2 =	sadd.s32 s2, s4;
	[dreg:$0x0] =	wrdreg $0x0  }
0xa8: {  	s4 =	sshll.u32 s28, $0x1;
	[dreg:$0x2] =	wrdreg s2  }
0xa9: {  	[dreg:$0x3] =	wrdreg s4  }
0xaa: {  	[dreg:$0x4] =	wrdreg $0xC0  }
0xab: {  	_ =	task [dreg:s6], $0x5FFFF  }
0xac: {  	[dreg:$0x1] =	wrdreg $0xFFFFFFFF  }
0xad: {  	[dreg:$0x0] =	wrdreg $0x60  }
0xae: {  	[dreg:$0x2] =	wrdreg s24  }
0xaf: {  	[dreg:$0x3] =	wrdreg $0x44000  }
0xb0: {  	[dreg:$0x4] =	wrdreg $0xE4000  }
0xb1: {  	[dreg:$0x5] =	wrdreg $0x9  }
0xb2: {  	_ =	task.clear_ibuf [dreg:s6], $0x6FFFF;
	_ =	strace $0x90000049  }
0xb3: {  	s29 =	simm.s32 $0x9;
	_ =	strace $0x8000004B  }
0xb4: {  	_ =	swait.ge [sflag:s29], $0x1  }
0xb5: {  	[sflag:s29] =	ssyncadd.s32 $0xFFFFFFFF  }
0xb6: {  	_ =	strace $0x9000004B  }
0xb7: {  	_ =	sfence  }
0xb8: {  	s30 =	sld [smem:$0x0];
	_ =	sdelay $0x2  }
0xb9: {  	s31 =	sshll.u32 s1, $0xD;
	s1 =	sshrl.u32 s1, $0x2  }
0xba: {  	s3 =	sand.u32 $0x4000, s31;
	s1 =	sadd.s32 s1, s30  }
0xbb: {  	s0 =	sor.u32 s3, s0;
	s1 =	sshll.u32 s1, $0x11  }
0xbc: {  	s0 =	sor.u32 s1, s0  }
0xbd: {  	s0 =	sadd.s32 $0x8F2B, s0  }
0xbe: {  	[sflag:s0] =	ssyncadd.remote.s32 $0x1  }
0xbf: {  	_ =	sfence.sel $0xFFFF  }
0xc0: {  	[dreg:$0x0] =	wrdreg $0xFFFFFFFF;
	(pc) =	sbr.abs _section_cstart, $3  }
0xc1: {  	[dreg:$0x1] =	wrdreg $0xFFFFFFFF  }
0xc2: {  	_ =	task.clear_ibuf [dreg:s6], $0x2FFFF;
	_ =	strace $0x9FFFFFFF  }
0xc3: {  	(tm) =	ssettm $0x7FFFFFFF  }
tec
execute0_lowered:
.L_overlay_start_1:
0x0: {  	(tag) =	ssettag $0x1  }
0x1: {  	s0 =	rddreg [dreg:$0x0]  }
0x2: {  	s2 =	rddreg [dreg:$0x1]  }
0x3: {  	s3 =	rddreg [dreg:$0x2];
	s1 =	srdreg.scid  }
0x4: {  	s14 =	stileid.u32;
	s4 =	simm.s32 $0x0;
	s28 =	simm.s32 $0x400  }
0x5: {  	s29 =	simm.s32 $0x9;
	s30 =	simm.s32 $0x200;
	s31 =	simm.s32 $0x80  }
0x6: {  	s1 =	sand.u32 $0x1, s1;
	s6 =	smul.u32 $0x280, s14;
	[smem:$0x7FF] =	sst s4  }
0x7: {  	s8 =	sadd.s32 $0xEA00, s0;
	s9 =	sadd.s32 $0x4A00, s0;
	s10 =	smul.u32 $0x14000, s14  }
0x8: {  	s5 =	sadd.s32 $0x18A00, s0;
	s11 =	sshll.u32 s14, $0x1;
	s14 =	smul.u32 $0xA0, s14  }
0x9: {  	s7 =	smul.u32 $0x2800, s1;
	s16 =	ssub.s32 $0x2, s1;
	s10 =	sshrl.u32 s10, $0x1  }
0xa: {  	s11 =	sor.u32 s1, s11;
	s1 =	smul.u32 $0x50, s1;
	s13 =	sadd.s32 $0x2000, s10  }
0xb: {  	_ =	strace $0x8000004A;
	s11 =	smul.u32 $0x500, s11;
	s15 =	sadd.s32 s13, s2  }
0xc: {  	s18 =	sadd.s32 $0x4000, s10;
	s13 =	sadd.s32 s13, s3;
	[dreg:$0xa] =	wrdreg s15  }
0xd: {  	s17 =	sshrl.u32 s16, $0x1;
	s19 =	sadd.s32 s18, s2;
	[dreg:$0xb] =	wrdreg s13  }
0xe: {  	s6 =	sadd.s32 s6, s7;
	s20 =	sadd.s32 s8, s11;
	[dreg:$0xc] =	wrdreg s19  }
0xf: {  	s1 =	sadd.s32 s1, s14;
	s21 =	sadd.s32 s9, s11;
	[dreg:$0xe] =	wrdreg s20  }
0x10: {  	s1 =	sshll.u32 s1, $0x4;
	s13 =	sadd.s32 s18, s3;
	[dreg:$0xf] =	wrdreg s21  }
0x11: {  	s22 =	sor.u32 $0x10, s11;
	s23 =	sadd.s32 s1, s8;
	[dreg:$0xd] =	wrdreg s13  }
0x12: {  	s12 =	ssub.s32 s16, s17;
	s17 =	sadd.s32 s8, s22;
	[dreg:$0x4] =	wrdreg s23  }
0x13: {  	s7 =	sadd.s32 s10, s3;
	s24 =	sadd.s32 s1, s9;
	[dreg:$0x10] =	wrdreg s17  }
0x14: {  	s16 =	sor.u32 $0x60, s1;
	s14 =	sadd.s32 s9, s22;
	[dreg:$0x5] =	wrdreg s24  }
0x15: {  	s6 =	sshll.u32 s6, $0x3;
	s25 =	sadd.s32 s16, s8;
	[dreg:$0x11] =	wrdreg s14  }
0x16: {  	s1 =	sor.u32 $0x40, s1;
	s26 =	sadd.s32 s16, s9;
	[dreg:$0x6] =	wrdreg s25  }
0x17: {  	s0 =	sadd.s32 s6, s0;
	s15 =	sadd.s32 s1, s8;
	[dreg:$0x7] =	wrdreg s26  }
0x18: {  	s22 =	sadd.s32 $0x8000, s10;
	s1 =	sadd.s32 s1, s9;
	[dreg:$0x8] =	wrdreg s15  }
0x19: {  	s6 =	sadd.s32 s10, s2;
	s23 =	sadd.s32 s22, s2;
	[dreg:$0x9] =	wrdreg s1  }
0x1a: {  	s16 =	sor.u32 $0x20, s11;
	s24 =	sadd.s32 s22, s3;
	[dreg:$0x18] =	wrdreg s23  }
0x1b: {  	s13 =	sadd.s32 $0x6000, s10;
	s17 =	sadd.s32 s8, s16;
	[dreg:$0x19] =	wrdreg s24  }
0x1c: {  	s11 =	sor.u32 $0x30, s11;
	s18 =	sadd.s32 s9, s16;
	[dreg:$0x12] =	wrdreg s17  }
0x1d: {  	s10 =	simm.s32 $0x380;
	s8 =	sadd.s32 s8, s11;
	[dreg:$0x13] =	wrdreg s18  }
0x1e: {  	s14 =	simm.s32 $0x5;
	s19 =	sadd.s32 s9, s11;
	[dreg:$0x14] =	wrdreg s8  }
0x1f: {  	s20 =	sadd.s32 s13, s2;
	s21 =	sadd.s32 s13, s3;
	[dreg:$0x15] =	wrdreg s19  }
0x20: {  	s25 =	sadd.s32 $0xB8A00, s0;
	s0 =	sadd.s32 $0xE0A00, s0;
	[dreg:$0x16] =	wrdreg s20  }
0x21: {  	s26 =	smax.u32 s12, $0x1;
	s1 =	simm.s32 $0x100;
	[dreg:$0x17] =	wrdreg s21  }
0x22: {  	s9 =	simm.s32 $0x180;
	s11 =	simm.s32 $0x1;
	[dreg:$0x1a] =	wrdreg s25  }
0x23: {  	s12 =	simm.s32 $0x2;
	s13 =	simm.s32 $0x2400;
	[dreg:$0x1b] =	wrdreg s0  }
0x24: {  	s15 =	simm.s32 $0x7;
	s16 =	simm.s32 $0x3;
	[dreg:$0x1c] =	wrdreg s26  }
0x25: {  	s0 =	simm.s32 $0x280;
	s8 =	simm.s32 $0x300;
	s17 =	simm.s32 $0x6  }
0x26: {  	v0 =	vimm.bf16 $0.0e+00;
	s18 =	simm.s32 $0x8;
	s19 =	simm.s32 $0x4;
	s20 =	simm.s32 $0x0  }
.LBB2_1:
0x27: {  	s21 =	sand.u32 $0x7F00, s4;
	s22 =	sand.u32 $0x60, s4  }
0x28: {  	s21 =	sshrl.u32 s21, $0x2;
	s22 =	sshrl.u32 s22, $0x1  }
0x29: {  	s22 =	sor.u32 s22, s21  }
0x2a: {  	s21 =	simm.s32 $0x40;
	[tilespmem:s22+$0x400] =	vst v0;
	s22 =	simm.s32 $0x0  }
.LBB2_2:
0x2b: {  	p0 =	sne.s32 s21, $0x7FC0  }
.Ltmp0:
0x2c: {  	s23 =	sand.u32 $0x7F00, s21;
	s22 =	sadd.s32 $0x20, s22;
	(pc) =	sbr.rel @p0 .LBB2_2-.Ltmp0, $4  }
0x2d: {  	s21 =	sadd.s32 $0x40, s21;
	s24 =	sand.u32 $0x60, s22  }
0x2e: {  	s23 =	sshrl.u32 s23, $0x2;
	s24 =	sshrl.u32 s24, $0x1  }
0x2f: {  	s23 =	sor.u32 s24, s23  }
0x30: {  	[tilespmem:s23+$0x400] =	vst v0  }
0x31: {  	[spmem:s6] =	stream.linear.scatter [tilespmem:s28], [sflag:$0x9], $0x2000, $0x38;
	[tilespmem:$0x18400] =	vst v63  }
0x32: {  	_ =	swait.ge [sflag:s29], $0x2000  }
0x33: {  	[sflag:s29] =	ssyncset.done $0x0  }
0x34: {  	[sflag:s29] =	ssyncadd.s32 $0xFFFFE000  }
0x35: {  	[spmem:s7] =	stream.linear.scatter [tilespmem:s28], [sflag:$0x9], $0x2000, $0x38;
	[tilespmem:$0x18400] =	vst v63  }
0x36: {  	_ =	swait.ge [sflag:s29], $0x2000  }
0x37: {  	[sflag:s29] =	ssyncset.done $0x0  }
0x38: {  	s21 =	rddreg [dreg:$0xa];
	[sflag:s29] =	ssyncadd.s32 $0xFFFFE000  }
0x39: {  	[spmem:s21] =	stream.linear.scatter [tilespmem:s28], [sflag:$0x9], $0x2000, $0x38;
	[tilespmem:$0x18400] =	vst v63  }
0x3a: {  	_ =	swait.ge [sflag:s29], $0x2000  }
0x3b: {  	[sflag:s29] =	ssyncset.done $0x0  }
0x3c: {  	s24 =	rddreg [dreg:$0xb];
	[sflag:s29] =	ssyncadd.s32 $0xFFFFE000  }
0x3d: {  	[spmem:s24] =	stream.linear.scatter [tilespmem:s28], [sflag:$0x9], $0x2000, $0x38;
	[tilespmem:$0x18400] =	vst v63  }
0x3e: {  	_ =	swait.ge [sflag:s29], $0x2000  }
0x3f: {  	[sflag:s29] =	ssyncset.done $0x0  }
0x40: {  	s25 =	rddreg [dreg:$0xc];
	[sflag:s29] =	ssyncadd.s32 $0xFFFFE000  }
0x41: {  	[spmem:s25] =	stream.linear.scatter [tilespmem:s28], [sflag:$0x9], $0x2000, $0x38;
	[tilespmem:$0x18400] =	vst v63  }
0x42: {  	_ =	swait.ge [sflag:s29], $0x2000  }
0x43: {  	[sflag:s29] =	ssyncset.done $0x0  }
0x44: {  	s26 =	rddreg [dreg:$0xd];
	[sflag:s29] =	ssyncadd.s32 $0xFFFFE000  }
0x45: {  	[spmem:s26] =	stream.linear.scatter [tilespmem:s28], [sflag:$0x9], $0x2000, $0x38;
	[tilespmem:$0x18400] =	vst v63  }
0x46: {  	_ =	swait.ge [sflag:s29], $0x2000  }
0x47: {  	[sflag:s29] =	ssyncset.done $0x0  }
0x48: {  	s22 =	rddreg [dreg:$0x16];
	[sflag:s29] =	ssyncadd.s32 $0xFFFFE000  }
0x49: {  	[spmem:s22] =	stream.linear.scatter [tilespmem:s28], [sflag:$0x9], $0x2000, $0x38;
	[tilespmem:$0x18400] =	vst v63  }
0x4a: {  	_ =	swait.ge [sflag:s29], $0x2000  }
0x4b: {  	[sflag:s29] =	ssyncset.done $0x0  }
0x4c: {  	s23 =	rddreg [dreg:$0x17];
	[sflag:s29] =	ssyncadd.s32 $0xFFFFE000  }
0x4d: {  	[spmem:s23] =	stream.linear.scatter [tilespmem:s28], [sflag:$0x9], $0x2000, $0x38;
	[tilespmem:$0x18400] =	vst v63  }
0x4e: {  	_ =	swait.ge [sflag:s29], $0x2000  }
0x4f: {  	[sflag:s29] =	ssyncset.done $0x0  }
0x50: {  	s24 =	rddreg [dreg:$0x18];
	[sflag:s29] =	ssyncadd.s32 $0xFFFFE000  }
0x51: {  	[spmem:s24] =	stream.linear.scatter [tilespmem:s28], [sflag:$0x9], $0x2000, $0x38;
	[tilespmem:$0x18400] =	vst v63  }
0x52: {  	_ =	swait.ge [sflag:s29], $0x2000  }
0x53: {  	[sflag:s29] =	ssyncset.done $0x0  }
0x54: {  	s25 =	rddreg [dreg:$0x19];
	[sflag:s29] =	ssyncadd.s32 $0xFFFFE000  }
0x55: {  	[spmem:s25] =	stream.linear.scatter [tilespmem:s28], [sflag:$0x9], $0x2000, $0x38;
	[tilespmem:$0x18400] =	vst v63  }
0x56: {  	_ =	swait.ge [sflag:s29], $0x2000  }
0x57: {  	[sflag:s29] =	ssyncset.done $0x0  }
0x58: {  	[sflag:s29] =	ssyncadd.s32 $0xFFFFE000  }
0x59: {  	[bflag:$0x0] =	sbarrier.arrive $0xFFFF  }
0x5a: {  	s21 =	simm.s32 $0x0;
	s22 =	rddreg [dreg:$0xe]  }
0x5b: {  	[tilespmem:s21], [sflag:$0x1] =	stream.linear.gather [hbm4b:s22+s21], $0x80, $0x38;
	[tilespmem:$0x18400] =	vst v63  }
0x5c: {  	s26 =	rddreg [dreg:$0xf]  }
0x5d: {  	[tilespmem:s30], [sflag:$0x1] =	stream.linear.gather [hbm4b:s26+s21], $0x80, $0x38;
	[tilespmem:$0x18400] =	vst v63  }
0x5e: {  	s23 =	rddreg [dreg:$0x10]  }
0x5f: {  	[tilespmem:s31], [sflag:$0x2] =	stream.linear.gather [hbm4b:s23+s21], $0x80, $0x38;
	[tilespmem:$0x18400] =	vst v63  }
0x60: {  	s24 =	rddreg [dreg:$0x11]  }
0x61: {  	[tilespmem:s0], [sflag:$0x2] =	stream.linear.gather [hbm4b:s24+s21], $0x80, $0x38;
	[tilespmem:$0x18400] =	vst v63  }
0x62: {  	s25 =	rddreg [dreg:$0x12]  }
0x63: {  	[tilespmem:s1], [sflag:$0x3] =	stream.linear.gather [hbm4b:s25+s21], $0x80, $0x38;
	[tilespmem:$0x18400] =	vst v63  }
0x64: {  	s26 =	rddreg [dreg:$0x13]  }
0x65: {  	[tilespmem:s8], [sflag:$0x3] =	stream.linear.gather [hbm4b:s26+s21], $0x80, $0x38;
	[tilespmem:$0x18400] =	vst v63  }
0x66: {  	s23 =	rddreg [dreg:$0x14]  }
0x67: {  	[tilespmem:s9], [sflag:$0x4] =	stream.linear.gather [hbm4b:s23+s21], $0x80, $0x38;
	[tilespmem:$0x18400] =	vst v63  }
0x68: {  	s24 =	rddreg [dreg:$0x15]  }
0x69: {  	[tilespmem:s10], [sflag:$0x4] =	stream.linear.gather [hbm4b:s24+s21], $0x80, $0x38;
	[tilespmem:$0x18400] =	vst v63  }
0x6a: {  	_ =	swait.ge [sflag:s11], $0x80  }
0x6b: {  	[sflag:s11] =	ssyncset.done $0x0  }
0x6c: {  	[sflag:s11] =	ssyncadd.s32 $0xFFFFFF80  }
0x6d: {  	_ =	swait.ge [sflag:s11], $0x80  }
0x6e: {  	[sflag:s11] =	ssyncset.done $0x0  }
0x6f: {  	[sflag:s11] =	ssyncadd.s32 $0xFFFFFF80  }
0x70: {  	[tilespmem:s28], [sflag:$0x5] =	stream.indirect.gather [hbm4b:s5+s31], $0x40, s21, s31, $0xb8;
	[tilespmem:$0x18400] =	vst v63  }
0x71: {  	_ =	swait.ge [sflag:s12], $0x80  }
0x72: {  	[sflag:s12] =	ssyncset.done $0x0  }
0x73: {  	[sflag:s12] =	ssyncadd.s32 $0xFFFFFF80  }
0x74: {  	_ =	swait.ge [sflag:s12], $0x80  }
0x75: {  	[sflag:s12] =	ssyncset.done $0x0  }
0x76: {  	[sflag:s12] =	ssyncadd.s32 $0xFFFFFF80  }
0x77: {  	[tilespmem:s13], [sflag:$0x6] =	stream.indirect.gather [hbm4b:s5+s31], $0x40, s31, s31, $0xb8;
	[tilespmem:$0x18400] =	vst v63  }
0x78: {  	_ =	swait.ge [sflag:s14], $0x2000  }
0x79: {  	[sflag:s14] =	ssyncset.done $0x0  }
0x7a: {  	[sflag:s14] =	ssyncadd.s32 $0xFFFFE000  }
0x7b: {  	[spmem:s2] =	stream.indirect.scatter.add.bf16 [tilespmem:s28], [sflag:$0x7], $0x40, s30, s31, $0xb8;
	[tilespmem:$0x18400] =	vst v63  }
0x7c: {  	_ =	swait.ge [sflag:s15], $0x2000  }
0x7d: {  	s25 =	rddreg [dreg:$0x8];
	[sflag:s15] =	ssyncset.done $0x0  }
0x7e: {  	s26 =	rddreg [dreg:$0x9];
	[sflag:s15] =	ssyncadd.s32 $0xFFFFE000;
	s21 =	sadd.s32 $0x0, s25  }
0x7f: {  	[tilespmem:s4], [sflag:$0x1] =	stream.linear.gather [hbm4b:s21+s4], $0x80, $0x38;
	[tilespmem:$0x18400] =	vst v63  }
0x80: {  	s22 =	sadd.s32 $0x0, s26  }
0x81: {  	[tilespmem:s30], [sflag:$0x1] =	stream.linear.gather [hbm4b:s22+s4], $0x80, $0x38;
	[tilespmem:$0x18400] =	vst v63  }
0x82: {  	_ =	swait.ge [sflag:s16], $0x80  }
0x83: {  	[sflag:s16] =	ssyncset.done $0x0  }
0x84: {  	[sflag:s16] =	ssyncadd.s32 $0xFFFFFF80  }
0x85: {  	_ =	swait.ge [sflag:s16], $0x80  }
0x86: {  	[sflag:s16] =	ssyncset.done $0x0  }
0x87: {  	[sflag:s16] =	ssyncadd.s32 $0xFFFFFF80  }
0x88: {  	[tilespmem:s28], [sflag:$0x5] =	stream.indirect.gather [hbm4b:s5+s31], $0x40, s1, s31, $0xb8;
	[tilespmem:$0x18400] =	vst v63  }
0x89: {  	_ =	swait.ge [sflag:s17], $0x2000  }
0x8a: {  	[sflag:s17] =	ssyncset.done $0x0  }
0x8b: {  	[sflag:s17] =	ssyncadd.s32 $0xFFFFE000  }
0x8c: {  	[spmem:s3] =	stream.indirect.scatter.add.bf16 [tilespmem:s13], [sflag:$0x8], $0x40, s0, s31, $0xb8;
	[tilespmem:$0x18400] =	vst v63  }
0x8d: {  	_ =	swait.ge [sflag:s18], $0x2000  }
0x8e: {  	s23 =	rddreg [dreg:$0x4]  }
0x8f: {  	s24 =	rddreg [dreg:$0x5];
	[sflag:s18] =	ssyncset.done $0x0;
	s21 =	sadd.s32 $0x0, s23  }
0x90: {  	[sflag:s18] =	ssyncadd.s32 $0xFFFFE000;
	s22 =	sadd.s32 $0x0, s24;
	s23 =	sadd.s32 $0x50, s21  }
0x91: {  	[tilespmem:s31], [sflag:$0x2] =	stream.linear.gather [hbm4b:s23+s4], $0x80, $0x38;
	[tilespmem:$0x18400] =	vst v63  }
0x92: {  	s25 =	sadd.s32 $0x50, s22  }
0x93: {  	[tilespmem:s0], [sflag:$0x2] =	stream.linear.gather [hbm4b:s25+s4], $0x80, $0x38;
	[tilespmem:$0x18400] =	vst v63  }
0x94: {  	_ =	swait.ge [sflag:s19], $0x80  }
0x95: {  	[sflag:s19] =	ssyncset.done $0x0  }
0x96: {  	[sflag:s19] =	ssyncadd.s32 $0xFFFFFF80  }
0x97: {  	_ =	swait.ge [sflag:s19], $0x80  }
0x98: {  	[sflag:s19] =	ssyncset.done $0x0  }
0x99: {  	[sflag:s19] =	ssyncadd.s32 $0xFFFFFF80  }
0x9a: {  	[tilespmem:s13], [sflag:$0x6] =	stream.indirect.gather [hbm4b:s5+s31], $0x40, s9, s31, $0xb8;
	[tilespmem:$0x18400] =	vst v63  }
0x9b: {  	_ =	swait.ge [sflag:s14], $0x2000  }
0x9c: {  	[sflag:s14] =	ssyncset.done $0x0  }
0x9d: {  	[sflag:s14] =	ssyncadd.s32 $0xFFFFE000  }
0x9e: {  	[spmem:s2] =	stream.indirect.scatter.add.bf16 [tilespmem:s28], [sflag:$0x7], $0x40, s8, s31, $0xb8;
	[tilespmem:$0x18400] =	vst v63  }
0x9f: {  	_ =	swait.ge [sflag:s15], $0x2000  }
0xa0: {  	s26 =	rddreg [dreg:$0x6];
	[sflag:s15] =	ssyncset.done $0x0  }
0xa1: {  	s24 =	rddreg [dreg:$0x7];
	[sflag:s15] =	ssyncadd.s32 $0xFFFFE000;
	s23 =	sadd.s32 $0x0, s26  }
0xa2: {  	[tilespmem:s1], [sflag:$0x3] =	stream.linear.gather [hbm4b:s23+s4], $0x80, $0x38;
	[tilespmem:$0x18400] =	vst v63  }
0xa3: {  	s25 =	sadd.s32 $0x0, s24  }
0xa4: {  	[tilespmem:s8], [sflag:$0x3] =	stream.linear.gather [hbm4b:s25+s4], $0x80, $0x38;
	[tilespmem:$0x18400] =	vst v63  }
0xa5: {  	_ =	swait.ge [sflag:s11], $0x80  }
0xa6: {  	[sflag:s11] =	ssyncset.done $0x0  }
0xa7: {  	[sflag:s11] =	ssyncadd.s32 $0xFFFFFF80  }
0xa8: {  	_ =	swait.ge [sflag:s11], $0x80  }
0xa9: {  	[sflag:s11] =	ssyncset.done $0x0  }
0xaa: {  	[sflag:s11] =	ssyncadd.s32 $0xFFFFFF80  }
0xab: {  	[tilespmem:s28], [sflag:$0x5] =	stream.indirect.gather [hbm4b:s5+s31], $0x40, s4, s31, $0xb8;
	[tilespmem:$0x18400] =	vst v63  }
0xac: {  	_ =	swait.ge [sflag:s17], $0x2000  }
0xad: {  	[sflag:s17] =	ssyncset.done $0x0  }
0xae: {  	[sflag:s17] =	ssyncadd.s32 $0xFFFFE000  }
0xaf: {  	[spmem:s3] =	stream.indirect.scatter.add.bf16 [tilespmem:s13], [sflag:$0x8], $0x40, s10, s31, $0xb8;
	[tilespmem:$0x18400] =	vst v63  }
0xb0: {  	_ =	swait.ge [sflag:s18], $0x2000  }
0xb1: {  	[sflag:s18] =	ssyncset.done $0x0  }
0xb2: {  	s21 =	sadd.s32 $0x70, s21;
	[sflag:s18] =	ssyncadd.s32 $0xFFFFE000  }
0xb3: {  	[tilespmem:s9], [sflag:$0x4] =	stream.linear.gather [hbm4b:s21+s4], $0x80, $0x38;
	[tilespmem:$0x18400] =	vst v63  }
0xb4: {  	s26 =	sadd.s32 $0x70, s22  }
0xb5: {  	[tilespmem:s10], [sflag:$0x4] =	stream.linear.gather [hbm4b:s26+s4], $0x80, $0x38;
	[tilespmem:$0x18400] =	vst v63  }
0xb6: {  	_ =	swait.ge [sflag:s12], $0x80  }
0xb7: {  	[sflag:s12] =	ssyncset.done $0x0  }
0xb8: {  	[sflag:s12] =	ssyncadd.s32 $0xFFFFFF80  }
0xb9: {  	_ =	swait.ge [sflag:s12], $0x80  }
0xba: {  	s21 =	simm.s32 $0x40;
	[sflag:s12] =	ssyncset.done $0x0  }
.LBB2_4:
0xbb: {  	[sflag:s12] =	ssyncadd.s32 $0xFFFFFF80  }
0xbc: {  	[tilespmem:s13], [sflag:$0x6] =	stream.indirect.gather [hbm4b:s5+s31], $0x40, s31, s31, $0xb8;
	[tilespmem:$0x18400] =	vst v63  }
0xbd: {  	_ =	swait.ge [sflag:s14], $0x2000  }
0xbe: {  	[sflag:s14] =	ssyncset.done $0x0  }
0xbf: {  	[sflag:s14] =	ssyncadd.s32 $0xFFFFE000  }
0xc0: {  	[spmem:s2] =	stream.indirect.scatter.add.bf16 [tilespmem:s28], [sflag:$0x7], $0x40, s30, s31, $0xb8;
	[tilespmem:$0x18400] =	vst v63  }
0xc1: {  	_ =	swait.ge [sflag:s15], $0x2000  }
0xc2: {  	s22 =	smov.u32 s21;
	s23 =	rddreg [dreg:$0x8];
	[sflag:s15] =	ssyncset.done $0x0  }
0xc3: {  	s24 =	rddreg [dreg:$0x9];
	[sflag:s15] =	ssyncadd.s32 $0xFFFFE000;
	s23 =	sadd.s32 s22, s23  }
0xc4: {  	[tilespmem:s4], [sflag:$0x1] =	stream.linear.gather [hbm4b:s23+s4], $0x80, $0x38;
	[tilespmem:$0x18400] =	vst v63  }
0xc5: {  	s24 =	sadd.s32 s22, s24  }
0xc6: {  	[tilespmem:s30], [sflag:$0x1] =	stream.linear.gather [hbm4b:s24+s4], $0x80, $0x38;
	[tilespmem:$0x18400] =	vst v63  }
0xc7: {  	_ =	swait.ge [sflag:s16], $0x80  }
0xc8: {  	[sflag:s16] =	ssyncset.done $0x0  }
0xc9: {  	[sflag:s16] =	ssyncadd.s32 $0xFFFFFF80  }
0xca: {  	_ =	swait.ge [sflag:s16], $0x80  }
0xcb: {  	[sflag:s16] =	ssyncset.done $0x0  }
0xcc: {  	[sflag:s16] =	ssyncadd.s32 $0xFFFFFF80  }
0xcd: {  	[tilespmem:s28], [sflag:$0x5] =	stream.indirect.gather [hbm4b:s5+s31], $0x40, s1, s31, $0xb8;
	[tilespmem:$0x18400] =	vst v63  }
0xce: {  	_ =	swait.ge [sflag:s17], $0x2000  }
0xcf: {  	[sflag:s17] =	ssyncset.done $0x0  }
0xd0: {  	[sflag:s17] =	ssyncadd.s32 $0xFFFFE000  }
0xd1: {  	[spmem:s3] =	stream.indirect.scatter.add.bf16 [tilespmem:s13], [sflag:$0x8], $0x40, s0, s31, $0xb8;
	[tilespmem:$0x18400] =	vst v63  }
0xd2: {  	_ =	swait.ge [sflag:s18], $0x2000  }
0xd3: {  	s25 =	rddreg [dreg:$0x4]  }
0xd4: {  	s26 =	rddreg [dreg:$0x5];
	[sflag:s18] =	ssyncset.done $0x0;
	s23 =	sadd.s32 s22, s25  }
0xd5: {  	[sflag:s18] =	ssyncadd.s32 $0xFFFFE000;
	s24 =	sadd.s32 s22, s26;
	s25 =	sadd.s32 $0x50, s23  }
0xd6: {  	[tilespmem:s31], [sflag:$0x2] =	stream.linear.gather [hbm4b:s25+s4], $0x80, $0x38;
	[tilespmem:$0x18400] =	vst v63  }
0xd7: {  	s26 =	sadd.s32 $0x50, s24  }
0xd8: {  	[tilespmem:s0], [sflag:$0x2] =	stream.linear.gather [hbm4b:s26+s4], $0x80, $0x38;
	[tilespmem:$0x18400] =	vst v63  }
0xd9: {  	_ =	swait.ge [sflag:s19], $0x80  }
0xda: {  	[sflag:s19] =	ssyncset.done $0x0  }
0xdb: {  	[sflag:s19] =	ssyncadd.s32 $0xFFFFFF80  }
0xdc: {  	_ =	swait.ge [sflag:s19], $0x80  }
0xdd: {  	[sflag:s19] =	ssyncset.done $0x0  }
0xde: {  	[sflag:s19] =	ssyncadd.s32 $0xFFFFFF80  }
0xdf: {  	[tilespmem:s13], [sflag:$0x6] =	stream.indirect.gather [hbm4b:s5+s31], $0x40, s9, s31, $0xb8;
	[tilespmem:$0x18400] =	vst v63  }
0xe0: {  	_ =	swait.ge [sflag:s14], $0x2000  }
0xe1: {  	[sflag:s14] =	ssyncset.done $0x0  }
0xe2: {  	[sflag:s14] =	ssyncadd.s32 $0xFFFFE000  }
0xe3: {  	[spmem:s2] =	stream.indirect.scatter.add.bf16 [tilespmem:s28], [sflag:$0x7], $0x40, s8, s31, $0xb8;
	[tilespmem:$0x18400] =	vst v63  }
0xe4: {  	_ =	swait.ge [sflag:s15], $0x2000  }
0xe5: {  	s25 =	rddreg [dreg:$0x6];
	[sflag:s15] =	ssyncset.done $0x0  }
0xe6: {  	s26 =	rddreg [dreg:$0x7];
	[sflag:s15] =	ssyncadd.s32 $0xFFFFE000;
	s25 =	sadd.s32 s22, s25  }
0xe7: {  	[tilespmem:s1], [sflag:$0x3] =	stream.linear.gather [hbm4b:s25+s4], $0x80, $0x38;
	[tilespmem:$0x18400] =	vst v63  }
0xe8: {  	s22 =	sadd.s32 s22, s26  }
0xe9: {  	[tilespmem:s8], [sflag:$0x3] =	stream.linear.gather [hbm4b:s22+s4], $0x80, $0x38;
	[tilespmem:$0x18400] =	vst v63  }
0xea: {  	_ =	swait.ge [sflag:s11], $0x80  }
0xeb: {  	[sflag:s11] =	ssyncset.done $0x0  }
0xec: {  	[sflag:s11] =	ssyncadd.s32 $0xFFFFFF80  }
0xed: {  	_ =	swait.ge [sflag:s11], $0x80  }
0xee: {  	[sflag:s11] =	ssyncset.done $0x0  }
0xef: {  	[sflag:s11] =	ssyncadd.s32 $0xFFFFFF80  }
0xf0: {  	[tilespmem:s28], [sflag:$0x5] =	stream.indirect.gather [hbm4b:s5+s31], $0x40, s4, s31, $0xb8;
	[tilespmem:$0x18400] =	vst v63  }
0xf1: {  	_ =	swait.ge [sflag:s17], $0x2000  }
0xf2: {  	[sflag:s17] =	ssyncset.done $0x0  }
0xf3: {  	[sflag:s17] =	ssyncadd.s32 $0xFFFFE000  }
0xf4: {  	[spmem:s3] =	stream.indirect.scatter.add.bf16 [tilespmem:s13], [sflag:$0x8], $0x40, s10, s31, $0xb8;
	[tilespmem:$0x18400] =	vst v63  }
0xf5: {  	_ =	swait.ge [sflag:s18], $0x2000  }
0xf6: {  	[sflag:s18] =	ssyncset.done $0x0  }
0xf7: {  	s25 =	sadd.s32 $0x70, s23;
	[sflag:s18] =	ssyncadd.s32 $0xFFFFE000  }
0xf8: {  	[tilespmem:s9], [sflag:$0x4] =	stream.linear.gather [hbm4b:s25+s4], $0x80, $0x38;
	[tilespmem:$0x18400] =	vst v63  }
0xf9: {  	p0 =	sne.s32 s21, $0x480;
	s26 =	sadd.s32 $0x70, s24  }
0xfa: {  	[tilespmem:s10], [sflag:$0x4] =	stream.linear.gather [hbm4b:s26+s4], $0x80, $0x38;
	[tilespmem:$0x18400] =	vst v63  }
.Ltmp1:
0xfb: {  	_ =	swait.ge [sflag:s12], $0x80;
	(pc) =	sbr.rel @p0 .LBB2_4-.Ltmp1, $4  }
0xfc: {  	[sflag:s12] =	ssyncset.done $0x0  }
0xfd: {  	[sflag:s12] =	ssyncadd.s32 $0xFFFFFF80  }
0xfe: {  	_ =	swait.ge [sflag:s12], $0x80  }
0xff: {  	s21 =	sadd.s32 $0x40, s21;
	[sflag:s12] =	ssyncset.done $0x0  }
0x100: {  	[sflag:s12] =	ssyncadd.s32 $0xFFFFFF80  }
0x101: {  	[tilespmem:s13], [sflag:$0x6] =	stream.indirect.gather [hbm4b:s5+s31], $0x40, s31, s31, $0xb8;
	[tilespmem:$0x18400] =	vst v63  }
0x102: {  	_ =	swait.ge [sflag:s14], $0x2000  }
0x103: {  	[sflag:s14] =	ssyncset.done $0x0  }
0x104: {  	[sflag:s14] =	ssyncadd.s32 $0xFFFFE000  }
0x105: {  	[spmem:s2] =	stream.indirect.scatter.add.bf16 [tilespmem:s28], [sflag:$0x7], $0x40, s30, s31, $0xb8;
	[tilespmem:$0x18400] =	vst v63  }
0x106: {  	_ =	swait.ge [sflag:s15], $0x2000  }
0x107: {  	[sflag:s15] =	ssyncset.done $0x0  }
0x108: {  	[sflag:s15] =	ssyncadd.s32 $0xFFFFE000  }
0x109: {  	_ =	swait.ge [sflag:s16], $0x80  }
0x10a: {  	[sflag:s16] =	ssyncset.done $0x0  }
0x10b: {  	[sflag:s16] =	ssyncadd.s32 $0xFFFFFF80  }
0x10c: {  	_ =	swait.ge [sflag:s16], $0x80  }
0x10d: {  	[sflag:s16] =	ssyncset.done $0x0  }
0x10e: {  	[sflag:s16] =	ssyncadd.s32 $0xFFFFFF80  }
0x10f: {  	[tilespmem:s28], [sflag:$0x5] =	stream.indirect.gather [hbm4b:s5+s31], $0x40, s1, s31, $0xb8;
	[tilespmem:$0x18400] =	vst v63  }
0x110: {  	_ =	swait.ge [sflag:s17], $0x2000  }
0x111: {  	[sflag:s17] =	ssyncset.done $0x0  }
0x112: {  	[sflag:s17] =	ssyncadd.s32 $0xFFFFE000  }
0x113: {  	[spmem:s3] =	stream.indirect.scatter.add.bf16 [tilespmem:s13], [sflag:$0x8], $0x40, s0, s31, $0xb8;
	[tilespmem:$0x18400] =	vst v63  }
0x114: {  	_ =	swait.ge [sflag:s18], $0x2000  }
0x115: {  	[sflag:s18] =	ssyncset.done $0x0  }
0x116: {  	[sflag:s18] =	ssyncadd.s32 $0xFFFFE000  }
0x117: {  	_ =	swait.ge [sflag:s19], $0x80  }
0x118: {  	[sflag:s19] =	ssyncset.done $0x0  }
0x119: {  	[sflag:s19] =	ssyncadd.s32 $0xFFFFFF80  }
0x11a: {  	_ =	swait.ge [sflag:s19], $0x80  }
0x11b: {  	[sflag:s19] =	ssyncset.done $0x0  }
0x11c: {  	[sflag:s19] =	ssyncadd.s32 $0xFFFFFF80  }
0x11d: {  	[tilespmem:s13], [sflag:$0x6] =	stream.indirect.gather [hbm4b:s5+s31], $0x40, s9, s31, $0xb8;
	[tilespmem:$0x18400] =	vst v63  }
0x11e: {  	_ =	swait.ge [sflag:s14], $0x2000  }
0x11f: {  	[sflag:s14] =	ssyncset.done $0x0  }
0x120: {  	[sflag:s14] =	ssyncadd.s32 $0xFFFFE000  }
0x121: {  	[spmem:s2] =	stream.indirect.scatter.add.bf16 [tilespmem:s28], [sflag:$0x7], $0x40, s8, s31, $0xb8;
	[tilespmem:$0x18400] =	vst v63  }
0x122: {  	_ =	swait.ge [sflag:s15], $0x2000  }
0x123: {  	[sflag:s15] =	ssyncset.done $0x0  }
0x124: {  	[sflag:s15] =	ssyncadd.s32 $0xFFFFE000  }
0x125: {  	_ =	swait.ge [sflag:s17], $0x2000  }
0x126: {  	[sflag:s17] =	ssyncset.done $0x0  }
0x127: {  	[sflag:s17] =	ssyncadd.s32 $0xFFFFE000  }
0x128: {  	[spmem:s3] =	stream.indirect.scatter.add.bf16 [tilespmem:s13], [sflag:$0x8], $0x40, s10, s31, $0xb8;
	[tilespmem:$0x18400] =	vst v63  }
0x129: {  	_ =	swait.ge [sflag:s18], $0x2000  }
0x12a: {  	[sflag:s18] =	ssyncset.done $0x0  }
0x12b: {  	s21 =	stileid.u32;
	[sflag:s18] =	ssyncadd.s32 $0xFFFFE000  }
0x12c: {  	s21 =	sshll.u32 s21, $0x6;
	[bflag:$0x0] =	sbarrier.arrive $0xFFFF  }
0x12d: {  	s22 =	sshrl.u32 s6, $0x3;
	s21 =	sor.u32 $0x1C09, s21;
	s23 =	rddreg [dreg:$0x1a]  }
0x12e: {  	[hbm:s23], [sflag:s21] =	dma.local [spmem:s22], $0x1400  }
0x12f: {  	_ =	swait.ge [sflag:s29], $0x1400  }
0x130: {  	[sflag:s29] =	ssyncset.done $0x0  }
0x131: {  	s24 =	sshrl.u32 s7, $0x3;
	s25 =	rddreg [dreg:$0x1b];
	[sflag:s29] =	ssyncadd.s32 $0xFFFFEC00  }
0x132: {  	[hbm:s25], [sflag:s21] =	dma.local [spmem:s24], $0x1400  }
0x133: {  	_ =	swait.ge [sflag:s29], $0x1400  }
0x134: {  	s20 =	sadd.s32 $0x1, s20;
	s26 =	rddreg [dreg:$0x1c]  }
0x135: {  	p0 =	sne.s32 s20, s26  }
.Ltmp2:
0x136: {  	_ = 	snop;
	(pc) =	sbr.rel @p0 .LBB2_1-.Ltmp2, $3  }
0x137: {  	_ =	sdelay $0x1  }
0x138: {  	[sflag:s29] =	ssyncset.done $0x0  }
0x139: {  	[sflag:s29] =	ssyncadd.s32 $0xFFFFEC00  }
0x13a: {  	_ =	sfence.sel $0x180000  }
0x13b: {  	[bflag:$0x0] =	sbarrier.arrive $0xFFFF  }
0x13c: {  	_ =	strace $0x9000004A  }
0x13d: {  	s0 =	stileid.u32;
	[bflag:$0x2] =	sbarrier.arrive $0xFFFF  }
0x13e: {  	p0 =	sne.s32 s0, $0x0;
	s0 =	rddreg [dreg:$0x3]  }
0x13f: {  	s0 =	sadd.s32 @!p0 $0x100000, s0  }
0x140: {  	[sflag:s0] =	ssyncadd.tile.s32 @!p0 $0x1;
	_ =	shalt  }
.Lfunc_end2:
_tile_overlayer_lowered:
.L_overlay_start_2:
0x141: {  	(tag) =	ssettag $0x2  }
0x142: {  	s0 =	rddreg [dreg:$0x0];
	s2 =	stileid.u32  }
0x143: {  	s1 =	rddreg [dreg:$0x1];
	p0 =	sne.s32 s2, $0x0  }
0x144: {  	s3 =	rddreg [dreg:$0x2];
	[bflag:$0x3] =	sbarrier.arrive $0xFFFF;
	s2 =	simm.s32 @!p0 $0x1C09  }
0x145: {  	[timem:s3], [sflag:s2] =	dma.local @!p0 [hbm:s0], s1  }
0x146: {  	s0 =	simm.s32 @!p0 $0x9  }
0x147: {  	_ =	swait.ge @!p0 [sflag:s0], s1  }
0x148: {  	s1 =	ssub.s32 @!p0 $0x0, s1;
	[sflag:s0] =	ssyncset.done @!p0 $0x0  }
0x149: {  	[sflag:s0] =	ssyncadd.s32 @!p0 s1  }
0x14a: {  	[bflag:$0x3] =	sbarrier.arrive $0xFFFF  }
0x14b: {  	_ =	shalt  }

// kernel: kernel.15.cloned.1.call-start
scs
__scs_entry_jumppad:
0x0: {  	(pc) =	sbr.rel $0x88, $3  }
0x1: {  	(tag) =	ssettag $0x0;
	lr =	simm.s32 $0x1  }
0x2: {  	[smem:$0x3F8A] =	sst lr;
	_ =	strace $0xD0000000  }
0x3: {  	_ = 	snop  }
0x4: {  	_ = 	snop  }
0x5: {  	_ = 	snop  }
0x6: {  	_ = 	snop  }
0x7: {  	_ = 	snop  }
__scs_overlays_trampoline_lowered:
0x8: {  	[smem:$0x3F99] =	sst s0  }
0x9: {  	[smem:$0x3F9A] =	sst s1  }
0xa: {  	[smem:$0x3F9B] =	sst s2  }
0xb: {  	[smem:$0x3F9C] =	sst s3  }
0xc: {  	[smem:$0x3F9D] =	sst s4  }
0xd: {  	[smem:$0x3F9E] =	sst s5  }
0xe: {  	[smem:$0x3F9F] =	sst s6  }
0xf: {  	[smem:$0x3FA0] =	sst s7  }
0x10: {  	[smem:$0x3FA1] =	sst s8  }
0x11: {  	[smem:$0x3FA2] =	sst s9;
	s0 =	simm.s32 @!p0 $0x0  }
0x12: {  	s1 =	sld [smem:$0x3F88];
	s0 =	simm.s32 @p0 $0x1  }
0x13: {  	[smem:$0x3FA3] =	sst s0;
	s0 =	simm.s32 @!p1 $0x0  }
0x14: {  	s2 =	sld [smem:$0x3F87];
	s0 =	simm.s32 @p1 $0x1  }
0x15: {  	[smem:$0x3FA4] =	sst s0;
	s0 =	simm.s32 @!p2 $0x0  }
0x16: {  	s3 =	sld [smem:$0x3FDB];
	s0 =	simm.s32 @p2 $0x1  }
0x17: {  	s4 =	simm.s32 $0x1BF5;
	[smem:$0x3FA6] =	sst s0  }
0x18: {  	s0 =	sld [smem:$0x3F89];
	_ =	swait.ge [sflag:s4], $0x0  }
0x19: {  	s7 =	sld [smem:$0x3F8A]  }
0x1a: {  	s8 =	sadd.s32 $0xFFFFE003, lr  }
0x1b: {  	s9 =	sadd.s32 $0xFFFFFEF7, lr;
	s5 =	simm.s32 $0xFFFFFFFF;
	p2 =	slt.u32 s8, $0xFFFFF086  }
0x1c: {  	p1 =	slt.u32 s9, $0xF7A;
	s5 =	simm.s32 @!p2 $0x0  }
0x1d: {  	s5 =	simm.s32 @p1 $0x1;
	p0 =	seq.s32 s7, s2  }
0x1e: {  	s7 =	smul.u32 @!p0 $0xF7A, s2;
	p2 =	seq.s32 @!p0 s5, $0x0  }
0x1f: {  	s9 =	smul.u32 $0xF7A, s1;
	s8 =	simm.s32 @!p0 $0x1BF5;
	p2 =	por !p2, p0  }
0x20: {  	[sflag:s8] =	ssyncset.s32 @!p0 $0xFFFFF086;
	s6 =	sadd.s32 @!p0 s3, s7;
	s7 =	simm.s32 @!p0 $0x108  }
0x21: {  	s3 =	sadd.s32 s3, s9;
	s6 =	sadd.s32 @!p0 $0x88, s6;
	s7 =	simm.s32 @p2 $0x1082  }
0x22: {  	[simem:s7], [sflag:s8] =	dma.local @!p0 [hbm:s6], $0xF7A  }
0x23: {  	s9 =	sor.u32 $0xD0000000, s2;
	s6 =	simm.s32 $0x108;
	_ =	swait.ge @!p0 [sflag:s8], $0x0  }
0x24: {  	s3 =	sadd.s32 $0x88, s3;
	s6 =	simm.s32 @!p1 $0x1082;
	[sflag:s4] =	ssyncset.s32 $0xFFFFF086  }
0x25: {  	[simem:s6], [sflag:s4] =	dma.local [hbm:s3], $0xF7A  }
0x26: {  	[smem:$0x3F8A] =	sst s1;
	(tag) =	ssettag s2;
	_ =	strace s9  }
0x27: {  	s1 =	sld [smem:$0x3F9A]  }
0x28: {  	s2 =	sld [smem:$0x3F9B]  }
0x29: {  	s4 =	sld [smem:$0x3F9D]  }
0x2a: {  	p0 =	seq.s32 s5, $0x0;
	s5 =	sld [smem:$0x3F9E]  }
0x2b: {  	s6 =	sld [smem:$0x3F9F]  }
0x2c: {  	s7 =	sld [smem:$0x3FA0]  }
0x2d: {  	s3 =	simm.s32 $0x108;
	s8 =	sld [smem:$0x3FA1]  }
0x2e: {  	s3 =	simm.s32 @!p0 $0x1082;
	s9 =	sld [smem:$0x3FA2]  }
0x2f: {  	lr =	sadd.s32 s0, s3;
	s0 =	sld [smem:$0x3F99]  }
0x30: {  	s3 =	sld [smem:$0x3F9C]  }
0x31: {  	[smem:$0x3FA5] =	sst s10  }
0x32: {  	s10 =	sld [smem:$0x3FA3];
	_ =	sdelay $0x3  }
0x33: {  	p0 =	seq.s32 s10, $0x1;
	s10 =	sld [smem:$0x3FA5];
	_ =	sdelay $0x3  }
0x34: {  	[smem:$0x3FA5] =	sst s10  }
0x35: {  	s10 =	sld [smem:$0x3FA4];
	_ =	sdelay $0x3  }
0x36: {  	p1 =	seq.s32 s10, $0x1;
	s10 =	sld [smem:$0x3FA5];
	_ =	sdelay $0x3  }
0x37: {  	[smem:$0x3FA5] =	sst s10  }
0x38: {  	s10 =	sld [smem:$0x3FA6]  }
0x39: {  	_ = 	snop;
	(pc) =	sbr.ind lr, $3  }
0x3a: {  	_ = 	snop  }
0x3b: {  	_ = 	snop  }
0x3c: {  	p2 =	seq.s32 s10, $0x1;
	s10 =	sld [smem:$0x3FA5]  }
0x3d: {  	_ =	shalt  }
0x3e: {  	_ =	shalt  }
0x3f: {  	_ =	shalt  }
0x40: {  	_ =	shalt  }
0x41: {  	_ =	shalt  }
0x42: {  	_ =	shalt  }
0x43: {  	_ =	shalt  }
0x44: {  	_ =	shalt  }
0x45: {  	_ =	shalt  }
0x46: {  	_ =	shalt  }
0x47: {  	_ =	shalt  }
0x48: {  	_ =	shalt  }
0x49: {  	_ =	shalt  }
0x4a: {  	_ =	shalt  }
0x4b: {  	_ =	shalt  }
0x4c: {  	_ =	shalt  }
0x4d: {  	_ =	shalt  }
0x4e: {  	_ =	shalt  }
0x4f: {  	_ =	shalt  }
0x50: {  	_ =	shalt  }
0x51: {  	_ =	shalt  }
0x52: {  	_ =	shalt  }
0x53: {  	_ =	shalt  }
0x54: {  	_ =	shalt  }
0x55: {  	_ =	shalt  }
0x56: {  	_ =	shalt  }
0x57: {  	_ =	shalt  }
0x58: {  	_ =	shalt  }
0x59: {  	_ =	shalt  }
0x5a: {  	_ =	shalt  }
0x5b: {  	_ =	shalt  }
0x5c: {  	_ =	shalt  }
0x5d: {  	_ =	shalt  }
0x5e: {  	_ =	shalt  }
0x5f: {  	_ =	shalt  }
0x60: {  	_ =	shalt  }
0x61: {  	_ =	shalt  }
0x62: {  	_ =	shalt  }
0x63: {  	_ =	shalt  }
0x64: {  	_ =	shalt  }
0x65: {  	_ =	shalt  }
0x66: {  	_ =	shalt  }
0x67: {  	_ =	shalt  }
0x68: {  	_ =	shalt  }
0x69: {  	_ =	shalt  }
0x6a: {  	_ =	shalt  }
0x6b: {  	_ =	shalt  }
0x6c: {  	_ =	shalt  }
0x6d: {  	_ =	shalt  }
0x6e: {  	_ =	shalt  }
0x6f: {  	_ =	shalt  }
0x70: {  	_ =	shalt  }
0x71: {  	_ =	shalt  }
0x72: {  	_ =	shalt  }
0x73: {  	_ =	shalt  }
0x74: {  	_ =	shalt  }
0x75: {  	_ =	shalt  }
0x76: {  	_ =	shalt  }
0x77: {  	_ =	shalt  }
0x78: {  	_ =	shalt  }
0x79: {  	_ =	shalt  }
0x7a: {  	_ =	shalt  }
0x7b: {  	_ =	shalt  }
0x7c: {  	_ =	shalt  }
0x7d: {  	_ =	shalt  }
0x7e: {  	_ =	shalt  }
0x7f: {  	_ =	shalt  }
0x80: {  	_ =	shalt  }
0x81: {  	_ =	shalt  }
0x82: {  	_ =	shalt  }
0x83: {  	_ =	shalt  }
0x84: {  	_ =	shalt  }
0x85: {  	_ =	shalt  }
0x86: {  	_ =	shalt  }
0x87: {  	_ =	shalt  }
.Lfunc_end0:
.L_simem_size_0:
called_computation.2_lowered:
.L_overlay_start_0:
0x88: {  	s2 =	sld [smem:$0x3FD9]  }
0x89: {  	s3 =	sld [smem:$0x3FFE];
	_ =	sdelay $0x1  }
0x8a: {  	s1 =	srdreg.scid  }
0x8b: {  	s0 =	sand.u32 $0x1, s1  }
0x8c: {  	s16 =	sshll.u32 s0, $0xA;
	s2 =	sadd.s32 s3, s2  }
0x8d: {  	s2 =	sadd.s32 s2, s16  }
0x8e: {  	[smem:$0x3FB1] =	sst s2  }
0x8f: {  	_ = 	snop  }
0x90: {  	(tm) =	ssettm $0x1  }
0x91: {  	s17 =	sld [smem:$0x3FFB];
	_ =	sdelay $0x3  }
0x92: {  	_ =	strace s17  }
0x93: {  	s2 =	sld [smem:$0x3FFC];
	_ =	sdelay $0x3  }
0x94: {  	_ =	strace s2  }
0x95: {  	s2 =	sld [smem:$0x3FFD];
	_ =	sdelay $0x3  }
0x96: {  	_ =	strace s2  }
0x97: {  	_ =	strace $0x8FFFFFFF  }
0x98: {  	s18 =	sld [smem:$0x3FDB];
	_ =	sdelay $0x1  }
0x99: {  	s19 =	simm.s32 $_scs_section_size  }
0x9a: {  	s4 =	simm.s32 $_size__tile_overlayer_lowered;
	s5 =	simm.s32 $_tile_overlayer_lowered  }
0x9b: {  	s22 =	simm.s32 $0x1BFF;
	s21 =	sshll.u32 s5, $0x1;
	s2 =	sadd.s32 s19, s18  }
0x9c: {  	s6 =	simm.s32 $0x0;
	s20 =	sshll.u32 s4, $0x1;
	s4 =	sadd.s32 s21, s2  }
0x9d: {  	[timem:s6], [sflag:s22] =	dma.local [hbm:s4], s20  }
0x9e: {  	_ =	swait.ge [sflag:s22], s20  }
0x9f: {  	s3 =	ssub.s32 $0x0, s20;
	[sflag:s22] =	ssyncset.done $0x0  }
0xa0: {  	[sflag:s22] =	ssyncadd.s32 s3;
	_ =	sdelay $0x1  }
0xa1: {  	s23 =	simm.s32 $0x1B8B  }
0xa2: {  	_ =	swait.ge [sflag:s23], $0x1  }
0xa3: {  	[sflag:s23] =	ssyncset.done $0x0  }
0xa4: {  	s25 =	simm.s32 $0x1B8E;
	s24 =	sld [smem:$0x3FFE];
	[sflag:s23] =	ssyncadd.s32 $0xFFFFFFFF  }
0xa5: {  	s26 =	simm.s32 $execute0_lowered;
	[smem:$0x3FD2] =	sst s25  }
0xa6: {  	s4 =	sshll.u32 s26, $0x1;
	_ =	strace $0x8000004C;
	[dreg:$0x1] =	wrdreg $0xFFFFFFFF  }
0xa7: {  	s28 =	simm.s32 $_size_execute0_lowered;
	s2 =	sadd.s32 s2, s4;
	[dreg:$0x0] =	wrdreg $0x0  }
0xa8: {  	s4 =	sshll.u32 s28, $0x1;
	[dreg:$0x2] =	wrdreg s2  }
0xa9: {  	[dreg:$0x3] =	wrdreg s4  }
0xaa: {  	[dreg:$0x4] =	wrdreg $0xC0  }
0xab: {  	_ =	task [dreg:s6], $0x5FFFF  }
0xac: {  	[dreg:$0x1] =	wrdreg $0xFFFFFFFF  }
0xad: {  	[dreg:$0x0] =	wrdreg $0x60  }
0xae: {  	[dreg:$0x2] =	wrdreg s24  }
0xaf: {  	[dreg:$0x3] =	wrdreg $0x14000  }
0xb0: {  	[dreg:$0x4] =	wrdreg $0x3C000  }
0xb1: {  	[dreg:$0x5] =	wrdreg $0x9  }
0xb2: {  	_ =	task.clear_ibuf [dreg:s6], $0x6FFFF;
	_ =	strace $0x9000004C  }
0xb3: {  	s29 =	simm.s32 $0x9;
	_ =	strace $0x8000004E  }
0xb4: {  	_ =	swait.ge [sflag:s29], $0x1  }
0xb5: {  	[sflag:s29] =	ssyncadd.s32 $0xFFFFFFFF  }
0xb6: {  	_ =	strace $0x9000004E  }
0xb7: {  	_ =	sfence  }
0xb8: {  	s30 =	sld [smem:$0x0];
	_ =	sdelay $0x2  }
0xb9: {  	s31 =	sshll.u32 s1, $0xD;
	s1 =	sshrl.u32 s1, $0x2  }
0xba: {  	s3 =	sand.u32 $0x4000, s31;
	s1 =	sadd.s32 s1, s30  }
0xbb: {  	s0 =	sor.u32 s3, s0;
	s1 =	sshll.u32 s1, $0x11  }
0xbc: {  	s0 =	sor.u32 s1, s0  }
0xbd: {  	s0 =	sadd.s32 $0x8F2B, s0  }
0xbe: {  	[sflag:s0] =	ssyncadd.remote.s32 $0x1  }
0xbf: {  	_ =	sfence.sel $0xFFFF  }
0xc0: {  	[dreg:$0x0] =	wrdreg $0xFFFFFFFF;
	(pc) =	sbr.abs _section_cstart, $3  }
0xc1: {  	[dreg:$0x1] =	wrdreg $0xFFFFFFFF  }
0xc2: {  	_ =	task.clear_ibuf [dreg:s6], $0x2FFFF;
	_ =	strace $0x9FFFFFFF  }
0xc3: {  	(tm) =	ssettm $0x7FFFFFFF  }
tec
execute0_lowered:
.L_overlay_start_1:
0x0: {  	(tag) =	ssettag $0x1  }
0x1: {  	s0 =	rddreg [dreg:$0x0]  }
0x2: {  	s2 =	rddreg [dreg:$0x1]  }
0x3: {  	s3 =	rddreg [dreg:$0x2]  }
0x4: {  	s1 =	srdreg.scid;
	s14 =	stileid.u32;
	s4 =	simm.s32 $0x0  }
0x5: {  	s28 =	simm.s32 $0x400;
	s29 =	simm.s32 $0x9;
	s30 =	simm.s32 $0x200  }
0x6: {  	s31 =	simm.s32 $0x80;
	s1 =	sand.u32 $0x1, s1;
	s5 =	smul.u32 $0x280, s14  }
0x7: {  	[smem:$0x7FF] =	sst s4;
	s8 =	sadd.s32 $0xEA00, s0;
	s12 =	smul.u32 $0x2800, s14  }
0x8: {  	s9 =	sadd.s32 $0x4A00, s0;
	s11 =	sshll.u32 s14, $0x1;
	s14 =	smul.u32 $0xA0, s14  }
0x9: {  	s6 =	smul.u32 $0x2800, s1;
	_ =	strace $0x8000004D;
	s7 =	ssub.s32 $0x2, s1  }
0xa: {  	s11 =	sor.u32 s1, s11;
	s1 =	smul.u32 $0x50, s1;
	s10 =	sshrl.u32 s7, $0x1  }
0xb: {  	s13 =	sadd.s32 $0x800, s12;
	s18 =	sadd.s32 $0x1000, s12;
	s11 =	smul.u32 $0x500, s11  }
0xc: {  	s6 =	sadd.s32 s5, s6;
	s5 =	sadd.s32 $0x18A00, s0;
	s15 =	sadd.s32 s13, s2  }
0xd: {  	s10 =	ssub.s32 s7, s10;
	s13 =	sadd.s32 s13, s3;
	[dreg:$0xa] =	wrdreg s15  }
0xe: {  	s7 =	sadd.s32 s12, s3;
	s19 =	sadd.s32 s18, s2;
	[dreg:$0xb] =	wrdreg s13  }
0xf: {  	s1 =	sadd.s32 s1, s14;
	[dreg:$0xc] =	wrdreg s19;
	s13 =	sadd.s32 s18, s3  }
0x10: {  	s6 =	sshll.u32 s6, $0x1;
	s20 =	sadd.s32 s8, s11;
	[dreg:$0xd] =	wrdreg s13  }
0x11: {  	s1 =	sshll.u32 s1, $0x4;
	s21 =	sadd.s32 s9, s11;
	[dreg:$0xe] =	wrdreg s20  }
0x12: {  	s22 =	sor.u32 $0x10, s11;
	[dreg:$0xf] =	wrdreg s21;
	s23 =	sadd.s32 s1, s8  }
0x13: {  	s0 =	sadd.s32 s6, s0;
	s17 =	sadd.s32 s8, s22;
	[dreg:$0x4] =	wrdreg s23  }
0x14: {  	s6 =	sadd.s32 s12, s2;
	s24 =	sadd.s32 s1, s9;
	[dreg:$0x10] =	wrdreg s17  }
0x15: {  	s16 =	sor.u32 $0x60, s1;
	s14 =	sadd.s32 s9, s22;
	[dreg:$0x5] =	wrdreg s24  }
0x16: {  	s13 =	sadd.s32 $0x1800, s12;
	s25 =	sadd.s32 s16, s8;
	[dreg:$0x11] =	wrdreg s14  }
0x17: {  	s1 =	sor.u32 $0x40, s1;
	s26 =	sadd.s32 s16, s9;
	[dreg:$0x6] =	wrdreg s25  }
0x18: {  	s22 =	sadd.s32 $0x2000, s12;
	s15 =	sadd.s32 s1, s8;
	[dreg:$0x7] =	wrdreg s26  }
0x19: {  	s12 =	simm.s32 $0x2;
	s20 =	sadd.s32 s13, s2;
	[dreg:$0x8] =	wrdreg s15  }
0x1a: {  	s16 =	sor.u32 $0x20, s11;
	s21 =	sadd.s32 s13, s3;
	[dreg:$0x16] =	wrdreg s20  }
0x1b: {  	s11 =	sor.u32 $0x30, s11;
	s1 =	sadd.s32 s1, s9;
	[dreg:$0x17] =	wrdreg s21  }
0x1c: {  	s23 =	sadd.s32 s22, s2;
	s24 =	sadd.s32 s22, s3;
	[dreg:$0x9] =	wrdreg s1  }
0x1d: {  	s13 =	simm.s32 $0xC00;
	s14 =	simm.s32 $0x5;
	[dreg:$0x18] =	wrdreg s23  }
0x1e: {  	s17 =	sadd.s32 s8, s16;
	s18 =	sadd.s32 s9, s16;
	[dreg:$0x19] =	wrdreg s24  }
0x1f: {  	s8 =	sadd.s32 s8, s11;
	s19 =	sadd.s32 s9, s11;
	[dreg:$0x12] =	wrdreg s17  }
0x20: {  	s25 =	sadd.s32 $0x1DA00, s0;
	s0 =	sadd.s32 $0x27A00, s0;
	[dreg:$0x13] =	wrdreg s18  }
0x21: {  	s26 =	smax.u32 s10, $0x1;
	s1 =	simm.s32 $0x100;
	[dreg:$0x14] =	wrdreg s8  }
0x22: {  	s9 =	simm.s32 $0x180;
	s10 =	simm.s32 $0x380;
	[dreg:$0x15] =	wrdreg s19  }
0x23: {  	s11 =	simm.s32 $0x1;
	s15 =	simm.s32 $0x7;
	[dreg:$0x1a] =	wrdreg s25  }
0x24: {  	s16 =	simm.s32 $0x3;
	s20 =	simm.s32 $0x0;
	[dreg:$0x1b] =	wrdreg s0  }
0x25: {  	[dreg:$0x1c] =	wrdreg s26;
	s0 =	simm.s32 $0x280;
	s8 =	simm.s32 $0x300  }
0x26: {  	v0 =	vimm.f32 $0.0e+00;
	s17 =	simm.s32 $0x6;
	s18 =	simm.s32 $0x8;
	s19 =	simm.s32 $0x4  }
.LBB2_1:
0x27: {  	s21 =	simm.s32 $0x40;
	s22 =	simm.s32 $0x0  }
.LBB2_2:
0x28: {  	p0 =	sne.s32 s21, $0x1FC0;
	[tilespmem:s22+$0x400] =	vst v0;
	s22 =	smov.u32 s21;
	s21 =	sadd.s32 $0x40, s21  }
.Ltmp0:
0x29: {  	(pc) =	sbr.rel @p0 .LBB2_2-.Ltmp0, $2  }
0x2a: {  	_ =	sdelay $0x2  }
0x2b: {  	s22 =	sshra.s32 s22, $0x2  }
0x2c: {  	[tilespmem:s22+$0x400] =	vst v0  }
0x2d: {  	[spmem:s6] =	stream.linear.scatter [tilespmem:s28], [sflag:$0x9], $0x800, $0x38;
	[tilespmem:$0x6400] =	vst v63  }
0x2e: {  	_ =	swait.ge [sflag:s29], $0x800  }
0x2f: {  	[sflag:s29] =	ssyncset.done $0x0  }
0x30: {  	[sflag:s29] =	ssyncadd.s32 $0xFFFFF800  }
0x31: {  	[spmem:s7] =	stream.linear.scatter [tilespmem:s28], [sflag:$0x9], $0x800, $0x38;
	[tilespmem:$0x6400] =	vst v63  }
0x32: {  	_ =	swait.ge [sflag:s29], $0x800  }
0x33: {  	[sflag:s29] =	ssyncset.done $0x0  }
0x34: {  	s21 =	rddreg [dreg:$0xa];
	[sflag:s29] =	ssyncadd.s32 $0xFFFFF800  }
0x35: {  	[spmem:s21] =	stream.linear.scatter [tilespmem:s28], [sflag:$0x9], $0x800, $0x38;
	[tilespmem:$0x6400] =	vst v63  }
0x36: {  	_ =	swait.ge [sflag:s29], $0x800  }
0x37: {  	[sflag:s29] =	ssyncset.done $0x0  }
0x38: {  	s23 =	rddreg [dreg:$0xb];
	[sflag:s29] =	ssyncadd.s32 $0xFFFFF800  }
0x39: {  	[spmem:s23] =	stream.linear.scatter [tilespmem:s28], [sflag:$0x9], $0x800, $0x38;
	[tilespmem:$0x6400] =	vst v63  }
0x3a: {  	_ =	swait.ge [sflag:s29], $0x800  }
0x3b: {  	[sflag:s29] =	ssyncset.done $0x0  }
0x3c: {  	s24 =	rddreg [dreg:$0xc];
	[sflag:s29] =	ssyncadd.s32 $0xFFFFF800  }
0x3d: {  	[spmem:s24] =	stream.linear.scatter [tilespmem:s28], [sflag:$0x9], $0x800, $0x38;
	[tilespmem:$0x6400] =	vst v63  }
0x3e: {  	_ =	swait.ge [sflag:s29], $0x800  }
0x3f: {  	[sflag:s29] =	ssyncset.done $0x0  }
0x40: {  	s25 =	rddreg [dreg:$0xd];
	[sflag:s29] =	ssyncadd.s32 $0xFFFFF800  }
0x41: {  	[spmem:s25] =	stream.linear.scatter [tilespmem:s28], [sflag:$0x9], $0x800, $0x38;
	[tilespmem:$0x6400] =	vst v63  }
0x42: {  	_ =	swait.ge [sflag:s29], $0x800  }
0x43: {  	[sflag:s29] =	ssyncset.done $0x0  }
0x44: {  	s26 =	rddreg [dreg:$0x16];
	[sflag:s29] =	ssyncadd.s32 $0xFFFFF800  }
0x45: {  	[spmem:s26] =	stream.linear.scatter [tilespmem:s28], [sflag:$0x9], $0x800, $0x38;
	[tilespmem:$0x6400] =	vst v63  }
0x46: {  	_ =	swait.ge [sflag:s29], $0x800  }
0x47: {  	[sflag:s29] =	ssyncset.done $0x0  }
0x48: {  	s22 =	rddreg [dreg:$0x17];
	[sflag:s29] =	ssyncadd.s32 $0xFFFFF800  }
0x49: {  	[spmem:s22] =	stream.linear.scatter [tilespmem:s28], [sflag:$0x9], $0x800, $0x38;
	[tilespmem:$0x6400] =	vst v63  }
0x4a: {  	_ =	swait.ge [sflag:s29], $0x800  }
0x4b: {  	[sflag:s29] =	ssyncset.done $0x0  }
0x4c: {  	s23 =	rddreg [dreg:$0x18];
	[sflag:s29] =	ssyncadd.s32 $0xFFFFF800  }
0x4d: {  	[spmem:s23] =	stream.linear.scatter [tilespmem:s28], [sflag:$0x9], $0x800, $0x38;
	[tilespmem:$0x6400] =	vst v63  }
0x4e: {  	_ =	swait.ge [sflag:s29], $0x800  }
0x4f: {  	[sflag:s29] =	ssyncset.done $0x0  }
0x50: {  	s24 =	rddreg [dreg:$0x19];
	[sflag:s29] =	ssyncadd.s32 $0xFFFFF800  }
0x51: {  	[spmem:s24] =	stream.linear.scatter [tilespmem:s28], [sflag:$0x9], $0x800, $0x38;
	[tilespmem:$0x6400] =	vst v63  }
0x52: {  	_ =	swait.ge [sflag:s29], $0x800  }
0x53: {  	[sflag:s29] =	ssyncset.done $0x0  }
0x54: {  	[sflag:s29] =	ssyncadd.s32 $0xFFFFF800  }
0x55: {  	[bflag:$0x0] =	sbarrier.arrive $0xFFFF  }
0x56: {  	s21 =	simm.s32 $0x0;
	s25 =	rddreg [dreg:$0xe]  }
0x57: {  	[tilespmem:s21], [sflag:$0x1] =	stream.linear.gather [hbm4b:s25+s21], $0x80, $0x38;
	[tilespmem:$0x6400] =	vst v63  }
0x58: {  	s26 =	rddreg [dreg:$0xf]  }
0x59: {  	[tilespmem:s30], [sflag:$0x1] =	stream.linear.gather [hbm4b:s26+s21], $0x80, $0x38;
	[tilespmem:$0x6400] =	vst v63  }
0x5a: {  	s23 =	rddreg [dreg:$0x10]  }
0x5b: {  	[tilespmem:s31], [sflag:$0x2] =	stream.linear.gather [hbm4b:s23+s21], $0x80, $0x38;
	[tilespmem:$0x6400] =	vst v63  }
0x5c: {  	s24 =	rddreg [dreg:$0x11]  }
0x5d: {  	[tilespmem:s0], [sflag:$0x2] =	stream.linear.gather [hbm4b:s24+s21], $0x80, $0x38;
	[tilespmem:$0x6400] =	vst v63  }
0x5e: {  	s25 =	rddreg [dreg:$0x12]  }
0x5f: {  	[tilespmem:s1], [sflag:$0x3] =	stream.linear.gather [hbm4b:s25+s21], $0x80, $0x38;
	[tilespmem:$0x6400] =	vst v63  }
0x60: {  	s26 =	rddreg [dreg:$0x13]  }
0x61: {  	[tilespmem:s8], [sflag:$0x3] =	stream.linear.gather [hbm4b:s26+s21], $0x80, $0x38;
	[tilespmem:$0x6400] =	vst v63  }
0x62: {  	s23 =	rddreg [dreg:$0x14]  }
0x63: {  	[tilespmem:s9], [sflag:$0x4] =	stream.linear.gather [hbm4b:s23+s21], $0x80, $0x38;
	[tilespmem:$0x6400] =	vst v63  }
0x64: {  	s24 =	rddreg [dreg:$0x15]  }
0x65: {  	[tilespmem:s10], [sflag:$0x4] =	stream.linear.gather [hbm4b:s24+s21], $0x80, $0x38;
	[tilespmem:$0x6400] =	vst v63  }
0x66: {  	_ =	swait.ge [sflag:s11], $0x80  }
0x67: {  	[sflag:s11] =	ssyncset.done $0x0  }
0x68: {  	[sflag:s11] =	ssyncadd.s32 $0xFFFFFF80  }
0x69: {  	_ =	swait.ge [sflag:s11], $0x80  }
0x6a: {  	[sflag:s11] =	ssyncset.done $0x0  }
0x6b: {  	[sflag:s11] =	ssyncadd.s32 $0xFFFFFF80  }
0x6c: {  	[tilespmem:s28], [sflag:$0x5] =	stream.indirect.gather [hbm4b:s5+s31], $0x10, s21, s31, $0xb8;
	[tilespmem:$0x6400] =	vst v63  }
0x6d: {  	_ =	swait.ge [sflag:s12], $0x80  }
0x6e: {  	[sflag:s12] =	ssyncset.done $0x0  }
0x6f: {  	[sflag:s12] =	ssyncadd.s32 $0xFFFFFF80  }
0x70: {  	_ =	swait.ge [sflag:s12], $0x80  }
0x71: {  	[sflag:s12] =	ssyncset.done $0x0  }
0x72: {  	[sflag:s12] =	ssyncadd.s32 $0xFFFFFF80  }
0x73: {  	[tilespmem:s13], [sflag:$0x6] =	stream.indirect.gather [hbm4b:s5+s31], $0x10, s31, s31, $0xb8;
	[tilespmem:$0x6400] =	vst v63  }
0x74: {  	_ =	swait.ge [sflag:s14], $0x800  }
0x75: {  	[sflag:s14] =	ssyncset.done $0x0  }
0x76: {  	[sflag:s14] =	ssyncadd.s32 $0xFFFFF800  }
0x77: {  	[spmem:s2] =	stream.indirect.scatter.add.f32 [tilespmem:s28], [sflag:$0x7], $0x10, s30, s31, $0xb8;
	[tilespmem:$0x6400] =	vst v63  }
0x78: {  	_ =	swait.ge [sflag:s15], $0x800  }
0x79: {  	s25 =	rddreg [dreg:$0x8];
	[sflag:s15] =	ssyncset.done $0x0  }
0x7a: {  	s26 =	rddreg [dreg:$0x9];
	[sflag:s15] =	ssyncadd.s32 $0xFFFFF800;
	s21 =	sadd.s32 $0x0, s25  }
0x7b: {  	[tilespmem:s4], [sflag:$0x1] =	stream.linear.gather [hbm4b:s21+s4], $0x80, $0x38;
	[tilespmem:$0x6400] =	vst v63  }
0x7c: {  	s22 =	sadd.s32 $0x0, s26  }
0x7d: {  	[tilespmem:s30], [sflag:$0x1] =	stream.linear.gather [hbm4b:s22+s4], $0x80, $0x38;
	[tilespmem:$0x6400] =	vst v63  }
0x7e: {  	_ =	swait.ge [sflag:s16], $0x80  }
0x7f: {  	[sflag:s16] =	ssyncset.done $0x0  }
0x80: {  	[sflag:s16] =	ssyncadd.s32 $0xFFFFFF80  }
0x81: {  	_ =	swait.ge [sflag:s16], $0x80  }
0x82: {  	[sflag:s16] =	ssyncset.done $0x0  }
0x83: {  	[sflag:s16] =	ssyncadd.s32 $0xFFFFFF80  }
0x84: {  	[tilespmem:s28], [sflag:$0x5] =	stream.indirect.gather [hbm4b:s5+s31], $0x10, s1, s31, $0xb8;
	[tilespmem:$0x6400] =	vst v63  }
0x85: {  	_ =	swait.ge [sflag:s17], $0x800  }
0x86: {  	[sflag:s17] =	ssyncset.done $0x0  }
0x87: {  	[sflag:s17] =	ssyncadd.s32 $0xFFFFF800  }
0x88: {  	[spmem:s3] =	stream.indirect.scatter.add.f32 [tilespmem:s13], [sflag:$0x8], $0x10, s0, s31, $0xb8;
	[tilespmem:$0x6400] =	vst v63  }
0x89: {  	_ =	swait.ge [sflag:s18], $0x800  }
0x8a: {  	s23 =	rddreg [dreg:$0x4]  }
0x8b: {  	s24 =	rddreg [dreg:$0x5];
	[sflag:s18] =	ssyncset.done $0x0;
	s21 =	sadd.s32 $0x0, s23  }
0x8c: {  	[sflag:s18] =	ssyncadd.s32 $0xFFFFF800;
	s22 =	sadd.s32 $0x0, s24;
	s23 =	sadd.s32 $0x50, s21  }
0x8d: {  	[tilespmem:s31], [sflag:$0x2] =	stream.linear.gather [hbm4b:s23+s4], $0x80, $0x38;
	[tilespmem:$0x6400] =	vst v63  }
0x8e: {  	s25 =	sadd.s32 $0x50, s22  }
0x8f: {  	[tilespmem:s0], [sflag:$0x2] =	stream.linear.gather [hbm4b:s25+s4], $0x80, $0x38;
	[tilespmem:$0x6400] =	vst v63  }
0x90: {  	_ =	swait.ge [sflag:s19], $0x80  }
0x91: {  	[sflag:s19] =	ssyncset.done $0x0  }
0x92: {  	[sflag:s19] =	ssyncadd.s32 $0xFFFFFF80  }
0x93: {  	_ =	swait.ge [sflag:s19], $0x80  }
0x94: {  	[sflag:s19] =	ssyncset.done $0x0  }
0x95: {  	[sflag:s19] =	ssyncadd.s32 $0xFFFFFF80  }
0x96: {  	[tilespmem:s13], [sflag:$0x6] =	stream.indirect.gather [hbm4b:s5+s31], $0x10, s9, s31, $0xb8;
	[tilespmem:$0x6400] =	vst v63  }
0x97: {  	_ =	swait.ge [sflag:s14], $0x800  }
0x98: {  	[sflag:s14] =	ssyncset.done $0x0  }
0x99: {  	[sflag:s14] =	ssyncadd.s32 $0xFFFFF800  }
0x9a: {  	[spmem:s2] =	stream.indirect.scatter.add.f32 [tilespmem:s28], [sflag:$0x7], $0x10, s8, s31, $0xb8;
	[tilespmem:$0x6400] =	vst v63  }
0x9b: {  	_ =	swait.ge [sflag:s15], $0x800  }
0x9c: {  	s26 =	rddreg [dreg:$0x6];
	[sflag:s15] =	ssyncset.done $0x0  }
0x9d: {  	s24 =	rddreg [dreg:$0x7];
	[sflag:s15] =	ssyncadd.s32 $0xFFFFF800;
	s23 =	sadd.s32 $0x0, s26  }
0x9e: {  	[tilespmem:s1], [sflag:$0x3] =	stream.linear.gather [hbm4b:s23+s4], $0x80, $0x38;
	[tilespmem:$0x6400] =	vst v63  }
0x9f: {  	s25 =	sadd.s32 $0x0, s24  }
0xa0: {  	[tilespmem:s8], [sflag:$0x3] =	stream.linear.gather [hbm4b:s25+s4], $0x80, $0x38;
	[tilespmem:$0x6400] =	vst v63  }
0xa1: {  	_ =	swait.ge [sflag:s11], $0x80  }
0xa2: {  	[sflag:s11] =	ssyncset.done $0x0  }
0xa3: {  	[sflag:s11] =	ssyncadd.s32 $0xFFFFFF80  }
0xa4: {  	_ =	swait.ge [sflag:s11], $0x80  }
0xa5: {  	[sflag:s11] =	ssyncset.done $0x0  }
0xa6: {  	[sflag:s11] =	ssyncadd.s32 $0xFFFFFF80  }
0xa7: {  	[tilespmem:s28], [sflag:$0x5] =	stream.indirect.gather [hbm4b:s5+s31], $0x10, s4, s31, $0xb8;
	[tilespmem:$0x6400] =	vst v63  }
0xa8: {  	_ =	swait.ge [sflag:s17], $0x800  }
0xa9: {  	[sflag:s17] =	ssyncset.done $0x0  }
0xaa: {  	[sflag:s17] =	ssyncadd.s32 $0xFFFFF800  }
0xab: {  	[spmem:s3] =	stream.indirect.scatter.add.f32 [tilespmem:s13], [sflag:$0x8], $0x10, s10, s31, $0xb8;
	[tilespmem:$0x6400] =	vst v63  }
0xac: {  	_ =	swait.ge [sflag:s18], $0x800  }
0xad: {  	[sflag:s18] =	ssyncset.done $0x0  }
0xae: {  	s21 =	sadd.s32 $0x70, s21;
	[sflag:s18] =	ssyncadd.s32 $0xFFFFF800  }
0xaf: {  	[tilespmem:s9], [sflag:$0x4] =	stream.linear.gather [hbm4b:s21+s4], $0x80, $0x38;
	[tilespmem:$0x6400] =	vst v63  }
0xb0: {  	s26 =	sadd.s32 $0x70, s22  }
0xb1: {  	[tilespmem:s10], [sflag:$0x4] =	stream.linear.gather [hbm4b:s26+s4], $0x80, $0x38;
	[tilespmem:$0x6400] =	vst v63  }
0xb2: {  	_ =	swait.ge [sflag:s12], $0x80  }
0xb3: {  	[sflag:s12] =	ssyncset.done $0x0  }
0xb4: {  	[sflag:s12] =	ssyncadd.s32 $0xFFFFFF80  }
0xb5: {  	_ =	swait.ge [sflag:s12], $0x80  }
0xb6: {  	s21 =	simm.s32 $0x40;
	[sflag:s12] =	ssyncset.done $0x0  }
.LBB2_4:
0xb7: {  	[sflag:s12] =	ssyncadd.s32 $0xFFFFFF80  }
0xb8: {  	[tilespmem:s13], [sflag:$0x6] =	stream.indirect.gather [hbm4b:s5+s31], $0x10, s31, s31, $0xb8;
	[tilespmem:$0x6400] =	vst v63  }
0xb9: {  	_ =	swait.ge [sflag:s14], $0x800  }
0xba: {  	[sflag:s14] =	ssyncset.done $0x0  }
0xbb: {  	[sflag:s14] =	ssyncadd.s32 $0xFFFFF800  }
0xbc: {  	[spmem:s2] =	stream.indirect.scatter.add.f32 [tilespmem:s28], [sflag:$0x7], $0x10, s30, s31, $0xb8;
	[tilespmem:$0x6400] =	vst v63  }
0xbd: {  	_ =	swait.ge [sflag:s15], $0x800  }
0xbe: {  	s22 =	smov.u32 s21;
	s23 =	rddreg [dreg:$0x8];
	[sflag:s15] =	ssyncset.done $0x0  }
0xbf: {  	s24 =	rddreg [dreg:$0x9];
	[sflag:s15] =	ssyncadd.s32 $0xFFFFF800;
	s23 =	sadd.s32 s22, s23  }
0xc0: {  	[tilespmem:s4], [sflag:$0x1] =	stream.linear.gather [hbm4b:s23+s4], $0x80, $0x38;
	[tilespmem:$0x6400] =	vst v63  }
0xc1: {  	s24 =	sadd.s32 s22, s24  }
0xc2: {  	[tilespmem:s30], [sflag:$0x1] =	stream.linear.gather [hbm4b:s24+s4], $0x80, $0x38;
	[tilespmem:$0x6400] =	vst v63  }
0xc3: {  	_ =	swait.ge [sflag:s16], $0x80  }
0xc4: {  	[sflag:s16] =	ssyncset.done $0x0  }
0xc5: {  	[sflag:s16] =	ssyncadd.s32 $0xFFFFFF80  }
0xc6: {  	_ =	swait.ge [sflag:s16], $0x80  }
0xc7: {  	[sflag:s16] =	ssyncset.done $0x0  }
0xc8: {  	[sflag:s16] =	ssyncadd.s32 $0xFFFFFF80  }
0xc9: {  	[tilespmem:s28], [sflag:$0x5] =	stream.indirect.gather [hbm4b:s5+s31], $0x10, s1, s31, $0xb8;
	[tilespmem:$0x6400] =	vst v63  }
0xca: {  	_ =	swait.ge [sflag:s17], $0x800  }
0xcb: {  	[sflag:s17] =	ssyncset.done $0x0  }
0xcc: {  	[sflag:s17] =	ssyncadd.s32 $0xFFFFF800  }
0xcd: {  	[spmem:s3] =	stream.indirect.scatter.add.f32 [tilespmem:s13], [sflag:$0x8], $0x10, s0, s31, $0xb8;
	[tilespmem:$0x6400] =	vst v63  }
0xce: {  	_ =	swait.ge [sflag:s18], $0x800  }
0xcf: {  	s25 =	rddreg [dreg:$0x4]  }
0xd0: {  	s26 =	rddreg [dreg:$0x5];
	[sflag:s18] =	ssyncset.done $0x0;
	s23 =	sadd.s32 s22, s25  }
0xd1: {  	[sflag:s18] =	ssyncadd.s32 $0xFFFFF800;
	s24 =	sadd.s32 s22, s26;
	s25 =	sadd.s32 $0x50, s23  }
0xd2: {  	[tilespmem:s31], [sflag:$0x2] =	stream.linear.gather [hbm4b:s25+s4], $0x80, $0x38;
	[tilespmem:$0x6400] =	vst v63  }
0xd3: {  	s26 =	sadd.s32 $0x50, s24  }
0xd4: {  	[tilespmem:s0], [sflag:$0x2] =	stream.linear.gather [hbm4b:s26+s4], $0x80, $0x38;
	[tilespmem:$0x6400] =	vst v63  }
0xd5: {  	_ =	swait.ge [sflag:s19], $0x80  }
0xd6: {  	[sflag:s19] =	ssyncset.done $0x0  }
0xd7: {  	[sflag:s19] =	ssyncadd.s32 $0xFFFFFF80  }
0xd8: {  	_ =	swait.ge [sflag:s19], $0x80  }
0xd9: {  	[sflag:s19] =	ssyncset.done $0x0  }
0xda: {  	[sflag:s19] =	ssyncadd.s32 $0xFFFFFF80  }
0xdb: {  	[tilespmem:s13], [sflag:$0x6] =	stream.indirect.gather [hbm4b:s5+s31], $0x10, s9, s31, $0xb8;
	[tilespmem:$0x6400] =	vst v63  }
0xdc: {  	_ =	swait.ge [sflag:s14], $0x800  }
0xdd: {  	[sflag:s14] =	ssyncset.done $0x0  }
0xde: {  	[sflag:s14] =	ssyncadd.s32 $0xFFFFF800  }
0xdf: {  	[spmem:s2] =	stream.indirect.scatter.add.f32 [tilespmem:s28], [sflag:$0x7], $0x10, s8, s31, $0xb8;
	[tilespmem:$0x6400] =	vst v63  }
0xe0: {  	_ =	swait.ge [sflag:s15], $0x800  }
0xe1: {  	s25 =	rddreg [dreg:$0x6];
	[sflag:s15] =	ssyncset.done $0x0  }
0xe2: {  	s26 =	rddreg [dreg:$0x7];
	[sflag:s15] =	ssyncadd.s32 $0xFFFFF800;
	s25 =	sadd.s32 s22, s25  }
0xe3: {  	[tilespmem:s1], [sflag:$0x3] =	stream.linear.gather [hbm4b:s25+s4], $0x80, $0x38;
	[tilespmem:$0x6400] =	vst v63  }
0xe4: {  	s22 =	sadd.s32 s22, s26  }
0xe5: {  	[tilespmem:s8], [sflag:$0x3] =	stream.linear.gather [hbm4b:s22+s4], $0x80, $0x38;
	[tilespmem:$0x6400] =	vst v63  }
0xe6: {  	_ =	swait.ge [sflag:s11], $0x80  }
0xe7: {  	[sflag:s11] =	ssyncset.done $0x0  }
0xe8: {  	[sflag:s11] =	ssyncadd.s32 $0xFFFFFF80  }
0xe9: {  	_ =	swait.ge [sflag:s11], $0x80  }
0xea: {  	[sflag:s11] =	ssyncset.done $0x0  }
0xeb: {  	[sflag:s11] =	ssyncadd.s32 $0xFFFFFF80  }
0xec: {  	[tilespmem:s28], [sflag:$0x5] =	stream.indirect.gather [hbm4b:s5+s31], $0x10, s4, s31, $0xb8;
	[tilespmem:$0x6400] =	vst v63  }
0xed: {  	_ =	swait.ge [sflag:s17], $0x800  }
0xee: {  	[sflag:s17] =	ssyncset.done $0x0  }
0xef: {  	[sflag:s17] =	ssyncadd.s32 $0xFFFFF800  }
0xf0: {  	[spmem:s3] =	stream.indirect.scatter.add.f32 [tilespmem:s13], [sflag:$0x8], $0x10, s10, s31, $0xb8;
	[tilespmem:$0x6400] =	vst v63  }
0xf1: {  	_ =	swait.ge [sflag:s18], $0x800  }
0xf2: {  	[sflag:s18] =	ssyncset.done $0x0  }
0xf3: {  	s25 =	sadd.s32 $0x70, s23;
	[sflag:s18] =	ssyncadd.s32 $0xFFFFF800  }
0xf4: {  	[tilespmem:s9], [sflag:$0x4] =	stream.linear.gather [hbm4b:s25+s4], $0x80, $0x38;
	[tilespmem:$0x6400] =	vst v63  }
0xf5: {  	p0 =	sne.s32 s21, $0x480;
	s26 =	sadd.s32 $0x70, s24  }
0xf6: {  	[tilespmem:s10], [sflag:$0x4] =	stream.linear.gather [hbm4b:s26+s4], $0x80, $0x38;
	[tilespmem:$0x6400] =	vst v63  }
.Ltmp1:
0xf7: {  	_ =	swait.ge [sflag:s12], $0x80;
	(pc) =	sbr.rel @p0 .LBB2_4-.Ltmp1, $4  }
0xf8: {  	[sflag:s12] =	ssyncset.done $0x0  }
0xf9: {  	[sflag:s12] =	ssyncadd.s32 $0xFFFFFF80  }
0xfa: {  	_ =	swait.ge [sflag:s12], $0x80  }
0xfb: {  	s21 =	sadd.s32 $0x40, s21;
	[sflag:s12] =	ssyncset.done $0x0  }
0xfc: {  	[sflag:s12] =	ssyncadd.s32 $0xFFFFFF80  }
0xfd: {  	[tilespmem:s13], [sflag:$0x6] =	stream.indirect.gather [hbm4b:s5+s31], $0x10, s31, s31, $0xb8;
	[tilespmem:$0x6400] =	vst v63  }
0xfe: {  	_ =	swait.ge [sflag:s14], $0x800  }
0xff: {  	[sflag:s14] =	ssyncset.done $0x0  }
0x100: {  	[sflag:s14] =	ssyncadd.s32 $0xFFFFF800  }
0x101: {  	[spmem:s2] =	stream.indirect.scatter.add.f32 [tilespmem:s28], [sflag:$0x7], $0x10, s30, s31, $0xb8;
	[tilespmem:$0x6400] =	vst v63  }
0x102: {  	_ =	swait.ge [sflag:s15], $0x800  }
0x103: {  	[sflag:s15] =	ssyncset.done $0x0  }
0x104: {  	[sflag:s15] =	ssyncadd.s32 $0xFFFFF800  }
0x105: {  	_ =	swait.ge [sflag:s16], $0x80  }
0x106: {  	[sflag:s16] =	ssyncset.done $0x0  }
0x107: {  	[sflag:s16] =	ssyncadd.s32 $0xFFFFFF80  }
0x108: {  	_ =	swait.ge [sflag:s16], $0x80  }
0x109: {  	[sflag:s16] =	ssyncset.done $0x0  }
0x10a: {  	[sflag:s16] =	ssyncadd.s32 $0xFFFFFF80  }
0x10b: {  	[tilespmem:s28], [sflag:$0x5] =	stream.indirect.gather [hbm4b:s5+s31], $0x10, s1, s31, $0xb8;
	[tilespmem:$0x6400] =	vst v63  }
0x10c: {  	_ =	swait.ge [sflag:s17], $0x800  }
0x10d: {  	[sflag:s17] =	ssyncset.done $0x0  }
0x10e: {  	[sflag:s17] =	ssyncadd.s32 $0xFFFFF800  }
0x10f: {  	[spmem:s3] =	stream.indirect.scatter.add.f32 [tilespmem:s13], [sflag:$0x8], $0x10, s0, s31, $0xb8;
	[tilespmem:$0x6400] =	vst v63  }
0x110: {  	_ =	swait.ge [sflag:s18], $0x800  }
0x111: {  	[sflag:s18] =	ssyncset.done $0x0  }
0x112: {  	[sflag:s18] =	ssyncadd.s32 $0xFFFFF800  }
0x113: {  	_ =	swait.ge [sflag:s19], $0x80  }
0x114: {  	[sflag:s19] =	ssyncset.done $0x0  }
0x115: {  	[sflag:s19] =	ssyncadd.s32 $0xFFFFFF80  }
0x116: {  	_ =	swait.ge [sflag:s19], $0x80  }
0x117: {  	[sflag:s19] =	ssyncset.done $0x0  }
0x118: {  	[sflag:s19] =	ssyncadd.s32 $0xFFFFFF80  }
0x119: {  	[tilespmem:s13], [sflag:$0x6] =	stream.indirect.gather [hbm4b:s5+s31], $0x10, s9, s31, $0xb8;
	[tilespmem:$0x6400] =	vst v63  }
0x11a: {  	_ =	swait.ge [sflag:s14], $0x800  }
0x11b: {  	[sflag:s14] =	ssyncset.done $0x0  }
0x11c: {  	[sflag:s14] =	ssyncadd.s32 $0xFFFFF800  }
0x11d: {  	[spmem:s2] =	stream.indirect.scatter.add.f32 [tilespmem:s28], [sflag:$0x7], $0x10, s8, s31, $0xb8;
	[tilespmem:$0x6400] =	vst v63  }
0x11e: {  	_ =	swait.ge [sflag:s15], $0x800  }
0x11f: {  	[sflag:s15] =	ssyncset.done $0x0  }
0x120: {  	[sflag:s15] =	ssyncadd.s32 $0xFFFFF800  }
0x121: {  	_ =	swait.ge [sflag:s17], $0x800  }
0x122: {  	[sflag:s17] =	ssyncset.done $0x0  }
0x123: {  	[sflag:s17] =	ssyncadd.s32 $0xFFFFF800  }
0x124: {  	[spmem:s3] =	stream.indirect.scatter.add.f32 [tilespmem:s13], [sflag:$0x8], $0x10, s10, s31, $0xb8;
	[tilespmem:$0x6400] =	vst v63  }
0x125: {  	_ =	swait.ge [sflag:s18], $0x800  }
0x126: {  	[sflag:s18] =	ssyncset.done $0x0  }
0x127: {  	s21 =	stileid.u32;
	[sflag:s18] =	ssyncadd.s32 $0xFFFFF800  }
0x128: {  	s21 =	sshll.u32 s21, $0x6;
	[bflag:$0x0] =	sbarrier.arrive $0xFFFF  }
0x129: {  	s22 =	sshrl.u32 s6, $0x3;
	s21 =	sor.u32 $0x1C09, s21;
	s23 =	rddreg [dreg:$0x1a]  }
0x12a: {  	[hbm:s23], [sflag:s21] =	dma.local [spmem:s22], $0x500  }
0x12b: {  	_ =	swait.ge [sflag:s29], $0x500  }
0x12c: {  	[sflag:s29] =	ssyncset.done $0x0  }
0x12d: {  	s24 =	sshrl.u32 s7, $0x3;
	s25 =	rddreg [dreg:$0x1b];
	[sflag:s29] =	ssyncadd.s32 $0xFFFFFB00  }
0x12e: {  	[hbm:s25], [sflag:s21] =	dma.local [spmem:s24], $0x500  }
0x12f: {  	_ =	swait.ge [sflag:s29], $0x500  }
0x130: {  	s20 =	sadd.s32 $0x1, s20;
	s26 =	rddreg [dreg:$0x1c]  }
0x131: {  	p0 =	sne.s32 s20, s26  }
.Ltmp2:
0x132: {  	_ = 	snop;
	(pc) =	sbr.rel @p0 .LBB2_1-.Ltmp2, $3  }
0x133: {  	_ =	sdelay $0x1  }
0x134: {  	[sflag:s29] =	ssyncset.done $0x0  }
0x135: {  	[sflag:s29] =	ssyncadd.s32 $0xFFFFFB00  }
0x136: {  	_ =	sfence.sel $0x180000  }
0x137: {  	[bflag:$0x0] =	sbarrier.arrive $0xFFFF  }
0x138: {  	_ =	strace $0x9000004D  }
0x139: {  	s0 =	stileid.u32;
	[bflag:$0x2] =	sbarrier.arrive $0xFFFF  }
0x13a: {  	p0 =	sne.s32 s0, $0x0;
	s0 =	rddreg [dreg:$0x3]  }
0x13b: {  	s0 =	sadd.s32 @!p0 $0x100000, s0  }
0x13c: {  	[sflag:s0] =	ssyncadd.tile.s32 @!p0 $0x1;
	_ =	shalt  }
.Lfunc_end2:
_tile_overlayer_lowered:
.L_overlay_start_2:
0x13d: {  	(tag) =	ssettag $0x2  }
0x13e: {  	s0 =	rddreg [dreg:$0x0];
	s2 =	stileid.u32  }
0x13f: {  	s1 =	rddreg [dreg:$0x1];
	p0 =	sne.s32 s2, $0x0  }
0x140: {  	s3 =	rddreg [dreg:$0x2];
	[bflag:$0x3] =	sbarrier.arrive $0xFFFF;
	s2 =	simm.s32 @!p0 $0x1C09  }
0x141: {  	[timem:s3], [sflag:s2] =	dma.local @!p0 [hbm:s0], s1  }
0x142: {  	s0 =	simm.s32 @!p0 $0x9  }
0x143: {  	_ =	swait.ge @!p0 [sflag:s0], s1  }
0x144: {  	s1 =	ssub.s32 @!p0 $0x0, s1;
	[sflag:s0] =	ssyncset.done @!p0 $0x0  }
0x145: {  	[sflag:s0] =	ssyncadd.s32 @!p0 s1  }
0x146: {  	[bflag:$0x3] =	sbarrier.arrive $0xFFFF  }
0x147: {  	_ =	shalt  }

// kernel: kernel.9.cloned.1.call-start
scs
__scs_entry_jumppad:
0x0: {  	(pc) =	sbr.rel $0x88, $3  }
0x1: {  	(tag) =	ssettag $0x0;
	lr =	simm.s32 $0x1  }
0x2: {  	[smem:$0x3F8A] =	sst lr;
	_ =	strace $0xD0000000  }
0x3: {  	_ = 	snop  }
0x4: {  	_ = 	snop  }
0x5: {  	_ = 	snop  }
0x6: {  	_ = 	snop  }
0x7: {  	_ = 	snop  }
__scs_overlays_trampoline_lowered:
0x8: {  	[smem:$0x3F99] =	sst s0  }
0x9: {  	[smem:$0x3F9A] =	sst s1  }
0xa: {  	[smem:$0x3F9B] =	sst s2  }
0xb: {  	[smem:$0x3F9C] =	sst s3  }
0xc: {  	[smem:$0x3F9D] =	sst s4  }
0xd: {  	[smem:$0x3F9E] =	sst s5  }
0xe: {  	[smem:$0x3F9F] =	sst s6  }
0xf: {  	[smem:$0x3FA0] =	sst s7  }
0x10: {  	[smem:$0x3FA1] =	sst s8  }
0x11: {  	[smem:$0x3FA2] =	sst s9;
	s0 =	simm.s32 @!p0 $0x0  }
0x12: {  	s1 =	sld [smem:$0x3F88];
	s0 =	simm.s32 @p0 $0x1  }
0x13: {  	[smem:$0x3FA3] =	sst s0;
	s0 =	simm.s32 @!p1 $0x0  }
0x14: {  	s2 =	sld [smem:$0x3F87];
	s0 =	simm.s32 @p1 $0x1  }
0x15: {  	[smem:$0x3FA4] =	sst s0;
	s0 =	simm.s32 @!p2 $0x0  }
0x16: {  	s3 =	sld [smem:$0x3FDB];
	s0 =	simm.s32 @p2 $0x1  }
0x17: {  	s4 =	simm.s32 $0x1BF5;
	[smem:$0x3FA6] =	sst s0  }
0x18: {  	s0 =	sld [smem:$0x3F89];
	_ =	swait.ge [sflag:s4], $0x0  }
0x19: {  	s7 =	sld [smem:$0x3F8A]  }
0x1a: {  	s8 =	sadd.s32 $0xFFFFE003, lr  }
0x1b: {  	s9 =	sadd.s32 $0xFFFFFEF7, lr;
	s5 =	simm.s32 $0xFFFFFFFF;
	p2 =	slt.u32 s8, $0xFFFFF086  }
0x1c: {  	p1 =	slt.u32 s9, $0xF7A;
	s5 =	simm.s32 @!p2 $0x0  }
0x1d: {  	s5 =	simm.s32 @p1 $0x1;
	p0 =	seq.s32 s7, s2  }
0x1e: {  	s7 =	smul.u32 @!p0 $0xF7A, s2;
	p2 =	seq.s32 @!p0 s5, $0x0  }
0x1f: {  	s9 =	smul.u32 $0xF7A, s1;
	s8 =	simm.s32 @!p0 $0x1BF5;
	p2 =	por !p2, p0  }
0x20: {  	[sflag:s8] =	ssyncset.s32 @!p0 $0xFFFFF086;
	s6 =	sadd.s32 @!p0 s3, s7;
	s7 =	simm.s32 @!p0 $0x108  }
0x21: {  	s3 =	sadd.s32 s3, s9;
	s6 =	sadd.s32 @!p0 $0x88, s6;
	s7 =	simm.s32 @p2 $0x1082  }
0x22: {  	[simem:s7], [sflag:s8] =	dma.local @!p0 [hbm:s6], $0xF7A  }
0x23: {  	s9 =	sor.u32 $0xD0000000, s2;
	s6 =	simm.s32 $0x108;
	_ =	swait.ge @!p0 [sflag:s8], $0x0  }
0x24: {  	s3 =	sadd.s32 $0x88, s3;
	s6 =	simm.s32 @!p1 $0x1082;
	[sflag:s4] =	ssyncset.s32 $0xFFFFF086  }
0x25: {  	[simem:s6], [sflag:s4] =	dma.local [hbm:s3], $0xF7A  }
0x26: {  	[smem:$0x3F8A] =	sst s1;
	(tag) =	ssettag s2;
	_ =	strace s9  }
0x27: {  	s1 =	sld [smem:$0x3F9A]  }
0x28: {  	s2 =	sld [smem:$0x3F9B]  }
0x29: {  	s4 =	sld [smem:$0x3F9D]  }
0x2a: {  	p0 =	seq.s32 s5, $0x0;
	s5 =	sld [smem:$0x3F9E]  }
0x2b: {  	s6 =	sld [smem:$0x3F9F]  }
0x2c: {  	s7 =	sld [smem:$0x3FA0]  }
0x2d: {  	s3 =	simm.s32 $0x108;
	s8 =	sld [smem:$0x3FA1]  }
0x2e: {  	s3 =	simm.s32 @!p0 $0x1082;
	s9 =	sld [smem:$0x3FA2]  }
0x2f: {  	lr =	sadd.s32 s0, s3;
	s0 =	sld [smem:$0x3F99]  }
0x30: {  	s3 =	sld [smem:$0x3F9C]  }
0x31: {  	[smem:$0x3FA5] =	sst s10  }
0x32: {  	s10 =	sld [smem:$0x3FA3];
	_ =	sdelay $0x3  }
0x33: {  	p0 =	seq.s32 s10, $0x1;
	s10 =	sld [smem:$0x3FA5];
	_ =	sdelay $0x3  }
0x34: {  	[smem:$0x3FA5] =	sst s10  }
0x35: {  	s10 =	sld [smem:$0x3FA4];
	_ =	sdelay $0x3  }
0x36: {  	p1 =	seq.s32 s10, $0x1;
	s10 =	sld [smem:$0x3FA5];
	_ =	sdelay $0x3  }
0x37: {  	[smem:$0x3FA5] =	sst s10  }
0x38: {  	s10 =	sld [smem:$0x3FA6]  }
0x39: {  	_ = 	snop;
	(pc) =	sbr.ind lr, $3  }
0x3a: {  	_ = 	snop  }
0x3b: {  	_ = 	snop  }
0x3c: {  	p2 =	seq.s32 s10, $0x1;
	s10 =	sld [smem:$0x3FA5]  }
0x3d: {  	_ =	shalt  }
0x3e: {  	_ =	shalt  }
0x3f: {  	_ =	shalt  }
0x40: {  	_ =	shalt  }
0x41: {  	_ =	shalt  }
0x42: {  	_ =	shalt  }
0x43: {  	_ =	shalt  }
0x44: {  	_ =	shalt  }
0x45: {  	_ =	shalt  }
0x46: {  	_ =	shalt  }
0x47: {  	_ =	shalt  }
0x48: {  	_ =	shalt  }
0x49: {  	_ =	shalt  }
0x4a: {  	_ =	shalt  }
0x4b: {  	_ =	shalt  }
0x4c: {  	_ =	shalt  }
0x4d: {  	_ =	shalt  }
0x4e: {  	_ =	shalt  }
0x4f: {  	_ =	shalt  }
0x50: {  	_ =	shalt  }
0x51: {  	_ =	shalt  }
0x52: {  	_ =	shalt  }
0x53: {  	_ =	shalt  }
0x54: {  	_ =	shalt  }
0x55: {  	_ =	shalt  }
0x56: {  	_ =	shalt  }
0x57: {  	_ =	shalt  }
0x58: {  	_ =	shalt  }
0x59: {  	_ =	shalt  }
0x5a: {  	_ =	shalt  }
0x5b: {  	_ =	shalt  }
0x5c: {  	_ =	shalt  }
0x5d: {  	_ =	shalt  }
0x5e: {  	_ =	shalt  }
0x5f: {  	_ =	shalt  }
0x60: {  	_ =	shalt  }
0x61: {  	_ =	shalt  }
0x62: {  	_ =	shalt  }
0x63: {  	_ =	shalt  }
0x64: {  	_ =	shalt  }
0x65: {  	_ =	shalt  }
0x66: {  	_ =	shalt  }
0x67: {  	_ =	shalt  }
0x68: {  	_ =	shalt  }
0x69: {  	_ =	shalt  }
0x6a: {  	_ =	shalt  }
0x6b: {  	_ =	shalt  }
0x6c: {  	_ =	shalt  }
0x6d: {  	_ =	shalt  }
0x6e: {  	_ =	shalt  }
0x6f: {  	_ =	shalt  }
0x70: {  	_ =	shalt  }
0x71: {  	_ =	shalt  }
0x72: {  	_ =	shalt  }
0x73: {  	_ =	shalt  }
0x74: {  	_ =	shalt  }
0x75: {  	_ =	shalt  }
0x76: {  	_ =	shalt  }
0x77: {  	_ =	shalt  }
0x78: {  	_ =	shalt  }
0x79: {  	_ =	shalt  }
0x7a: {  	_ =	shalt  }
0x7b: {  	_ =	shalt  }
0x7c: {  	_ =	shalt  }
0x7d: {  	_ =	shalt  }
0x7e: {  	_ =	shalt  }
0x7f: {  	_ =	shalt  }
0x80: {  	_ =	shalt  }
0x81: {  	_ =	shalt  }
0x82: {  	_ =	shalt  }
0x83: {  	_ =	shalt  }
0x84: {  	_ =	shalt  }
0x85: {  	_ =	shalt  }
0x86: {  	_ =	shalt  }
0x87: {  	_ =	shalt  }
.Lfunc_end0:
.L_simem_size_0:
called_computation_lowered:
.L_overlay_start_0:
0x88: {  	s2 =	sld [smem:$0x3FD9]  }
0x89: {  	s3 =	sld [smem:$0x3FFE];
	_ =	sdelay $0x1  }
0x8a: {  	s1 =	srdreg.scid  }
0x8b: {  	s0 =	sand.u32 $0x1, s1  }
0x8c: {  	s16 =	sshll.u32 s0, $0xA;
	s2 =	sadd.s32 s3, s2  }
0x8d: {  	s2 =	sadd.s32 s2, s16  }
0x8e: {  	[smem:$0x3FB1] =	sst s2  }
0x8f: {  	_ = 	snop  }
0x90: {  	(tm) =	ssettm $0x1  }
0x91: {  	s17 =	sld [smem:$0x3FFB];
	_ =	sdelay $0x3  }
0x92: {  	_ =	strace s17  }
0x93: {  	s2 =	sld [smem:$0x3FFC];
	_ =	sdelay $0x3  }
0x94: {  	_ =	strace s2  }
0x95: {  	s2 =	sld [smem:$0x3FFD];
	_ =	sdelay $0x3  }
0x96: {  	_ =	strace s2  }
0x97: {  	_ =	strace $0x8FFFFFFF  }
0x98: {  	s18 =	sld [smem:$0x3FDB];
	_ =	sdelay $0x1  }
0x99: {  	s19 =	simm.s32 $_scs_section_size  }
0x9a: {  	s4 =	simm.s32 $_size__tile_overlayer_lowered;
	s5 =	simm.s32 $_tile_overlayer_lowered  }
0x9b: {  	s22 =	simm.s32 $0x1BFF;
	s21 =	sshll.u32 s5, $0x1;
	s2 =	sadd.s32 s19, s18  }
0x9c: {  	s6 =	simm.s32 $0x0;
	s20 =	sshll.u32 s4, $0x1;
	s4 =	sadd.s32 s21, s2  }
0x9d: {  	[timem:s6], [sflag:s22] =	dma.local [hbm:s4], s20  }
0x9e: {  	_ =	swait.ge [sflag:s22], s20  }
0x9f: {  	s3 =	ssub.s32 $0x0, s20;
	[sflag:s22] =	ssyncset.done $0x0  }
0xa0: {  	[sflag:s22] =	ssyncadd.s32 s3;
	_ =	sdelay $0x1  }
0xa1: {  	s23 =	simm.s32 $0x1B8B  }
0xa2: {  	_ =	swait.ge [sflag:s23], $0x1  }
0xa3: {  	[sflag:s23] =	ssyncset.done $0x0  }
0xa4: {  	s25 =	simm.s32 $0x1B8E;
	s24 =	sld [smem:$0x3FFE];
	[sflag:s23] =	ssyncadd.s32 $0xFFFFFFFF  }
0xa5: {  	s26 =	simm.s32 $execute0_lowered;
	[smem:$0x3FD2] =	sst s25  }
0xa6: {  	s4 =	sshll.u32 s26, $0x1;
	_ =	strace $0x80000046;
	[dreg:$0x1] =	wrdreg $0xFFFFFFFF  }
0xa7: {  	s28 =	simm.s32 $_size_execute0_lowered;
	s2 =	sadd.s32 s2, s4;
	[dreg:$0x0] =	wrdreg $0x0  }
0xa8: {  	s4 =	sshll.u32 s28, $0x1;
	[dreg:$0x2] =	wrdreg s2  }
0xa9: {  	[dreg:$0x3] =	wrdreg s4  }
0xaa: {  	[dreg:$0x4] =	wrdreg $0xC0  }
0xab: {  	_ =	task [dreg:s6], $0x5FFFF  }
0xac: {  	[dreg:$0x1] =	wrdreg $0xFFFFFFFF  }
0xad: {  	[dreg:$0x0] =	wrdreg $0x60  }
0xae: {  	[dreg:$0x2] =	wrdreg s24  }
0xaf: {  	[dreg:$0x3] =	wrdreg $0x4C000  }
0xb0: {  	[dreg:$0x4] =	wrdreg $0xEC000  }
0xb1: {  	[dreg:$0x5] =	wrdreg $0x18C000  }
0xb2: {  	[dreg:$0x6] =	wrdreg $0x9  }
0xb3: {  	_ =	task.clear_ibuf [dreg:s6], $0x7FFFF;
	_ =	strace $0x90000046  }
0xb4: {  	s29 =	simm.s32 $0x9;
	_ =	strace $0x80000048  }
0xb5: {  	_ =	swait.ge [sflag:s29], $0x1  }
0xb6: {  	[sflag:s29] =	ssyncadd.s32 $0xFFFFFFFF  }
0xb7: {  	_ =	strace $0x90000048  }
0xb8: {  	_ =	sfence  }
0xb9: {  	s30 =	sld [smem:$0x0];
	_ =	sdelay $0x2  }
0xba: {  	s31 =	sshll.u32 s1, $0xD;
	s1 =	sshrl.u32 s1, $0x2  }
0xbb: {  	s3 =	sand.u32 $0x4000, s31;
	s1 =	sadd.s32 s1, s30  }
0xbc: {  	s0 =	sor.u32 s3, s0;
	s1 =	sshll.u32 s1, $0x11  }
0xbd: {  	s0 =	sor.u32 s1, s0  }
0xbe: {  	s0 =	sadd.s32 $0x8F2B, s0  }
0xbf: {  	[sflag:s0] =	ssyncadd.remote.s32 $0x1  }
0xc0: {  	_ =	sfence.sel $0xFFFF  }
0xc1: {  	[dreg:$0x0] =	wrdreg $0xFFFFFFFF;
	(pc) =	sbr.abs _section_cstart, $3  }
0xc2: {  	[dreg:$0x1] =	wrdreg $0xFFFFFFFF  }
0xc3: {  	_ =	task.clear_ibuf [dreg:s6], $0x2FFFF;
	_ =	strace $0x9FFFFFFF  }
0xc4: {  	(tm) =	ssettm $0x7FFFFFFF  }
0xc5: {  	_ =	shalt  }
tec
execute0_lowered:
.L_overlay_start_1:
0x0: {  	(tag) =	ssettag $0x1  }
0x1: {  	s2 =	rddreg [dreg:$0x0]  }
0x2: {  	s1 =	rddreg [dreg:$0x1]  }
0x3: {  	s3 =	rddreg [dreg:$0x2]  }
0x4: {  	s4 =	rddreg [dreg:$0x3]  }
0x5: {  	s0 =	srdreg.scid;
	s19 =	stileid.u32  }
0x6: {  	s5 =	simm.s32 $0x0;
	s8 =	sand.u32 $0x1, s0;
	s9 =	smul.u32 $0x280, s19  }
0x7: {  	[smem:$0x7FF] =	sst s5;
	s10 =	sadd.s32 $0xEA00, s2;
	s0 =	smul.u32 $0x2800, s8  }
0x8: {  	s11 =	sadd.s32 $0x4A00, s2;
	s6 =	sadd.s32 $0x18A00, s2;
	s15 =	smul.u32 $0x14000, s19  }
0x9: {  	s17 =	sshll.u32 s19, $0x1;
	s12 =	ssub.s32 $0x2, s8;
	s0 =	sadd.s32 s9, s0  }
0xa: {  	s20 =	smul.u32 $0xA0, s19;
	s14 =	sshrl.u32 s12, $0x1;
	s7 =	sshll.u32 s0, $0x3  }
0xb: {  	s18 =	sshrl.u32 s15, $0x1;
	s13 =	sshll.u32 s0, $0x1;
	s0 =	sadd.s32 s7, s2  }
0xc: {  	s7 =	ssub.s32 s12, s14;
	s12 =	sor.u32 s8, s17;
	s8 =	smul.u32 $0x50, s8  }
0xd: {  	_ =	strace $0x80000047;
	s25 =	sadd.s32 s18, s1;
	s12 =	smul.u32 $0x500, s12  }
0xe: {  	[dreg:$0xb] =	wrdreg s25;
	s2 =	sadd.s32 s13, s2;
	s13 =	sadd.s32 s18, s3  }
0xf: {  	[dreg:$0xc] =	wrdreg s13;
	s8 =	sadd.s32 s8, s20;
	s21 =	sadd.s32 s10, s12  }
0x10: {  	s22 =	sor.u32 $0x10, s12;
	s17 =	sadd.s32 s11, s12;
	[dreg:$0xd] =	wrdreg s21  }
0x11: {  	s8 =	sshll.u32 s8, $0x4;
	[dreg:$0xe] =	wrdreg s17;
	s23 =	sadd.s32 s10, s22  }
0x12: {  	s28 =	simm.s32 $0x3;
	s24 =	sadd.s32 s8, s10;
	[dreg:$0xf] =	wrdreg s23  }
0x13: {  	s13 =	sadd.s32 $0x80, s9;
	s14 =	sadd.s32 s11, s22;
	[dreg:$0x5] =	wrdreg s24  }
0x14: {  	s15 =	sshll.u32 s13, $0x6;
	s26 =	sadd.s32 s8, s11;
	[dreg:$0x10] =	wrdreg s14  }
0x15: {  	s18 =	sor.u32 $0x60, s8;
	s17 =	sadd.s32 s15, s1;
	[dreg:$0x6] =	wrdreg s26  }
0x16: {  	s29 =	simm.s32 $0x6;
	s20 =	sadd.s32 s18, s10;
	[dreg:$0x15] =	wrdreg s17  }
0x17: {  	s8 =	sor.u32 $0x40, s8;
	s21 =	sadd.s32 s18, s11;
	[dreg:$0x7] =	wrdreg s20  }
0x18: {  	s22 =	sor.u32 $0x20, s12;
	s23 =	sadd.s32 s8, s10;
	[dreg:$0x8] =	wrdreg s21  }
0x19: {  	s30 =	simm.s32 $0x8;
	s24 =	sadd.s32 s10, s22;
	[dreg:$0x9] =	wrdreg s23  }
0x1a: {  	s12 =	sor.u32 $0x30, s12;
	s26 =	sadd.s32 s11, s22;
	[dreg:$0x11] =	wrdreg s24  }
0x1b: {  	s31 =	simm.s32 $0x4;
	s10 =	sadd.s32 s10, s12;
	[dreg:$0x12] =	wrdreg s26  }
0x1c: {  	s16 =	sadd.s32 $0x100, s9;
	s12 =	sadd.s32 s11, s12;
	[dreg:$0x13] =	wrdreg s10  }
0x1d: {  	s8 =	sadd.s32 s8, s11;
	s14 =	sshll.u32 s16, $0x6;
	[dreg:$0x14] =	wrdreg s12  }
0x1e: {  	s18 =	sadd.s32 s15, s3;
	s11 =	simm.s32 $0xA;
	[dreg:$0xa] =	wrdreg s8  }
0x1f: {  	[dreg:$0x16] =	wrdreg s18;
	s20 =	sadd.s32 s14, s1;
	s21 =	sadd.s32 s14, s3  }
0x20: {  	s8 =	sadd.s32 $0x180, s9;
	s9 =	sadd.s32 $0x200, s9;
	s24 =	smul.u32 $0xA000, s19  }
0x21: {  	s19 =	sshll.u32 s13, $0x4;
	s12 =	simm.s32 $0x4400;
	[dreg:$0x17] =	wrdreg s20  }
0x22: {  	s13 =	simm.s32 $0x200;
	s14 =	simm.s32 $0x80;
	[dreg:$0x18] =	wrdreg s21  }
0x23: {  	s22 =	sshll.u32 s8, $0x6;
	s23 =	sshll.u32 s9, $0x6;
	s20 =	sadd.s32 s19, s4  }
0x24: {  	s21 =	sshll.u32 s16, $0x4;
	s26 =	sadd.s32 s22, s1;
	[dreg:$0x1e] =	wrdreg s20  }
0x25: {  	s8 =	sshll.u32 s8, $0x4;
	s10 =	sadd.s32 s22, s3;
	[dreg:$0x19] =	wrdreg s26  }
0x26: {  	s9 =	sshll.u32 s9, $0x4;
	s15 =	sadd.s32 s23, s1;
	[dreg:$0x1a] =	wrdreg s10  }
0x27: {  	s16 =	simm.s32 $0x100;
	s17 =	sadd.s32 s23, s3;
	[dreg:$0x1b] =	wrdreg s15  }
0x28: {  	s19 =	simm.s32 $0x380;
	s8 =	sadd.s32 s8, s4;
	[dreg:$0x1c] =	wrdreg s17  }
0x29: {  	s18 =	sshrl.u32 s24, $0x2;
	s22 =	sadd.s32 s9, s4;
	[smem:$0x7F8] =	sst s8  }
0x2a: {  	s23 =	sadd.s32 $0x2CA00, s0;
	s0 =	sadd.s32 $0x54A00, s0;
	[smem:$0x7F9] =	sst s22  }
0x2b: {  	s24 =	sadd.s32 $0x7CA00, s2;
	s20 =	simm.s32 $0x1;
	[smem:$0x7FA] =	sst s23  }
0x2c: {  	s2 =	simm.s32 $0x0;
	s10 =	sadd.s32 s18, s4;
	[smem:$0x7FB] =	sst s0  }
0x2d: {  	[smem:$0x7FC] =	sst s24;
	s26 =	smax.u32 s7, $0x1;
	s15 =	simm.s32 $0x280  }
0x2e: {  	s17 =	simm.s32 $0x300;
	s18 =	simm.s32 $0x180;
	s22 =	simm.s32 $0x2400  }
0x2f: {  	s23 =	simm.s32 $0x5;
	s24 =	simm.s32 $0x7;
	[dreg:$0x1d] =	wrdreg s10  }
0x30: {  	s10 =	sadd.s32 s21, s4;
	[smem:$0x7FD] =	sst s26;
	s21 =	simm.s32 $0x2  }
0x31: {  	v0 =	vimm.bf16 $0.0e+00;
	v1 =	vimm.f32 $0.0e+00;
	v2 =	vimm.f32 $1.000000000e+00;
	s26 =	simm.s32 $0x9;
	[dreg:$0x1f] =	wrdreg s10;
	s10 =	simm.s32 $0x400  }
.LBB2_1:
0x32: {  	s9 =	sand.u32 $0x7F00, s5;
	s7 =	sand.u32 $0x60, s5  }
0x33: {  	[smem:$0x7F7] =	sst s2;
	s2 =	sshrl.u32 s9, $0x2;
	s7 =	sshrl.u32 s7, $0x1  }
0x34: {  	s7 =	sor.u32 s7, s2  }
0x35: {  	s2 =	simm.s32 $0x40;
	[tilespmem:s7+$0x400] =	vst v0;
	s7 =	simm.s32 $0x0  }
.LBB2_2:
0x36: {  	p0 =	sne.s32 s2, $0x7FC0  }
.Ltmp0:
0x37: {  	s8 =	sand.u32 $0x7F00, s2;
	s7 =	sadd.s32 $0x20, s7;
	(pc) =	sbr.rel @p0 .LBB2_2-.Ltmp0, $4  }
0x38: {  	s2 =	sadd.s32 $0x40, s2;
	s9 =	sand.u32 $0x60, s7  }
0x39: {  	s8 =	sshrl.u32 s8, $0x2;
	s9 =	sshrl.u32 s9, $0x1  }
0x3a: {  	s8 =	sor.u32 s9, s8  }
0x3b: {  	[tilespmem:s8+$0x400] =	vst v0  }
0x3c: {  	[spmem:s25] =	stream.linear.scatter [tilespmem:s10], [sflag:$0xA], $0x2000, $0x38;
	[tilespmem:$0x1B400] =	vst v63  }
0x3d: {  	_ =	swait.ge [sflag:s11], $0x2000  }
0x3e: {  	[sflag:s11] =	ssyncset.done $0x0  }
0x3f: {  	s0 =	rddreg [dreg:$0xc];
	[sflag:s11] =	ssyncadd.s32 $0xFFFFE000  }
0x40: {  	[spmem:s0] =	stream.linear.scatter [tilespmem:s10], [sflag:$0xA], $0x2000, $0x38;
	[tilespmem:$0x1B400] =	vst v63  }
0x41: {  	_ =	swait.ge [sflag:s11], $0x2000  }
0x42: {  	[sflag:s11] =	ssyncset.done $0x0  }
0x43: {  	s8 =	rddreg [dreg:$0x15];
	[sflag:s11] =	ssyncadd.s32 $0xFFFFE000  }
0x44: {  	[spmem:s8] =	stream.linear.scatter [tilespmem:s10], [sflag:$0xA], $0x2000, $0x38;
	[tilespmem:$0x1B400] =	vst v63  }
0x45: {  	_ =	swait.ge [sflag:s11], $0x2000  }
0x46: {  	[sflag:s11] =	ssyncset.done $0x0  }
0x47: {  	s9 =	rddreg [dreg:$0x16];
	[sflag:s11] =	ssyncadd.s32 $0xFFFFE000  }
0x48: {  	[spmem:s9] =	stream.linear.scatter [tilespmem:s10], [sflag:$0xA], $0x2000, $0x38;
	[tilespmem:$0x1B400] =	vst v63  }
0x49: {  	_ =	swait.ge [sflag:s11], $0x2000  }
0x4a: {  	[sflag:s11] =	ssyncset.done $0x0  }
0x4b: {  	s25 =	rddreg [dreg:$0x17];
	[sflag:s11] =	ssyncadd.s32 $0xFFFFE000  }
0x4c: {  	[spmem:s25] =	stream.linear.scatter [tilespmem:s10], [sflag:$0xA], $0x2000, $0x38;
	[tilespmem:$0x1B400] =	vst v63  }
0x4d: {  	_ =	swait.ge [sflag:s11], $0x2000  }
0x4e: {  	[sflag:s11] =	ssyncset.done $0x0  }
0x4f: {  	s2 =	rddreg [dreg:$0x18];
	[sflag:s11] =	ssyncadd.s32 $0xFFFFE000  }
0x50: {  	[spmem:s2] =	stream.linear.scatter [tilespmem:s10], [sflag:$0xA], $0x2000, $0x38;
	[tilespmem:$0x1B400] =	vst v63  }
0x51: {  	_ =	swait.ge [sflag:s11], $0x2000  }
0x52: {  	[sflag:s11] =	ssyncset.done $0x0  }
0x53: {  	s7 =	rddreg [dreg:$0x19];
	[sflag:s11] =	ssyncadd.s32 $0xFFFFE000  }
0x54: {  	[spmem:s7] =	stream.linear.scatter [tilespmem:s10], [sflag:$0xA], $0x2000, $0x38;
	[tilespmem:$0x1B400] =	vst v63  }
0x55: {  	_ =	swait.ge [sflag:s11], $0x2000  }
0x56: {  	[sflag:s11] =	ssyncset.done $0x0  }
0x57: {  	s8 =	rddreg [dreg:$0x1a];
	[sflag:s11] =	ssyncadd.s32 $0xFFFFE000  }
0x58: {  	[spmem:s8] =	stream.linear.scatter [tilespmem:s10], [sflag:$0xA], $0x2000, $0x38;
	[tilespmem:$0x1B400] =	vst v63  }
0x59: {  	_ =	swait.ge [sflag:s11], $0x2000  }
0x5a: {  	[sflag:s11] =	ssyncset.done $0x0  }
0x5b: {  	s9 =	rddreg [dreg:$0x1b];
	[sflag:s11] =	ssyncadd.s32 $0xFFFFE000  }
0x5c: {  	[spmem:s9] =	stream.linear.scatter [tilespmem:s10], [sflag:$0xA], $0x2000, $0x38;
	[tilespmem:$0x1B400] =	vst v63  }
0x5d: {  	_ =	swait.ge [sflag:s11], $0x2000  }
0x5e: {  	[sflag:s11] =	ssyncset.done $0x0  }
0x5f: {  	s25 =	rddreg [dreg:$0x1c];
	[sflag:s11] =	ssyncadd.s32 $0xFFFFE000  }
0x60: {  	[spmem:s25] =	stream.linear.scatter [tilespmem:s10], [sflag:$0xA], $0x2000, $0x38;
	[tilespmem:$0x1B400] =	vst v63  }
0x61: {  	_ =	swait.ge [sflag:s11], $0x2000  }
0x62: {  	[sflag:s11] =	ssyncset.done $0x0  }
0x63: {  	s2 =	simm.s32 $0x40;
	s7 =	simm.s32 $0x0;
	[sflag:s11] =	ssyncadd.s32 $0xFFFFE000  }
.LBB2_4:
0x64: {  	p0 =	sne.s32 s2, $0x1FC0;
	[tilespmem:s7+$0x4400] =	vst v1;
	s7 =	smov.u32 s2;
	s2 =	sadd.s32 $0x40, s2  }
.Ltmp1:
0x65: {  	(pc) =	sbr.rel @p0 .LBB2_4-.Ltmp1, $2  }
0x66: {  	_ =	sdelay $0x2  }
0x67: {  	s7 =	sshra.s32 s7, $0x2  }
0x68: {  	[tilespmem:s7+$0x4400] =	vst v1;
	s0 =	rddreg [dreg:$0x1d]  }
0x69: {  	[spmem:s0] =	stream.linear.scatter [tilespmem:s12], [sflag:$0xA], $0x800, $0x38;
	[tilespmem:$0x1B400] =	vst v63  }
0x6a: {  	_ =	swait.ge [sflag:s11], $0x800  }
0x6b: {  	[sflag:s11] =	ssyncset.done $0x0  }
0x6c: {  	s7 =	rddreg [dreg:$0x1e];
	[sflag:s11] =	ssyncadd.s32 $0xFFFFF800  }
0x6d: {  	[spmem:s7] =	stream.linear.scatter [tilespmem:s12], [sflag:$0xA], $0x800, $0x38;
	[tilespmem:$0x1B400] =	vst v63  }
0x6e: {  	_ =	swait.ge [sflag:s11], $0x800  }
0x6f: {  	[sflag:s11] =	ssyncset.done $0x0  }
0x70: {  	s8 =	rddreg [dreg:$0x1f];
	[sflag:s11] =	ssyncadd.s32 $0xFFFFF800  }
0x71: {  	[spmem:s8] =	stream.linear.scatter [tilespmem:s12], [sflag:$0xA], $0x800, $0x38;
	[tilespmem:$0x1B400] =	vst v63  }
0x72: {  	_ =	swait.ge [sflag:s11], $0x800  }
0x73: {  	s9 =	sld [smem:$0x7F8]  }
0x74: {  	[sflag:s11] =	ssyncset.done $0x0  }
0x75: {  	[sflag:s11] =	ssyncadd.s32 $0xFFFFF800  }
0x76: {  	[spmem:s9] =	stream.linear.scatter [tilespmem:s12], [sflag:$0xA], $0x800, $0x38;
	[tilespmem:$0x1B400] =	vst v63  }
0x77: {  	_ =	swait.ge [sflag:s11], $0x800  }
0x78: {  	s25 =	sld [smem:$0x7F9]  }
0x79: {  	[sflag:s11] =	ssyncset.done $0x0  }
0x7a: {  	[sflag:s11] =	ssyncadd.s32 $0xFFFFF800  }
0x7b: {  	[spmem:s25] =	stream.linear.scatter [tilespmem:s12], [sflag:$0xA], $0x800, $0x38;
	[tilespmem:$0x1B400] =	vst v63  }
0x7c: {  	_ =	swait.ge [sflag:s11], $0x800  }
0x7d: {  	[sflag:s11] =	ssyncset.done $0x0  }
0x7e: {  	s2 =	simm.s32 $0x40;
	s7 =	simm.s32 $0x0;
	[sflag:s11] =	ssyncadd.s32 $0xFFFFF800  }
.LBB2_6:
0x7f: {  	p0 =	sne.s32 s2, $0x1FC0;
	[tilespmem:s7+$0x4400] =	vst v2;
	s7 =	smov.u32 s2;
	s2 =	sadd.s32 $0x40, s2  }
.Ltmp2:
0x80: {  	(pc) =	sbr.rel @p0 .LBB2_6-.Ltmp2, $2  }
0x81: {  	_ =	sdelay $0x2  }
0x82: {  	s7 =	sshra.s32 s7, $0x2  }
0x83: {  	[tilespmem:s7+$0x4400] =	vst v2  }
0x84: {  	[bflag:$0x0] =	sbarrier.arrive $0xFFFF  }
0x85: {  	s2 =	simm.s32 $0x0;
	s0 =	rddreg [dreg:$0xd]  }
0x86: {  	[tilespmem:s2], [sflag:$0x1] =	stream.linear.gather [hbm4b:s0+s2], $0x80, $0x38;
	[tilespmem:$0x1B400] =	vst v63  }
0x87: {  	s7 =	rddreg [dreg:$0xe]  }
0x88: {  	[tilespmem:s13], [sflag:$0x1] =	stream.linear.gather [hbm4b:s7+s2], $0x80, $0x38;
	[tilespmem:$0x1B400] =	vst v63  }
0x89: {  	s8 =	rddreg [dreg:$0xf]  }
0x8a: {  	[tilespmem:s14], [sflag:$0x2] =	stream.linear.gather [hbm4b:s8+s2], $0x80, $0x38;
	[tilespmem:$0x1B400] =	vst v63  }
0x8b: {  	s9 =	rddreg [dreg:$0x10]  }
0x8c: {  	[tilespmem:s15], [sflag:$0x2] =	stream.linear.gather [hbm4b:s9+s2], $0x80, $0x38;
	[tilespmem:$0x1B400] =	vst v63  }
0x8d: {  	s25 =	rddreg [dreg:$0x11]  }
0x8e: {  	[tilespmem:s16], [sflag:$0x3] =	stream.linear.gather [hbm4b:s25+s2], $0x80, $0x38;
	[tilespmem:$0x1B400] =	vst v63  }
0x8f: {  	s7 =	rddreg [dreg:$0x12]  }
0x90: {  	[tilespmem:s17], [sflag:$0x3] =	stream.linear.gather [hbm4b:s7+s2], $0x80, $0x38;
	[tilespmem:$0x1B400] =	vst v63  }
0x91: {  	s8 =	rddreg [dreg:$0x13]  }
0x92: {  	[tilespmem:s18], [sflag:$0x4] =	stream.linear.gather [hbm4b:s8+s2], $0x80, $0x38;
	[tilespmem:$0x1B400] =	vst v63  }
0x93: {  	s9 =	rddreg [dreg:$0x14]  }
0x94: {  	[tilespmem:s19], [sflag:$0x4] =	stream.linear.gather [hbm4b:s9+s2], $0x80, $0x38;
	[tilespmem:$0x1B400] =	vst v63  }
0x95: {  	_ =	swait.ge [sflag:s20], $0x80  }
0x96: {  	[sflag:s20] =	ssyncset.done $0x0  }
0x97: {  	[sflag:s20] =	ssyncadd.s32 $0xFFFFFF80  }
0x98: {  	_ =	swait.ge [sflag:s20], $0x80  }
0x99: {  	[sflag:s20] =	ssyncset.done $0x0  }
0x9a: {  	[sflag:s20] =	ssyncadd.s32 $0xFFFFFF80  }
0x9b: {  	[tilespmem:s10], [sflag:$0x5] =	stream.indirect.gather [hbm4b:s6+s14], $0x40, s2, s14, $0xb8;
	[tilespmem:$0x1B400] =	vst v63  }
0x9c: {  	_ =	swait.ge [sflag:s21], $0x80  }
0x9d: {  	[sflag:s21] =	ssyncset.done $0x0  }
0x9e: {  	[sflag:s21] =	ssyncadd.s32 $0xFFFFFF80  }
0x9f: {  	_ =	swait.ge [sflag:s21], $0x80  }
0xa0: {  	[sflag:s21] =	ssyncset.done $0x0  }
0xa1: {  	[sflag:s21] =	ssyncadd.s32 $0xFFFFFF80  }
0xa2: {  	[tilespmem:s22], [sflag:$0x6] =	stream.indirect.gather [hbm4b:s6+s14], $0x40, s14, s14, $0xb8;
	[tilespmem:$0x1B400] =	vst v63  }
0xa3: {  	_ =	swait.ge [sflag:s23], $0x2000  }
0xa4: {  	[sflag:s23] =	ssyncset.done $0x0  }
0xa5: {  	[sflag:s23] =	ssyncadd.s32 $0xFFFFE000  }
0xa6: {  	[spmem:s1] =	stream.indirect.scatter.add.bf16 [tilespmem:s10], [sflag:$0x7], $0x40, s13, s14, $0xb8;
	[tilespmem:$0x1B400] =	vst v63  }
0xa7: {  	_ = 	snop  }
0xa8: {  	[spmem:s4] =	stream.indirect.scatter.add.f32 [tilespmem:s12], [sflag:$0x9], $0x10, s13, s14, $0xb8;
	[tilespmem:$0x1B400] =	vst v63  }
0xa9: {  	_ =	swait.ge [sflag:s24], $0x2000  }
0xaa: {  	[sflag:s24] =	ssyncset.done $0x0  }
0xab: {  	[sflag:s24] =	ssyncadd.s32 $0xFFFFE000  }
0xac: {  	_ =	swait.ge [sflag:s26], $0x800  }
0xad: {  	s25 =	rddreg [dreg:$0x9];
	[sflag:s26] =	ssyncset.done $0x0  }
0xae: {  	s0 =	rddreg [dreg:$0xa];
	[sflag:s26] =	ssyncadd.s32 $0xFFFFF800;
	s2 =	sadd.s32 $0x0, s25  }
0xaf: {  	[tilespmem:s5], [sflag:$0x1] =	stream.linear.gather [hbm4b:s2+s5], $0x80, $0x38;
	[tilespmem:$0x1B400] =	vst v63  }
0xb0: {  	s7 =	sadd.s32 $0x0, s0  }
0xb1: {  	[tilespmem:s13], [sflag:$0x1] =	stream.linear.gather [hbm4b:s7+s5], $0x80, $0x38;
	[tilespmem:$0x1B400] =	vst v63  }
0xb2: {  	_ =	swait.ge [sflag:s28], $0x80  }
0xb3: {  	[sflag:s28] =	ssyncset.done $0x0  }
0xb4: {  	[sflag:s28] =	ssyncadd.s32 $0xFFFFFF80  }
0xb5: {  	_ =	swait.ge [sflag:s28], $0x80  }
0xb6: {  	[sflag:s28] =	ssyncset.done $0x0  }
0xb7: {  	[sflag:s28] =	ssyncadd.s32 $0xFFFFFF80  }
0xb8: {  	[tilespmem:s10], [sflag:$0x5] =	stream.indirect.gather [hbm4b:s6+s14], $0x40, s16, s14, $0xb8;
	[tilespmem:$0x1B400] =	vst v63  }
0xb9: {  	_ =	swait.ge [sflag:s29], $0x2000  }
0xba: {  	[sflag:s29] =	ssyncset.done $0x0  }
0xbb: {  	[sflag:s29] =	ssyncadd.s32 $0xFFFFE000  }
0xbc: {  	[spmem:s3] =	stream.indirect.scatter.add.bf16 [tilespmem:s22], [sflag:$0x8], $0x40, s15, s14, $0xb8;
	[tilespmem:$0x1B400] =	vst v63  }
0xbd: {  	_ = 	snop  }
0xbe: {  	[spmem:s4] =	stream.indirect.scatter.add.f32 [tilespmem:s12], [sflag:$0x9], $0x10, s15, s14, $0xb8;
	[tilespmem:$0x1B400] =	vst v63  }
0xbf: {  	_ =	swait.ge [sflag:s30], $0x2000  }
0xc0: {  	[sflag:s30] =	ssyncset.done $0x0  }
0xc1: {  	[sflag:s30] =	ssyncadd.s32 $0xFFFFE000  }
0xc2: {  	_ =	swait.ge [sflag:s26], $0x800  }
0xc3: {  	s8 =	rddreg [dreg:$0x5]  }
0xc4: {  	s9 =	rddreg [dreg:$0x6];
	[sflag:s26] =	ssyncset.done $0x0;
	s2 =	sadd.s32 $0x0, s8  }
0xc5: {  	[sflag:s26] =	ssyncadd.s32 $0xFFFFF800;
	s7 =	sadd.s32 $0x0, s9;
	s8 =	sadd.s32 $0x50, s2  }
0xc6: {  	[tilespmem:s14], [sflag:$0x2] =	stream.linear.gather [hbm4b:s8+s5], $0x80, $0x38;
	[tilespmem:$0x1B400] =	vst v63  }
0xc7: {  	s25 =	sadd.s32 $0x50, s7  }
0xc8: {  	[tilespmem:s15], [sflag:$0x2] =	stream.linear.gather [hbm4b:s25+s5], $0x80, $0x38;
	[tilespmem:$0x1B400] =	vst v63  }
0xc9: {  	_ =	swait.ge [sflag:s31], $0x80  }
0xca: {  	[sflag:s31] =	ssyncset.done $0x0  }
0xcb: {  	[sflag:s31] =	ssyncadd.s32 $0xFFFFFF80  }
0xcc: {  	_ =	swait.ge [sflag:s31], $0x80  }
0xcd: {  	[sflag:s31] =	ssyncset.done $0x0  }
0xce: {  	[sflag:s31] =	ssyncadd.s32 $0xFFFFFF80  }
0xcf: {  	[tilespmem:s22], [sflag:$0x6] =	stream.indirect.gather [hbm4b:s6+s14], $0x40, s18, s14, $0xb8;
	[tilespmem:$0x1B400] =	vst v63  }
0xd0: {  	_ =	swait.ge [sflag:s23], $0x2000  }
0xd1: {  	[sflag:s23] =	ssyncset.done $0x0  }
0xd2: {  	[sflag:s23] =	ssyncadd.s32 $0xFFFFE000  }
0xd3: {  	[spmem:s1] =	stream.indirect.scatter.add.bf16 [tilespmem:s10], [sflag:$0x7], $0x40, s17, s14, $0xb8;
	[tilespmem:$0x1B400] =	vst v63  }
0xd4: {  	_ = 	snop  }
0xd5: {  	[spmem:s4] =	stream.indirect.scatter.add.f32 [tilespmem:s12], [sflag:$0x9], $0x10, s17, s14, $0xb8;
	[tilespmem:$0x1B400] =	vst v63  }
0xd6: {  	_ =	swait.ge [sflag:s24], $0x2000  }
0xd7: {  	[sflag:s24] =	ssyncset.done $0x0  }
0xd8: {  	[sflag:s24] =	ssyncadd.s32 $0xFFFFE000  }
0xd9: {  	_ =	swait.ge [sflag:s26], $0x800  }
0xda: {  	s0 =	rddreg [dreg:$0x7];
	[sflag:s26] =	ssyncset.done $0x0  }
0xdb: {  	s9 =	rddreg [dreg:$0x8];
	[sflag:s26] =	ssyncadd.s32 $0xFFFFF800;
	s8 =	sadd.s32 $0x0, s0  }
0xdc: {  	[tilespmem:s16], [sflag:$0x3] =	stream.linear.gather [hbm4b:s8+s5], $0x80, $0x38;
	[tilespmem:$0x1B400] =	vst v63  }
0xdd: {  	s9 =	sadd.s32 $0x0, s9  }
0xde: {  	[tilespmem:s17], [sflag:$0x3] =	stream.linear.gather [hbm4b:s9+s5], $0x80, $0x38;
	[tilespmem:$0x1B400] =	vst v63  }
0xdf: {  	_ =	swait.ge [sflag:s20], $0x80  }
0xe0: {  	[sflag:s20] =	ssyncset.done $0x0  }
0xe1: {  	[sflag:s20] =	ssyncadd.s32 $0xFFFFFF80  }
0xe2: {  	_ =	swait.ge [sflag:s20], $0x80  }
0xe3: {  	[sflag:s20] =	ssyncset.done $0x0  }
0xe4: {  	[sflag:s20] =	ssyncadd.s32 $0xFFFFFF80  }
0xe5: {  	[tilespmem:s10], [sflag:$0x5] =	stream.indirect.gather [hbm4b:s6+s14], $0x40, s5, s14, $0xb8;
	[tilespmem:$0x1B400] =	vst v63  }
0xe6: {  	_ =	swait.ge [sflag:s29], $0x2000  }
0xe7: {  	[sflag:s29] =	ssyncset.done $0x0  }
0xe8: {  	[sflag:s29] =	ssyncadd.s32 $0xFFFFE000  }
0xe9: {  	[spmem:s3] =	stream.indirect.scatter.add.bf16 [tilespmem:s22], [sflag:$0x8], $0x40, s19, s14, $0xb8;
	[tilespmem:$0x1B400] =	vst v63  }
0xea: {  	_ = 	snop  }
0xeb: {  	[spmem:s4] =	stream.indirect.scatter.add.f32 [tilespmem:s12], [sflag:$0x9], $0x10, s19, s14, $0xb8;
	[tilespmem:$0x1B400] =	vst v63  }
0xec: {  	_ =	swait.ge [sflag:s30], $0x2000  }
0xed: {  	[sflag:s30] =	ssyncset.done $0x0  }
0xee: {  	[sflag:s30] =	ssyncadd.s32 $0xFFFFE000  }
0xef: {  	_ =	swait.ge [sflag:s26], $0x800  }
0xf0: {  	[sflag:s26] =	ssyncset.done $0x0  }
0xf1: {  	s2 =	sadd.s32 $0x70, s2;
	[sflag:s26] =	ssyncadd.s32 $0xFFFFF800  }
0xf2: {  	[tilespmem:s18], [sflag:$0x4] =	stream.linear.gather [hbm4b:s2+s5], $0x80, $0x38;
	[tilespmem:$0x1B400] =	vst v63  }
0xf3: {  	s25 =	sadd.s32 $0x70, s7  }
0xf4: {  	[tilespmem:s19], [sflag:$0x4] =	stream.linear.gather [hbm4b:s25+s5], $0x80, $0x38;
	[tilespmem:$0x1B400] =	vst v63  }
0xf5: {  	_ =	swait.ge [sflag:s21], $0x80  }
0xf6: {  	[sflag:s21] =	ssyncset.done $0x0  }
0xf7: {  	[sflag:s21] =	ssyncadd.s32 $0xFFFFFF80  }
0xf8: {  	_ =	swait.ge [sflag:s21], $0x80  }
0xf9: {  	s2 =	simm.s32 $0x40;
	[sflag:s21] =	ssyncset.done $0x0  }
.LBB2_8:
0xfa: {  	[sflag:s21] =	ssyncadd.s32 $0xFFFFFF80  }
0xfb: {  	[tilespmem:s22], [sflag:$0x6] =	stream.indirect.gather [hbm4b:s6+s14], $0x40, s14, s14, $0xb8;
	[tilespmem:$0x1B400] =	vst v63  }
0xfc: {  	_ =	swait.ge [sflag:s23], $0x2000  }
0xfd: {  	[sflag:s23] =	ssyncset.done $0x0  }
0xfe: {  	[sflag:s23] =	ssyncadd.s32 $0xFFFFE000  }
0xff: {  	[spmem:s1] =	stream.indirect.scatter.add.bf16 [tilespmem:s10], [sflag:$0x7], $0x40, s13, s14, $0xb8;
	[tilespmem:$0x1B400] =	vst v63  }
0x100: {  	_ = 	snop  }
0x101: {  	[spmem:s4] =	stream.indirect.scatter.add.f32 [tilespmem:s12], [sflag:$0x9], $0x10, s13, s14, $0xb8;
	[tilespmem:$0x1B400] =	vst v63  }
0x102: {  	_ =	swait.ge [sflag:s24], $0x2000  }
0x103: {  	[sflag:s24] =	ssyncset.done $0x0  }
0x104: {  	[sflag:s24] =	ssyncadd.s32 $0xFFFFE000  }
0x105: {  	_ =	swait.ge [sflag:s26], $0x800  }
0x106: {  	s9 =	smov.u32 s2;
	s7 =	rddreg [dreg:$0x9];
	[sflag:s26] =	ssyncset.done $0x0  }
0x107: {  	s8 =	rddreg [dreg:$0xa];
	[sflag:s26] =	ssyncadd.s32 $0xFFFFF800;
	s7 =	sadd.s32 s9, s7  }
0x108: {  	[tilespmem:s5], [sflag:$0x1] =	stream.linear.gather [hbm4b:s7+s5], $0x80, $0x38;
	[tilespmem:$0x1B400] =	vst v63  }
0x109: {  	s8 =	sadd.s32 s9, s8  }
0x10a: {  	[tilespmem:s13], [sflag:$0x1] =	stream.linear.gather [hbm4b:s8+s5], $0x80, $0x38;
	[tilespmem:$0x1B400] =	vst v63  }
0x10b: {  	_ =	swait.ge [sflag:s28], $0x80  }
0x10c: {  	[sflag:s28] =	ssyncset.done $0x0  }
0x10d: {  	[sflag:s28] =	ssyncadd.s32 $0xFFFFFF80  }
0x10e: {  	_ =	swait.ge [sflag:s28], $0x80  }
0x10f: {  	[sflag:s28] =	ssyncset.done $0x0  }
0x110: {  	[sflag:s28] =	ssyncadd.s32 $0xFFFFFF80  }
0x111: {  	[tilespmem:s10], [sflag:$0x5] =	stream.indirect.gather [hbm4b:s6+s14], $0x40, s16, s14, $0xb8;
	[tilespmem:$0x1B400] =	vst v63  }
0x112: {  	_ =	swait.ge [sflag:s29], $0x2000  }
0x113: {  	[sflag:s29] =	ssyncset.done $0x0  }
0x114: {  	[sflag:s29] =	ssyncadd.s32 $0xFFFFE000  }
0x115: {  	[spmem:s3] =	stream.indirect.scatter.add.bf16 [tilespmem:s22], [sflag:$0x8], $0x40, s15, s14, $0xb8;
	[tilespmem:$0x1B400] =	vst v63  }
0x116: {  	_ = 	snop  }
0x117: {  	[spmem:s4] =	stream.indirect.scatter.add.f32 [tilespmem:s12], [sflag:$0x9], $0x10, s15, s14, $0xb8;
	[tilespmem:$0x1B400] =	vst v63  }
0x118: {  	_ =	swait.ge [sflag:s30], $0x2000  }
0x119: {  	[sflag:s30] =	ssyncset.done $0x0  }
0x11a: {  	[sflag:s30] =	ssyncadd.s32 $0xFFFFE000  }
0x11b: {  	_ =	swait.ge [sflag:s26], $0x800  }
0x11c: {  	s25 =	rddreg [dreg:$0x5]  }
0x11d: {  	s0 =	rddreg [dreg:$0x6];
	[sflag:s26] =	ssyncset.done $0x0;
	s7 =	sadd.s32 s9, s25  }
0x11e: {  	[sflag:s26] =	ssyncadd.s32 $0xFFFFF800;
	s8 =	sadd.s32 s9, s0;
	s25 =	sadd.s32 $0x50, s7  }
0x11f: {  	[tilespmem:s14], [sflag:$0x2] =	stream.linear.gather [hbm4b:s25+s5], $0x80, $0x38;
	[tilespmem:$0x1B400] =	vst v63  }
0x120: {  	s0 =	sadd.s32 $0x50, s8  }
0x121: {  	[tilespmem:s15], [sflag:$0x2] =	stream.linear.gather [hbm4b:s0+s5], $0x80, $0x38;
	[tilespmem:$0x1B400] =	vst v63  }
0x122: {  	_ =	swait.ge [sflag:s31], $0x80  }
0x123: {  	[sflag:s31] =	ssyncset.done $0x0  }
0x124: {  	[sflag:s31] =	ssyncadd.s32 $0xFFFFFF80  }
0x125: {  	_ =	swait.ge [sflag:s31], $0x80  }
0x126: {  	[sflag:s31] =	ssyncset.done $0x0  }
0x127: {  	[sflag:s31] =	ssyncadd.s32 $0xFFFFFF80  }
0x128: {  	[tilespmem:s22], [sflag:$0x6] =	stream.indirect.gather [hbm4b:s6+s14], $0x40, s18, s14, $0xb8;
	[tilespmem:$0x1B400] =	vst v63  }
0x129: {  	_ =	swait.ge [sflag:s23], $0x2000  }
0x12a: {  	[sflag:s23] =	ssyncset.done $0x0  }
0x12b: {  	[sflag:s23] =	ssyncadd.s32 $0xFFFFE000  }
0x12c: {  	[spmem:s1] =	stream.indirect.scatter.add.bf16 [tilespmem:s10], [sflag:$0x7], $0x40, s17, s14, $0xb8;
	[tilespmem:$0x1B400] =	vst v63  }
0x12d: {  	_ = 	snop  }
0x12e: {  	[spmem:s4] =	stream.indirect.scatter.add.f32 [tilespmem:s12], [sflag:$0x9], $0x10, s17, s14, $0xb8;
	[tilespmem:$0x1B400] =	vst v63  }
0x12f: {  	_ =	swait.ge [sflag:s24], $0x2000  }
0x130: {  	[sflag:s24] =	ssyncset.done $0x0  }
0x131: {  	[sflag:s24] =	ssyncadd.s32 $0xFFFFE000  }
0x132: {  	_ =	swait.ge [sflag:s26], $0x800  }
0x133: {  	s25 =	rddreg [dreg:$0x7];
	[sflag:s26] =	ssyncset.done $0x0  }
0x134: {  	s0 =	rddreg [dreg:$0x8];
	[sflag:s26] =	ssyncadd.s32 $0xFFFFF800;
	s25 =	sadd.s32 s9, s25  }
0x135: {  	[tilespmem:s16], [sflag:$0x3] =	stream.linear.gather [hbm4b:s25+s5], $0x80, $0x38;
	[tilespmem:$0x1B400] =	vst v63  }
0x136: {  	s0 =	sadd.s32 s9, s0  }
0x137: {  	[tilespmem:s17], [sflag:$0x3] =	stream.linear.gather [hbm4b:s0+s5], $0x80, $0x38;
	[tilespmem:$0x1B400] =	vst v63  }
0x138: {  	_ =	swait.ge [sflag:s20], $0x80  }
0x139: {  	[sflag:s20] =	ssyncset.done $0x0  }
0x13a: {  	[sflag:s20] =	ssyncadd.s32 $0xFFFFFF80  }
0x13b: {  	_ =	swait.ge [sflag:s20], $0x80  }
0x13c: {  	[sflag:s20] =	ssyncset.done $0x0  }
0x13d: {  	[sflag:s20] =	ssyncadd.s32 $0xFFFFFF80  }
0x13e: {  	[tilespmem:s10], [sflag:$0x5] =	stream.indirect.gather [hbm4b:s6+s14], $0x40, s5, s14, $0xb8;
	[tilespmem:$0x1B400] =	vst v63  }
0x13f: {  	_ =	swait.ge [sflag:s29], $0x2000  }
0x140: {  	[sflag:s29] =	ssyncset.done $0x0  }
0x141: {  	[sflag:s29] =	ssyncadd.s32 $0xFFFFE000  }
0x142: {  	[spmem:s3] =	stream.indirect.scatter.add.bf16 [tilespmem:s22], [sflag:$0x8], $0x40, s19, s14, $0xb8;
	[tilespmem:$0x1B400] =	vst v63  }
0x143: {  	_ = 	snop  }
0x144: {  	[spmem:s4] =	stream.indirect.scatter.add.f32 [tilespmem:s12], [sflag:$0x9], $0x10, s19, s14, $0xb8;
	[tilespmem:$0x1B400] =	vst v63  }
0x145: {  	_ =	swait.ge [sflag:s30], $0x2000  }
0x146: {  	[sflag:s30] =	ssyncset.done $0x0  }
0x147: {  	[sflag:s30] =	ssyncadd.s32 $0xFFFFE000  }
0x148: {  	_ =	swait.ge [sflag:s26], $0x800  }
0x149: {  	[sflag:s26] =	ssyncset.done $0x0  }
0x14a: {  	s9 =	sadd.s32 $0x70, s7;
	[sflag:s26] =	ssyncadd.s32 $0xFFFFF800  }
0x14b: {  	[tilespmem:s18], [sflag:$0x4] =	stream.linear.gather [hbm4b:s9+s5], $0x80, $0x38;
	[tilespmem:$0x1B400] =	vst v63  }
0x14c: {  	p0 =	sne.s32 s2, $0x480;
	s25 =	sadd.s32 $0x70, s8  }
0x14d: {  	[tilespmem:s19], [sflag:$0x4] =	stream.linear.gather [hbm4b:s25+s5], $0x80, $0x38;
	[tilespmem:$0x1B400] =	vst v63  }
.Ltmp3:
0x14e: {  	_ =	swait.ge [sflag:s21], $0x80;
	(pc) =	sbr.rel @p0 .LBB2_8-.Ltmp3, $4  }
0x14f: {  	[sflag:s21] =	ssyncset.done $0x0  }
0x150: {  	[sflag:s21] =	ssyncadd.s32 $0xFFFFFF80  }
0x151: {  	_ =	swait.ge [sflag:s21], $0x80  }
0x152: {  	s2 =	sadd.s32 $0x40, s2;
	[sflag:s21] =	ssyncset.done $0x0  }
0x153: {  	[sflag:s21] =	ssyncadd.s32 $0xFFFFFF80  }
0x154: {  	[tilespmem:s22], [sflag:$0x6] =	stream.indirect.gather [hbm4b:s6+s14], $0x40, s14, s14, $0xb8;
	[tilespmem:$0x1B400] =	vst v63  }
0x155: {  	_ =	swait.ge [sflag:s23], $0x2000  }
0x156: {  	[sflag:s23] =	ssyncset.done $0x0  }
0x157: {  	[sflag:s23] =	ssyncadd.s32 $0xFFFFE000  }
0x158: {  	[spmem:s1] =	stream.indirect.scatter.add.bf16 [tilespmem:s10], [sflag:$0x7], $0x40, s13, s14, $0xb8;
	[tilespmem:$0x1B400] =	vst v63  }
0x159: {  	_ = 	snop  }
0x15a: {  	[spmem:s4] =	stream.indirect.scatter.add.f32 [tilespmem:s12], [sflag:$0x9], $0x10, s13, s14, $0xb8;
	[tilespmem:$0x1B400] =	vst v63  }
0x15b: {  	_ =	swait.ge [sflag:s24], $0x2000  }
0x15c: {  	[sflag:s24] =	ssyncset.done $0x0  }
0x15d: {  	[sflag:s24] =	ssyncadd.s32 $0xFFFFE000  }
0x15e: {  	_ =	swait.ge [sflag:s26], $0x800  }
0x15f: {  	[sflag:s26] =	ssyncset.done $0x0  }
0x160: {  	[sflag:s26] =	ssyncadd.s32 $0xFFFFF800  }
0x161: {  	_ =	swait.ge [sflag:s28], $0x80  }
0x162: {  	[sflag:s28] =	ssyncset.done $0x0  }
0x163: {  	[sflag:s28] =	ssyncadd.s32 $0xFFFFFF80  }
0x164: {  	_ =	swait.ge [sflag:s28], $0x80  }
0x165: {  	[sflag:s28] =	ssyncset.done $0x0  }
0x166: {  	[sflag:s28] =	ssyncadd.s32 $0xFFFFFF80  }
0x167: {  	[tilespmem:s10], [sflag:$0x5] =	stream.indirect.gather [hbm4b:s6+s14], $0x40, s16, s14, $0xb8;
	[tilespmem:$0x1B400] =	vst v63  }
0x168: {  	_ =	swait.ge [sflag:s29], $0x2000  }
0x169: {  	[sflag:s29] =	ssyncset.done $0x0  }
0x16a: {  	[sflag:s29] =	ssyncadd.s32 $0xFFFFE000  }
0x16b: {  	[spmem:s3] =	stream.indirect.scatter.add.bf16 [tilespmem:s22], [sflag:$0x8], $0x40, s15, s14, $0xb8;
	[tilespmem:$0x1B400] =	vst v63  }
0x16c: {  	_ = 	snop  }
0x16d: {  	[spmem:s4] =	stream.indirect.scatter.add.f32 [tilespmem:s12], [sflag:$0x9], $0x10, s15, s14, $0xb8;
	[tilespmem:$0x1B400] =	vst v63  }
0x16e: {  	_ =	swait.ge [sflag:s30], $0x2000  }
0x16f: {  	[sflag:s30] =	ssyncset.done $0x0  }
0x170: {  	[sflag:s30] =	ssyncadd.s32 $0xFFFFE000  }
0x171: {  	_ =	swait.ge [sflag:s26], $0x800  }
0x172: {  	[sflag:s26] =	ssyncset.done $0x0  }
0x173: {  	[sflag:s26] =	ssyncadd.s32 $0xFFFFF800  }
0x174: {  	_ =	swait.ge [sflag:s31], $0x80  }
0x175: {  	[sflag:s31] =	ssyncset.done $0x0  }
0x176: {  	[sflag:s31] =	ssyncadd.s32 $0xFFFFFF80  }
0x177: {  	_ =	swait.ge [sflag:s31], $0x80  }
0x178: {  	[sflag:s31] =	ssyncset.done $0x0  }
0x179: {  	[sflag:s31] =	ssyncadd.s32 $0xFFFFFF80  }
0x17a: {  	[tilespmem:s22], [sflag:$0x6] =	stream.indirect.gather [hbm4b:s6+s14], $0x40, s18, s14, $0xb8;
	[tilespmem:$0x1B400] =	vst v63  }
0x17b: {  	_ =	swait.ge [sflag:s23], $0x2000  }
0x17c: {  	[sflag:s23] =	ssyncset.done $0x0  }
0x17d: {  	[sflag:s23] =	ssyncadd.s32 $0xFFFFE000  }
0x17e: {  	[spmem:s1] =	stream.indirect.scatter.add.bf16 [tilespmem:s10], [sflag:$0x7], $0x40, s17, s14, $0xb8;
	[tilespmem:$0x1B400] =	vst v63  }
0x17f: {  	_ = 	snop  }
0x180: {  	[spmem:s4] =	stream.indirect.scatter.add.f32 [tilespmem:s12], [sflag:$0x9], $0x10, s17, s14, $0xb8;
	[tilespmem:$0x1B400] =	vst v63  }
0x181: {  	_ =	swait.ge [sflag:s24], $0x2000  }
0x182: {  	[sflag:s24] =	ssyncset.done $0x0  }
0x183: {  	[sflag:s24] =	ssyncadd.s32 $0xFFFFE000  }
0x184: {  	_ =	swait.ge [sflag:s26], $0x800  }
0x185: {  	[sflag:s26] =	ssyncset.done $0x0  }
0x186: {  	[sflag:s26] =	ssyncadd.s32 $0xFFFFF800  }
0x187: {  	_ =	swait.ge [sflag:s29], $0x2000  }
0x188: {  	[sflag:s29] =	ssyncset.done $0x0  }
0x189: {  	[sflag:s29] =	ssyncadd.s32 $0xFFFFE000  }
0x18a: {  	[spmem:s3] =	stream.indirect.scatter.add.bf16 [tilespmem:s22], [sflag:$0x8], $0x40, s19, s14, $0xb8;
	[tilespmem:$0x1B400] =	vst v63  }
0x18b: {  	_ = 	snop  }
0x18c: {  	[spmem:s4] =	stream.indirect.scatter.add.f32 [tilespmem:s12], [sflag:$0x9], $0x10, s19, s14, $0xb8;
	[tilespmem:$0x1B400] =	vst v63  }
0x18d: {  	_ =	swait.ge [sflag:s30], $0x2000  }
0x18e: {  	[sflag:s30] =	ssyncset.done $0x0  }
0x18f: {  	[sflag:s30] =	ssyncadd.s32 $0xFFFFE000  }
0x190: {  	_ =	swait.ge [sflag:s26], $0x800  }
0x191: {  	[sflag:s26] =	ssyncset.done $0x0  }
0x192: {  	[sflag:s26] =	ssyncadd.s32 $0xFFFFF800  }
0x193: {  	[bflag:$0x0] =	sbarrier.arrive $0xFFFF  }
0x194: {  	s0 =	stileid.u32;
	s7 =	sld [smem:$0x7FA]  }
0x195: {  	s0 =	sshll.u32 s0, $0x6;
	s25 =	rddreg [dreg:$0xb]  }
0x196: {  	s0 =	sor.u32 $0x1C0A, s0;
	s2 =	sshrl.u32 s25, $0x3  }
0x197: {  	[hbm:s7], [sflag:s0] =	dma.local [spmem:s2], $0x1400  }
0x198: {  	_ =	swait.ge [sflag:s11], $0x1400  }
0x199: {  	s9 =	sld [smem:$0x7FB]  }
0x19a: {  	[sflag:s11] =	ssyncset.done $0x0;
	s8 =	rddreg [dreg:$0xc]  }
0x19b: {  	[sflag:s11] =	ssyncadd.s32 $0xFFFFEC00;
	s2 =	sshrl.u32 s8, $0x3  }
0x19c: {  	[hbm:s9], [sflag:s0] =	dma.local [spmem:s2], $0x1400  }
0x19d: {  	_ =	swait.ge [sflag:s11], $0x1400  }
0x19e: {  	s9 =	sld [smem:$0x7FC]  }
0x19f: {  	[sflag:s11] =	ssyncset.done $0x0;
	s8 =	rddreg [dreg:$0x1d]  }
0x1a0: {  	[sflag:s11] =	ssyncadd.s32 $0xFFFFEC00;
	s2 =	sshrl.u32 s8, $0x3  }
0x1a1: {  	[hbm:s9], [sflag:s0] =	dma.local [spmem:s2], $0x500  }
0x1a2: {  	_ =	swait.ge [sflag:s11], $0x500  }
0x1a3: {  	s8 =	sld [smem:$0x7F7]  }
0x1a4: {  	s9 =	sld [smem:$0x7FD];
	_ =	sdelay $0x1  }
0x1a5: {  	s2 =	sadd.s32 $0x1, s8  }
0x1a6: {  	p0 =	sne.s32 s2, s9  }
.Ltmp4:
0x1a7: {  	_ = 	snop;
	(pc) =	sbr.rel @p0 .LBB2_1-.Ltmp4, $3  }
0x1a8: {  	_ =	sdelay $0x1  }
0x1a9: {  	[sflag:s11] =	ssyncset.done $0x0  }
0x1aa: {  	[sflag:s11] =	ssyncadd.s32 $0xFFFFFB00  }
0x1ab: {  	_ =	sfence.sel $0x180000  }
0x1ac: {  	[bflag:$0x0] =	sbarrier.arrive $0xFFFF  }
0x1ad: {  	_ =	strace $0x90000047  }
0x1ae: {  	s0 =	stileid.u32;
	[bflag:$0x2] =	sbarrier.arrive $0xFFFF  }
0x1af: {  	p0 =	sne.s32 s0, $0x0;
	s0 =	rddreg [dreg:$0x4]  }
0x1b0: {  	s0 =	sadd.s32 @!p0 $0x100000, s0  }
0x1b1: {  	[sflag:s0] =	ssyncadd.tile.s32 @!p0 $0x1;
	_ =	shalt  }
.Lfunc_end2:
_tile_overlayer_lowered:
.L_overlay_start_2:
0x1b2: {  	(tag) =	ssettag $0x2  }
0x1b3: {  	s0 =	rddreg [dreg:$0x0];
	s2 =	stileid.u32  }
0x1b4: {  	s1 =	rddreg [dreg:$0x1];
	p0 =	sne.s32 s2, $0x0  }
0x1b5: {  	s3 =	rddreg [dreg:$0x2];
	[bflag:$0x3] =	sbarrier.arrive $0xFFFF;
	s2 =	simm.s32 @!p0 $0x1C0A  }
0x1b6: {  	[timem:s3], [sflag:s2] =	dma.local @!p0 [hbm:s0], s1  }
0x1b7: {  	s0 =	simm.s32 @!p0 $0xA  }
0x1b8: {  	_ =	swait.ge @!p0 [sflag:s0], s1  }
0x1b9: {  	s1 =	ssub.s32 @!p0 $0x0, s1;
	[sflag:s0] =	ssyncset.done @!p0 $0x0  }
0x1ba: {  	[sflag:s0] =	ssyncadd.s32 @!p0 s1  }
0x1bb: {  	[bflag:$0x3] =	sbarrier.arrive $0xFFFF  }
0x1bc: {  	_ =	shalt  }

</sc_bundles>
